<compile_context>
chip_gen: v7x
topology: tpu7x:2x2x1
jax: 0.10.2.dev20260603
libtpu: 0.0.44.dev20260713+nightly
codegen_flags: <defaults>
</compile_context>

<pallas_src>
import functools

import jax
import jax.numpy as jnp
from jax import lax
from jax.experimental import pallas as pl
from jax.experimental.pallas import tpu as pltpu
from jax.experimental.pallas import tpu_sc as plsc

N_NODES = 10000
N_PAD = 10240
D_IN = 128
D_HID = 16
D_OUT = 40
ROWS_PER_TILE = N_PAD // 16
CHUNK = 128
NBUF = 4
NSLOT = 8



def _sc_segsum_body(with_deg, n_rows, feat, edges, *rest):
    if with_deg:
        (agg_out, deg_out, edges_v, msgs, ones_v, zbuf, dzbuf,
         agg_sh, deg_sh, feat_sh, gsem, ssem, dsem) = rest
    else:
        agg_out, edges_v, msgs, zbuf, agg_sh, feat_sh, gsem, ssem = rest
    cid = lax.axis_index("c")
    sid = lax.axis_index("s")
    wid = cid * 16 + sid
    q, r = divmod(n_rows, 32)
    q_main = (q // NSLOT) * NSLOT
    base = wid * q

    def _zrow(i, _):
        zbuf[i, :] = jnp.zeros((16,), jnp.float32)
        return 0
    lax.fori_loop(0, ROWS_PER_TILE, _zrow, 0)
    pltpu.sync_copy(zbuf, agg_sh.at[pl.ds(sid * ROWS_PER_TILE, ROWS_PER_TILE)])
    if with_deg:
        def _zrow1(i, _):
            dzbuf[pl.ds(i * 16, 16)] = jnp.zeros((16,), jnp.float32)
            return 0
        lax.fori_loop(0, ROWS_PER_TILE // 16, _zrow1, 0)
        pltpu.sync_copy(dzbuf,
                        deg_sh.at[pl.ds(sid * ROWS_PER_TILE, ROWS_PER_TILE)])
        for j in range(CHUNK // 16):
            ones_v[pl.ds(j * 16, 16)] = jnp.ones((16,), jnp.float32)

    n_feat = feat.shape[0]
    f_rows = n_feat // 16
    fsl = pl.ds(sid * f_rows, f_rows)
    pltpu.sync_copy(feat.at[fsl], feat_sh.at[fsl])
    if n_feat % 16:
        @pl.when(sid == 15)
        def _():
            tail = pl.ds(16 * f_rows, n_feat - 16 * f_rows)
            pltpu.sync_copy(feat.at[tail], feat_sh.at[tail])
    plsc.subcore_barrier()

    pltpu.sync_copy(edges.at[pl.ds(base, q)], edges_v.at[pl.ds(0, q)])
    if r:
        @pl.when(wid < r)
        def _():
            pltpu.sync_copy(edges.at[pl.ds(32 * q + wid, 1)],
                            edges_v.at[pl.ds(q, 1)])

    def _sidx(j):
        return edges_v.at[j, 0]

    def _didx(j):
        return edges_v.at[j, 1]

    for b in range(NBUF):
        pltpu.async_copy(feat_sh.at[_sidx(b)], msgs.at[b], gsem.at[b])

    def _group(g, _):
        j0 = g * NSLOT
        for b in range(NSLOT):
            j = j0 + b
            pltpu.make_async_copy(feat_sh.at[_sidx(j)], msgs.at[b],
                                  gsem.at[b]).wait()
            pltpu.async_copy(msgs.at[b], agg_sh.at[_didx(j)], ssem.at[b],
                             add=True)
            if with_deg:
                pltpu.async_copy(ones_v, deg_sh.at[_didx(j)], dsem.at[b],
                                 add=True)
            nb = (b + NBUF) % NSLOT

            @pl.when(j + NBUF < q_main)
            def _():
                @pl.when(j + NBUF >= NSLOT)
                def _():
                    pltpu.make_async_copy(msgs.at[nb], agg_sh.at[_didx(j)],
                                          ssem.at[nb]).wait()
                    if with_deg:
                        pltpu.make_async_copy(ones_v, deg_sh.at[_didx(j)],
                                              dsem.at[nb]).wait()
                pltpu.async_copy(feat_sh.at[_sidx(j + NBUF)], msgs.at[nb],
                                 gsem.at[nb])
        return 0
    lax.fori_loop(0, q_main // NSLOT, _group, 0)

    for b in range(NSLOT):
        pltpu.make_async_copy(msgs.at[b], agg_sh.at[_didx(0)],
                              ssem.at[b]).wait()
        if with_deg:
            pltpu.make_async_copy(ones_v, deg_sh.at[_didx(0)],
                                  dsem.at[b]).wait()

    def _tail_chunk(j):
        pltpu.async_copy(feat_sh.at[_sidx(j)], msgs.at[0], gsem.at[0])
        pltpu.make_async_copy(feat_sh.at[_sidx(j)], msgs.at[0],
                              gsem.at[0]).wait()
        pltpu.sync_copy(msgs.at[0], agg_sh.at[_didx(j)], add=True)
        if with_deg:
            pltpu.sync_copy(ones_v, deg_sh.at[_didx(j)], add=True)

    for t in range(q_main, q):
        _tail_chunk(t)
    if r:
        @pl.when(wid < r)
        def _():
            _tail_chunk(q)
    plsc.subcore_barrier()

    sl = pl.ds(sid * ROWS_PER_TILE, ROWS_PER_TILE)
    pltpu.sync_copy(agg_sh.at[sl], agg_out.at[cid, sl])
    if with_deg:
        pltpu.sync_copy(deg_sh.at[sl], deg_out.at[cid, sl])


def _make_sc_call(with_deg, n_rows, n_feat):
    mesh = plsc.VectorSubcoreMesh(core_axis_name="c", subcore_axis_name="s")
    q = n_rows // 32
    if with_deg:
        out_type = [
            jax.ShapeDtypeStruct((2, N_PAD, D_HID), jnp.float32),
            jax.ShapeDtypeStruct((2, N_PAD), jnp.float32),
        ]
        scratch = [
            pltpu.VMEM((q + 1, 2, CHUNK), jnp.int32),
            pltpu.VMEM((NSLOT, CHUNK, D_HID), jnp.float32),
            pltpu.VMEM((CHUNK,), jnp.float32),
            pltpu.VMEM((ROWS_PER_TILE, D_HID), jnp.float32),
            pltpu.VMEM((ROWS_PER_TILE,), jnp.float32),
            pltpu.VMEM_SHARED((N_PAD, D_HID), jnp.float32),
            pltpu.VMEM_SHARED((N_PAD,), jnp.float32),
            pltpu.VMEM_SHARED((n_feat, D_HID), jnp.float32),
            pltpu.SemaphoreType.DMA((NSLOT,)),
            pltpu.SemaphoreType.DMA((NSLOT,)),
            pltpu.SemaphoreType.DMA((NSLOT,)),
        ]
    else:
        out_type = [jax.ShapeDtypeStruct((2, N_PAD, D_HID), jnp.float32)]
        scratch = [
            pltpu.VMEM((q + 1, 2, CHUNK), jnp.int32),
            pltpu.VMEM((NSLOT, CHUNK, D_HID), jnp.float32),
            pltpu.VMEM((ROWS_PER_TILE, D_HID), jnp.float32),
            pltpu.VMEM_SHARED((N_PAD, D_HID), jnp.float32),
            pltpu.VMEM_SHARED((n_feat, D_HID), jnp.float32),
            pltpu.SemaphoreType.DMA((NSLOT,)),
            pltpu.SemaphoreType.DMA((NSLOT,)),
        ]
    return pl.kernel(
        functools.partial(_sc_segsum_body, with_deg, n_rows),
        mesh=mesh,
        out_type=out_type,
        scratch_types=scratch,
        compiler_params=pltpu.CompilerParams(use_tc_tiling_on_sc=False),
    )



def _mm_body(x3_ref, tl_ref, tr_ref, xl_ref, xr_ref):
    acc_l = acc_r = 0.0
    for a in range(8):
        xb = x3_ref[:, a, :]
        acc_l += jnp.dot(xb, tl_ref[a], preferred_element_type=jnp.float32)
        acc_r += jnp.dot(xb, tr_ref[a], preferred_element_type=jnp.float32)
    xl_ref[...] = acc_l
    xr_ref[...] = acc_r


def _seg_sum_p(t, b_ref):
    hi = t.astype(jnp.bfloat16).astype(jnp.float32)
    lo = t - hi
    return (jnp.dot(hi, b_ref[...], preferred_element_type=jnp.float32)
            + jnp.dot(lo, b_ref[...], preferred_element_type=jnp.float32))


def _mid_body(aggp_ref, degp_ref, xr_ref, b1lt_ref, st8_ref, b16_ref,
              h_ref, dinv_ref):
    m = xr_ref.shape[0]
    deg8 = jnp.maximum(degp_ref[0, :m, :] + degp_ref[1, :m, :], 1.0)
    dinv8 = 1.0 / deg8
    dinvp = jnp.dot(dinv8, st8_ref[...], preferred_element_type=jnp.float32,
                    precision=lax.Precision.HIGHEST)
    t = ((aggp_ref[0, :m, :] + aggp_ref[1, :m, :]) * dinvp
         + b1lt_ref[...] + xr_ref[...])
    nrm2p = _seg_sum_p(t * t, b16_ref)
    rnp = 1.0 / jnp.maximum(jnp.sqrt(nrm2p), 1e-12)
    h_ref[...] = jnp.maximum(t * rnp, 0.0)
    dinv_ref[...] = dinv8


def _out_body(aggp_ref, dinv_ref, h_ref, st8_ref, w2l_ref, w2r_ref,
              b2lt_ref, b40_ref, o_ref):
    m = h_ref.shape[0]
    dinvp = jnp.dot(dinv_ref[...], st8_ref[...],
                    preferred_element_type=jnp.float32,
                    precision=lax.Precision.HIGHEST)
    agg2 = (aggp_ref[0, :m, :] + aggp_ref[1, :m, :]) * dinvp
    z = (jnp.dot(agg2, w2l_ref[...], preferred_element_type=jnp.float32)
         + jnp.dot(h_ref[...], w2r_ref[...], preferred_element_type=jnp.float32)
         + b2lt_ref[...])
    e = jnp.exp(z - jnp.max(z, axis=1, keepdims=True))
    o_ref[...] = e / _seg_sum_p(e, b40_ref)


def kernel(x, edge_index, W1l, b1l, W1r, W2l, b2l, W2r):
    n = x.shape[0]
    m = n // 8
    e_total = edge_index.shape[1]
    if e_total % CHUNK:
        pad_n = CHUNK - e_total % CHUNK
        ar = jnp.arange(pad_n, dtype=jnp.int32)
        edge_index = jnp.concatenate(
            [edge_index,
             jnp.stack([ar % n, N_NODES + ar % (N_PAD - N_NODES)])], axis=1)
    edges = jnp.transpose(edge_index.reshape(2, -1, CHUNK), (1, 0, 2))
    n_rows = edges.shape[0]

    eye8 = jnp.eye(8, dtype=jnp.float32)
    tl = (eye8[:, None, :, None] * W1l.T[None, :, None, :]).reshape(8, 128, 128)
    tr = (eye8[:, None, :, None] * W1r.T[None, :, None, :]).reshape(8, 128, 128)
    st8 = jnp.kron(eye8, jnp.ones((1, D_HID), jnp.float32))
    b16 = jnp.kron(eye8, jnp.ones((D_HID, D_HID), jnp.float32))
    w2lb = jnp.kron(eye8, W2l.T)
    w2rb = jnp.kron(eye8, W2r.T)
    b40 = jnp.kron(eye8, jnp.ones((D_OUT, D_OUT), jnp.float32))
    b1lt = jnp.tile(b1l, 8).reshape(1, 8 * D_HID)
    b2lt = jnp.tile(b2l, 8).reshape(1, 8 * D_OUT)

    x3 = x.reshape(m, 8, D_IN)
    xl_p, xr_p = pl.pallas_call(
        _mm_body,
        out_shape=[
            jax.ShapeDtypeStruct((m, 128), jnp.float32),
            jax.ShapeDtypeStruct((m, 128), jnp.float32),
        ],
    )(x3, tl, tr)

    aggp1, degp = _make_sc_call(True, n_rows, n)(
        xl_p.reshape(n, D_HID), edges)

    h_p, dinv8 = pl.pallas_call(
        _mid_body,
        out_shape=[
            jax.ShapeDtypeStruct((m, 128), jnp.float32),
            jax.ShapeDtypeStruct((m, 8), jnp.float32),
        ],
    )(aggp1.reshape(2, N_PAD // 8, 128), degp.reshape(2, N_PAD // 8, 8),
      xr_p, b1lt, st8, b16)

    aggp2 = _make_sc_call(False, n_rows, n)(h_p.reshape(n, D_HID), edges)
    if isinstance(aggp2, (list, tuple)):
        aggp2 = aggp2[0]

    out_p = pl.pallas_call(
        _out_body,
        out_shape=jax.ShapeDtypeStruct((m, 8 * D_OUT), jnp.float32),
    )(aggp2.reshape(2, N_PAD // 8, 128), dinv8, h_p, st8, w2lb, w2rb,
      b2lt, b40)
    return out_p.reshape(n, D_OUT)

# --- scband reference (transcript-rebuilt; emitter-appended) ---
"""Pipeline reference for scband-net-tpsgx-19868518711526 (READ-ONLY COPY).

The authoritative reference and input builder live on the scoring server;
editing this copy changes nothing except your own understanding.
"""

import jax, jax.numpy as jnp
import numpy as np

N = 10000
E = 320000
D_IN = 128
D_HID = 16
D_OUT = 40


def setup_inputs(seed: int = 0) -> dict:
    key = jax.random.key(seed)
    ks = jax.random.split(key, 10)
    x = jax.random.normal(ks[0], (N, D_IN), dtype=jnp.float32)
    edge_index = jax.random.randint(ks[1], (2, E), 0, N, dtype=jnp.int32)
    s1 = 1.0 / np.sqrt(D_IN)
    s2 = 1.0 / np.sqrt(D_HID)
    W1l = jax.random.uniform(ks[2], (D_HID, D_IN), jnp.float32, -s1, s1)
    b1l = jax.random.uniform(ks[3], (D_HID,), jnp.float32, -s1, s1)
    W1r = jax.random.uniform(ks[4], (D_HID, D_IN), jnp.float32, -s1, s1)
    W2l = jax.random.uniform(ks[5], (D_OUT, D_HID), jnp.float32, -s2, s2)
    b2l = jax.random.uniform(ks[6], (D_OUT,), jnp.float32, -s2, s2)
    W2r = jax.random.uniform(ks[7], (D_OUT, D_HID), jnp.float32, -s2, s2)
    return {"x": x, "edge_index": edge_index, "W1l": W1l, "b1l": b1l, "W1r": W1r, "W2l": W2l, "b2l": b2l, "W2r": W2r}


def _sage_conv(x, src, dst, Wl, bl, Wr, normalize):
    # PyG SAGEConv (aggr='mean'): out = lin_l(mean_{j->i} x_j) + lin_r(x_i)
    msgs = x[src]
    agg = jax.ops.segment_sum(msgs, dst, num_segments=N)
    deg = jax.ops.segment_sum(jnp.ones((src.shape[0],), jnp.float32), dst, num_segments=N)
    deg = jnp.clip(deg, 1.0, None)
    agg = agg / deg[:, None]
    out = agg @ Wl.T + bl + x @ Wr.T
    if normalize:
        nrm = jnp.linalg.norm(out, ord=2, axis=-1, keepdims=True)
        out = out / jnp.maximum(nrm, 1e-12)
    return out


def reference(x, edge_index, W1l, b1l, W1r, W2l, b2l, W2r):
    src = edge_index[0]
    dst = edge_index[1]
    h = _sage_conv(x, src, dst, W1l, b1l, W1r, True)
    h = jax.nn.relu(h)
    h = _sage_conv(h, src, dst, W2l, b2l, W2r, False)
    return jax.nn.softmax(h, axis=1)

if __name__ == "__main__":
    import jax
    _d = setup_inputs()
    print(jax.jit(kernel)(*tuple(_d.values())))

</pallas_src>

<mosaic_0001>
#map = affine_map<(d0, d1) -> (0, 0)>
#map1 = affine_map<(d0, d1) -> (0, 0, 0)>
module attributes {stable_mosaic.version = 14 : i64} {
  func.func @_sc_segsum_body(%arg0: i32, %arg1: i32, %arg2: memref<10000x16xf32, #tpu.memory_space<hbm>>, %arg3: memref<2500x2x128xi32, #tpu.memory_space<hbm>>, %arg4: memref<2x10240x16xf32, #tpu.memory_space<hbm>>, %arg5: memref<79x2x128xi32, #tpu.memory_space<vmem>>, %arg6: memref<8x128x16xf32, #tpu.memory_space<vmem>>, %arg7: memref<640x16xf32, #tpu.memory_space<vmem>>, %arg8: memref<10240x16xf32, #tpu.memory_space<vmem_shared>>, %arg9: memref<10000x16xf32, #tpu.memory_space<vmem_shared>>, %arg10: memref<8x!tpu.dma_semaphore, #tpu.memory_space<semaphore_mem>>, %arg11: memref<8x!tpu.dma_semaphore, #tpu.memory_space<semaphore_mem>>) attributes {dimension_semantics = [#tpu.dimension_semantics<core_parallel>, #tpu.dimension_semantics<subcore_parallel>], iteration_bounds = array<i64: 2, 16>, scalar_prefetch = 0 : i64, scratch_operands = 7 : i64, tpu.core_type = #tpu.core_type<sc_vector_subcore>, window_params = [{transform_indices = #map}, {transform_indices = #map1}, {transform_indices = #map1}]} {
    %mul3A = arith.constant 16 : i32
    %mul3A_0 = arith.muli %arg0, %mul3A : i32
    %add3A = arith.addi %mul3A_0, %arg1 : i32
    %mul3A_1 = arith.constant 78 : i32
    %mul3A_2 = arith.muli %add3A, %mul3A_1 : i32
    %scan3A = arith.constant 0 : i32
    %scan3A_3 = arith.constant 0 : i32
    %scan3A_4 = arith.constant 640 : i32
    %scan3A_5 = arith.addi %scan3A_3, %scan3A_4 : i32
    %scan3A_6 = arith.constant 1 : i32
    %scan3A_7 = scf.for %scan3A_429 = %scan3A_3 to %scan3A_5 step %scan3A_6 iter_args(%scan3A_430 = %scan3A) -> (i32)  : i32 {
      %broadcast_in_dim3A = arith.constant 0.000000e+00 : f32
      %broadcast_in_dim3A_431 = vector.broadcast %broadcast_in_dim3A : f32 to vector<16xf32>
      %swap3A = arith.index_cast %scan3A_429 : i32 to index
      %swap3A_432 = arith.constant 0 : index
      %swap3A_433 = tpu.vector_load %arg7[%swap3A, %swap3A_432] {strides = array<i32>} : memref<640x16xf32, #tpu.memory_space<vmem>>, vector<1x16xf32>,
      %swap3A_434 = vector.shape_cast %swap3A_433 : vector<1x16xf32> to vector<16xf32>
      %swap3A_435 = vector.shape_cast %broadcast_in_dim3A_431 : vector<16xf32> to vector<1x16xf32>
      tpu.vector_store %arg7[%swap3A, %swap3A_432], %swap3A_435 {strides = array<i32>} : memref<640x16xf32, #tpu.memory_space<vmem>>, vector<1x16xf32>,
      %scan3A_436 = arith.constant 0 : i32
      scf.yield %scan3A_436 : i32
    }
    %scan3A_8 = arith.constant 640 : i32
    %mul3A_9 = arith.constant 640 : i32
    %mul3A_10 = arith.muli %arg1, %mul3A_9 : i32
    "tpu.region"() ({
      %run_scoped3A_429 = tpu.sem_alloc : memref<!tpu.dma_semaphore, #tpu.memory_space<semaphore_mem>>
      %dma_start3A_430 = arith.constant 0 : i32
      %dma_start3A_431 = tpu.memref_slice %arg8[%mul3A_10, %dma_start3A_430] : memref<10240x16xf32, #tpu.memory_space<vmem_shared>> -> memref<640x16xf32, #tpu.memory_space<vmem_shared>>
      %dma_start3A_432 = arith.constant 0 : i32
      %dma_start3A_433 = tpu.memref_slice %arg8[%mul3A_10, %dma_start3A_432] : memref<10240x16xf32, #tpu.memory_space<vmem_shared>> -> memref<640x16xf32, #tpu.memory_space<vmem_shared>>
      tpu.enqueue_dma source(%arg7 : memref<640x16xf32, #tpu.memory_space<vmem>>) target(%dma_start3A_433 : memref<640x16xf32, #tpu.memory_space<vmem_shared>>) target_semaphore(%run_scoped3A_429 : memref<!tpu.dma_semaphore, #tpu.memory_space<semaphore_mem>>)
      %dma_wait3A_434 = arith.constant 0 : i32
      %dma_wait3A_435 = tpu.memref_slice %arg8[%mul3A_10, %dma_wait3A_434] : memref<10240x16xf32, #tpu.memory_space<vmem_shared>> -> memref<640x16xf32, #tpu.memory_space<vmem_shared>>
      %dma_wait3A_436 = arith.constant 0 : i32
      %dma_wait3A_437 = tpu.memref_slice %arg8[%mul3A_10, %dma_wait3A_436] : memref<10240x16xf32, #tpu.memory_space<vmem_shared>> -> memref<640x16xf32, #tpu.memory_space<vmem_shared>>
      tpu.wait_dma2 semaphore(%run_scoped3A_429 : memref<!tpu.dma_semaphore, #tpu.memory_space<semaphore_mem>>) src(%arg7 : memref<640x16xf32, #tpu.memory_space<vmem>>) dst(%dma_wait3A_437 : memref<640x16xf32, #tpu.memory_space<vmem_shared>>)
      tpu.yield
    }) : () -> ()
    %mul3A_11 = arith.constant 625 : i32
    %mul3A_12 = arith.muli %arg1, %mul3A_11 : i32
    "tpu.region"() ({
      %run_scoped3A_429 = tpu.sem_alloc : memref<!tpu.dma_semaphore, #tpu.memory_space<semaphore_mem>>
      %dma_start3A_430 = arith.constant 0 : i32
      %dma_start3A_431 = tpu.memref_slice %arg9[%mul3A_12, %dma_start3A_430] : memref<10000x16xf32, #tpu.memory_space<vmem_shared>> -> memref<625x16xf32, #tpu.memory_space<vmem_shared>>
      %dma_start3A_432 = arith.constant 0 : i32
      %dma_start3A_433 = tpu.memref_slice %arg2[%mul3A_12, %dma_start3A_432] : memref<10000x16xf32, #tpu.memory_space<hbm>> -> memref<625x16xf32, #tpu.memory_space<hbm>>
      tpu.enqueue_dma source(%dma_start3A_433 : memref<625x16xf32, #tpu.memory_space<hbm>>) target(%dma_start3A_431 : memref<625x16xf32, #tpu.memory_space<vmem_shared>>) target_semaphore(%run_scoped3A_429 : memref<!tpu.dma_semaphore, #tpu.memory_space<semaphore_mem>>)
      %dma_wait3A_434 = arith.constant 0 : i32
      %dma_wait3A_435 = tpu.memref_slice %arg9[%mul3A_12, %dma_wait3A_434] : memref<10000x16xf32, #tpu.memory_space<vmem_shared>> -> memref<625x16xf32, #tpu.memory_space<vmem_shared>>
      %dma_wait3A_436 = arith.constant 0 : i32
      %dma_wait3A_437 = tpu.memref_slice %arg2[%mul3A_12, %dma_wait3A_436] : memref<10000x16xf32, #tpu.memory_space<hbm>> -> memref<625x16xf32, #tpu.memory_space<hbm>>
      tpu.wait_dma2 semaphore(%run_scoped3A_429 : memref<!tpu.dma_semaphore, #tpu.memory_space<semaphore_mem>>) src(%dma_wait3A_437 : memref<625x16xf32, #tpu.memory_space<hbm>>) dst(%dma_wait3A_435 : memref<625x16xf32, #tpu.memory_space<vmem_shared>>)
      tpu.yield
    }) : () -> ()
    %barrier3A = arith.constant 0 : index
    tpu.barrier barrier_id(%barrier3A)
    "tpu.region"() ({
      %run_scoped3A_429 = tpu.sem_alloc : memref<!tpu.dma_semaphore, #tpu.memory_space<semaphore_mem>>
      %dma_start3A_430 = arith.constant 0 : i32
      %dma_start3A_431 = arith.constant 0 : i32
      %dma_start3A_432 = arith.constant 0 : i32
      %dma_start3A_433 = tpu.memref_slice %arg5[%dma_start3A_430, %dma_start3A_431, %dma_start3A_432] : memref<79x2x128xi32, #tpu.memory_space<vmem>> -> memref<78x2x128xi32, #tpu.memory_space<vmem>>
      %dma_start3A_434 = arith.constant 0 : i32
      %dma_start3A_435 = arith.constant 0 : i32
      %dma_start3A_436 = tpu.memref_slice %arg3[%mul3A_2, %dma_start3A_434, %dma_start3A_435] : memref<2500x2x128xi32, #tpu.memory_space<hbm>> -> memref<78x2x128xi32, #tpu.memory_space<hbm>>
      %dma_start3A_437 = arith.constant 0 : i32
      %dma_start3A_438 = arith.constant 0 : i32
      %dma_start3A_439 = arith.constant 0 : i32
      %dma_start3A_440 = tpu.memref_slice %arg5[%dma_start3A_437, %dma_start3A_438, %dma_start3A_439] : memref<79x2x128xi32, #tpu.memory_space<vmem>> -> memref<78x2x128xi32, #tpu.memory_space<vmem>>
      %dma_start3A_441 = arith.constant 0 : i32
      %dma_start3A_442 = arith.constant 0 : i32
      %dma_start3A_443 = tpu.memref_slice %arg3[%mul3A_2, %dma_start3A_441, %dma_start3A_442] : memref<2500x2x128xi32, #tpu.memory_space<hbm>> -> memref<78x2x128xi32, #tpu.memory_space<hbm>>
      tpu.enqueue_dma source(%dma_start3A_443 : memref<78x2x128xi32, #tpu.memory_space<hbm>>) target(%dma_start3A_440 : memref<78x2x128xi32, #tpu.memory_space<vmem>>) target_semaphore(%run_scoped3A_429 : memref<!tpu.dma_semaphore, #tpu.memory_space<semaphore_mem>>)
      %dma_wait3A_444 = arith.constant 0 : i32
      %dma_wait3A_445 = arith.constant 0 : i32
      %dma_wait3A_446 = arith.constant 0 : i32
      %dma_wait3A_447 = tpu.memref_slice %arg5[%dma_wait3A_444, %dma_wait3A_445, %dma_wait3A_446] : memref<79x2x128xi32, #tpu.memory_space<vmem>> -> memref<78x2x128xi32, #tpu.memory_space<vmem>>
      %dma_wait3A_448 = arith.constant 0 : i32
      %dma_wait3A_449 = arith.constant 0 : i32
      %dma_wait3A_450 = tpu.memref_slice %arg3[%mul3A_2, %dma_wait3A_448, %dma_wait3A_449] : memref<2500x2x128xi32, #tpu.memory_space<hbm>> -> memref<78x2x128xi32, #tpu.memory_space<hbm>>
      %dma_wait3A_451 = arith.constant 0 : i32
      %dma_wait3A_452 = arith.constant 0 : i32
      %dma_wait3A_453 = arith.constant 0 : i32
      %dma_wait3A_454 = tpu.memref_slice %arg5[%dma_wait3A_451, %dma_wait3A_452, %dma_wait3A_453] : memref<79x2x128xi32, #tpu.memory_space<vmem>> -> memref<78x2x128xi32, #tpu.memory_space<vmem>>
      %dma_wait3A_455 = arith.constant 0 : i32
      %dma_wait3A_456 = arith.constant 0 : i32
      %dma_wait3A_457 = tpu.memref_slice %arg3[%mul3A_2, %dma_wait3A_455, %dma_wait3A_456] : memref<2500x2x128xi32, #tpu.memory_space<hbm>> -> memref<78x2x128xi32, #tpu.memory_space<hbm>>
      tpu.wait_dma2 semaphore(%run_scoped3A_429 : memref<!tpu.dma_semaphore, #tpu.memory_space<semaphore_mem>>) src(%dma_wait3A_457 : memref<78x2x128xi32, #tpu.memory_space<hbm>>) dst(%dma_wait3A_454 : memref<78x2x128xi32, #tpu.memory_space<vmem>>)
      tpu.yield
    }) : () -> ()
    %lt3A = arith.constant 4 : i32
    %lt3A_13 = arith.cmpi slt, %add3A, %lt3A : i32
    %convert_element_type3A = arith.extui %lt3A_13 : i1 to i32
    %cond3A = arith.constant 0 : i32
    %cond3A_14 = arith.cmpi ne, %convert_element_type3A, %cond3A : i32
    scf.if %cond3A_14 {
      %add3A_429 = arith.constant 2496 : i32
      %add3A_430 = arith.addi %add3A_429, %add3A : i32
      "tpu.region"() ({
        %run_scoped3A_431 = tpu.sem_alloc : memref<!tpu.dma_semaphore, #tpu.memory_space<semaphore_mem>>
        %dma_start3A_432 = arith.constant 78 : i32
        %dma_start3A_433 = arith.constant 0 : i32
        %dma_start3A_434 = arith.constant 0 : i32
        %dma_start3A_435 = tpu.memref_slice %arg5[%dma_start3A_432, %dma_start3A_433, %dma_start3A_434] : memref<79x2x128xi32, #tpu.memory_space<vmem>> -> memref<1x2x128xi32, #tpu.memory_space<vmem>>
        %dma_start3A_436 = arith.constant 0 : i32
        %dma_start3A_437 = arith.constant 0 : i32
        %dma_start3A_438 = tpu.memref_slice %arg3[%add3A_430, %dma_start3A_436, %dma_start3A_437] : memref<2500x2x128xi32, #tpu.memory_space<hbm>> -> memref<1x2x128xi32, #tpu.memory_space<hbm>>
        %dma_start3A_439 = arith.constant 78 : i32
        %dma_start3A_440 = arith.constant 0 : i32
        %dma_start3A_441 = arith.constant 0 : i32
        %dma_start3A_442 = tpu.memref_slice %arg5[%dma_start3A_439, %dma_start3A_440, %dma_start3A_441] : memref<79x2x128xi32, #tpu.memory_space<vmem>> -> memref<1x2x128xi32, #tpu.memory_space<vmem>>
        %dma_start3A_443 = arith.constant 0 : i32
        %dma_start3A_444 = arith.constant 0 : i32
        %dma_start3A_445 = tpu.memref_slice %arg3[%add3A_430, %dma_start3A_443, %dma_start3A_444] : memref<2500x2x128xi32, #tpu.memory_space<hbm>> -> memref<1x2x128xi32, #tpu.memory_space<hbm>>
        tpu.enqueue_dma source(%dma_start3A_445 : memref<1x2x128xi32, #tpu.memory_space<hbm>>) target(%dma_start3A_442 : memref<1x2x128xi32, #tpu.memory_space<vmem>>) target_semaphore(%run_scoped3A_431 : memref<!tpu.dma_semaphore, #tpu.memory_space<semaphore_mem>>)
        %dma_wait3A_446 = arith.constant 78 : i32
        %dma_wait3A_447 = arith.constant 0 : i32
        %dma_wait3A_448 = arith.constant 0 : i32
        %dma_wait3A_449 = tpu.memref_slice %arg5[%dma_wait3A_446, %dma_wait3A_447, %dma_wait3A_448] : memref<79x2x128xi32, #tpu.memory_space<vmem>> -> memref<1x2x128xi32, #tpu.memory_space<vmem>>
        %dma_wait3A_450 = arith.constant 0 : i32
        %dma_wait3A_451 = arith.constant 0 : i32
        %dma_wait3A_452 = tpu.memref_slice %arg3[%add3A_430, %dma_wait3A_450, %dma_wait3A_451] : memref<2500x2x128xi32, #tpu.memory_space<hbm>> -> memref<1x2x128xi32, #tpu.memory_space<hbm>>
        %dma_wait3A_453 = arith.constant 78 : i32
        %dma_wait3A_454 = arith.constant 0 : i32
        %dma_wait3A_455 = arith.constant 0 : i32
        %dma_wait3A_456 = tpu.memref_slice %arg5[%dma_wait3A_453, %dma_wait3A_454, %dma_wait3A_455] : memref<79x2x128xi32, #tpu.memory_space<vmem>> -> memref<1x2x128xi32, #tpu.memory_space<vmem>>
        %dma_wait3A_457 = arith.constant 0 : i32
        %dma_wait3A_458 = arith.constant 0 : i32
        %dma_wait3A_459 = tpu.memref_slice %arg3[%add3A_430, %dma_wait3A_457, %dma_wait3A_458] : memref<2500x2x128xi32, #tpu.memory_space<hbm>> -> memref<1x2x128xi32, #tpu.memory_space<hbm>>
        tpu.wait_dma2 semaphore(%run_scoped3A_431 : memref<!tpu.dma_semaphore, #tpu.memory_space<semaphore_mem>>) src(%dma_wait3A_459 : memref<1x2x128xi32, #tpu.memory_space<hbm>>) dst(%dma_wait3A_456 : memref<1x2x128xi32, #tpu.memory_space<vmem>>)
        tpu.yield
      }) : () -> ()
    } else {
    }
    %dma_start3A = arith.constant 0 : i32
    %dma_start3A_15 = arith.constant 0 : i32
    %dma_start3A_16 = arith.constant 0 : i32
    %dma_start3A_17 = arith.constant 0 : i32
    %dma_start3A_18 = arith.constant 0 : i32
    %dma_start3A_19 = arith.constant 0 : i32
    %dma_start3A_20 = tpu.memref_slice %arg6[%dma_start3A_16, %dma_start3A_18, %dma_start3A_19] : memref<8x128x16xf32, #tpu.memory_space<vmem>> -> memref<1x128x16xf32, #tpu.memory_space<vmem>>
    %dma_start3A_21 = tpu.memref_squeeze %dma_start3A_20 : memref<1x128x16xf32, #tpu.memory_space<vmem>> -> memref<128x16xf32, #tpu.memory_space<vmem>>
    %dma_start3A_22 = arith.constant 0 : i32
    %dma_start3A_23 = tpu.memref_slice %arg5[%dma_start3A, %dma_start3A_15, %dma_start3A_22] : memref<79x2x128xi32, #tpu.memory_space<vmem>> -> memref<1x1x128xi32, #tpu.memory_space<vmem>>
    %dma_start3A_24 = tpu.memref_squeeze %dma_start3A_23 : memref<1x1x128xi32, #tpu.memory_space<vmem>> -> memref<128xi32, #tpu.memory_space<vmem>>
    %dma_start3A_25 = arith.constant 0 : i32
    %dma_start3A_26 = arith.constant 0 : i32
    %dma_start3A_27 = tpu.memref_slice %arg9[%dma_start3A_25, %dma_start3A_26] : memref<10000x16xf32, #tpu.memory_space<vmem_shared>> -> memref<10000x16xf32, #tpu.memory_space<vmem_shared>>
    %dma_start3A_28 = tpu.memref_slice %arg10[%dma_start3A_17] : memref<8x!tpu.dma_semaphore, #tpu.memory_space<semaphore_mem>> -> memref<1x!tpu.dma_semaphore, #tpu.memory_space<semaphore_mem>>
    %dma_start3A_29 = tpu.memref_squeeze %dma_start3A_28 : memref<1x!tpu.dma_semaphore, #tpu.memory_space<semaphore_mem>> -> memref<!tpu.dma_semaphore, #tpu.memory_space<semaphore_mem>>
    tpu.enqueue_indirect_dma source(%dma_start3A_27 : memref<10000x16xf32, #tpu.memory_space<vmem_shared>>) target(%dma_start3A_21 : memref<128x16xf32, #tpu.memory_space<vmem>>) offsets(%dma_start3A_24 : memref<128xi32, #tpu.memory_space<vmem>>) semaphore(%dma_start3A_29 : memref<!tpu.dma_semaphore, #tpu.memory_space<semaphore_mem>>)
    %dma_start3A_30 = arith.constant 1 : i32
    %dma_start3A_31 = arith.constant 0 : i32
    %dma_start3A_32 = arith.constant 1 : i32
    %dma_start3A_33 = arith.constant 1 : i32
    %dma_start3A_34 = arith.constant 0 : i32
    %dma_start3A_35 = arith.constant 0 : i32
    %dma_start3A_36 = tpu.memref_slice %arg6[%dma_start3A_32, %dma_start3A_34, %dma_start3A_35] : memref<8x128x16xf32, #tpu.memory_space<vmem>> -> memref<1x128x16xf32, #tpu.memory_space<vmem>>
    %dma_start3A_37 = tpu.memref_squeeze %dma_start3A_36 : memref<1x128x16xf32, #tpu.memory_space<vmem>> -> memref<128x16xf32, #tpu.memory_space<vmem>>
    %dma_start3A_38 = arith.constant 0 : i32
    %dma_start3A_39 = tpu.memref_slice %arg5[%dma_start3A_30, %dma_start3A_31, %dma_start3A_38] : memref<79x2x128xi32, #tpu.memory_space<vmem>> -> memref<1x1x128xi32, #tpu.memory_space<vmem>>
    %dma_start3A_40 = tpu.memref_squeeze %dma_start3A_39 : memref<1x1x128xi32, #tpu.memory_space<vmem>> -> memref<128xi32, #tpu.memory_space<vmem>>
    %dma_start3A_41 = arith.constant 0 : i32
    %dma_start3A_42 = arith.constant 0 : i32
    %dma_start3A_43 = tpu.memref_slice %arg9[%dma_start3A_41, %dma_start3A_42] : memref<10000x16xf32, #tpu.memory_space<vmem_shared>> -> memref<10000x16xf32, #tpu.memory_space<vmem_shared>>
    %dma_start3A_44 = tpu.memref_slice %arg10[%dma_start3A_33] : memref<8x!tpu.dma_semaphore, #tpu.memory_space<semaphore_mem>> -> memref<1x!tpu.dma_semaphore, #tpu.memory_space<semaphore_mem>>
    %dma_start3A_45 = tpu.memref_squeeze %dma_start3A_44 : memref<1x!tpu.dma_semaphore, #tpu.memory_space<semaphore_mem>> -> memref<!tpu.dma_semaphore, #tpu.memory_space<semaphore_mem>>
    tpu.enqueue_indirect_dma source(%dma_start3A_43 : memref<10000x16xf32, #tpu.memory_space<vmem_shared>>) target(%dma_start3A_37 : memref<128x16xf32, #tpu.memory_space<vmem>>) offsets(%dma_start3A_40 : memref<128xi32, #tpu.memory_space<vmem>>) semaphore(%dma_start3A_45 : memref<!tpu.dma_semaphore, #tpu.memory_space<semaphore_mem>>)
    %dma_start3A_46 = arith.constant 2 : i32
    %dma_start3A_47 = arith.constant 0 : i32
    %dma_start3A_48 = arith.constant 2 : i32
    %dma_start3A_49 = arith.constant 2 : i32
    %dma_start3A_50 = arith.constant 0 : i32
    %dma_start3A_51 = arith.constant 0 : i32
    %dma_start3A_52 = tpu.memref_slice %arg6[%dma_start3A_48, %dma_start3A_50, %dma_start3A_51] : memref<8x128x16xf32, #tpu.memory_space<vmem>> -> memref<1x128x16xf32, #tpu.memory_space<vmem>>
    %dma_start3A_53 = tpu.memref_squeeze %dma_start3A_52 : memref<1x128x16xf32, #tpu.memory_space<vmem>> -> memref<128x16xf32, #tpu.memory_space<vmem>>
    %dma_start3A_54 = arith.constant 0 : i32
    %dma_start3A_55 = tpu.memref_slice %arg5[%dma_start3A_46, %dma_start3A_47, %dma_start3A_54] : memref<79x2x128xi32, #tpu.memory_space<vmem>> -> memref<1x1x128xi32, #tpu.memory_space<vmem>>
    %dma_start3A_56 = tpu.memref_squeeze %dma_start3A_55 : memref<1x1x128xi32, #tpu.memory_space<vmem>> -> memref<128xi32, #tpu.memory_space<vmem>>
    %dma_start3A_57 = arith.constant 0 : i32
    %dma_start3A_58 = arith.constant 0 : i32
    %dma_start3A_59 = tpu.memref_slice %arg9[%dma_start3A_57, %dma_start3A_58] : memref<10000x16xf32, #tpu.memory_space<vmem_shared>> -> memref<10000x16xf32, #tpu.memory_space<vmem_shared>>
    %dma_start3A_60 = tpu.memref_slice %arg10[%dma_start3A_49] : memref<8x!tpu.dma_semaphore, #tpu.memory_space<semaphore_mem>> -> memref<1x!tpu.dma_semaphore, #tpu.memory_space<semaphore_mem>>
    %dma_start3A_61 = tpu.memref_squeeze %dma_start3A_60 : memref<1x!tpu.dma_semaphore, #tpu.memory_space<semaphore_mem>> -> memref<!tpu.dma_semaphore, #tpu.memory_space<semaphore_mem>>
    tpu.enqueue_indirect_dma source(%dma_start3A_59 : memref<10000x16xf32, #tpu.memory_space<vmem_shared>>) target(%dma_start3A_53 : memref<128x16xf32, #tpu.memory_space<vmem>>) offsets(%dma_start3A_56 : memref<128xi32, #tpu.memory_space<vmem>>) semaphore(%dma_start3A_61 : memref<!tpu.dma_semaphore, #tpu.memory_space<semaphore_mem>>)
    %dma_start3A_62 = arith.constant 3 : i32
    %dma_start3A_63 = arith.constant 0 : i32
    %dma_start3A_64 = arith.constant 3 : i32
    %dma_start3A_65 = arith.constant 3 : i32
    %dma_start3A_66 = arith.constant 0 : i32
    %dma_start3A_67 = arith.constant 0 : i32
    %dma_start3A_68 = tpu.memref_slice %arg6[%dma_start3A_64, %dma_start3A_66, %dma_start3A_67] : memref<8x128x16xf32, #tpu.memory_space<vmem>> -> memref<1x128x16xf32, #tpu.memory_space<vmem>>
    %dma_start3A_69 = tpu.memref_squeeze %dma_start3A_68 : memref<1x128x16xf32, #tpu.memory_space<vmem>> -> memref<128x16xf32, #tpu.memory_space<vmem>>
    %dma_start3A_70 = arith.constant 0 : i32
    %dma_start3A_71 = tpu.memref_slice %arg5[%dma_start3A_62, %dma_start3A_63, %dma_start3A_70] : memref<79x2x128xi32, #tpu.memory_space<vmem>> -> memref<1x1x128xi32, #tpu.memory_space<vmem>>
    %dma_start3A_72 = tpu.memref_squeeze %dma_start3A_71 : memref<1x1x128xi32, #tpu.memory_space<vmem>> -> memref<128xi32, #tpu.memory_space<vmem>>
    %dma_start3A_73 = arith.constant 0 : i32
    %dma_start3A_74 = arith.constant 0 : i32
    %dma_start3A_75 = tpu.memref_slice %arg9[%dma_start3A_73, %dma_start3A_74] : memref<10000x16xf32, #tpu.memory_space<vmem_shared>> -> memref<10000x16xf32, #tpu.memory_space<vmem_shared>>
    %dma_start3A_76 = tpu.memref_slice %arg10[%dma_start3A_65] : memref<8x!tpu.dma_semaphore, #tpu.memory_space<semaphore_mem>> -> memref<1x!tpu.dma_semaphore, #tpu.memory_space<semaphore_mem>>
    %dma_start3A_77 = tpu.memref_squeeze %dma_start3A_76 : memref<1x!tpu.dma_semaphore, #tpu.memory_space<semaphore_mem>> -> memref<!tpu.dma_semaphore, #tpu.memory_space<semaphore_mem>>
    tpu.enqueue_indirect_dma source(%dma_start3A_75 : memref<10000x16xf32, #tpu.memory_space<vmem_shared>>) target(%dma_start3A_69 : memref<128x16xf32, #tpu.memory_space<vmem>>) offsets(%dma_start3A_72 : memref<128xi32, #tpu.memory_space<vmem>>) semaphore(%dma_start3A_77 : memref<!tpu.dma_semaphore, #tpu.memory_space<semaphore_mem>>)
    %scan3A_78 = arith.constant 0 : i32
    %scan3A_79 = arith.constant 0 : i32
    %scan3A_80 = arith.constant 9 : i32
    %scan3A_81 = arith.addi %scan3A_79, %scan3A_80 : i32
    %scan3A_82 = arith.constant 1 : i32
    %scan3A_83 = scf.for %scan3A_429 = %scan3A_79 to %scan3A_81 step %scan3A_82 iter_args(%scan3A_430 = %scan3A_78) -> (i32)  : i32 {
      %mul3A_431 = arith.constant 8 : i32
      %mul3A_432 = arith.muli %scan3A_429, %mul3A_431 : i32
      %add3A_433 = arith.constant 0 : i32
      %add3A_434 = arith.addi %mul3A_432, %add3A_433 : i32
      %dma_wait3A_435 = arith.constant 0 : i32
      %dma_wait3A_436 = arith.constant 0 : i32
      %dma_wait3A_437 = arith.constant 0 : i32
      %dma_wait3A_438 = arith.constant 0 : i32
      %dma_wait3A_439 = arith.constant 0 : i32
      %dma_wait3A_440 = tpu.memref_slice %arg6[%dma_wait3A_436, %dma_wait3A_438, %dma_wait3A_439] : memref<8x128x16xf32, #tpu.memory_space<vmem>> -> memref<1x128x16xf32, #tpu.memory_space<vmem>>
      %dma_wait3A_441 = tpu.memref_squeeze %dma_wait3A_440 : memref<1x128x16xf32, #tpu.memory_space<vmem>> -> memref<128x16xf32, #tpu.memory_space<vmem>>
      %dma_wait3A_442 = arith.constant 0 : i32
      %dma_wait3A_443 = tpu.memref_slice %arg5[%add3A_434, %dma_wait3A_435, %dma_wait3A_442] : memref<79x2x128xi32, #tpu.memory_space<vmem>> -> memref<1x1x128xi32, #tpu.memory_space<vmem>>
      %dma_wait3A_444 = tpu.memref_squeeze %dma_wait3A_443 : memref<1x1x128xi32, #tpu.memory_space<vmem>> -> memref<128xi32, #tpu.memory_space<vmem>>
      %dma_wait3A_445 = arith.constant 0 : i32
      %dma_wait3A_446 = arith.constant 0 : i32
      %dma_wait3A_447 = tpu.memref_slice %arg9[%dma_wait3A_445, %dma_wait3A_446] : memref<10000x16xf32, #tpu.memory_space<vmem_shared>> -> memref<10000x16xf32, #tpu.memory_space<vmem_shared>>
      %dma_wait3A_448 = tpu.memref_slice %arg10[%dma_wait3A_437] : memref<8x!tpu.dma_semaphore, #tpu.memory_space<semaphore_mem>> -> memref<1x!tpu.dma_semaphore, #tpu.memory_space<semaphore_mem>>
      %dma_wait3A_449 = tpu.memref_squeeze %dma_wait3A_448 : memref<1x!tpu.dma_semaphore, #tpu.memory_space<semaphore_mem>> -> memref<!tpu.dma_semaphore, #tpu.memory_space<semaphore_mem>>
      tpu.wait_indirect_dma semaphore(%dma_wait3A_449 : memref<!tpu.dma_semaphore, #tpu.memory_space<semaphore_mem>>) src(%dma_wait3A_447 : memref<10000x16xf32, #tpu.memory_space<vmem_shared>>) dst(%dma_wait3A_441 : memref<128x16xf32, #tpu.memory_space<vmem>>)
      %dma_start3A_450 = arith.constant 0 : i32
      %dma_start3A_451 = arith.constant 1 : i32
      %dma_start3A_452 = arith.constant 0 : i32
      %dma_start3A_453 = arith.constant 0 : i32
      %dma_start3A_454 = arith.constant 0 : i32
      %dma_start3A_455 = tpu.memref_slice %arg6[%dma_start3A_450, %dma_start3A_453, %dma_start3A_454] : memref<8x128x16xf32, #tpu.memory_space<vmem>> -> memref<1x128x16xf32, #tpu.memory_space<vmem>>
      %dma_start3A_456 = tpu.memref_squeeze %dma_start3A_455 : memref<1x128x16xf32, #tpu.memory_space<vmem>> -> memref<128x16xf32, #tpu.memory_space<vmem>>
      %dma_start3A_457 = arith.constant 0 : i32
      %dma_start3A_458 = tpu.memref_slice %arg5[%add3A_434, %dma_start3A_451, %dma_start3A_457] : memref<79x2x128xi32, #tpu.memory_space<vmem>> -> memref<1x1x128xi32, #tpu.memory_space<vmem>>
      %dma_start3A_459 = tpu.memref_squeeze %dma_start3A_458 : memref<1x1x128xi32, #tpu.memory_space<vmem>> -> memref<128xi32, #tpu.memory_space<vmem>>
      %dma_start3A_460 = arith.constant 0 : i32
      %dma_start3A_461 = arith.constant 0 : i32
      %dma_start3A_462 = tpu.memref_slice %arg8[%dma_start3A_460, %dma_start3A_461] : memref<10240x16xf32, #tpu.memory_space<vmem_shared>> -> memref<10240x16xf32, #tpu.memory_space<vmem_shared>>
      %dma_start3A_463 = tpu.memref_slice %arg11[%dma_start3A_452] : memref<8x!tpu.dma_semaphore, #tpu.memory_space<semaphore_mem>> -> memref<1x!tpu.dma_semaphore, #tpu.memory_space<semaphore_mem>>
      %dma_start3A_464 = tpu.memref_squeeze %dma_start3A_463 : memref<1x!tpu.dma_semaphore, #tpu.memory_space<semaphore_mem>> -> memref<!tpu.dma_semaphore, #tpu.memory_space<semaphore_mem>>
      tpu.enqueue_indirect_dma source(%dma_start3A_456 : memref<128x16xf32, #tpu.memory_space<vmem>>) target(%dma_start3A_462 : memref<10240x16xf32, #tpu.memory_space<vmem_shared>>) offsets(%dma_start3A_459 : memref<128xi32, #tpu.memory_space<vmem>>) semaphore(%dma_start3A_464 : memref<!tpu.dma_semaphore, #tpu.memory_space<semaphore_mem>>) {add = true}
      %add3A_465 = arith.constant 4 : i32
      %add3A_466 = arith.addi %add3A_434, %add3A_465 : i32
      %lt3A_467 = arith.constant 72 : i32
      %lt3A_468 = arith.cmpi slt, %add3A_466, %lt3A_467 : i32
      %convert_element_type3A_469 = arith.extui %lt3A_468 : i1 to i32
      %cond3A_470 = arith.constant 0 : i32
      %cond3A_471 = arith.cmpi ne, %convert_element_type3A_469, %cond3A_470 : i32
      scf.if %cond3A_471 {
        %add3A_746 = arith.constant 4 : i32
        %add3A_747 = arith.addi %add3A_434, %add3A_746 : i32
        %ge3A = arith.constant 8 : i32
        %ge3A_748 = arith.cmpi sge, %add3A_747, %ge3A : i32
        %convert_element_type3A_749 = arith.extui %ge3A_748 : i1 to i32
        %cond3A_750 = arith.constant 0 : i32
        %cond3A_751 = arith.cmpi ne, %convert_element_type3A_749, %cond3A_750 : i32
        scf.if %cond3A_751 {
          %dma_wait3A_769 = arith.constant 4 : i32
          %dma_wait3A_770 = arith.constant 1 : i32
          %dma_wait3A_771 = arith.constant 4 : i32
          %dma_wait3A_772 = arith.constant 0 : i32
          %dma_wait3A_773 = arith.constant 0 : i32
          %dma_wait3A_774 = tpu.memref_slice %arg6[%dma_wait3A_769, %dma_wait3A_772, %dma_wait3A_773] : memref<8x128x16xf32, #tpu.memory_space<vmem>> -> memref<1x128x16xf32, #tpu.memory_space<vmem>>
          %dma_wait3A_775 = tpu.memref_squeeze %dma_wait3A_774 : memref<1x128x16xf32, #tpu.memory_space<vmem>> -> memref<128x16xf32, #tpu.memory_space<vmem>>
          %dma_wait3A_776 = arith.constant 0 : i32
          %dma_wait3A_777 = tpu.memref_slice %arg5[%add3A_434, %dma_wait3A_770, %dma_wait3A_776] : memref<79x2x128xi32, #tpu.memory_space<vmem>> -> memref<1x1x128xi32, #tpu.memory_space<vmem>>
          %dma_wait3A_778 = tpu.memref_squeeze %dma_wait3A_777 : memref<1x1x128xi32, #tpu.memory_space<vmem>> -> memref<128xi32, #tpu.memory_space<vmem>>
          %dma_wait3A_779 = arith.constant 0 : i32
          %dma_wait3A_780 = arith.constant 0 : i32
          %dma_wait3A_781 = tpu.memref_slice %arg8[%dma_wait3A_779, %dma_wait3A_780] : memref<10240x16xf32, #tpu.memory_space<vmem_shared>> -> memref<10240x16xf32, #tpu.memory_space<vmem_shared>>
          %dma_wait3A_782 = tpu.memref_slice %arg11[%dma_wait3A_771] : memref<8x!tpu.dma_semaphore, #tpu.memory_space<semaphore_mem>> -> memref<1x!tpu.dma_semaphore, #tpu.memory_space<semaphore_mem>>
          %dma_wait3A_783 = tpu.memref_squeeze %dma_wait3A_782 : memref<1x!tpu.dma_semaphore, #tpu.memory_space<semaphore_mem>> -> memref<!tpu.dma_semaphore, #tpu.memory_space<semaphore_mem>>
          tpu.wait_indirect_dma semaphore(%dma_wait3A_783 : memref<!tpu.dma_semaphore, #tpu.memory_space<semaphore_mem>>) src(%dma_wait3A_775 : memref<128x16xf32, #tpu.memory_space<vmem>>) dst(%dma_wait3A_781 : memref<10240x16xf32, #tpu.memory_space<vmem_shared>>)
        } else {
        }
        %add3A_752 = arith.constant 4 : i32
        %add3A_753 = arith.addi %add3A_434, %add3A_752 : i32
        %dma_start3A_754 = arith.constant 0 : i32
        %dma_start3A_755 = arith.constant 4 : i32
        %dma_start3A_756 = arith.constant 4 : i32
        %dma_start3A_757 = arith.constant 0 : i32
        %dma_start3A_758 = arith.constant 0 : i32
        %dma_start3A_759 = tpu.memref_slice %arg6[%dma_start3A_755, %dma_start3A_757, %dma_start3A_758] : memref<8x128x16xf32, #tpu.memory_space<vmem>> -> memref<1x128x16xf32, #tpu.memory_space<vmem>>
        %dma_start3A_760 = tpu.memref_squeeze %dma_start3A_759 : memref<1x128x16xf32, #tpu.memory_space<vmem>> -> memref<128x16xf32, #tpu.memory_space<vmem>>
        %dma_start3A_761 = arith.constant 0 : i32
        %dma_start3A_762 = tpu.memref_slice %arg5[%add3A_753, %dma_start3A_754, %dma_start3A_761] : memref<79x2x128xi32, #tpu.memory_space<vmem>> -> memref<1x1x128xi32, #tpu.memory_space<vmem>>
        %dma_start3A_763 = tpu.memref_squeeze %dma_start3A_762 : memref<1x1x128xi32, #tpu.memory_space<vmem>> -> memref<128xi32, #tpu.memory_space<vmem>>
        %dma_start3A_764 = arith.constant 0 : i32
        %dma_start3A_765 = arith.constant 0 : i32
        %dma_start3A_766 = tpu.memref_slice %arg9[%dma_start3A_764, %dma_start3A_765] : memref<10000x16xf32, #tpu.memory_space<vmem_shared>> -> memref<10000x16xf32, #tpu.memory_space<vmem_shared>>
        %dma_start3A_767 = tpu.memref_slice %arg10[%dma_start3A_756] : memref<8x!tpu.dma_semaphore, #tpu.memory_space<semaphore_mem>> -> memref<1x!tpu.dma_semaphore, #tpu.memory_space<semaphore_mem>>
        %dma_start3A_768 = tpu.memref_squeeze %dma_start3A_767 : memref<1x!tpu.dma_semaphore, #tpu.memory_space<semaphore_mem>> -> memref<!tpu.dma_semaphore, #tpu.memory_space<semaphore_mem>>
        tpu.enqueue_indirect_dma source(%dma_start3A_766 : memref<10000x16xf32, #tpu.memory_space<vmem_shared>>) target(%dma_start3A_760 : memref<128x16xf32, #tpu.memory_space<vmem>>) offsets(%dma_start3A_763 : memref<128xi32, #tpu.memory_space<vmem>>) semaphore(%dma_start3A_768 : memref<!tpu.dma_semaphore, #tpu.memory_space<semaphore_mem>>)
      } else {
      }
      %add3A_472 = arith.constant 1 : i32
      %add3A_473 = arith.addi %mul3A_432, %add3A_472 : i32
      %dma_wait3A_474 = arith.constant 0 : i32
      %dma_wait3A_475 = arith.constant 1 : i32
      %dma_wait3A_476 = arith.constant 1 : i32
      %dma_wait3A_477 = arith.constant 0 : i32
      %dma_wait3A_478 = arith.constant 0 : i32
      %dma_wait3A_479 = tpu.memref_slice %arg6[%dma_wait3A_475, %dma_wait3A_477, %dma_wait3A_478] : memref<8x128x16xf32, #tpu.memory_space<vmem>> -> memref<1x128x16xf32, #tpu.memory_space<vmem>>
      %dma_wait3A_480 = tpu.memref_squeeze %dma_wait3A_479 : memref<1x128x16xf32, #tpu.memory_space<vmem>> -> memref<128x16xf32, #tpu.memory_space<vmem>>
      %dma_wait3A_481 = arith.constant 0 : i32
      %dma_wait3A_482 = tpu.memref_slice %arg5[%add3A_473, %dma_wait3A_474, %dma_wait3A_481] : memref<79x2x128xi32, #tpu.memory_space<vmem>> -> memref<1x1x128xi32, #tpu.memory_space<vmem>>
      %dma_wait3A_483 = tpu.memref_squeeze %dma_wait3A_482 : memref<1x1x128xi32, #tpu.memory_space<vmem>> -> memref<128xi32, #tpu.memory_space<vmem>>
      %dma_wait3A_484 = arith.constant 0 : i32
      %dma_wait3A_485 = arith.constant 0 : i32
      %dma_wait3A_486 = tpu.memref_slice %arg9[%dma_wait3A_484, %dma_wait3A_485] : memref<10000x16xf32, #tpu.memory_space<vmem_shared>> -> memref<10000x16xf32, #tpu.memory_space<vmem_shared>>
      %dma_wait3A_487 = tpu.memref_slice %arg10[%dma_wait3A_476] : memref<8x!tpu.dma_semaphore, #tpu.memory_space<semaphore_mem>> -> memref<1x!tpu.dma_semaphore, #tpu.memory_space<semaphore_mem>>
      %dma_wait3A_488 = tpu.memref_squeeze %dma_wait3A_487 : memref<1x!tpu.dma_semaphore, #tpu.memory_space<semaphore_mem>> -> memref<!tpu.dma_semaphore, #tpu.memory_space<semaphore_mem>>
      tpu.wait_indirect_dma semaphore(%dma_wait3A_488 : memref<!tpu.dma_semaphore, #tpu.memory_space<semaphore_mem>>) src(%dma_wait3A_486 : memref<10000x16xf32, #tpu.memory_space<vmem_shared>>) dst(%dma_wait3A_480 : memref<128x16xf32, #tpu.memory_space<vmem>>)
      %dma_start3A_489 = arith.constant 1 : i32
      %dma_start3A_490 = arith.constant 1 : i32
      %dma_start3A_491 = arith.constant 1 : i32
      %dma_start3A_492 = arith.constant 0 : i32
      %dma_start3A_493 = arith.constant 0 : i32
      %dma_start3A_494 = tpu.memref_slice %arg6[%dma_start3A_489, %dma_start3A_492, %dma_start3A_493] : memref<8x128x16xf32, #tpu.memory_space<vmem>> -> memref<1x128x16xf32, #tpu.memory_space<vmem>>
      %dma_start3A_495 = tpu.memref_squeeze %dma_start3A_494 : memref<1x128x16xf32, #tpu.memory_space<vmem>> -> memref<128x16xf32, #tpu.memory_space<vmem>>
      %dma_start3A_496 = arith.constant 0 : i32
      %dma_start3A_497 = tpu.memref_slice %arg5[%add3A_473, %dma_start3A_490, %dma_start3A_496] : memref<79x2x128xi32, #tpu.memory_space<vmem>> -> memref<1x1x128xi32, #tpu.memory_space<vmem>>
      %dma_start3A_498 = tpu.memref_squeeze %dma_start3A_497 : memref<1x1x128xi32, #tpu.memory_space<vmem>> -> memref<128xi32, #tpu.memory_space<vmem>>
      %dma_start3A_499 = arith.constant 0 : i32
      %dma_start3A_500 = arith.constant 0 : i32
      %dma_start3A_501 = tpu.memref_slice %arg8[%dma_start3A_499, %dma_start3A_500] : memref<10240x16xf32, #tpu.memory_space<vmem_shared>> -> memref<10240x16xf32, #tpu.memory_space<vmem_shared>>
      %dma_start3A_502 = tpu.memref_slice %arg11[%dma_start3A_491] : memref<8x!tpu.dma_semaphore, #tpu.memory_space<semaphore_mem>> -> memref<1x!tpu.dma_semaphore, #tpu.memory_space<semaphore_mem>>
      %dma_start3A_503 = tpu.memref_squeeze %dma_start3A_502 : memref<1x!tpu.dma_semaphore, #tpu.memory_space<semaphore_mem>> -> memref<!tpu.dma_semaphore, #tpu.memory_space<semaphore_mem>>
      tpu.enqueue_indirect_dma source(%dma_start3A_495 : memref<128x16xf32, #tpu.memory_space<vmem>>) target(%dma_start3A_501 : memref<10240x16xf32, #tpu.memory_space<vmem_shared>>) offsets(%dma_start3A_498 : memref<128xi32, #tpu.memory_space<vmem>>) semaphore(%dma_start3A_503 : memref<!tpu.dma_semaphore, #tpu.memory_space<semaphore_mem>>) {add = true}
      %add3A_504 = arith.constant 4 : i32
      %add3A_505 = arith.addi %add3A_473, %add3A_504 : i32
      %lt3A_506 = arith.constant 72 : i32
      %lt3A_507 = arith.cmpi slt, %add3A_505, %lt3A_506 : i32
      %convert_element_type3A_508 = arith.extui %lt3A_507 : i1 to i32
      %cond3A_509 = arith.constant 0 : i32
      %cond3A_510 = arith.cmpi ne, %convert_element_type3A_508, %cond3A_509 : i32
      scf.if %cond3A_510 {
        %add3A_746 = arith.constant 4 : i32
        %add3A_747 = arith.addi %add3A_473, %add3A_746 : i32
        %ge3A = arith.constant 8 : i32
        %ge3A_748 = arith.cmpi sge, %add3A_747, %ge3A : i32
        %convert_element_type3A_749 = arith.extui %ge3A_748 : i1 to i32
        %cond3A_750 = arith.constant 0 : i32
        %cond3A_751 = arith.cmpi ne, %convert_element_type3A_749, %cond3A_750 : i32
        scf.if %cond3A_751 {
          %dma_wait3A_769 = arith.constant 5 : i32
          %dma_wait3A_770 = arith.constant 1 : i32
          %dma_wait3A_771 = arith.constant 5 : i32
          %dma_wait3A_772 = arith.constant 0 : i32
          %dma_wait3A_773 = arith.constant 0 : i32
          %dma_wait3A_774 = tpu.memref_slice %arg6[%dma_wait3A_769, %dma_wait3A_772, %dma_wait3A_773] : memref<8x128x16xf32, #tpu.memory_space<vmem>> -> memref<1x128x16xf32, #tpu.memory_space<vmem>>
          %dma_wait3A_775 = tpu.memref_squeeze %dma_wait3A_774 : memref<1x128x16xf32, #tpu.memory_space<vmem>> -> memref<128x16xf32, #tpu.memory_space<vmem>>
          %dma_wait3A_776 = arith.constant 0 : i32
          %dma_wait3A_777 = tpu.memref_slice %arg5[%add3A_473, %dma_wait3A_770, %dma_wait3A_776] : memref<79x2x128xi32, #tpu.memory_space<vmem>> -> memref<1x1x128xi32, #tpu.memory_space<vmem>>
          %dma_wait3A_778 = tpu.memref_squeeze %dma_wait3A_777 : memref<1x1x128xi32, #tpu.memory_space<vmem>> -> memref<128xi32, #tpu.memory_space<vmem>>
          %dma_wait3A_779 = arith.constant 0 : i32
          %dma_wait3A_780 = arith.constant 0 : i32
          %dma_wait3A_781 = tpu.memref_slice %arg8[%dma_wait3A_779, %dma_wait3A_780] : memref<10240x16xf32, #tpu.memory_space<vmem_shared>> -> memref<10240x16xf32, #tpu.memory_space<vmem_shared>>
          %dma_wait3A_782 = tpu.memref_slice %arg11[%dma_wait3A_771] : memref<8x!tpu.dma_semaphore, #tpu.memory_space<semaphore_mem>> -> memref<1x!tpu.dma_semaphore, #tpu.memory_space<semaphore_mem>>
          %dma_wait3A_783 = tpu.memref_squeeze %dma_wait3A_782 : memref<1x!tpu.dma_semaphore, #tpu.memory_space<semaphore_mem>> -> memref<!tpu.dma_semaphore, #tpu.memory_space<semaphore_mem>>
          tpu.wait_indirect_dma semaphore(%dma_wait3A_783 : memref<!tpu.dma_semaphore, #tpu.memory_space<semaphore_mem>>) src(%dma_wait3A_775 : memref<128x16xf32, #tpu.memory_space<vmem>>) dst(%dma_wait3A_781 : memref<10240x16xf32, #tpu.memory_space<vmem_shared>>)
        } else {
        }
        %add3A_752 = arith.constant 4 : i32
        %add3A_753 = arith.addi %add3A_473, %add3A_752 : i32
        %dma_start3A_754 = arith.constant 0 : i32
        %dma_start3A_755 = arith.constant 5 : i32
        %dma_start3A_756 = arith.constant 5 : i32
        %dma_start3A_757 = arith.constant 0 : i32
        %dma_start3A_758 = arith.constant 0 : i32
        %dma_start3A_759 = tpu.memref_slice %arg6[%dma_start3A_755, %dma_start3A_757, %dma_start3A_758] : memref<8x128x16xf32, #tpu.memory_space<vmem>> -> memref<1x128x16xf32, #tpu.memory_space<vmem>>
        %dma_start3A_760 = tpu.memref_squeeze %dma_start3A_759 : memref<1x128x16xf32, #tpu.memory_space<vmem>> -> memref<128x16xf32, #tpu.memory_space<vmem>>
        %dma_start3A_761 = arith.constant 0 : i32
        %dma_start3A_762 = tpu.memref_slice %arg5[%add3A_753, %dma_start3A_754, %dma_start3A_761] : memref<79x2x128xi32, #tpu.memory_space<vmem>> -> memref<1x1x128xi32, #tpu.memory_space<vmem>>
        %dma_start3A_763 = tpu.memref_squeeze %dma_start3A_762 : memref<1x1x128xi32, #tpu.memory_space<vmem>> -> memref<128xi32, #tpu.memory_space<vmem>>
        %dma_start3A_764 = arith.constant 0 : i32
        %dma_start3A_765 = arith.constant 0 : i32
        %dma_start3A_766 = tpu.memref_slice %arg9[%dma_start3A_764, %dma_start3A_765] : memref<10000x16xf32, #tpu.memory_space<vmem_shared>> -> memref<10000x16xf32, #tpu.memory_space<vmem_shared>>
        %dma_start3A_767 = tpu.memref_slice %arg10[%dma_start3A_756] : memref<8x!tpu.dma_semaphore, #tpu.memory_space<semaphore_mem>> -> memref<1x!tpu.dma_semaphore, #tpu.memory_space<semaphore_mem>>
        %dma_start3A_768 = tpu.memref_squeeze %dma_start3A_767 : memref<1x!tpu.dma_semaphore, #tpu.memory_space<semaphore_mem>> -> memref<!tpu.dma_semaphore, #tpu.memory_space<semaphore_mem>>
        tpu.enqueue_indirect_dma source(%dma_start3A_766 : memref<10000x16xf32, #tpu.memory_space<vmem_shared>>) target(%dma_start3A_760 : memref<128x16xf32, #tpu.memory_space<vmem>>) offsets(%dma_start3A_763 : memref<128xi32, #tpu.memory_space<vmem>>) semaphore(%dma_start3A_768 : memref<!tpu.dma_semaphore, #tpu.memory_space<semaphore_mem>>)
      } else {
      }
      %add3A_511 = arith.constant 2 : i32
      %add3A_512 = arith.addi %mul3A_432, %add3A_511 : i32
      %dma_wait3A_513 = arith.constant 0 : i32
      %dma_wait3A_514 = arith.constant 2 : i32
      %dma_wait3A_515 = arith.constant 2 : i32
      %dma_wait3A_516 = arith.constant 0 : i32
      %dma_wait3A_517 = arith.constant 0 : i32
      %dma_wait3A_518 = tpu.memref_slice %arg6[%dma_wait3A_514, %dma_wait3A_516, %dma_wait3A_517] : memref<8x128x16xf32, #tpu.memory_space<vmem>> -> memref<1x128x16xf32, #tpu.memory_space<vmem>>
      %dma_wait3A_519 = tpu.memref_squeeze %dma_wait3A_518 : memref<1x128x16xf32, #tpu.memory_space<vmem>> -> memref<128x16xf32, #tpu.memory_space<vmem>>
      %dma_wait3A_520 = arith.constant 0 : i32
      %dma_wait3A_521 = tpu.memref_slice %arg5[%add3A_512, %dma_wait3A_513, %dma_wait3A_520] : memref<79x2x128xi32, #tpu.memory_space<vmem>> -> memref<1x1x128xi32, #tpu.memory_space<vmem>>
      %dma_wait3A_522 = tpu.memref_squeeze %dma_wait3A_521 : memref<1x1x128xi32, #tpu.memory_space<vmem>> -> memref<128xi32, #tpu.memory_space<vmem>>
      %dma_wait3A_523 = arith.constant 0 : i32
      %dma_wait3A_524 = arith.constant 0 : i32
      %dma_wait3A_525 = tpu.memref_slice %arg9[%dma_wait3A_523, %dma_wait3A_524] : memref<10000x16xf32, #tpu.memory_space<vmem_shared>> -> memref<10000x16xf32, #tpu.memory_space<vmem_shared>>
      %dma_wait3A_526 = tpu.memref_slice %arg10[%dma_wait3A_515] : memref<8x!tpu.dma_semaphore, #tpu.memory_space<semaphore_mem>> -> memref<1x!tpu.dma_semaphore, #tpu.memory_space<semaphore_mem>>
      %dma_wait3A_527 = tpu.memref_squeeze %dma_wait3A_526 : memref<1x!tpu.dma_semaphore, #tpu.memory_space<semaphore_mem>> -> memref<!tpu.dma_semaphore, #tpu.memory_space<semaphore_mem>>
      tpu.wait_indirect_dma semaphore(%dma_wait3A_527 : memref<!tpu.dma_semaphore, #tpu.memory_space<semaphore_mem>>) src(%dma_wait3A_525 : memref<10000x16xf32, #tpu.memory_space<vmem_shared>>) dst(%dma_wait3A_519 : memref<128x16xf32, #tpu.memory_space<vmem>>)
      %dma_start3A_528 = arith.constant 2 : i32
      %dma_start3A_529 = arith.constant 1 : i32
      %dma_start3A_530 = arith.constant 2 : i32
      %dma_start3A_531 = arith.constant 0 : i32
      %dma_start3A_532 = arith.constant 0 : i32
      %dma_start3A_533 = tpu.memref_slice %arg6[%dma_start3A_528, %dma_start3A_531, %dma_start3A_532] : memref<8x128x16xf32, #tpu.memory_space<vmem>> -> memref<1x128x16xf32, #tpu.memory_space<vmem>>
      %dma_start3A_534 = tpu.memref_squeeze %dma_start3A_533 : memref<1x128x16xf32, #tpu.memory_space<vmem>> -> memref<128x16xf32, #tpu.memory_space<vmem>>
      %dma_start3A_535 = arith.constant 0 : i32
      %dma_start3A_536 = tpu.memref_slice %arg5[%add3A_512, %dma_start3A_529, %dma_start3A_535] : memref<79x2x128xi32, #tpu.memory_space<vmem>> -> memref<1x1x128xi32, #tpu.memory_space<vmem>>
      %dma_start3A_537 = tpu.memref_squeeze %dma_start3A_536 : memref<1x1x128xi32, #tpu.memory_space<vmem>> -> memref<128xi32, #tpu.memory_space<vmem>>
      %dma_start3A_538 = arith.constant 0 : i32
      %dma_start3A_539 = arith.constant 0 : i32
      %dma_start3A_540 = tpu.memref_slice %arg8[%dma_start3A_538, %dma_start3A_539] : memref<10240x16xf32, #tpu.memory_space<vmem_shared>> -> memref<10240x16xf32, #tpu.memory_space<vmem_shared>>
      %dma_start3A_541 = tpu.memref_slice %arg11[%dma_start3A_530] : memref<8x!tpu.dma_semaphore, #tpu.memory_space<semaphore_mem>> -> memref<1x!tpu.dma_semaphore, #tpu.memory_space<semaphore_mem>>
      %dma_start3A_542 = tpu.memref_squeeze %dma_start3A_541 : memref<1x!tpu.dma_semaphore, #tpu.memory_space<semaphore_mem>> -> memref<!tpu.dma_semaphore, #tpu.memory_space<semaphore_mem>>
      tpu.enqueue_indirect_dma source(%dma_start3A_534 : memref<128x16xf32, #tpu.memory_space<vmem>>) target(%dma_start3A_540 : memref<10240x16xf32, #tpu.memory_space<vmem_shared>>) offsets(%dma_start3A_537 : memref<128xi32, #tpu.memory_space<vmem>>) semaphore(%dma_start3A_542 : memref<!tpu.dma_semaphore, #tpu.memory_space<semaphore_mem>>) {add = true}
      %add3A_543 = arith.constant 4 : i32
      %add3A_544 = arith.addi %add3A_512, %add3A_543 : i32
      %lt3A_545 = arith.constant 72 : i32
      %lt3A_546 = arith.cmpi slt, %add3A_544, %lt3A_545 : i32
      %convert_element_type3A_547 = arith.extui %lt3A_546 : i1 to i32
      %cond3A_548 = arith.constant 0 : i32
      %cond3A_549 = arith.cmpi ne, %convert_element_type3A_547, %cond3A_548 : i32
      scf.if %cond3A_549 {
        %add3A_746 = arith.constant 4 : i32
        %add3A_747 = arith.addi %add3A_512, %add3A_746 : i32
        %ge3A = arith.constant 8 : i32
        %ge3A_748 = arith.cmpi sge, %add3A_747, %ge3A : i32
        %convert_element_type3A_749 = arith.extui %ge3A_748 : i1 to i32
        %cond3A_750 = arith.constant 0 : i32
        %cond3A_751 = arith.cmpi ne, %convert_element_type3A_749, %cond3A_750 : i32
        scf.if %cond3A_751 {
          %dma_wait3A_769 = arith.constant 6 : i32
          %dma_wait3A_770 = arith.constant 1 : i32
          %dma_wait3A_771 = arith.constant 6 : i32
          %dma_wait3A_772 = arith.constant 0 : i32
          %dma_wait3A_773 = arith.constant 0 : i32
          %dma_wait3A_774 = tpu.memref_slice %arg6[%dma_wait3A_769, %dma_wait3A_772, %dma_wait3A_773] : memref<8x128x16xf32, #tpu.memory_space<vmem>> -> memref<1x128x16xf32, #tpu.memory_space<vmem>>
          %dma_wait3A_775 = tpu.memref_squeeze %dma_wait3A_774 : memref<1x128x16xf32, #tpu.memory_space<vmem>> -> memref<128x16xf32, #tpu.memory_space<vmem>>
          %dma_wait3A_776 = arith.constant 0 : i32
          %dma_wait3A_777 = tpu.memref_slice %arg5[%add3A_512, %dma_wait3A_770, %dma_wait3A_776] : memref<79x2x128xi32, #tpu.memory_space<vmem>> -> memref<1x1x128xi32, #tpu.memory_space<vmem>>
          %dma_wait3A_778 = tpu.memref_squeeze %dma_wait3A_777 : memref<1x1x128xi32, #tpu.memory_space<vmem>> -> memref<128xi32, #tpu.memory_space<vmem>>
          %dma_wait3A_779 = arith.constant 0 : i32
          %dma_wait3A_780 = arith.constant 0 : i32
          %dma_wait3A_781 = tpu.memref_slice %arg8[%dma_wait3A_779, %dma_wait3A_780] : memref<10240x16xf32, #tpu.memory_space<vmem_shared>> -> memref<10240x16xf32, #tpu.memory_space<vmem_shared>>
          %dma_wait3A_782 = tpu.memref_slice %arg11[%dma_wait3A_771] : memref<8x!tpu.dma_semaphore, #tpu.memory_space<semaphore_mem>> -> memref<1x!tpu.dma_semaphore, #tpu.memory_space<semaphore_mem>>
          %dma_wait3A_783 = tpu.memref_squeeze %dma_wait3A_782 : memref<1x!tpu.dma_semaphore, #tpu.memory_space<semaphore_mem>> -> memref<!tpu.dma_semaphore, #tpu.memory_space<semaphore_mem>>
          tpu.wait_indirect_dma semaphore(%dma_wait3A_783 : memref<!tpu.dma_semaphore, #tpu.memory_space<semaphore_mem>>) src(%dma_wait3A_775 : memref<128x16xf32, #tpu.memory_space<vmem>>) dst(%dma_wait3A_781 : memref<10240x16xf32, #tpu.memory_space<vmem_shared>>)
        } else {
        }
        %add3A_752 = arith.constant 4 : i32
        %add3A_753 = arith.addi %add3A_512, %add3A_752 : i32
        %dma_start3A_754 = arith.constant 0 : i32
        %dma_start3A_755 = arith.constant 6 : i32
        %dma_start3A_756 = arith.constant 6 : i32
        %dma_start3A_757 = arith.constant 0 : i32
        %dma_start3A_758 = arith.constant 0 : i32
        %dma_start3A_759 = tpu.memref_slice %arg6[%dma_start3A_755, %dma_start3A_757, %dma_start3A_758] : memref<8x128x16xf32, #tpu.memory_space<vmem>> -> memref<1x128x16xf32, #tpu.memory_space<vmem>>
        %dma_start3A_760 = tpu.memref_squeeze %dma_start3A_759 : memref<1x128x16xf32, #tpu.memory_space<vmem>> -> memref<128x16xf32, #tpu.memory_space<vmem>>
        %dma_start3A_761 = arith.constant 0 : i32
        %dma_start3A_762 = tpu.memref_slice %arg5[%add3A_753, %dma_start3A_754, %dma_start3A_761] : memref<79x2x128xi32, #tpu.memory_space<vmem>> -> memref<1x1x128xi32, #tpu.memory_space<vmem>>
        %dma_start3A_763 = tpu.memref_squeeze %dma_start3A_762 : memref<1x1x128xi32, #tpu.memory_space<vmem>> -> memref<128xi32, #tpu.memory_space<vmem>>
        %dma_start3A_764 = arith.constant 0 : i32
        %dma_start3A_765 = arith.constant 0 : i32
        %dma_start3A_766 = tpu.memref_slice %arg9[%dma_start3A_764, %dma_start3A_765] : memref<10000x16xf32, #tpu.memory_space<vmem_shared>> -> memref<10000x16xf32, #tpu.memory_space<vmem_shared>>
        %dma_start3A_767 = tpu.memref_slice %arg10[%dma_start3A_756] : memref<8x!tpu.dma_semaphore, #tpu.memory_space<semaphore_mem>> -> memref<1x!tpu.dma_semaphore, #tpu.memory_space<semaphore_mem>>
        %dma_start3A_768 = tpu.memref_squeeze %dma_start3A_767 : memref<1x!tpu.dma_semaphore, #tpu.memory_space<semaphore_mem>> -> memref<!tpu.dma_semaphore, #tpu.memory_space<semaphore_mem>>
        tpu.enqueue_indirect_dma source(%dma_start3A_766 : memref<10000x16xf32, #tpu.memory_space<vmem_shared>>) target(%dma_start3A_760 : memref<128x16xf32, #tpu.memory_space<vmem>>) offsets(%dma_start3A_763 : memref<128xi32, #tpu.memory_space<vmem>>) semaphore(%dma_start3A_768 : memref<!tpu.dma_semaphore, #tpu.memory_space<semaphore_mem>>)
      } else {
      }
      %add3A_550 = arith.constant 3 : i32
      %add3A_551 = arith.addi %mul3A_432, %add3A_550 : i32
      %dma_wait3A_552 = arith.constant 0 : i32
      %dma_wait3A_553 = arith.constant 3 : i32
      %dma_wait3A_554 = arith.constant 3 : i32
      %dma_wait3A_555 = arith.constant 0 : i32
      %dma_wait3A_556 = arith.constant 0 : i32
      %dma_wait3A_557 = tpu.memref_slice %arg6[%dma_wait3A_553, %dma_wait3A_555, %dma_wait3A_556] : memref<8x128x16xf32, #tpu.memory_space<vmem>> -> memref<1x128x16xf32, #tpu.memory_space<vmem>>
      %dma_wait3A_558 = tpu.memref_squeeze %dma_wait3A_557 : memref<1x128x16xf32, #tpu.memory_space<vmem>> -> memref<128x16xf32, #tpu.memory_space<vmem>>
      %dma_wait3A_559 = arith.constant 0 : i32
      %dma_wait3A_560 = tpu.memref_slice %arg5[%add3A_551, %dma_wait3A_552, %dma_wait3A_559] : memref<79x2x128xi32, #tpu.memory_space<vmem>> -> memref<1x1x128xi32, #tpu.memory_space<vmem>>
      %dma_wait3A_561 = tpu.memref_squeeze %dma_wait3A_560 : memref<1x1x128xi32, #tpu.memory_space<vmem>> -> memref<128xi32, #tpu.memory_space<vmem>>
      %dma_wait3A_562 = arith.constant 0 : i32
      %dma_wait3A_563 = arith.constant 0 : i32
      %dma_wait3A_564 = tpu.memref_slice %arg9[%dma_wait3A_562, %dma_wait3A_563] : memref<10000x16xf32, #tpu.memory_space<vmem_shared>> -> memref<10000x16xf32, #tpu.memory_space<vmem_shared>>
      %dma_wait3A_565 = tpu.memref_slice %arg10[%dma_wait3A_554] : memref<8x!tpu.dma_semaphore, #tpu.memory_space<semaphore_mem>> -> memref<1x!tpu.dma_semaphore, #tpu.memory_space<semaphore_mem>>
      %dma_wait3A_566 = tpu.memref_squeeze %dma_wait3A_565 : memref<1x!tpu.dma_semaphore, #tpu.memory_space<semaphore_mem>> -> memref<!tpu.dma_semaphore, #tpu.memory_space<semaphore_mem>>
      tpu.wait_indirect_dma semaphore(%dma_wait3A_566 : memref<!tpu.dma_semaphore, #tpu.memory_space<semaphore_mem>>) src(%dma_wait3A_564 : memref<10000x16xf32, #tpu.memory_space<vmem_shared>>) dst(%dma_wait3A_558 : memref<128x16xf32, #tpu.memory_space<vmem>>)
      %dma_start3A_567 = arith.constant 3 : i32
      %dma_start3A_568 = arith.constant 1 : i32
      %dma_start3A_569 = arith.constant 3 : i32
      %dma_start3A_570 = arith.constant 0 : i32
      %dma_start3A_571 = arith.constant 0 : i32
      %dma_start3A_572 = tpu.memref_slice %arg6[%dma_start3A_567, %dma_start3A_570, %dma_start3A_571] : memref<8x128x16xf32, #tpu.memory_space<vmem>> -> memref<1x128x16xf32, #tpu.memory_space<vmem>>
      %dma_start3A_573 = tpu.memref_squeeze %dma_start3A_572 : memref<1x128x16xf32, #tpu.memory_space<vmem>> -> memref<128x16xf32, #tpu.memory_space<vmem>>
      %dma_start3A_574 = arith.constant 0 : i32
      %dma_start3A_575 = tpu.memref_slice %arg5[%add3A_551, %dma_start3A_568, %dma_start3A_574] : memref<79x2x128xi32, #tpu.memory_space<vmem>> -> memref<1x1x128xi32, #tpu.memory_space<vmem>>
      %dma_start3A_576 = tpu.memref_squeeze %dma_start3A_575 : memref<1x1x128xi32, #tpu.memory_space<vmem>> -> memref<128xi32, #tpu.memory_space<vmem>>
      %dma_start3A_577 = arith.constant 0 : i32
      %dma_start3A_578 = arith.constant 0 : i32
      %dma_start3A_579 = tpu.memref_slice %arg8[%dma_start3A_577, %dma_start3A_578] : memref<10240x16xf32, #tpu.memory_space<vmem_shared>> -> memref<10240x16xf32, #tpu.memory_space<vmem_shared>>
      %dma_start3A_580 = tpu.memref_slice %arg11[%dma_start3A_569] : memref<8x!tpu.dma_semaphore, #tpu.memory_space<semaphore_mem>> -> memref<1x!tpu.dma_semaphore, #tpu.memory_space<semaphore_mem>>
      %dma_start3A_581 = tpu.memref_squeeze %dma_start3A_580 : memref<1x!tpu.dma_semaphore, #tpu.memory_space<semaphore_mem>> -> memref<!tpu.dma_semaphore, #tpu.memory_space<semaphore_mem>>
      tpu.enqueue_indirect_dma source(%dma_start3A_573 : memref<128x16xf32, #tpu.memory_space<vmem>>) target(%dma_start3A_579 : memref<10240x16xf32, #tpu.memory_space<vmem_shared>>) offsets(%dma_start3A_576 : memref<128xi32, #tpu.memory_space<vmem>>) semaphore(%dma_start3A_581 : memref<!tpu.dma_semaphore, #tpu.memory_space<semaphore_mem>>) {add = true}
      %add3A_582 = arith.constant 4 : i32
      %add3A_583 = arith.addi %add3A_551, %add3A_582 : i32
      %lt3A_584 = arith.constant 72 : i32
      %lt3A_585 = arith.cmpi slt, %add3A_583, %lt3A_584 : i32
      %convert_element_type3A_586 = arith.extui %lt3A_585 : i1 to i32
      %cond3A_587 = arith.constant 0 : i32
      %cond3A_588 = arith.cmpi ne, %convert_element_type3A_586, %cond3A_587 : i32
      scf.if %cond3A_588 {
        %add3A_746 = arith.constant 4 : i32
        %add3A_747 = arith.addi %add3A_551, %add3A_746 : i32
        %ge3A = arith.constant 8 : i32
        %ge3A_748 = arith.cmpi sge, %add3A_747, %ge3A : i32
        %convert_element_type3A_749 = arith.extui %ge3A_748 : i1 to i32
        %cond3A_750 = arith.constant 0 : i32
        %cond3A_751 = arith.cmpi ne, %convert_element_type3A_749, %cond3A_750 : i32
        scf.if %cond3A_751 {
          %dma_wait3A_769 = arith.constant 7 : i32
          %dma_wait3A_770 = arith.constant 1 : i32
          %dma_wait3A_771 = arith.constant 7 : i32
          %dma_wait3A_772 = arith.constant 0 : i32
          %dma_wait3A_773 = arith.constant 0 : i32
          %dma_wait3A_774 = tpu.memref_slice %arg6[%dma_wait3A_769, %dma_wait3A_772, %dma_wait3A_773] : memref<8x128x16xf32, #tpu.memory_space<vmem>> -> memref<1x128x16xf32, #tpu.memory_space<vmem>>
          %dma_wait3A_775 = tpu.memref_squeeze %dma_wait3A_774 : memref<1x128x16xf32, #tpu.memory_space<vmem>> -> memref<128x16xf32, #tpu.memory_space<vmem>>
          %dma_wait3A_776 = arith.constant 0 : i32
          %dma_wait3A_777 = tpu.memref_slice %arg5[%add3A_551, %dma_wait3A_770, %dma_wait3A_776] : memref<79x2x128xi32, #tpu.memory_space<vmem>> -> memref<1x1x128xi32, #tpu.memory_space<vmem>>
          %dma_wait3A_778 = tpu.memref_squeeze %dma_wait3A_777 : memref<1x1x128xi32, #tpu.memory_space<vmem>> -> memref<128xi32, #tpu.memory_space<vmem>>
          %dma_wait3A_779 = arith.constant 0 : i32
          %dma_wait3A_780 = arith.constant 0 : i32
          %dma_wait3A_781 = tpu.memref_slice %arg8[%dma_wait3A_779, %dma_wait3A_780] : memref<10240x16xf32, #tpu.memory_space<vmem_shared>> -> memref<10240x16xf32, #tpu.memory_space<vmem_shared>>
          %dma_wait3A_782 = tpu.memref_slice %arg11[%dma_wait3A_771] : memref<8x!tpu.dma_semaphore, #tpu.memory_space<semaphore_mem>> -> memref<1x!tpu.dma_semaphore, #tpu.memory_space<semaphore_mem>>
          %dma_wait3A_783 = tpu.memref_squeeze %dma_wait3A_782 : memref<1x!tpu.dma_semaphore, #tpu.memory_space<semaphore_mem>> -> memref<!tpu.dma_semaphore, #tpu.memory_space<semaphore_mem>>
          tpu.wait_indirect_dma semaphore(%dma_wait3A_783 : memref<!tpu.dma_semaphore, #tpu.memory_space<semaphore_mem>>) src(%dma_wait3A_775 : memref<128x16xf32, #tpu.memory_space<vmem>>) dst(%dma_wait3A_781 : memref<10240x16xf32, #tpu.memory_space<vmem_shared>>)
        } else {
        }
        %add3A_752 = arith.constant 4 : i32
        %add3A_753 = arith.addi %add3A_551, %add3A_752 : i32
        %dma_start3A_754 = arith.constant 0 : i32
        %dma_start3A_755 = arith.constant 7 : i32
        %dma_start3A_756 = arith.constant 7 : i32
        %dma_start3A_757 = arith.constant 0 : i32
        %dma_start3A_758 = arith.constant 0 : i32
        %dma_start3A_759 = tpu.memref_slice %arg6[%dma_start3A_755, %dma_start3A_757, %dma_start3A_758] : memref<8x128x16xf32, #tpu.memory_space<vmem>> -> memref<1x128x16xf32, #tpu.memory_space<vmem>>
        %dma_start3A_760 = tpu.memref_squeeze %dma_start3A_759 : memref<1x128x16xf32, #tpu.memory_space<vmem>> -> memref<128x16xf32, #tpu.memory_space<vmem>>
        %dma_start3A_761 = arith.constant 0 : i32
        %dma_start3A_762 = tpu.memref_slice %arg5[%add3A_753, %dma_start3A_754, %dma_start3A_761] : memref<79x2x128xi32, #tpu.memory_space<vmem>> -> memref<1x1x128xi32, #tpu.memory_space<vmem>>
        %dma_start3A_763 = tpu.memref_squeeze %dma_start3A_762 : memref<1x1x128xi32, #tpu.memory_space<vmem>> -> memref<128xi32, #tpu.memory_space<vmem>>
        %dma_start3A_764 = arith.constant 0 : i32
        %dma_start3A_765 = arith.constant 0 : i32
        %dma_start3A_766 = tpu.memref_slice %arg9[%dma_start3A_764, %dma_start3A_765] : memref<10000x16xf32, #tpu.memory_space<vmem_shared>> -> memref<10000x16xf32, #tpu.memory_space<vmem_shared>>
        %dma_start3A_767 = tpu.memref_slice %arg10[%dma_start3A_756] : memref<8x!tpu.dma_semaphore, #tpu.memory_space<semaphore_mem>> -> memref<1x!tpu.dma_semaphore, #tpu.memory_space<semaphore_mem>>
        %dma_start3A_768 = tpu.memref_squeeze %dma_start3A_767 : memref<1x!tpu.dma_semaphore, #tpu.memory_space<semaphore_mem>> -> memref<!tpu.dma_semaphore, #tpu.memory_space<semaphore_mem>>
        tpu.enqueue_indirect_dma source(%dma_start3A_766 : memref<10000x16xf32, #tpu.memory_space<vmem_shared>>) target(%dma_start3A_760 : memref<128x16xf32, #tpu.memory_space<vmem>>) offsets(%dma_start3A_763 : memref<128xi32, #tpu.memory_space<vmem>>) semaphore(%dma_start3A_768 : memref<!tpu.dma_semaphore, #tpu.memory_space<semaphore_mem>>)
      } else {
      }
      %add3A_589 = arith.constant 4 : i32
      %add3A_590 = arith.addi %mul3A_432, %add3A_589 : i32
      %dma_wait3A_591 = arith.constant 0 : i32
      %dma_wait3A_592 = arith.constant 4 : i32
      %dma_wait3A_593 = arith.constant 4 : i32
      %dma_wait3A_594 = arith.constant 0 : i32
      %dma_wait3A_595 = arith.constant 0 : i32
      %dma_wait3A_596 = tpu.memref_slice %arg6[%dma_wait3A_592, %dma_wait3A_594, %dma_wait3A_595] : memref<8x128x16xf32, #tpu.memory_space<vmem>> -> memref<1x128x16xf32, #tpu.memory_space<vmem>>
      %dma_wait3A_597 = tpu.memref_squeeze %dma_wait3A_596 : memref<1x128x16xf32, #tpu.memory_space<vmem>> -> memref<128x16xf32, #tpu.memory_space<vmem>>
      %dma_wait3A_598 = arith.constant 0 : i32
      %dma_wait3A_599 = tpu.memref_slice %arg5[%add3A_590, %dma_wait3A_591, %dma_wait3A_598] : memref<79x2x128xi32, #tpu.memory_space<vmem>> -> memref<1x1x128xi32, #tpu.memory_space<vmem>>
      %dma_wait3A_600 = tpu.memref_squeeze %dma_wait3A_599 : memref<1x1x128xi32, #tpu.memory_space<vmem>> -> memref<128xi32, #tpu.memory_space<vmem>>
      %dma_wait3A_601 = arith.constant 0 : i32
      %dma_wait3A_602 = arith.constant 0 : i32
      %dma_wait3A_603 = tpu.memref_slice %arg9[%dma_wait3A_601, %dma_wait3A_602] : memref<10000x16xf32, #tpu.memory_space<vmem_shared>> -> memref<10000x16xf32, #tpu.memory_space<vmem_shared>>
      %dma_wait3A_604 = tpu.memref_slice %arg10[%dma_wait3A_593] : memref<8x!tpu.dma_semaphore, #tpu.memory_space<semaphore_mem>> -> memref<1x!tpu.dma_semaphore, #tpu.memory_space<semaphore_mem>>
      %dma_wait3A_605 = tpu.memref_squeeze %dma_wait3A_604 : memref<1x!tpu.dma_semaphore, #tpu.memory_space<semaphore_mem>> -> memref<!tpu.dma_semaphore, #tpu.memory_space<semaphore_mem>>
      tpu.wait_indirect_dma semaphore(%dma_wait3A_605 : memref<!tpu.dma_semaphore, #tpu.memory_space<semaphore_mem>>) src(%dma_wait3A_603 : memref<10000x16xf32, #tpu.memory_space<vmem_shared>>) dst(%dma_wait3A_597 : memref<128x16xf32, #tpu.memory_space<vmem>>)
      %dma_start3A_606 = arith.constant 4 : i32
      %dma_start3A_607 = arith.constant 1 : i32
      %dma_start3A_608 = arith.constant 4 : i32
      %dma_start3A_609 = arith.constant 0 : i32
      %dma_start3A_610 = arith.constant 0 : i32
      %dma_start3A_611 = tpu.memref_slice %arg6[%dma_start3A_606, %dma_start3A_609, %dma_start3A_610] : memref<8x128x16xf32, #tpu.memory_space<vmem>> -> memref<1x128x16xf32, #tpu.memory_space<vmem>>
      %dma_start3A_612 = tpu.memref_squeeze %dma_start3A_611 : memref<1x128x16xf32, #tpu.memory_space<vmem>> -> memref<128x16xf32, #tpu.memory_space<vmem>>
      %dma_start3A_613 = arith.constant 0 : i32
      %dma_start3A_614 = tpu.memref_slice %arg5[%add3A_590, %dma_start3A_607, %dma_start3A_613] : memref<79x2x128xi32, #tpu.memory_space<vmem>> -> memref<1x1x128xi32, #tpu.memory_space<vmem>>
      %dma_start3A_615 = tpu.memref_squeeze %dma_start3A_614 : memref<1x1x128xi32, #tpu.memory_space<vmem>> -> memref<128xi32, #tpu.memory_space<vmem>>
      %dma_start3A_616 = arith.constant 0 : i32
      %dma_start3A_617 = arith.constant 0 : i32
      %dma_start3A_618 = tpu.memref_slice %arg8[%dma_start3A_616, %dma_start3A_617] : memref<10240x16xf32, #tpu.memory_space<vmem_shared>> -> memref<10240x16xf32, #tpu.memory_space<vmem_shared>>
      %dma_start3A_619 = tpu.memref_slice %arg11[%dma_start3A_608] : memref<8x!tpu.dma_semaphore, #tpu.memory_space<semaphore_mem>> -> memref<1x!tpu.dma_semaphore, #tpu.memory_space<semaphore_mem>>
      %dma_start3A_620 = tpu.memref_squeeze %dma_start3A_619 : memref<1x!tpu.dma_semaphore, #tpu.memory_space<semaphore_mem>> -> memref<!tpu.dma_semaphore, #tpu.memory_space<semaphore_mem>>
      tpu.enqueue_indirect_dma source(%dma_start3A_612 : memref<128x16xf32, #tpu.memory_space<vmem>>) target(%dma_start3A_618 : memref<10240x16xf32, #tpu.memory_space<vmem_shared>>) offsets(%dma_start3A_615 : memref<128xi32, #tpu.memory_space<vmem>>) semaphore(%dma_start3A_620 : memref<!tpu.dma_semaphore, #tpu.memory_space<semaphore_mem>>) {add = true}
      %add3A_621 = arith.constant 4 : i32
      %add3A_622 = arith.addi %add3A_590, %add3A_621 : i32
      %lt3A_623 = arith.constant 72 : i32
      %lt3A_624 = arith.cmpi slt, %add3A_622, %lt3A_623 : i32
      %convert_element_type3A_625 = arith.extui %lt3A_624 : i1 to i32
      %cond3A_626 = arith.constant 0 : i32
      %cond3A_627 = arith.cmpi ne, %convert_element_type3A_625, %cond3A_626 : i32
      scf.if %cond3A_627 {
        %add3A_746 = arith.constant 4 : i32
        %add3A_747 = arith.addi %add3A_590, %add3A_746 : i32
        %ge3A = arith.constant 8 : i32
        %ge3A_748 = arith.cmpi sge, %add3A_747, %ge3A : i32
        %convert_element_type3A_749 = arith.extui %ge3A_748 : i1 to i32
        %cond3A_750 = arith.constant 0 : i32
        %cond3A_751 = arith.cmpi ne, %convert_element_type3A_749, %cond3A_750 : i32
        scf.if %cond3A_751 {
          %dma_wait3A_769 = arith.constant 0 : i32
          %dma_wait3A_770 = arith.constant 1 : i32
          %dma_wait3A_771 = arith.constant 0 : i32
          %dma_wait3A_772 = arith.constant 0 : i32
          %dma_wait3A_773 = arith.constant 0 : i32
          %dma_wait3A_774 = tpu.memref_slice %arg6[%dma_wait3A_769, %dma_wait3A_772, %dma_wait3A_773] : memref<8x128x16xf32, #tpu.memory_space<vmem>> -> memref<1x128x16xf32, #tpu.memory_space<vmem>>
          %dma_wait3A_775 = tpu.memref_squeeze %dma_wait3A_774 : memref<1x128x16xf32, #tpu.memory_space<vmem>> -> memref<128x16xf32, #tpu.memory_space<vmem>>
          %dma_wait3A_776 = arith.constant 0 : i32
          %dma_wait3A_777 = tpu.memref_slice %arg5[%add3A_590, %dma_wait3A_770, %dma_wait3A_776] : memref<79x2x128xi32, #tpu.memory_space<vmem>> -> memref<1x1x128xi32, #tpu.memory_space<vmem>>
          %dma_wait3A_778 = tpu.memref_squeeze %dma_wait3A_777 : memref<1x1x128xi32, #tpu.memory_space<vmem>> -> memref<128xi32, #tpu.memory_space<vmem>>
          %dma_wait3A_779 = arith.constant 0 : i32
          %dma_wait3A_780 = arith.constant 0 : i32
          %dma_wait3A_781 = tpu.memref_slice %arg8[%dma_wait3A_779, %dma_wait3A_780] : memref<10240x16xf32, #tpu.memory_space<vmem_shared>> -> memref<10240x16xf32, #tpu.memory_space<vmem_shared>>
          %dma_wait3A_782 = tpu.memref_slice %arg11[%dma_wait3A_771] : memref<8x!tpu.dma_semaphore, #tpu.memory_space<semaphore_mem>> -> memref<1x!tpu.dma_semaphore, #tpu.memory_space<semaphore_mem>>
          %dma_wait3A_783 = tpu.memref_squeeze %dma_wait3A_782 : memref<1x!tpu.dma_semaphore, #tpu.memory_space<semaphore_mem>> -> memref<!tpu.dma_semaphore, #tpu.memory_space<semaphore_mem>>
          tpu.wait_indirect_dma semaphore(%dma_wait3A_783 : memref<!tpu.dma_semaphore, #tpu.memory_space<semaphore_mem>>) src(%dma_wait3A_775 : memref<128x16xf32, #tpu.memory_space<vmem>>) dst(%dma_wait3A_781 : memref<10240x16xf32, #tpu.memory_space<vmem_shared>>)
        } else {
        }
        %add3A_752 = arith.constant 4 : i32
        %add3A_753 = arith.addi %add3A_590, %add3A_752 : i32
        %dma_start3A_754 = arith.constant 0 : i32
        %dma_start3A_755 = arith.constant 0 : i32
        %dma_start3A_756 = arith.constant 0 : i32
        %dma_start3A_757 = arith.constant 0 : i32
        %dma_start3A_758 = arith.constant 0 : i32
        %dma_start3A_759 = tpu.memref_slice %arg6[%dma_start3A_755, %dma_start3A_757, %dma_start3A_758] : memref<8x128x16xf32, #tpu.memory_space<vmem>> -> memref<1x128x16xf32, #tpu.memory_space<vmem>>
        %dma_start3A_760 = tpu.memref_squeeze %dma_start3A_759 : memref<1x128x16xf32, #tpu.memory_space<vmem>> -> memref<128x16xf32, #tpu.memory_space<vmem>>
        %dma_start3A_761 = arith.constant 0 : i32
        %dma_start3A_762 = tpu.memref_slice %arg5[%add3A_753, %dma_start3A_754, %dma_start3A_761] : memref<79x2x128xi32, #tpu.memory_space<vmem>> -> memref<1x1x128xi32, #tpu.memory_space<vmem>>
        %dma_start3A_763 = tpu.memref_squeeze %dma_start3A_762 : memref<1x1x128xi32, #tpu.memory_space<vmem>> -> memref<128xi32, #tpu.memory_space<vmem>>
        %dma_start3A_764 = arith.constant 0 : i32
        %dma_start3A_765 = arith.constant 0 : i32
        %dma_start3A_766 = tpu.memref_slice %arg9[%dma_start3A_764, %dma_start3A_765] : memref<10000x16xf32, #tpu.memory_space<vmem_shared>> -> memref<10000x16xf32, #tpu.memory_space<vmem_shared>>
        %dma_start3A_767 = tpu.memref_slice %arg10[%dma_start3A_756] : memref<8x!tpu.dma_semaphore, #tpu.memory_space<semaphore_mem>> -> memref<1x!tpu.dma_semaphore, #tpu.memory_space<semaphore_mem>>
        %dma_start3A_768 = tpu.memref_squeeze %dma_start3A_767 : memref<1x!tpu.dma_semaphore, #tpu.memory_space<semaphore_mem>> -> memref<!tpu.dma_semaphore, #tpu.memory_space<semaphore_mem>>
        tpu.enqueue_indirect_dma source(%dma_start3A_766 : memref<10000x16xf32, #tpu.memory_space<vmem_shared>>) target(%dma_start3A_760 : memref<128x16xf32, #tpu.memory_space<vmem>>) offsets(%dma_start3A_763 : memref<128xi32, #tpu.memory_space<vmem>>) semaphore(%dma_start3A_768 : memref<!tpu.dma_semaphore, #tpu.memory_space<semaphore_mem>>)
      } else {
      }
      %add3A_628 = arith.constant 5 : i32
      %add3A_629 = arith.addi %mul3A_432, %add3A_628 : i32
      %dma_wait3A_630 = arith.constant 0 : i32
      %dma_wait3A_631 = arith.constant 5 : i32
      %dma_wait3A_632 = arith.constant 5 : i32
      %dma_wait3A_633 = arith.constant 0 : i32
      %dma_wait3A_634 = arith.constant 0 : i32
      %dma_wait3A_635 = tpu.memref_slice %arg6[%dma_wait3A_631, %dma_wait3A_633, %dma_wait3A_634] : memref<8x128x16xf32, #tpu.memory_space<vmem>> -> memref<1x128x16xf32, #tpu.memory_space<vmem>>
      %dma_wait3A_636 = tpu.memref_squeeze %dma_wait3A_635 : memref<1x128x16xf32, #tpu.memory_space<vmem>> -> memref<128x16xf32, #tpu.memory_space<vmem>>
      %dma_wait3A_637 = arith.constant 0 : i32
      %dma_wait3A_638 = tpu.memref_slice %arg5[%add3A_629, %dma_wait3A_630, %dma_wait3A_637] : memref<79x2x128xi32, #tpu.memory_space<vmem>> -> memref<1x1x128xi32, #tpu.memory_space<vmem>>
      %dma_wait3A_639 = tpu.memref_squeeze %dma_wait3A_638 : memref<1x1x128xi32, #tpu.memory_space<vmem>> -> memref<128xi32, #tpu.memory_space<vmem>>
      %dma_wait3A_640 = arith.constant 0 : i32
      %dma_wait3A_641 = arith.constant 0 : i32
      %dma_wait3A_642 = tpu.memref_slice %arg9[%dma_wait3A_640, %dma_wait3A_641] : memref<10000x16xf32, #tpu.memory_space<vmem_shared>> -> memref<10000x16xf32, #tpu.memory_space<vmem_shared>>
      %dma_wait3A_643 = tpu.memref_slice %arg10[%dma_wait3A_632] : memref<8x!tpu.dma_semaphore, #tpu.memory_space<semaphore_mem>> -> memref<1x!tpu.dma_semaphore, #tpu.memory_space<semaphore_mem>>
      %dma_wait3A_644 = tpu.memref_squeeze %dma_wait3A_643 : memref<1x!tpu.dma_semaphore, #tpu.memory_space<semaphore_mem>> -> memref<!tpu.dma_semaphore, #tpu.memory_space<semaphore_mem>>
      tpu.wait_indirect_dma semaphore(%dma_wait3A_644 : memref<!tpu.dma_semaphore, #tpu.memory_space<semaphore_mem>>) src(%dma_wait3A_642 : memref<10000x16xf32, #tpu.memory_space<vmem_shared>>) dst(%dma_wait3A_636 : memref<128x16xf32, #tpu.memory_space<vmem>>)
      %dma_start3A_645 = arith.constant 5 : i32
      %dma_start3A_646 = arith.constant 1 : i32
      %dma_start3A_647 = arith.constant 5 : i32
      %dma_start3A_648 = arith.constant 0 : i32
      %dma_start3A_649 = arith.constant 0 : i32
      %dma_start3A_650 = tpu.memref_slice %arg6[%dma_start3A_645, %dma_start3A_648, %dma_start3A_649] : memref<8x128x16xf32, #tpu.memory_space<vmem>> -> memref<1x128x16xf32, #tpu.memory_space<vmem>>
      %dma_start3A_651 = tpu.memref_squeeze %dma_start3A_650 : memref<1x128x16xf32, #tpu.memory_space<vmem>> -> memref<128x16xf32, #tpu.memory_space<vmem>>
      %dma_start3A_652 = arith.constant 0 : i32
      %dma_start3A_653 = tpu.memref_slice %arg5[%add3A_629, %dma_start3A_646, %dma_start3A_652] : memref<79x2x128xi32, #tpu.memory_space<vmem>> -> memref<1x1x128xi32, #tpu.memory_space<vmem>>
      %dma_start3A_654 = tpu.memref_squeeze %dma_start3A_653 : memref<1x1x128xi32, #tpu.memory_space<vmem>> -> memref<128xi32, #tpu.memory_space<vmem>>
      %dma_start3A_655 = arith.constant 0 : i32
      %dma_start3A_656 = arith.constant 0 : i32
      %dma_start3A_657 = tpu.memref_slice %arg8[%dma_start3A_655, %dma_start3A_656] : memref<10240x16xf32, #tpu.memory_space<vmem_shared>> -> memref<10240x16xf32, #tpu.memory_space<vmem_shared>>
      %dma_start3A_658 = tpu.memref_slice %arg11[%dma_start3A_647] : memref<8x!tpu.dma_semaphore, #tpu.memory_space<semaphore_mem>> -> memref<1x!tpu.dma_semaphore, #tpu.memory_space<semaphore_mem>>
      %dma_start3A_659 = tpu.memref_squeeze %dma_start3A_658 : memref<1x!tpu.dma_semaphore, #tpu.memory_space<semaphore_mem>> -> memref<!tpu.dma_semaphore, #tpu.memory_space<semaphore_mem>>
      tpu.enqueue_indirect_dma source(%dma_start3A_651 : memref<128x16xf32, #tpu.memory_space<vmem>>) target(%dma_start3A_657 : memref<10240x16xf32, #tpu.memory_space<vmem_shared>>) offsets(%dma_start3A_654 : memref<128xi32, #tpu.memory_space<vmem>>) semaphore(%dma_start3A_659 : memref<!tpu.dma_semaphore, #tpu.memory_space<semaphore_mem>>) {add = true}
      %add3A_660 = arith.constant 4 : i32
      %add3A_661 = arith.addi %add3A_629, %add3A_660 : i32
      %lt3A_662 = arith.constant 72 : i32
      %lt3A_663 = arith.cmpi slt, %add3A_661, %lt3A_662 : i32
      %convert_element_type3A_664 = arith.extui %lt3A_663 : i1 to i32
      %cond3A_665 = arith.constant 0 : i32
      %cond3A_666 = arith.cmpi ne, %convert_element_type3A_664, %cond3A_665 : i32
      scf.if %cond3A_666 {
        %add3A_746 = arith.constant 4 : i32
        %add3A_747 = arith.addi %add3A_629, %add3A_746 : i32
        %ge3A = arith.constant 8 : i32
        %ge3A_748 = arith.cmpi sge, %add3A_747, %ge3A : i32
        %convert_element_type3A_749 = arith.extui %ge3A_748 : i1 to i32
        %cond3A_750 = arith.constant 0 : i32
        %cond3A_751 = arith.cmpi ne, %convert_element_type3A_749, %cond3A_750 : i32
        scf.if %cond3A_751 {
          %dma_wait3A_769 = arith.constant 1 : i32
          %dma_wait3A_770 = arith.constant 1 : i32
          %dma_wait3A_771 = arith.constant 1 : i32
          %dma_wait3A_772 = arith.constant 0 : i32
          %dma_wait3A_773 = arith.constant 0 : i32
          %dma_wait3A_774 = tpu.memref_slice %arg6[%dma_wait3A_769, %dma_wait3A_772, %dma_wait3A_773] : memref<8x128x16xf32, #tpu.memory_space<vmem>> -> memref<1x128x16xf32, #tpu.memory_space<vmem>>
          %dma_wait3A_775 = tpu.memref_squeeze %dma_wait3A_774 : memref<1x128x16xf32, #tpu.memory_space<vmem>> -> memref<128x16xf32, #tpu.memory_space<vmem>>
          %dma_wait3A_776 = arith.constant 0 : i32
          %dma_wait3A_777 = tpu.memref_slice %arg5[%add3A_629, %dma_wait3A_770, %dma_wait3A_776] : memref<79x2x128xi32, #tpu.memory_space<vmem>> -> memref<1x1x128xi32, #tpu.memory_space<vmem>>
          %dma_wait3A_778 = tpu.memref_squeeze %dma_wait3A_777 : memref<1x1x128xi32, #tpu.memory_space<vmem>> -> memref<128xi32, #tpu.memory_space<vmem>>
          %dma_wait3A_779 = arith.constant 0 : i32
          %dma_wait3A_780 = arith.constant 0 : i32
          %dma_wait3A_781 = tpu.memref_slice %arg8[%dma_wait3A_779, %dma_wait3A_780] : memref<10240x16xf32, #tpu.memory_space<vmem_shared>> -> memref<10240x16xf32, #tpu.memory_space<vmem_shared>>
          %dma_wait3A_782 = tpu.memref_slice %arg11[%dma_wait3A_771] : memref<8x!tpu.dma_semaphore, #tpu.memory_space<semaphore_mem>> -> memref<1x!tpu.dma_semaphore, #tpu.memory_space<semaphore_mem>>
          %dma_wait3A_783 = tpu.memref_squeeze %dma_wait3A_782 : memref<1x!tpu.dma_semaphore, #tpu.memory_space<semaphore_mem>> -> memref<!tpu.dma_semaphore, #tpu.memory_space<semaphore_mem>>
          tpu.wait_indirect_dma semaphore(%dma_wait3A_783 : memref<!tpu.dma_semaphore, #tpu.memory_space<semaphore_mem>>) src(%dma_wait3A_775 : memref<128x16xf32, #tpu.memory_space<vmem>>) dst(%dma_wait3A_781 : memref<10240x16xf32, #tpu.memory_space<vmem_shared>>)
        } else {
        }
        %add3A_752 = arith.constant 4 : i32
        %add3A_753 = arith.addi %add3A_629, %add3A_752 : i32
        %dma_start3A_754 = arith.constant 0 : i32
        %dma_start3A_755 = arith.constant 1 : i32
        %dma_start3A_756 = arith.constant 1 : i32
        %dma_start3A_757 = arith.constant 0 : i32
        %dma_start3A_758 = arith.constant 0 : i32
        %dma_start3A_759 = tpu.memref_slice %arg6[%dma_start3A_755, %dma_start3A_757, %dma_start3A_758] : memref<8x128x16xf32, #tpu.memory_space<vmem>> -> memref<1x128x16xf32, #tpu.memory_space<vmem>>
        %dma_start3A_760 = tpu.memref_squeeze %dma_start3A_759 : memref<1x128x16xf32, #tpu.memory_space<vmem>> -> memref<128x16xf32, #tpu.memory_space<vmem>>
        %dma_start3A_761 = arith.constant 0 : i32
        %dma_start3A_762 = tpu.memref_slice %arg5[%add3A_753, %dma_start3A_754, %dma_start3A_761] : memref<79x2x128xi32, #tpu.memory_space<vmem>> -> memref<1x1x128xi32, #tpu.memory_space<vmem>>
        %dma_start3A_763 = tpu.memref_squeeze %dma_start3A_762 : memref<1x1x128xi32, #tpu.memory_space<vmem>> -> memref<128xi32, #tpu.memory_space<vmem>>
        %dma_start3A_764 = arith.constant 0 : i32
        %dma_start3A_765 = arith.constant 0 : i32
        %dma_start3A_766 = tpu.memref_slice %arg9[%dma_start3A_764, %dma_start3A_765] : memref<10000x16xf32, #tpu.memory_space<vmem_shared>> -> memref<10000x16xf32, #tpu.memory_space<vmem_shared>>
        %dma_start3A_767 = tpu.memref_slice %arg10[%dma_start3A_756] : memref<8x!tpu.dma_semaphore, #tpu.memory_space<semaphore_mem>> -> memref<1x!tpu.dma_semaphore, #tpu.memory_space<semaphore_mem>>
        %dma_start3A_768 = tpu.memref_squeeze %dma_start3A_767 : memref<1x!tpu.dma_semaphore, #tpu.memory_space<semaphore_mem>> -> memref<!tpu.dma_semaphore, #tpu.memory_space<semaphore_mem>>
        tpu.enqueue_indirect_dma source(%dma_start3A_766 : memref<10000x16xf32, #tpu.memory_space<vmem_shared>>) target(%dma_start3A_760 : memref<128x16xf32, #tpu.memory_space<vmem>>) offsets(%dma_start3A_763 : memref<128xi32, #tpu.memory_space<vmem>>) semaphore(%dma_start3A_768 : memref<!tpu.dma_semaphore, #tpu.memory_space<semaphore_mem>>)
      } else {
      }
      %add3A_667 = arith.constant 6 : i32
      %add3A_668 = arith.addi %mul3A_432, %add3A_667 : i32
      %dma_wait3A_669 = arith.constant 0 : i32
      %dma_wait3A_670 = arith.constant 6 : i32
      %dma_wait3A_671 = arith.constant 6 : i32
      %dma_wait3A_672 = arith.constant 0 : i32
      %dma_wait3A_673 = arith.constant 0 : i32
      %dma_wait3A_674 = tpu.memref_slice %arg6[%dma_wait3A_670, %dma_wait3A_672, %dma_wait3A_673] : memref<8x128x16xf32, #tpu.memory_space<vmem>> -> memref<1x128x16xf32, #tpu.memory_space<vmem>>
      %dma_wait3A_675 = tpu.memref_squeeze %dma_wait3A_674 : memref<1x128x16xf32, #tpu.memory_space<vmem>> -> memref<128x16xf32, #tpu.memory_space<vmem>>
      %dma_wait3A_676 = arith.constant 0 : i32
      %dma_wait3A_677 = tpu.memref_slice %arg5[%add3A_668, %dma_wait3A_669, %dma_wait3A_676] : memref<79x2x128xi32, #tpu.memory_space<vmem>> -> memref<1x1x128xi32, #tpu.memory_space<vmem>>
      %dma_wait3A_678 = tpu.memref_squeeze %dma_wait3A_677 : memref<1x1x128xi32, #tpu.memory_space<vmem>> -> memref<128xi32, #tpu.memory_space<vmem>>
      %dma_wait3A_679 = arith.constant 0 : i32
      %dma_wait3A_680 = arith.constant 0 : i32
      %dma_wait3A_681 = tpu.memref_slice %arg9[%dma_wait3A_679, %dma_wait3A_680] : memref<10000x16xf32, #tpu.memory_space<vmem_shared>> -> memref<10000x16xf32, #tpu.memory_space<vmem_shared>>
      %dma_wait3A_682 = tpu.memref_slice %arg10[%dma_wait3A_671] : memref<8x!tpu.dma_semaphore, #tpu.memory_space<semaphore_mem>> -> memref<1x!tpu.dma_semaphore, #tpu.memory_space<semaphore_mem>>
      %dma_wait3A_683 = tpu.memref_squeeze %dma_wait3A_682 : memref<1x!tpu.dma_semaphore, #tpu.memory_space<semaphore_mem>> -> memref<!tpu.dma_semaphore, #tpu.memory_space<semaphore_mem>>
      tpu.wait_indirect_dma semaphore(%dma_wait3A_683 : memref<!tpu.dma_semaphore, #tpu.memory_space<semaphore_mem>>) src(%dma_wait3A_681 : memref<10000x16xf32, #tpu.memory_space<vmem_shared>>) dst(%dma_wait3A_675 : memref<128x16xf32, #tpu.memory_space<vmem>>)
      %dma_start3A_684 = arith.constant 6 : i32
      %dma_start3A_685 = arith.constant 1 : i32
      %dma_start3A_686 = arith.constant 6 : i32
      %dma_start3A_687 = arith.constant 0 : i32
      %dma_start3A_688 = arith.constant 0 : i32
      %dma_start3A_689 = tpu.memref_slice %arg6[%dma_start3A_684, %dma_start3A_687, %dma_start3A_688] : memref<8x128x16xf32, #tpu.memory_space<vmem>> -> memref<1x128x16xf32, #tpu.memory_space<vmem>>
      %dma_start3A_690 = tpu.memref_squeeze %dma_start3A_689 : memref<1x128x16xf32, #tpu.memory_space<vmem>> -> memref<128x16xf32, #tpu.memory_space<vmem>>
      %dma_start3A_691 = arith.constant 0 : i32
      %dma_start3A_692 = tpu.memref_slice %arg5[%add3A_668, %dma_start3A_685, %dma_start3A_691] : memref<79x2x128xi32, #tpu.memory_space<vmem>> -> memref<1x1x128xi32, #tpu.memory_space<vmem>>
      %dma_start3A_693 = tpu.memref_squeeze %dma_start3A_692 : memref<1x1x128xi32, #tpu.memory_space<vmem>> -> memref<128xi32, #tpu.memory_space<vmem>>
      %dma_start3A_694 = arith.constant 0 : i32
      %dma_start3A_695 = arith.constant 0 : i32
      %dma_start3A_696 = tpu.memref_slice %arg8[%dma_start3A_694, %dma_start3A_695] : memref<10240x16xf32, #tpu.memory_space<vmem_shared>> -> memref<10240x16xf32, #tpu.memory_space<vmem_shared>>
      %dma_start3A_697 = tpu.memref_slice %arg11[%dma_start3A_686] : memref<8x!tpu.dma_semaphore, #tpu.memory_space<semaphore_mem>> -> memref<1x!tpu.dma_semaphore, #tpu.memory_space<semaphore_mem>>
      %dma_start3A_698 = tpu.memref_squeeze %dma_start3A_697 : memref<1x!tpu.dma_semaphore, #tpu.memory_space<semaphore_mem>> -> memref<!tpu.dma_semaphore, #tpu.memory_space<semaphore_mem>>
      tpu.enqueue_indirect_dma source(%dma_start3A_690 : memref<128x16xf32, #tpu.memory_space<vmem>>) target(%dma_start3A_696 : memref<10240x16xf32, #tpu.memory_space<vmem_shared>>) offsets(%dma_start3A_693 : memref<128xi32, #tpu.memory_space<vmem>>) semaphore(%dma_start3A_698 : memref<!tpu.dma_semaphore, #tpu.memory_space<semaphore_mem>>) {add = true}
      %add3A_699 = arith.constant 4 : i32
      %add3A_700 = arith.addi %add3A_668, %add3A_699 : i32
      %lt3A_701 = arith.constant 72 : i32
      %lt3A_702 = arith.cmpi slt, %add3A_700, %lt3A_701 : i32
      %convert_element_type3A_703 = arith.extui %lt3A_702 : i1 to i32
      %cond3A_704 = arith.constant 0 : i32
      %cond3A_705 = arith.cmpi ne, %convert_element_type3A_703, %cond3A_704 : i32
      scf.if %cond3A_705 {
        %add3A_746 = arith.constant 4 : i32
        %add3A_747 = arith.addi %add3A_668, %add3A_746 : i32
        %ge3A = arith.constant 8 : i32
        %ge3A_748 = arith.cmpi sge, %add3A_747, %ge3A : i32
        %convert_element_type3A_749 = arith.extui %ge3A_748 : i1 to i32
        %cond3A_750 = arith.constant 0 : i32
        %cond3A_751 = arith.cmpi ne, %convert_element_type3A_749, %cond3A_750 : i32
        scf.if %cond3A_751 {
          %dma_wait3A_769 = arith.constant 2 : i32
          %dma_wait3A_770 = arith.constant 1 : i32
          %dma_wait3A_771 = arith.constant 2 : i32
          %dma_wait3A_772 = arith.constant 0 : i32
          %dma_wait3A_773 = arith.constant 0 : i32
          %dma_wait3A_774 = tpu.memref_slice %arg6[%dma_wait3A_769, %dma_wait3A_772, %dma_wait3A_773] : memref<8x128x16xf32, #tpu.memory_space<vmem>> -> memref<1x128x16xf32, #tpu.memory_space<vmem>>
          %dma_wait3A_775 = tpu.memref_squeeze %dma_wait3A_774 : memref<1x128x16xf32, #tpu.memory_space<vmem>> -> memref<128x16xf32, #tpu.memory_space<vmem>>
          %dma_wait3A_776 = arith.constant 0 : i32
          %dma_wait3A_777 = tpu.memref_slice %arg5[%add3A_668, %dma_wait3A_770, %dma_wait3A_776] : memref<79x2x128xi32, #tpu.memory_space<vmem>> -> memref<1x1x128xi32, #tpu.memory_space<vmem>>
          %dma_wait3A_778 = tpu.memref_squeeze %dma_wait3A_777 : memref<1x1x128xi32, #tpu.memory_space<vmem>> -> memref<128xi32, #tpu.memory_space<vmem>>
          %dma_wait3A_779 = arith.constant 0 : i32
          %dma_wait3A_780 = arith.constant 0 : i32
          %dma_wait3A_781 = tpu.memref_slice %arg8[%dma_wait3A_779, %dma_wait3A_780] : memref<10240x16xf32, #tpu.memory_space<vmem_shared>> -> memref<10240x16xf32, #tpu.memory_space<vmem_shared>>
          %dma_wait3A_782 = tpu.memref_slice %arg11[%dma_wait3A_771] : memref<8x!tpu.dma_semaphore, #tpu.memory_space<semaphore_mem>> -> memref<1x!tpu.dma_semaphore, #tpu.memory_space<semaphore_mem>>
          %dma_wait3A_783 = tpu.memref_squeeze %dma_wait3A_782 : memref<1x!tpu.dma_semaphore, #tpu.memory_space<semaphore_mem>> -> memref<!tpu.dma_semaphore, #tpu.memory_space<semaphore_mem>>
          tpu.wait_indirect_dma semaphore(%dma_wait3A_783 : memref<!tpu.dma_semaphore, #tpu.memory_space<semaphore_mem>>) src(%dma_wait3A_775 : memref<128x16xf32, #tpu.memory_space<vmem>>) dst(%dma_wait3A_781 : memref<10240x16xf32, #tpu.memory_space<vmem_shared>>)
        } else {
        }
        %add3A_752 = arith.constant 4 : i32
        %add3A_753 = arith.addi %add3A_668, %add3A_752 : i32
        %dma_start3A_754 = arith.constant 0 : i32
        %dma_start3A_755 = arith.constant 2 : i32
        %dma_start3A_756 = arith.constant 2 : i32
        %dma_start3A_757 = arith.constant 0 : i32
        %dma_start3A_758 = arith.constant 0 : i32
        %dma_start3A_759 = tpu.memref_slice %arg6[%dma_start3A_755, %dma_start3A_757, %dma_start3A_758] : memref<8x128x16xf32, #tpu.memory_space<vmem>> -> memref<1x128x16xf32, #tpu.memory_space<vmem>>
        %dma_start3A_760 = tpu.memref_squeeze %dma_start3A_759 : memref<1x128x16xf32, #tpu.memory_space<vmem>> -> memref<128x16xf32, #tpu.memory_space<vmem>>
        %dma_start3A_761 = arith.constant 0 : i32
        %dma_start3A_762 = tpu.memref_slice %arg5[%add3A_753, %dma_start3A_754, %dma_start3A_761] : memref<79x2x128xi32, #tpu.memory_space<vmem>> -> memref<1x1x128xi32, #tpu.memory_space<vmem>>
        %dma_start3A_763 = tpu.memref_squeeze %dma_start3A_762 : memref<1x1x128xi32, #tpu.memory_space<vmem>> -> memref<128xi32, #tpu.memory_space<vmem>>
        %dma_start3A_764 = arith.constant 0 : i32
        %dma_start3A_765 = arith.constant 0 : i32
        %dma_start3A_766 = tpu.memref_slice %arg9[%dma_start3A_764, %dma_start3A_765] : memref<10000x16xf32, #tpu.memory_space<vmem_shared>> -> memref<10000x16xf32, #tpu.memory_space<vmem_shared>>
        %dma_start3A_767 = tpu.memref_slice %arg10[%dma_start3A_756] : memref<8x!tpu.dma_semaphore, #tpu.memory_space<semaphore_mem>> -> memref<1x!tpu.dma_semaphore, #tpu.memory_space<semaphore_mem>>
        %dma_start3A_768 = tpu.memref_squeeze %dma_start3A_767 : memref<1x!tpu.dma_semaphore, #tpu.memory_space<semaphore_mem>> -> memref<!tpu.dma_semaphore, #tpu.memory_space<semaphore_mem>>
        tpu.enqueue_indirect_dma source(%dma_start3A_766 : memref<10000x16xf32, #tpu.memory_space<vmem_shared>>) target(%dma_start3A_760 : memref<128x16xf32, #tpu.memory_space<vmem>>) offsets(%dma_start3A_763 : memref<128xi32, #tpu.memory_space<vmem>>) semaphore(%dma_start3A_768 : memref<!tpu.dma_semaphore, #tpu.memory_space<semaphore_mem>>)
      } else {
      }
      %add3A_706 = arith.constant 7 : i32
      %add3A_707 = arith.addi %mul3A_432, %add3A_706 : i32
      %dma_wait3A_708 = arith.constant 0 : i32
      %dma_wait3A_709 = arith.constant 7 : i32
      %dma_wait3A_710 = arith.constant 7 : i32
      %dma_wait3A_711 = arith.constant 0 : i32
      %dma_wait3A_712 = arith.constant 0 : i32
      %dma_wait3A_713 = tpu.memref_slice %arg6[%dma_wait3A_709, %dma_wait3A_711, %dma_wait3A_712] : memref<8x128x16xf32, #tpu.memory_space<vmem>> -> memref<1x128x16xf32, #tpu.memory_space<vmem>>
      %dma_wait3A_714 = tpu.memref_squeeze %dma_wait3A_713 : memref<1x128x16xf32, #tpu.memory_space<vmem>> -> memref<128x16xf32, #tpu.memory_space<vmem>>
      %dma_wait3A_715 = arith.constant 0 : i32
      %dma_wait3A_716 = tpu.memref_slice %arg5[%add3A_707, %dma_wait3A_708, %dma_wait3A_715] : memref<79x2x128xi32, #tpu.memory_space<vmem>> -> memref<1x1x128xi32, #tpu.memory_space<vmem>>
      %dma_wait3A_717 = tpu.memref_squeeze %dma_wait3A_716 : memref<1x1x128xi32, #tpu.memory_space<vmem>> -> memref<128xi32, #tpu.memory_space<vmem>>
      %dma_wait3A_718 = arith.constant 0 : i32
      %dma_wait3A_719 = arith.constant 0 : i32
      %dma_wait3A_720 = tpu.memref_slice %arg9[%dma_wait3A_718, %dma_wait3A_719] : memref<10000x16xf32, #tpu.memory_space<vmem_shared>> -> memref<10000x16xf32, #tpu.memory_space<vmem_shared>>
      %dma_wait3A_721 = tpu.memref_slice %arg10[%dma_wait3A_710] : memref<8x!tpu.dma_semaphore, #tpu.memory_space<semaphore_mem>> -> memref<1x!tpu.dma_semaphore, #tpu.memory_space<semaphore_mem>>
      %dma_wait3A_722 = tpu.memref_squeeze %dma_wait3A_721 : memref<1x!tpu.dma_semaphore, #tpu.memory_space<semaphore_mem>> -> memref<!tpu.dma_semaphore, #tpu.memory_space<semaphore_mem>>
      tpu.wait_indirect_dma semaphore(%dma_wait3A_722 : memref<!tpu.dma_semaphore, #tpu.memory_space<semaphore_mem>>) src(%dma_wait3A_720 : memref<10000x16xf32, #tpu.memory_space<vmem_shared>>) dst(%dma_wait3A_714 : memref<128x16xf32, #tpu.memory_space<vmem>>)
      %dma_start3A_723 = arith.constant 7 : i32
      %dma_start3A_724 = arith.constant 1 : i32
      %dma_start3A_725 = arith.constant 7 : i32
      %dma_start3A_726 = arith.constant 0 : i32
      %dma_start3A_727 = arith.constant 0 : i32
      %dma_start3A_728 = tpu.memref_slice %arg6[%dma_start3A_723, %dma_start3A_726, %dma_start3A_727] : memref<8x128x16xf32, #tpu.memory_space<vmem>> -> memref<1x128x16xf32, #tpu.memory_space<vmem>>
      %dma_start3A_729 = tpu.memref_squeeze %dma_start3A_728 : memref<1x128x16xf32, #tpu.memory_space<vmem>> -> memref<128x16xf32, #tpu.memory_space<vmem>>
      %dma_start3A_730 = arith.constant 0 : i32
      %dma_start3A_731 = tpu.memref_slice %arg5[%add3A_707, %dma_start3A_724, %dma_start3A_730] : memref<79x2x128xi32, #tpu.memory_space<vmem>> -> memref<1x1x128xi32, #tpu.memory_space<vmem>>
      %dma_start3A_732 = tpu.memref_squeeze %dma_start3A_731 : memref<1x1x128xi32, #tpu.memory_space<vmem>> -> memref<128xi32, #tpu.memory_space<vmem>>
      %dma_start3A_733 = arith.constant 0 : i32
      %dma_start3A_734 = arith.constant 0 : i32
      %dma_start3A_735 = tpu.memref_slice %arg8[%dma_start3A_733, %dma_start3A_734] : memref<10240x16xf32, #tpu.memory_space<vmem_shared>> -> memref<10240x16xf32, #tpu.memory_space<vmem_shared>>
      %dma_start3A_736 = tpu.memref_slice %arg11[%dma_start3A_725] : memref<8x!tpu.dma_semaphore, #tpu.memory_space<semaphore_mem>> -> memref<1x!tpu.dma_semaphore, #tpu.memory_space<semaphore_mem>>
      %dma_start3A_737 = tpu.memref_squeeze %dma_start3A_736 : memref<1x!tpu.dma_semaphore, #tpu.memory_space<semaphore_mem>> -> memref<!tpu.dma_semaphore, #tpu.memory_space<semaphore_mem>>
      tpu.enqueue_indirect_dma source(%dma_start3A_729 : memref<128x16xf32, #tpu.memory_space<vmem>>) target(%dma_start3A_735 : memref<10240x16xf32, #tpu.memory_space<vmem_shared>>) offsets(%dma_start3A_732 : memref<128xi32, #tpu.memory_space<vmem>>) semaphore(%dma_start3A_737 : memref<!tpu.dma_semaphore, #tpu.memory_space<semaphore_mem>>) {add = true}
      %add3A_738 = arith.constant 4 : i32
      %add3A_739 = arith.addi %add3A_707, %add3A_738 : i32
      %lt3A_740 = arith.constant 72 : i32
      %lt3A_741 = arith.cmpi slt, %add3A_739, %lt3A_740 : i32
      %convert_element_type3A_742 = arith.extui %lt3A_741 : i1 to i32
      %cond3A_743 = arith.constant 0 : i32
      %cond3A_744 = arith.cmpi ne, %convert_element_type3A_742, %cond3A_743 : i32
      scf.if %cond3A_744 {
        %add3A_746 = arith.constant 4 : i32
        %add3A_747 = arith.addi %add3A_707, %add3A_746 : i32
        %ge3A = arith.constant 8 : i32
        %ge3A_748 = arith.cmpi sge, %add3A_747, %ge3A : i32
        %convert_element_type3A_749 = arith.extui %ge3A_748 : i1 to i32
        %cond3A_750 = arith.constant 0 : i32
        %cond3A_751 = arith.cmpi ne, %convert_element_type3A_749, %cond3A_750 : i32
        scf.if %cond3A_751 {
          %dma_wait3A_769 = arith.constant 3 : i32
          %dma_wait3A_770 = arith.constant 1 : i32
          %dma_wait3A_771 = arith.constant 3 : i32
          %dma_wait3A_772 = arith.constant 0 : i32
          %dma_wait3A_773 = arith.constant 0 : i32
          %dma_wait3A_774 = tpu.memref_slice %arg6[%dma_wait3A_769, %dma_wait3A_772, %dma_wait3A_773] : memref<8x128x16xf32, #tpu.memory_space<vmem>> -> memref<1x128x16xf32, #tpu.memory_space<vmem>>
          %dma_wait3A_775 = tpu.memref_squeeze %dma_wait3A_774 : memref<1x128x16xf32, #tpu.memory_space<vmem>> -> memref<128x16xf32, #tpu.memory_space<vmem>>
          %dma_wait3A_776 = arith.constant 0 : i32
          %dma_wait3A_777 = tpu.memref_slice %arg5[%add3A_707, %dma_wait3A_770, %dma_wait3A_776] : memref<79x2x128xi32, #tpu.memory_space<vmem>> -> memref<1x1x128xi32, #tpu.memory_space<vmem>>
          %dma_wait3A_778 = tpu.memref_squeeze %dma_wait3A_777 : memref<1x1x128xi32, #tpu.memory_space<vmem>> -> memref<128xi32, #tpu.memory_space<vmem>>
          %dma_wait3A_779 = arith.constant 0 : i32
          %dma_wait3A_780 = arith.constant 0 : i32
          %dma_wait3A_781 = tpu.memref_slice %arg8[%dma_wait3A_779, %dma_wait3A_780] : memref<10240x16xf32, #tpu.memory_space<vmem_shared>> -> memref<10240x16xf32, #tpu.memory_space<vmem_shared>>
          %dma_wait3A_782 = tpu.memref_slice %arg11[%dma_wait3A_771] : memref<8x!tpu.dma_semaphore, #tpu.memory_space<semaphore_mem>> -> memref<1x!tpu.dma_semaphore, #tpu.memory_space<semaphore_mem>>
          %dma_wait3A_783 = tpu.memref_squeeze %dma_wait3A_782 : memref<1x!tpu.dma_semaphore, #tpu.memory_space<semaphore_mem>> -> memref<!tpu.dma_semaphore, #tpu.memory_space<semaphore_mem>>
          tpu.wait_indirect_dma semaphore(%dma_wait3A_783 : memref<!tpu.dma_semaphore, #tpu.memory_space<semaphore_mem>>) src(%dma_wait3A_775 : memref<128x16xf32, #tpu.memory_space<vmem>>) dst(%dma_wait3A_781 : memref<10240x16xf32, #tpu.memory_space<vmem_shared>>)
        } else {
        }
        %add3A_752 = arith.constant 4 : i32
        %add3A_753 = arith.addi %add3A_707, %add3A_752 : i32
        %dma_start3A_754 = arith.constant 0 : i32
        %dma_start3A_755 = arith.constant 3 : i32
        %dma_start3A_756 = arith.constant 3 : i32
        %dma_start3A_757 = arith.constant 0 : i32
        %dma_start3A_758 = arith.constant 0 : i32
        %dma_start3A_759 = tpu.memref_slice %arg6[%dma_start3A_755, %dma_start3A_757, %dma_start3A_758] : memref<8x128x16xf32, #tpu.memory_space<vmem>> -> memref<1x128x16xf32, #tpu.memory_space<vmem>>
        %dma_start3A_760 = tpu.memref_squeeze %dma_start3A_759 : memref<1x128x16xf32, #tpu.memory_space<vmem>> -> memref<128x16xf32, #tpu.memory_space<vmem>>
        %dma_start3A_761 = arith.constant 0 : i32
        %dma_start3A_762 = tpu.memref_slice %arg5[%add3A_753, %dma_start3A_754, %dma_start3A_761] : memref<79x2x128xi32, #tpu.memory_space<vmem>> -> memref<1x1x128xi32, #tpu.memory_space<vmem>>
        %dma_start3A_763 = tpu.memref_squeeze %dma_start3A_762 : memref<1x1x128xi32, #tpu.memory_space<vmem>> -> memref<128xi32, #tpu.memory_space<vmem>>
        %dma_start3A_764 = arith.constant 0 : i32
        %dma_start3A_765 = arith.constant 0 : i32
        %dma_start3A_766 = tpu.memref_slice %arg9[%dma_start3A_764, %dma_start3A_765] : memref<10000x16xf32, #tpu.memory_space<vmem_shared>> -> memref<10000x16xf32, #tpu.memory_space<vmem_shared>>
        %dma_start3A_767 = tpu.memref_slice %arg10[%dma_start3A_756] : memref<8x!tpu.dma_semaphore, #tpu.memory_space<semaphore_mem>> -> memref<1x!tpu.dma_semaphore, #tpu.memory_space<semaphore_mem>>
        %dma_start3A_768 = tpu.memref_squeeze %dma_start3A_767 : memref<1x!tpu.dma_semaphore, #tpu.memory_space<semaphore_mem>> -> memref<!tpu.dma_semaphore, #tpu.memory_space<semaphore_mem>>
        tpu.enqueue_indirect_dma source(%dma_start3A_766 : memref<10000x16xf32, #tpu.memory_space<vmem_shared>>) target(%dma_start3A_760 : memref<128x16xf32, #tpu.memory_space<vmem>>) offsets(%dma_start3A_763 : memref<128xi32, #tpu.memory_space<vmem>>) semaphore(%dma_start3A_768 : memref<!tpu.dma_semaphore, #tpu.memory_space<semaphore_mem>>)
      } else {
      }
      %scan3A_745 = arith.constant 0 : i32
      scf.yield %scan3A_745 : i32
    }
    %scan3A_84 = arith.constant 9 : i32
    %dma_wait3A = arith.constant 0 : i32
    %dma_wait3A_85 = arith.constant 0 : i32
    %dma_wait3A_86 = arith.constant 1 : i32
    %dma_wait3A_87 = arith.constant 0 : i32
    %dma_wait3A_88 = arith.constant 0 : i32
    %dma_wait3A_89 = arith.constant 0 : i32
    %dma_wait3A_90 = tpu.memref_slice %arg6[%dma_wait3A, %dma_wait3A_88, %dma_wait3A_89] : memref<8x128x16xf32, #tpu.memory_space<vmem>> -> memref<1x128x16xf32, #tpu.memory_space<vmem>>
    %dma_wait3A_91 = tpu.memref_squeeze %dma_wait3A_90 : memref<1x128x16xf32, #tpu.memory_space<vmem>> -> memref<128x16xf32, #tpu.memory_space<vmem>>
    %dma_wait3A_92 = arith.constant 0 : i32
    %dma_wait3A_93 = tpu.memref_slice %arg5[%dma_wait3A_85, %dma_wait3A_86, %dma_wait3A_92] : memref<79x2x128xi32, #tpu.memory_space<vmem>> -> memref<1x1x128xi32, #tpu.memory_space<vmem>>
    %dma_wait3A_94 = tpu.memref_squeeze %dma_wait3A_93 : memref<1x1x128xi32, #tpu.memory_space<vmem>> -> memref<128xi32, #tpu.memory_space<vmem>>
    %dma_wait3A_95 = arith.constant 0 : i32
    %dma_wait3A_96 = arith.constant 0 : i32
    %dma_wait3A_97 = tpu.memref_slice %arg8[%dma_wait3A_95, %dma_wait3A_96] : memref<10240x16xf32, #tpu.memory_space<vmem_shared>> -> memref<10240x16xf32, #tpu.memory_space<vmem_shared>>
    %dma_wait3A_98 = tpu.memref_slice %arg11[%dma_wait3A_87] : memref<8x!tpu.dma_semaphore, #tpu.memory_space<semaphore_mem>> -> memref<1x!tpu.dma_semaphore, #tpu.memory_space<semaphore_mem>>
    %dma_wait3A_99 = tpu.memref_squeeze %dma_wait3A_98 : memref<1x!tpu.dma_semaphore, #tpu.memory_space<semaphore_mem>> -> memref<!tpu.dma_semaphore, #tpu.memory_space<semaphore_mem>>
    tpu.wait_indirect_dma semaphore(%dma_wait3A_99 : memref<!tpu.dma_semaphore, #tpu.memory_space<semaphore_mem>>) src(%dma_wait3A_91 : memref<128x16xf32, #tpu.memory_space<vmem>>) dst(%dma_wait3A_97 : memref<10240x16xf32, #tpu.memory_space<vmem_shared>>)
    %dma_wait3A_100 = arith.constant 1 : i32
    %dma_wait3A_101 = arith.constant 0 : i32
    %dma_wait3A_102 = arith.constant 1 : i32
    %dma_wait3A_103 = arith.constant 1 : i32
    %dma_wait3A_104 = arith.constant 0 : i32
    %dma_wait3A_105 = arith.constant 0 : i32
    %dma_wait3A_106 = tpu.memref_slice %arg6[%dma_wait3A_100, %dma_wait3A_104, %dma_wait3A_105] : memref<8x128x16xf32, #tpu.memory_space<vmem>> -> memref<1x128x16xf32, #tpu.memory_space<vmem>>
    %dma_wait3A_107 = tpu.memref_squeeze %dma_wait3A_106 : memref<1x128x16xf32, #tpu.memory_space<vmem>> -> memref<128x16xf32, #tpu.memory_space<vmem>>
    %dma_wait3A_108 = arith.constant 0 : i32
    %dma_wait3A_109 = tpu.memref_slice %arg5[%dma_wait3A_101, %dma_wait3A_102, %dma_wait3A_108] : memref<79x2x128xi32, #tpu.memory_space<vmem>> -> memref<1x1x128xi32, #tpu.memory_space<vmem>>
    %dma_wait3A_110 = tpu.memref_squeeze %dma_wait3A_109 : memref<1x1x128xi32, #tpu.memory_space<vmem>> -> memref<128xi32, #tpu.memory_space<vmem>>
    %dma_wait3A_111 = arith.constant 0 : i32
    %dma_wait3A_112 = arith.constant 0 : i32
    %dma_wait3A_113 = tpu.memref_slice %arg8[%dma_wait3A_111, %dma_wait3A_112] : memref<10240x16xf32, #tpu.memory_space<vmem_shared>> -> memref<10240x16xf32, #tpu.memory_space<vmem_shared>>
    %dma_wait3A_114 = tpu.memref_slice %arg11[%dma_wait3A_103] : memref<8x!tpu.dma_semaphore, #tpu.memory_space<semaphore_mem>> -> memref<1x!tpu.dma_semaphore, #tpu.memory_space<semaphore_mem>>
    %dma_wait3A_115 = tpu.memref_squeeze %dma_wait3A_114 : memref<1x!tpu.dma_semaphore, #tpu.memory_space<semaphore_mem>> -> memref<!tpu.dma_semaphore, #tpu.memory_space<semaphore_mem>>
    tpu.wait_indirect_dma semaphore(%dma_wait3A_115 : memref<!tpu.dma_semaphore, #tpu.memory_space<semaphore_mem>>) src(%dma_wait3A_107 : memref<128x16xf32, #tpu.memory_space<vmem>>) dst(%dma_wait3A_113 : memref<10240x16xf32, #tpu.memory_space<vmem_shared>>)
    %dma_wait3A_116 = arith.constant 2 : i32
    %dma_wait3A_117 = arith.constant 0 : i32
    %dma_wait3A_118 = arith.constant 1 : i32
    %dma_wait3A_119 = arith.constant 2 : i32
    %dma_wait3A_120 = arith.constant 0 : i32
    %dma_wait3A_121 = arith.constant 0 : i32
    %dma_wait3A_122 = tpu.memref_slice %arg6[%dma_wait3A_116, %dma_wait3A_120, %dma_wait3A_121] : memref<8x128x16xf32, #tpu.memory_space<vmem>> -> memref<1x128x16xf32, #tpu.memory_space<vmem>>
    %dma_wait3A_123 = tpu.memref_squeeze %dma_wait3A_122 : memref<1x128x16xf32, #tpu.memory_space<vmem>> -> memref<128x16xf32, #tpu.memory_space<vmem>>
    %dma_wait3A_124 = arith.constant 0 : i32
    %dma_wait3A_125 = tpu.memref_slice %arg5[%dma_wait3A_117, %dma_wait3A_118, %dma_wait3A_124] : memref<79x2x128xi32, #tpu.memory_space<vmem>> -> memref<1x1x128xi32, #tpu.memory_space<vmem>>
    %dma_wait3A_126 = tpu.memref_squeeze %dma_wait3A_125 : memref<1x1x128xi32, #tpu.memory_space<vmem>> -> memref<128xi32, #tpu.memory_space<vmem>>
    %dma_wait3A_127 = arith.constant 0 : i32
    %dma_wait3A_128 = arith.constant 0 : i32
    %dma_wait3A_129 = tpu.memref_slice %arg8[%dma_wait3A_127, %dma_wait3A_128] : memref<10240x16xf32, #tpu.memory_space<vmem_shared>> -> memref<10240x16xf32, #tpu.memory_space<vmem_shared>>
    %dma_wait3A_130 = tpu.memref_slice %arg11[%dma_wait3A_119] : memref<8x!tpu.dma_semaphore, #tpu.memory_space<semaphore_mem>> -> memref<1x!tpu.dma_semaphore, #tpu.memory_space<semaphore_mem>>
    %dma_wait3A_131 = tpu.memref_squeeze %dma_wait3A_130 : memref<1x!tpu.dma_semaphore, #tpu.memory_space<semaphore_mem>> -> memref<!tpu.dma_semaphore, #tpu.memory_space<semaphore_mem>>
    tpu.wait_indirect_dma semaphore(%dma_wait3A_131 : memref<!tpu.dma_semaphore, #tpu.memory_space<semaphore_mem>>) src(%dma_wait3A_123 : memref<128x16xf32, #tpu.memory_space<vmem>>) dst(%dma_wait3A_129 : memref<10240x16xf32, #tpu.memory_space<vmem_shared>>)
    %dma_wait3A_132 = arith.constant 3 : i32
    %dma_wait3A_133 = arith.constant 0 : i32
    %dma_wait3A_134 = arith.constant 1 : i32
    %dma_wait3A_135 = arith.constant 3 : i32
    %dma_wait3A_136 = arith.constant 0 : i32
    %dma_wait3A_137 = arith.constant 0 : i32
    %dma_wait3A_138 = tpu.memref_slice %arg6[%dma_wait3A_132, %dma_wait3A_136, %dma_wait3A_137] : memref<8x128x16xf32, #tpu.memory_space<vmem>> -> memref<1x128x16xf32, #tpu.memory_space<vmem>>
    %dma_wait3A_139 = tpu.memref_squeeze %dma_wait3A_138 : memref<1x128x16xf32, #tpu.memory_space<vmem>> -> memref<128x16xf32, #tpu.memory_space<vmem>>
    %dma_wait3A_140 = arith.constant 0 : i32
    %dma_wait3A_141 = tpu.memref_slice %arg5[%dma_wait3A_133, %dma_wait3A_134, %dma_wait3A_140] : memref<79x2x128xi32, #tpu.memory_space<vmem>> -> memref<1x1x128xi32, #tpu.memory_space<vmem>>
    %dma_wait3A_142 = tpu.memref_squeeze %dma_wait3A_141 : memref<1x1x128xi32, #tpu.memory_space<vmem>> -> memref<128xi32, #tpu.memory_space<vmem>>
    %dma_wait3A_143 = arith.constant 0 : i32
    %dma_wait3A_144 = arith.constant 0 : i32
    %dma_wait3A_145 = tpu.memref_slice %arg8[%dma_wait3A_143, %dma_wait3A_144] : memref<10240x16xf32, #tpu.memory_space<vmem_shared>> -> memref<10240x16xf32, #tpu.memory_space<vmem_shared>>
    %dma_wait3A_146 = tpu.memref_slice %arg11[%dma_wait3A_135] : memref<8x!tpu.dma_semaphore, #tpu.memory_space<semaphore_mem>> -> memref<1x!tpu.dma_semaphore, #tpu.memory_space<semaphore_mem>>
    %dma_wait3A_147 = tpu.memref_squeeze %dma_wait3A_146 : memref<1x!tpu.dma_semaphore, #tpu.memory_space<semaphore_mem>> -> memref<!tpu.dma_semaphore, #tpu.memory_space<semaphore_mem>>
    tpu.wait_indirect_dma semaphore(%dma_wait3A_147 : memref<!tpu.dma_semaphore, #tpu.memory_space<semaphore_mem>>) src(%dma_wait3A_139 : memref<128x16xf32, #tpu.memory_space<vmem>>) dst(%dma_wait3A_145 : memref<10240x16xf32, #tpu.memory_space<vmem_shared>>)
    %dma_wait3A_148 = arith.constant 4 : i32
    %dma_wait3A_149 = arith.constant 0 : i32
    %dma_wait3A_150 = arith.constant 1 : i32
    %dma_wait3A_151 = arith.constant 4 : i32
    %dma_wait3A_152 = arith.constant 0 : i32
    %dma_wait3A_153 = arith.constant 0 : i32
    %dma_wait3A_154 = tpu.memref_slice %arg6[%dma_wait3A_148, %dma_wait3A_152, %dma_wait3A_153] : memref<8x128x16xf32, #tpu.memory_space<vmem>> -> memref<1x128x16xf32, #tpu.memory_space<vmem>>
    %dma_wait3A_155 = tpu.memref_squeeze %dma_wait3A_154 : memref<1x128x16xf32, #tpu.memory_space<vmem>> -> memref<128x16xf32, #tpu.memory_space<vmem>>
    %dma_wait3A_156 = arith.constant 0 : i32
    %dma_wait3A_157 = tpu.memref_slice %arg5[%dma_wait3A_149, %dma_wait3A_150, %dma_wait3A_156] : memref<79x2x128xi32, #tpu.memory_space<vmem>> -> memref<1x1x128xi32, #tpu.memory_space<vmem>>
    %dma_wait3A_158 = tpu.memref_squeeze %dma_wait3A_157 : memref<1x1x128xi32, #tpu.memory_space<vmem>> -> memref<128xi32, #tpu.memory_space<vmem>>
    %dma_wait3A_159 = arith.constant 0 : i32
    %dma_wait3A_160 = arith.constant 0 : i32
    %dma_wait3A_161 = tpu.memref_slice %arg8[%dma_wait3A_159, %dma_wait3A_160] : memref<10240x16xf32, #tpu.memory_space<vmem_shared>> -> memref<10240x16xf32, #tpu.memory_space<vmem_shared>>
    %dma_wait3A_162 = tpu.memref_slice %arg11[%dma_wait3A_151] : memref<8x!tpu.dma_semaphore, #tpu.memory_space<semaphore_mem>> -> memref<1x!tpu.dma_semaphore, #tpu.memory_space<semaphore_mem>>
    %dma_wait3A_163 = tpu.memref_squeeze %dma_wait3A_162 : memref<1x!tpu.dma_semaphore, #tpu.memory_space<semaphore_mem>> -> memref<!tpu.dma_semaphore, #tpu.memory_space<semaphore_mem>>
    tpu.wait_indirect_dma semaphore(%dma_wait3A_163 : memref<!tpu.dma_semaphore, #tpu.memory_space<semaphore_mem>>) src(%dma_wait3A_155 : memref<128x16xf32, #tpu.memory_space<vmem>>) dst(%dma_wait3A_161 : memref<10240x16xf32, #tpu.memory_space<vmem_shared>>)
    %dma_wait3A_164 = arith.constant 5 : i32
    %dma_wait3A_165 = arith.constant 0 : i32
    %dma_wait3A_166 = arith.constant 1 : i32
    %dma_wait3A_167 = arith.constant 5 : i32
    %dma_wait3A_168 = arith.constant 0 : i32
    %dma_wait3A_169 = arith.constant 0 : i32
    %dma_wait3A_170 = tpu.memref_slice %arg6[%dma_wait3A_164, %dma_wait3A_168, %dma_wait3A_169] : memref<8x128x16xf32, #tpu.memory_space<vmem>> -> memref<1x128x16xf32, #tpu.memory_space<vmem>>
    %dma_wait3A_171 = tpu.memref_squeeze %dma_wait3A_170 : memref<1x128x16xf32, #tpu.memory_space<vmem>> -> memref<128x16xf32, #tpu.memory_space<vmem>>
    %dma_wait3A_172 = arith.constant 0 : i32
    %dma_wait3A_173 = tpu.memref_slice %arg5[%dma_wait3A_165, %dma_wait3A_166, %dma_wait3A_172] : memref<79x2x128xi32, #tpu.memory_space<vmem>> -> memref<1x1x128xi32, #tpu.memory_space<vmem>>
    %dma_wait3A_174 = tpu.memref_squeeze %dma_wait3A_173 : memref<1x1x128xi32, #tpu.memory_space<vmem>> -> memref<128xi32, #tpu.memory_space<vmem>>
    %dma_wait3A_175 = arith.constant 0 : i32
    %dma_wait3A_176 = arith.constant 0 : i32
    %dma_wait3A_177 = tpu.memref_slice %arg8[%dma_wait3A_175, %dma_wait3A_176] : memref<10240x16xf32, #tpu.memory_space<vmem_shared>> -> memref<10240x16xf32, #tpu.memory_space<vmem_shared>>
    %dma_wait3A_178 = tpu.memref_slice %arg11[%dma_wait3A_167] : memref<8x!tpu.dma_semaphore, #tpu.memory_space<semaphore_mem>> -> memref<1x!tpu.dma_semaphore, #tpu.memory_space<semaphore_mem>>
    %dma_wait3A_179 = tpu.memref_squeeze %dma_wait3A_178 : memref<1x!tpu.dma_semaphore, #tpu.memory_space<semaphore_mem>> -> memref<!tpu.dma_semaphore, #tpu.memory_space<semaphore_mem>>
    tpu.wait_indirect_dma semaphore(%dma_wait3A_179 : memref<!tpu.dma_semaphore, #tpu.memory_space<semaphore_mem>>) src(%dma_wait3A_171 : memref<128x16xf32, #tpu.memory_space<vmem>>) dst(%dma_wait3A_177 : memref<10240x16xf32, #tpu.memory_space<vmem_shared>>)
    %dma_wait3A_180 = arith.constant 6 : i32
    %dma_wait3A_181 = arith.constant 0 : i32
    %dma_wait3A_182 = arith.constant 1 : i32
    %dma_wait3A_183 = arith.constant 6 : i32
    %dma_wait3A_184 = arith.constant 0 : i32
    %dma_wait3A_185 = arith.constant 0 : i32
    %dma_wait3A_186 = tpu.memref_slice %arg6[%dma_wait3A_180, %dma_wait3A_184, %dma_wait3A_185] : memref<8x128x16xf32, #tpu.memory_space<vmem>> -> memref<1x128x16xf32, #tpu.memory_space<vmem>>
    %dma_wait3A_187 = tpu.memref_squeeze %dma_wait3A_186 : memref<1x128x16xf32, #tpu.memory_space<vmem>> -> memref<128x16xf32, #tpu.memory_space<vmem>>
    %dma_wait3A_188 = arith.constant 0 : i32
    %dma_wait3A_189 = tpu.memref_slice %arg5[%dma_wait3A_181, %dma_wait3A_182, %dma_wait3A_188] : memref<79x2x128xi32, #tpu.memory_space<vmem>> -> memref<1x1x128xi32, #tpu.memory_space<vmem>>
    %dma_wait3A_190 = tpu.memref_squeeze %dma_wait3A_189 : memref<1x1x128xi32, #tpu.memory_space<vmem>> -> memref<128xi32, #tpu.memory_space<vmem>>
    %dma_wait3A_191 = arith.constant 0 : i32
    %dma_wait3A_192 = arith.constant 0 : i32
    %dma_wait3A_193 = tpu.memref_slice %arg8[%dma_wait3A_191, %dma_wait3A_192] : memref<10240x16xf32, #tpu.memory_space<vmem_shared>> -> memref<10240x16xf32, #tpu.memory_space<vmem_shared>>
    %dma_wait3A_194 = tpu.memref_slice %arg11[%dma_wait3A_183] : memref<8x!tpu.dma_semaphore, #tpu.memory_space<semaphore_mem>> -> memref<1x!tpu.dma_semaphore, #tpu.memory_space<semaphore_mem>>
    %dma_wait3A_195 = tpu.memref_squeeze %dma_wait3A_194 : memref<1x!tpu.dma_semaphore, #tpu.memory_space<semaphore_mem>> -> memref<!tpu.dma_semaphore, #tpu.memory_space<semaphore_mem>>
    tpu.wait_indirect_dma semaphore(%dma_wait3A_195 : memref<!tpu.dma_semaphore, #tpu.memory_space<semaphore_mem>>) src(%dma_wait3A_187 : memref<128x16xf32, #tpu.memory_space<vmem>>) dst(%dma_wait3A_193 : memref<10240x16xf32, #tpu.memory_space<vmem_shared>>)
    %dma_wait3A_196 = arith.constant 7 : i32
    %dma_wait3A_197 = arith.constant 0 : i32
    %dma_wait3A_198 = arith.constant 1 : i32
    %dma_wait3A_199 = arith.constant 7 : i32
    %dma_wait3A_200 = arith.constant 0 : i32
    %dma_wait3A_201 = arith.constant 0 : i32
    %dma_wait3A_202 = tpu.memref_slice %arg6[%dma_wait3A_196, %dma_wait3A_200, %dma_wait3A_201] : memref<8x128x16xf32, #tpu.memory_space<vmem>> -> memref<1x128x16xf32, #tpu.memory_space<vmem>>
    %dma_wait3A_203 = tpu.memref_squeeze %dma_wait3A_202 : memref<1x128x16xf32, #tpu.memory_space<vmem>> -> memref<128x16xf32, #tpu.memory_space<vmem>>
    %dma_wait3A_204 = arith.constant 0 : i32
    %dma_wait3A_205 = tpu.memref_slice %arg5[%dma_wait3A_197, %dma_wait3A_198, %dma_wait3A_204] : memref<79x2x128xi32, #tpu.memory_space<vmem>> -> memref<1x1x128xi32, #tpu.memory_space<vmem>>
    %dma_wait3A_206 = tpu.memref_squeeze %dma_wait3A_205 : memref<1x1x128xi32, #tpu.memory_space<vmem>> -> memref<128xi32, #tpu.memory_space<vmem>>
    %dma_wait3A_207 = arith.constant 0 : i32
    %dma_wait3A_208 = arith.constant 0 : i32
    %dma_wait3A_209 = tpu.memref_slice %arg8[%dma_wait3A_207, %dma_wait3A_208] : memref<10240x16xf32, #tpu.memory_space<vmem_shared>> -> memref<10240x16xf32, #tpu.memory_space<vmem_shared>>
    %dma_wait3A_210 = tpu.memref_slice %arg11[%dma_wait3A_199] : memref<8x!tpu.dma_semaphore, #tpu.memory_space<semaphore_mem>> -> memref<1x!tpu.dma_semaphore, #tpu.memory_space<semaphore_mem>>
    %dma_wait3A_211 = tpu.memref_squeeze %dma_wait3A_210 : memref<1x!tpu.dma_semaphore, #tpu.memory_space<semaphore_mem>> -> memref<!tpu.dma_semaphore, #tpu.memory_space<semaphore_mem>>
    tpu.wait_indirect_dma semaphore(%dma_wait3A_211 : memref<!tpu.dma_semaphore, #tpu.memory_space<semaphore_mem>>) src(%dma_wait3A_203 : memref<128x16xf32, #tpu.memory_space<vmem>>) dst(%dma_wait3A_209 : memref<10240x16xf32, #tpu.memory_space<vmem_shared>>)
    %dma_start3A_212 = arith.constant 72 : i32
    %dma_start3A_213 = arith.constant 0 : i32
    %dma_start3A_214 = arith.constant 0 : i32
    %dma_start3A_215 = arith.constant 0 : i32
    %dma_start3A_216 = arith.constant 0 : i32
    %dma_start3A_217 = arith.constant 0 : i32
    %dma_start3A_218 = tpu.memref_slice %arg6[%dma_start3A_214, %dma_start3A_216, %dma_start3A_217] : memref<8x128x16xf32, #tpu.memory_space<vmem>> -> memref<1x128x16xf32, #tpu.memory_space<vmem>>
    %dma_start3A_219 = tpu.memref_squeeze %dma_start3A_218 : memref<1x128x16xf32, #tpu.memory_space<vmem>> -> memref<128x16xf32, #tpu.memory_space<vmem>>
    %dma_start3A_220 = arith.constant 0 : i32
    %dma_start3A_221 = tpu.memref_slice %arg5[%dma_start3A_212, %dma_start3A_213, %dma_start3A_220] : memref<79x2x128xi32, #tpu.memory_space<vmem>> -> memref<1x1x128xi32, #tpu.memory_space<vmem>>
    %dma_start3A_222 = tpu.memref_squeeze %dma_start3A_221 : memref<1x1x128xi32, #tpu.memory_space<vmem>> -> memref<128xi32, #tpu.memory_space<vmem>>
    %dma_start3A_223 = arith.constant 0 : i32
    %dma_start3A_224 = arith.constant 0 : i32
    %dma_start3A_225 = tpu.memref_slice %arg9[%dma_start3A_223, %dma_start3A_224] : memref<10000x16xf32, #tpu.memory_space<vmem_shared>> -> memref<10000x16xf32, #tpu.memory_space<vmem_shared>>
    %dma_start3A_226 = tpu.memref_slice %arg10[%dma_start3A_215] : memref<8x!tpu.dma_semaphore, #tpu.memory_space<semaphore_mem>> -> memref<1x!tpu.dma_semaphore, #tpu.memory_space<semaphore_mem>>
    %dma_start3A_227 = tpu.memref_squeeze %dma_start3A_226 : memref<1x!tpu.dma_semaphore, #tpu.memory_space<semaphore_mem>> -> memref<!tpu.dma_semaphore, #tpu.memory_space<semaphore_mem>>
    tpu.enqueue_indirect_dma source(%dma_start3A_225 : memref<10000x16xf32, #tpu.memory_space<vmem_shared>>) target(%dma_start3A_219 : memref<128x16xf32, #tpu.memory_space<vmem>>) offsets(%dma_start3A_222 : memref<128xi32, #tpu.memory_space<vmem>>) semaphore(%dma_start3A_227 : memref<!tpu.dma_semaphore, #tpu.memory_space<semaphore_mem>>)
    %dma_wait3A_228 = arith.constant 72 : i32
    %dma_wait3A_229 = arith.constant 0 : i32
    %dma_wait3A_230 = arith.constant 0 : i32
    %dma_wait3A_231 = arith.constant 0 : i32
    %dma_wait3A_232 = arith.constant 0 : i32
    %dma_wait3A_233 = arith.constant 0 : i32
    %dma_wait3A_234 = tpu.memref_slice %arg6[%dma_wait3A_230, %dma_wait3A_232, %dma_wait3A_233] : memref<8x128x16xf32, #tpu.memory_space<vmem>> -> memref<1x128x16xf32, #tpu.memory_space<vmem>>
    %dma_wait3A_235 = tpu.memref_squeeze %dma_wait3A_234 : memref<1x128x16xf32, #tpu.memory_space<vmem>> -> memref<128x16xf32, #tpu.memory_space<vmem>>
    %dma_wait3A_236 = arith.constant 0 : i32
    %dma_wait3A_237 = tpu.memref_slice %arg5[%dma_wait3A_228, %dma_wait3A_229, %dma_wait3A_236] : memref<79x2x128xi32, #tpu.memory_space<vmem>> -> memref<1x1x128xi32, #tpu.memory_space<vmem>>
    %dma_wait3A_238 = tpu.memref_squeeze %dma_wait3A_237 : memref<1x1x128xi32, #tpu.memory_space<vmem>> -> memref<128xi32, #tpu.memory_space<vmem>>
    %dma_wait3A_239 = arith.constant 0 : i32
    %dma_wait3A_240 = arith.constant 0 : i32
    %dma_wait3A_241 = tpu.memref_slice %arg9[%dma_wait3A_239, %dma_wait3A_240] : memref<10000x16xf32, #tpu.memory_space<vmem_shared>> -> memref<10000x16xf32, #tpu.memory_space<vmem_shared>>
    %dma_wait3A_242 = tpu.memref_slice %arg10[%dma_wait3A_231] : memref<8x!tpu.dma_semaphore, #tpu.memory_space<semaphore_mem>> -> memref<1x!tpu.dma_semaphore, #tpu.memory_space<semaphore_mem>>
    %dma_wait3A_243 = tpu.memref_squeeze %dma_wait3A_242 : memref<1x!tpu.dma_semaphore, #tpu.memory_space<semaphore_mem>> -> memref<!tpu.dma_semaphore, #tpu.memory_space<semaphore_mem>>
    tpu.wait_indirect_dma semaphore(%dma_wait3A_243 : memref<!tpu.dma_semaphore, #tpu.memory_space<semaphore_mem>>) src(%dma_wait3A_241 : memref<10000x16xf32, #tpu.memory_space<vmem_shared>>) dst(%dma_wait3A_235 : memref<128x16xf32, #tpu.memory_space<vmem>>)
    %run_scoped3A = arith.constant 0 : i32
    %run_scoped3A_244 = arith.constant 72 : i32
    %run_scoped3A_245 = arith.constant 1 : i32
    "tpu.region"() ({
      %run_scoped3A_429 = tpu.sem_alloc : memref<!tpu.dma_semaphore, #tpu.memory_space<semaphore_mem>>
      %dma_start3A_430 = arith.constant 0 : i32
      %dma_start3A_431 = arith.constant 0 : i32
      %dma_start3A_432 = tpu.memref_slice %arg6[%run_scoped3A, %dma_start3A_430, %dma_start3A_431] : memref<8x128x16xf32, #tpu.memory_space<vmem>> -> memref<1x128x16xf32, #tpu.memory_space<vmem>>
      %dma_start3A_433 = tpu.memref_squeeze %dma_start3A_432 : memref<1x128x16xf32, #tpu.memory_space<vmem>> -> memref<128x16xf32, #tpu.memory_space<vmem>>
      %dma_start3A_434 = arith.constant 0 : i32
      %dma_start3A_435 = tpu.memref_slice %arg5[%run_scoped3A_244, %run_scoped3A_245, %dma_start3A_434] : memref<79x2x128xi32, #tpu.memory_space<vmem>> -> memref<1x1x128xi32, #tpu.memory_space<vmem>>
      %dma_start3A_436 = tpu.memref_squeeze %dma_start3A_435 : memref<1x1x128xi32, #tpu.memory_space<vmem>> -> memref<128xi32, #tpu.memory_space<vmem>>
      %dma_start3A_437 = arith.constant 0 : i32
      %dma_start3A_438 = arith.constant 0 : i32
      %dma_start3A_439 = tpu.memref_slice %arg8[%dma_start3A_437, %dma_start3A_438] : memref<10240x16xf32, #tpu.memory_space<vmem_shared>> -> memref<10240x16xf32, #tpu.memory_space<vmem_shared>>
      tpu.enqueue_indirect_dma source(%dma_start3A_433 : memref<128x16xf32, #tpu.memory_space<vmem>>) target(%dma_start3A_439 : memref<10240x16xf32, #tpu.memory_space<vmem_shared>>) offsets(%dma_start3A_436 : memref<128xi32, #tpu.memory_space<vmem>>) semaphore(%run_scoped3A_429 : memref<!tpu.dma_semaphore, #tpu.memory_space<semaphore_mem>>) {add = true}
      %dma_wait3A_440 = arith.constant 0 : i32
      %dma_wait3A_441 = arith.constant 0 : i32
      %dma_wait3A_442 = tpu.memref_slice %arg6[%run_scoped3A, %dma_wait3A_440, %dma_wait3A_441] : memref<8x128x16xf32, #tpu.memory_space<vmem>> -> memref<1x128x16xf32, #tpu.memory_space<vmem>>
      %dma_wait3A_443 = tpu.memref_squeeze %dma_wait3A_442 : memref<1x128x16xf32, #tpu.memory_space<vmem>> -> memref<128x16xf32, #tpu.memory_space<vmem>>
      %dma_wait3A_444 = arith.constant 0 : i32
      %dma_wait3A_445 = tpu.memref_slice %arg5[%run_scoped3A_244, %run_scoped3A_245, %dma_wait3A_444] : memref<79x2x128xi32, #tpu.memory_space<vmem>> -> memref<1x1x128xi32, #tpu.memory_space<vmem>>
      %dma_wait3A_446 = tpu.memref_squeeze %dma_wait3A_445 : memref<1x1x128xi32, #tpu.memory_space<vmem>> -> memref<128xi32, #tpu.memory_space<vmem>>
      %dma_wait3A_447 = arith.constant 0 : i32
      %dma_wait3A_448 = arith.constant 0 : i32
      %dma_wait3A_449 = tpu.memref_slice %arg8[%dma_wait3A_447, %dma_wait3A_448] : memref<10240x16xf32, #tpu.memory_space<vmem_shared>> -> memref<10240x16xf32, #tpu.memory_space<vmem_shared>>
      tpu.wait_indirect_dma semaphore(%run_scoped3A_429 : memref<!tpu.dma_semaphore, #tpu.memory_space<semaphore_mem>>) src(%dma_wait3A_443 : memref<128x16xf32, #tpu.memory_space<vmem>>) dst(%dma_wait3A_449 : memref<10240x16xf32, #tpu.memory_space<vmem_shared>>)
      tpu.yield
    }) : () -> ()
    %dma_start3A_246 = arith.constant 73 : i32
    %dma_start3A_247 = arith.constant 0 : i32
    %dma_start3A_248 = arith.constant 0 : i32
    %dma_start3A_249 = arith.constant 0 : i32
    %dma_start3A_250 = arith.constant 0 : i32
    %dma_start3A_251 = arith.constant 0 : i32
    %dma_start3A_252 = tpu.memref_slice %arg6[%dma_start3A_248, %dma_start3A_250, %dma_start3A_251] : memref<8x128x16xf32, #tpu.memory_space<vmem>> -> memref<1x128x16xf32, #tpu.memory_space<vmem>>
    %dma_start3A_253 = tpu.memref_squeeze %dma_start3A_252 : memref<1x128x16xf32, #tpu.memory_space<vmem>> -> memref<128x16xf32, #tpu.memory_space<vmem>>
    %dma_start3A_254 = arith.constant 0 : i32
    %dma_start3A_255 = tpu.memref_slice %arg5[%dma_start3A_246, %dma_start3A_247, %dma_start3A_254] : memref<79x2x128xi32, #tpu.memory_space<vmem>> -> memref<1x1x128xi32, #tpu.memory_space<vmem>>
    %dma_start3A_256 = tpu.memref_squeeze %dma_start3A_255 : memref<1x1x128xi32, #tpu.memory_space<vmem>> -> memref<128xi32, #tpu.memory_space<vmem>>
    %dma_start3A_257 = arith.constant 0 : i32
    %dma_start3A_258 = arith.constant 0 : i32
    %dma_start3A_259 = tpu.memref_slice %arg9[%dma_start3A_257, %dma_start3A_258] : memref<10000x16xf32, #tpu.memory_space<vmem_shared>> -> memref<10000x16xf32, #tpu.memory_space<vmem_shared>>
    %dma_start3A_260 = tpu.memref_slice %arg10[%dma_start3A_249] : memref<8x!tpu.dma_semaphore, #tpu.memory_space<semaphore_mem>> -> memref<1x!tpu.dma_semaphore, #tpu.memory_space<semaphore_mem>>
    %dma_start3A_261 = tpu.memref_squeeze %dma_start3A_260 : memref<1x!tpu.dma_semaphore, #tpu.memory_space<semaphore_mem>> -> memref<!tpu.dma_semaphore, #tpu.memory_space<semaphore_mem>>
    tpu.enqueue_indirect_dma source(%dma_start3A_259 : memref<10000x16xf32, #tpu.memory_space<vmem_shared>>) target(%dma_start3A_253 : memref<128x16xf32, #tpu.memory_space<vmem>>) offsets(%dma_start3A_256 : memref<128xi32, #tpu.memory_space<vmem>>) semaphore(%dma_start3A_261 : memref<!tpu.dma_semaphore, #tpu.memory_space<semaphore_mem>>)
    %dma_wait3A_262 = arith.constant 73 : i32
    %dma_wait3A_263 = arith.constant 0 : i32
    %dma_wait3A_264 = arith.constant 0 : i32
    %dma_wait3A_265 = arith.constant 0 : i32
    %dma_wait3A_266 = arith.constant 0 : i32
    %dma_wait3A_267 = arith.constant 0 : i32
    %dma_wait3A_268 = tpu.memref_slice %arg6[%dma_wait3A_264, %dma_wait3A_266, %dma_wait3A_267] : memref<8x128x16xf32, #tpu.memory_space<vmem>> -> memref<1x128x16xf32, #tpu.memory_space<vmem>>
    %dma_wait3A_269 = tpu.memref_squeeze %dma_wait3A_268 : memref<1x128x16xf32, #tpu.memory_space<vmem>> -> memref<128x16xf32, #tpu.memory_space<vmem>>
    %dma_wait3A_270 = arith.constant 0 : i32
    %dma_wait3A_271 = tpu.memref_slice %arg5[%dma_wait3A_262, %dma_wait3A_263, %dma_wait3A_270] : memref<79x2x128xi32, #tpu.memory_space<vmem>> -> memref<1x1x128xi32, #tpu.memory_space<vmem>>
    %dma_wait3A_272 = tpu.memref_squeeze %dma_wait3A_271 : memref<1x1x128xi32, #tpu.memory_space<vmem>> -> memref<128xi32, #tpu.memory_space<vmem>>
    %dma_wait3A_273 = arith.constant 0 : i32
    %dma_wait3A_274 = arith.constant 0 : i32
    %dma_wait3A_275 = tpu.memref_slice %arg9[%dma_wait3A_273, %dma_wait3A_274] : memref<10000x16xf32, #tpu.memory_space<vmem_shared>> -> memref<10000x16xf32, #tpu.memory_space<vmem_shared>>
    %dma_wait3A_276 = tpu.memref_slice %arg10[%dma_wait3A_265] : memref<8x!tpu.dma_semaphore, #tpu.memory_space<semaphore_mem>> -> memref<1x!tpu.dma_semaphore, #tpu.memory_space<semaphore_mem>>
    %dma_wait3A_277 = tpu.memref_squeeze %dma_wait3A_276 : memref<1x!tpu.dma_semaphore, #tpu.memory_space<semaphore_mem>> -> memref<!tpu.dma_semaphore, #tpu.memory_space<semaphore_mem>>
    tpu.wait_indirect_dma semaphore(%dma_wait3A_277 : memref<!tpu.dma_semaphore, #tpu.memory_space<semaphore_mem>>) src(%dma_wait3A_275 : memref<10000x16xf32, #tpu.memory_space<vmem_shared>>) dst(%dma_wait3A_269 : memref<128x16xf32, #tpu.memory_space<vmem>>)
    %run_scoped3A_278 = arith.constant 0 : i32
    %run_scoped3A_279 = arith.constant 73 : i32
    %run_scoped3A_280 = arith.constant 1 : i32
    "tpu.region"() ({
      %run_scoped3A_429 = tpu.sem_alloc : memref<!tpu.dma_semaphore, #tpu.memory_space<semaphore_mem>>
      %dma_start3A_430 = arith.constant 0 : i32
      %dma_start3A_431 = arith.constant 0 : i32
      %dma_start3A_432 = tpu.memref_slice %arg6[%run_scoped3A_278, %dma_start3A_430, %dma_start3A_431] : memref<8x128x16xf32, #tpu.memory_space<vmem>> -> memref<1x128x16xf32, #tpu.memory_space<vmem>>
      %dma_start3A_433 = tpu.memref_squeeze %dma_start3A_432 : memref<1x128x16xf32, #tpu.memory_space<vmem>> -> memref<128x16xf32, #tpu.memory_space<vmem>>
      %dma_start3A_434 = arith.constant 0 : i32
      %dma_start3A_435 = tpu.memref_slice %arg5[%run_scoped3A_279, %run_scoped3A_280, %dma_start3A_434] : memref<79x2x128xi32, #tpu.memory_space<vmem>> -> memref<1x1x128xi32, #tpu.memory_space<vmem>>
      %dma_start3A_436 = tpu.memref_squeeze %dma_start3A_435 : memref<1x1x128xi32, #tpu.memory_space<vmem>> -> memref<128xi32, #tpu.memory_space<vmem>>
      %dma_start3A_437 = arith.constant 0 : i32
      %dma_start3A_438 = arith.constant 0 : i32
      %dma_start3A_439 = tpu.memref_slice %arg8[%dma_start3A_437, %dma_start3A_438] : memref<10240x16xf32, #tpu.memory_space<vmem_shared>> -> memref<10240x16xf32, #tpu.memory_space<vmem_shared>>
      tpu.enqueue_indirect_dma source(%dma_start3A_433 : memref<128x16xf32, #tpu.memory_space<vmem>>) target(%dma_start3A_439 : memref<10240x16xf32, #tpu.memory_space<vmem_shared>>) offsets(%dma_start3A_436 : memref<128xi32, #tpu.memory_space<vmem>>) semaphore(%run_scoped3A_429 : memref<!tpu.dma_semaphore, #tpu.memory_space<semaphore_mem>>) {add = true}
      %dma_wait3A_440 = arith.constant 0 : i32
      %dma_wait3A_441 = arith.constant 0 : i32
      %dma_wait3A_442 = tpu.memref_slice %arg6[%run_scoped3A_278, %dma_wait3A_440, %dma_wait3A_441] : memref<8x128x16xf32, #tpu.memory_space<vmem>> -> memref<1x128x16xf32, #tpu.memory_space<vmem>>
      %dma_wait3A_443 = tpu.memref_squeeze %dma_wait3A_442 : memref<1x128x16xf32, #tpu.memory_space<vmem>> -> memref<128x16xf32, #tpu.memory_space<vmem>>
      %dma_wait3A_444 = arith.constant 0 : i32
      %dma_wait3A_445 = tpu.memref_slice %arg5[%run_scoped3A_279, %run_scoped3A_280, %dma_wait3A_444] : memref<79x2x128xi32, #tpu.memory_space<vmem>> -> memref<1x1x128xi32, #tpu.memory_space<vmem>>
      %dma_wait3A_446 = tpu.memref_squeeze %dma_wait3A_445 : memref<1x1x128xi32, #tpu.memory_space<vmem>> -> memref<128xi32, #tpu.memory_space<vmem>>
      %dma_wait3A_447 = arith.constant 0 : i32
      %dma_wait3A_448 = arith.constant 0 : i32
      %dma_wait3A_449 = tpu.memref_slice %arg8[%dma_wait3A_447, %dma_wait3A_448] : memref<10240x16xf32, #tpu.memory_space<vmem_shared>> -> memref<10240x16xf32, #tpu.memory_space<vmem_shared>>
      tpu.wait_indirect_dma semaphore(%run_scoped3A_429 : memref<!tpu.dma_semaphore, #tpu.memory_space<semaphore_mem>>) src(%dma_wait3A_443 : memref<128x16xf32, #tpu.memory_space<vmem>>) dst(%dma_wait3A_449 : memref<10240x16xf32, #tpu.memory_space<vmem_shared>>)
      tpu.yield
    }) : () -> ()
    %dma_start3A_281 = arith.constant 74 : i32
    %dma_start3A_282 = arith.constant 0 : i32
    %dma_start3A_283 = arith.constant 0 : i32
    %dma_start3A_284 = arith.constant 0 : i32
    %dma_start3A_285 = arith.constant 0 : i32
    %dma_start3A_286 = arith.constant 0 : i32
    %dma_start3A_287 = tpu.memref_slice %arg6[%dma_start3A_283, %dma_start3A_285, %dma_start3A_286] : memref<8x128x16xf32, #tpu.memory_space<vmem>> -> memref<1x128x16xf32, #tpu.memory_space<vmem>>
    %dma_start3A_288 = tpu.memref_squeeze %dma_start3A_287 : memref<1x128x16xf32, #tpu.memory_space<vmem>> -> memref<128x16xf32, #tpu.memory_space<vmem>>
    %dma_start3A_289 = arith.constant 0 : i32
    %dma_start3A_290 = tpu.memref_slice %arg5[%dma_start3A_281, %dma_start3A_282, %dma_start3A_289] : memref<79x2x128xi32, #tpu.memory_space<vmem>> -> memref<1x1x128xi32, #tpu.memory_space<vmem>>
    %dma_start3A_291 = tpu.memref_squeeze %dma_start3A_290 : memref<1x1x128xi32, #tpu.memory_space<vmem>> -> memref<128xi32, #tpu.memory_space<vmem>>
    %dma_start3A_292 = arith.constant 0 : i32
    %dma_start3A_293 = arith.constant 0 : i32
    %dma_start3A_294 = tpu.memref_slice %arg9[%dma_start3A_292, %dma_start3A_293] : memref<10000x16xf32, #tpu.memory_space<vmem_shared>> -> memref<10000x16xf32, #tpu.memory_space<vmem_shared>>
    %dma_start3A_295 = tpu.memref_slice %arg10[%dma_start3A_284] : memref<8x!tpu.dma_semaphore, #tpu.memory_space<semaphore_mem>> -> memref<1x!tpu.dma_semaphore, #tpu.memory_space<semaphore_mem>>
    %dma_start3A_296 = tpu.memref_squeeze %dma_start3A_295 : memref<1x!tpu.dma_semaphore, #tpu.memory_space<semaphore_mem>> -> memref<!tpu.dma_semaphore, #tpu.memory_space<semaphore_mem>>
    tpu.enqueue_indirect_dma source(%dma_start3A_294 : memref<10000x16xf32, #tpu.memory_space<vmem_shared>>) target(%dma_start3A_288 : memref<128x16xf32, #tpu.memory_space<vmem>>) offsets(%dma_start3A_291 : memref<128xi32, #tpu.memory_space<vmem>>) semaphore(%dma_start3A_296 : memref<!tpu.dma_semaphore, #tpu.memory_space<semaphore_mem>>)
    %dma_wait3A_297 = arith.constant 74 : i32
    %dma_wait3A_298 = arith.constant 0 : i32
    %dma_wait3A_299 = arith.constant 0 : i32
    %dma_wait3A_300 = arith.constant 0 : i32
    %dma_wait3A_301 = arith.constant 0 : i32
    %dma_wait3A_302 = arith.constant 0 : i32
    %dma_wait3A_303 = tpu.memref_slice %arg6[%dma_wait3A_299, %dma_wait3A_301, %dma_wait3A_302] : memref<8x128x16xf32, #tpu.memory_space<vmem>> -> memref<1x128x16xf32, #tpu.memory_space<vmem>>
    %dma_wait3A_304 = tpu.memref_squeeze %dma_wait3A_303 : memref<1x128x16xf32, #tpu.memory_space<vmem>> -> memref<128x16xf32, #tpu.memory_space<vmem>>
    %dma_wait3A_305 = arith.constant 0 : i32
    %dma_wait3A_306 = tpu.memref_slice %arg5[%dma_wait3A_297, %dma_wait3A_298, %dma_wait3A_305] : memref<79x2x128xi32, #tpu.memory_space<vmem>> -> memref<1x1x128xi32, #tpu.memory_space<vmem>>
    %dma_wait3A_307 = tpu.memref_squeeze %dma_wait3A_306 : memref<1x1x128xi32, #tpu.memory_space<vmem>> -> memref<128xi32, #tpu.memory_space<vmem>>
    %dma_wait3A_308 = arith.constant 0 : i32
    %dma_wait3A_309 = arith.constant 0 : i32
    %dma_wait3A_310 = tpu.memref_slice %arg9[%dma_wait3A_308, %dma_wait3A_309] : memref<10000x16xf32, #tpu.memory_space<vmem_shared>> -> memref<10000x16xf32, #tpu.memory_space<vmem_shared>>
    %dma_wait3A_311 = tpu.memref_slice %arg10[%dma_wait3A_300] : memref<8x!tpu.dma_semaphore, #tpu.memory_space<semaphore_mem>> -> memref<1x!tpu.dma_semaphore, #tpu.memory_space<semaphore_mem>>
    %dma_wait3A_312 = tpu.memref_squeeze %dma_wait3A_311 : memref<1x!tpu.dma_semaphore, #tpu.memory_space<semaphore_mem>> -> memref<!tpu.dma_semaphore, #tpu.memory_space<semaphore_mem>>
    tpu.wait_indirect_dma semaphore(%dma_wait3A_312 : memref<!tpu.dma_semaphore, #tpu.memory_space<semaphore_mem>>) src(%dma_wait3A_310 : memref<10000x16xf32, #tpu.memory_space<vmem_shared>>) dst(%dma_wait3A_304 : memref<128x16xf32, #tpu.memory_space<vmem>>)
    %run_scoped3A_313 = arith.constant 0 : i32
    %run_scoped3A_314 = arith.constant 74 : i32
    %run_scoped3A_315 = arith.constant 1 : i32
    "tpu.region"() ({
      %run_scoped3A_429 = tpu.sem_alloc : memref<!tpu.dma_semaphore, #tpu.memory_space<semaphore_mem>>
      %dma_start3A_430 = arith.constant 0 : i32
      %dma_start3A_431 = arith.constant 0 : i32
      %dma_start3A_432 = tpu.memref_slice %arg6[%run_scoped3A_313, %dma_start3A_430, %dma_start3A_431] : memref<8x128x16xf32, #tpu.memory_space<vmem>> -> memref<1x128x16xf32, #tpu.memory_space<vmem>>
      %dma_start3A_433 = tpu.memref_squeeze %dma_start3A_432 : memref<1x128x16xf32, #tpu.memory_space<vmem>> -> memref<128x16xf32, #tpu.memory_space<vmem>>
      %dma_start3A_434 = arith.constant 0 : i32
      %dma_start3A_435 = tpu.memref_slice %arg5[%run_scoped3A_314, %run_scoped3A_315, %dma_start3A_434] : memref<79x2x128xi32, #tpu.memory_space<vmem>> -> memref<1x1x128xi32, #tpu.memory_space<vmem>>
      %dma_start3A_436 = tpu.memref_squeeze %dma_start3A_435 : memref<1x1x128xi32, #tpu.memory_space<vmem>> -> memref<128xi32, #tpu.memory_space<vmem>>
      %dma_start3A_437 = arith.constant 0 : i32
      %dma_start3A_438 = arith.constant 0 : i32
      %dma_start3A_439 = tpu.memref_slice %arg8[%dma_start3A_437, %dma_start3A_438] : memref<10240x16xf32, #tpu.memory_space<vmem_shared>> -> memref<10240x16xf32, #tpu.memory_space<vmem_shared>>
      tpu.enqueue_indirect_dma source(%dma_start3A_433 : memref<128x16xf32, #tpu.memory_space<vmem>>) target(%dma_start3A_439 : memref<10240x16xf32, #tpu.memory_space<vmem_shared>>) offsets(%dma_start3A_436 : memref<128xi32, #tpu.memory_space<vmem>>) semaphore(%run_scoped3A_429 : memref<!tpu.dma_semaphore, #tpu.memory_space<semaphore_mem>>) {add = true}
      %dma_wait3A_440 = arith.constant 0 : i32
      %dma_wait3A_441 = arith.constant 0 : i32
      %dma_wait3A_442 = tpu.memref_slice %arg6[%run_scoped3A_313, %dma_wait3A_440, %dma_wait3A_441] : memref<8x128x16xf32, #tpu.memory_space<vmem>> -> memref<1x128x16xf32, #tpu.memory_space<vmem>>
      %dma_wait3A_443 = tpu.memref_squeeze %dma_wait3A_442 : memref<1x128x16xf32, #tpu.memory_space<vmem>> -> memref<128x16xf32, #tpu.memory_space<vmem>>
      %dma_wait3A_444 = arith.constant 0 : i32
      %dma_wait3A_445 = tpu.memref_slice %arg5[%run_scoped3A_314, %run_scoped3A_315, %dma_wait3A_444] : memref<79x2x128xi32, #tpu.memory_space<vmem>> -> memref<1x1x128xi32, #tpu.memory_space<vmem>>
      %dma_wait3A_446 = tpu.memref_squeeze %dma_wait3A_445 : memref<1x1x128xi32, #tpu.memory_space<vmem>> -> memref<128xi32, #tpu.memory_space<vmem>>
      %dma_wait3A_447 = arith.constant 0 : i32
      %dma_wait3A_448 = arith.constant 0 : i32
      %dma_wait3A_449 = tpu.memref_slice %arg8[%dma_wait3A_447, %dma_wait3A_448] : memref<10240x16xf32, #tpu.memory_space<vmem_shared>> -> memref<10240x16xf32, #tpu.memory_space<vmem_shared>>
      tpu.wait_indirect_dma semaphore(%run_scoped3A_429 : memref<!tpu.dma_semaphore, #tpu.memory_space<semaphore_mem>>) src(%dma_wait3A_443 : memref<128x16xf32, #tpu.memory_space<vmem>>) dst(%dma_wait3A_449 : memref<10240x16xf32, #tpu.memory_space<vmem_shared>>)
      tpu.yield
    }) : () -> ()
    %dma_start3A_316 = arith.constant 75 : i32
    %dma_start3A_317 = arith.constant 0 : i32
    %dma_start3A_318 = arith.constant 0 : i32
    %dma_start3A_319 = arith.constant 0 : i32
    %dma_start3A_320 = arith.constant 0 : i32
    %dma_start3A_321 = arith.constant 0 : i32
    %dma_start3A_322 = tpu.memref_slice %arg6[%dma_start3A_318, %dma_start3A_320, %dma_start3A_321] : memref<8x128x16xf32, #tpu.memory_space<vmem>> -> memref<1x128x16xf32, #tpu.memory_space<vmem>>
    %dma_start3A_323 = tpu.memref_squeeze %dma_start3A_322 : memref<1x128x16xf32, #tpu.memory_space<vmem>> -> memref<128x16xf32, #tpu.memory_space<vmem>>
    %dma_start3A_324 = arith.constant 0 : i32
    %dma_start3A_325 = tpu.memref_slice %arg5[%dma_start3A_316, %dma_start3A_317, %dma_start3A_324] : memref<79x2x128xi32, #tpu.memory_space<vmem>> -> memref<1x1x128xi32, #tpu.memory_space<vmem>>
    %dma_start3A_326 = tpu.memref_squeeze %dma_start3A_325 : memref<1x1x128xi32, #tpu.memory_space<vmem>> -> memref<128xi32, #tpu.memory_space<vmem>>
    %dma_start3A_327 = arith.constant 0 : i32
    %dma_start3A_328 = arith.constant 0 : i32
    %dma_start3A_329 = tpu.memref_slice %arg9[%dma_start3A_327, %dma_start3A_328] : memref<10000x16xf32, #tpu.memory_space<vmem_shared>> -> memref<10000x16xf32, #tpu.memory_space<vmem_shared>>
    %dma_start3A_330 = tpu.memref_slice %arg10[%dma_start3A_319] : memref<8x!tpu.dma_semaphore, #tpu.memory_space<semaphore_mem>> -> memref<1x!tpu.dma_semaphore, #tpu.memory_space<semaphore_mem>>
    %dma_start3A_331 = tpu.memref_squeeze %dma_start3A_330 : memref<1x!tpu.dma_semaphore, #tpu.memory_space<semaphore_mem>> -> memref<!tpu.dma_semaphore, #tpu.memory_space<semaphore_mem>>
    tpu.enqueue_indirect_dma source(%dma_start3A_329 : memref<10000x16xf32, #tpu.memory_space<vmem_shared>>) target(%dma_start3A_323 : memref<128x16xf32, #tpu.memory_space<vmem>>) offsets(%dma_start3A_326 : memref<128xi32, #tpu.memory_space<vmem>>) semaphore(%dma_start3A_331 : memref<!tpu.dma_semaphore, #tpu.memory_space<semaphore_mem>>)
    %dma_wait3A_332 = arith.constant 75 : i32
    %dma_wait3A_333 = arith.constant 0 : i32
    %dma_wait3A_334 = arith.constant 0 : i32
    %dma_wait3A_335 = arith.constant 0 : i32
    %dma_wait3A_336 = arith.constant 0 : i32
    %dma_wait3A_337 = arith.constant 0 : i32
    %dma_wait3A_338 = tpu.memref_slice %arg6[%dma_wait3A_334, %dma_wait3A_336, %dma_wait3A_337] : memref<8x128x16xf32, #tpu.memory_space<vmem>> -> memref<1x128x16xf32, #tpu.memory_space<vmem>>
    %dma_wait3A_339 = tpu.memref_squeeze %dma_wait3A_338 : memref<1x128x16xf32, #tpu.memory_space<vmem>> -> memref<128x16xf32, #tpu.memory_space<vmem>>
    %dma_wait3A_340 = arith.constant 0 : i32
    %dma_wait3A_341 = tpu.memref_slice %arg5[%dma_wait3A_332, %dma_wait3A_333, %dma_wait3A_340] : memref<79x2x128xi32, #tpu.memory_space<vmem>> -> memref<1x1x128xi32, #tpu.memory_space<vmem>>
    %dma_wait3A_342 = tpu.memref_squeeze %dma_wait3A_341 : memref<1x1x128xi32, #tpu.memory_space<vmem>> -> memref<128xi32, #tpu.memory_space<vmem>>
    %dma_wait3A_343 = arith.constant 0 : i32
    %dma_wait3A_344 = arith.constant 0 : i32
    %dma_wait3A_345 = tpu.memref_slice %arg9[%dma_wait3A_343, %dma_wait3A_344] : memref<10000x16xf32, #tpu.memory_space<vmem_shared>> -> memref<10000x16xf32, #tpu.memory_space<vmem_shared>>
    %dma_wait3A_346 = tpu.memref_slice %arg10[%dma_wait3A_335] : memref<8x!tpu.dma_semaphore, #tpu.memory_space<semaphore_mem>> -> memref<1x!tpu.dma_semaphore, #tpu.memory_space<semaphore_mem>>
    %dma_wait3A_347 = tpu.memref_squeeze %dma_wait3A_346 : memref<1x!tpu.dma_semaphore, #tpu.memory_space<semaphore_mem>> -> memref<!tpu.dma_semaphore, #tpu.memory_space<semaphore_mem>>
    tpu.wait_indirect_dma semaphore(%dma_wait3A_347 : memref<!tpu.dma_semaphore, #tpu.memory_space<semaphore_mem>>) src(%dma_wait3A_345 : memref<10000x16xf32, #tpu.memory_space<vmem_shared>>) dst(%dma_wait3A_339 : memref<128x16xf32, #tpu.memory_space<vmem>>)
    %run_scoped3A_348 = arith.constant 0 : i32
    %run_scoped3A_349 = arith.constant 75 : i32
    %run_scoped3A_350 = arith.constant 1 : i32
    "tpu.region"() ({
      %run_scoped3A_429 = tpu.sem_alloc : memref<!tpu.dma_semaphore, #tpu.memory_space<semaphore_mem>>
      %dma_start3A_430 = arith.constant 0 : i32
      %dma_start3A_431 = arith.constant 0 : i32
      %dma_start3A_432 = tpu.memref_slice %arg6[%run_scoped3A_348, %dma_start3A_430, %dma_start3A_431] : memref<8x128x16xf32, #tpu.memory_space<vmem>> -> memref<1x128x16xf32, #tpu.memory_space<vmem>>
      %dma_start3A_433 = tpu.memref_squeeze %dma_start3A_432 : memref<1x128x16xf32, #tpu.memory_space<vmem>> -> memref<128x16xf32, #tpu.memory_space<vmem>>
      %dma_start3A_434 = arith.constant 0 : i32
      %dma_start3A_435 = tpu.memref_slice %arg5[%run_scoped3A_349, %run_scoped3A_350, %dma_start3A_434] : memref<79x2x128xi32, #tpu.memory_space<vmem>> -> memref<1x1x128xi32, #tpu.memory_space<vmem>>
      %dma_start3A_436 = tpu.memref_squeeze %dma_start3A_435 : memref<1x1x128xi32, #tpu.memory_space<vmem>> -> memref<128xi32, #tpu.memory_space<vmem>>
      %dma_start3A_437 = arith.constant 0 : i32
      %dma_start3A_438 = arith.constant 0 : i32
      %dma_start3A_439 = tpu.memref_slice %arg8[%dma_start3A_437, %dma_start3A_438] : memref<10240x16xf32, #tpu.memory_space<vmem_shared>> -> memref<10240x16xf32, #tpu.memory_space<vmem_shared>>
      tpu.enqueue_indirect_dma source(%dma_start3A_433 : memref<128x16xf32, #tpu.memory_space<vmem>>) target(%dma_start3A_439 : memref<10240x16xf32, #tpu.memory_space<vmem_shared>>) offsets(%dma_start3A_436 : memref<128xi32, #tpu.memory_space<vmem>>) semaphore(%run_scoped3A_429 : memref<!tpu.dma_semaphore, #tpu.memory_space<semaphore_mem>>) {add = true}
      %dma_wait3A_440 = arith.constant 0 : i32
      %dma_wait3A_441 = arith.constant 0 : i32
      %dma_wait3A_442 = tpu.memref_slice %arg6[%run_scoped3A_348, %dma_wait3A_440, %dma_wait3A_441] : memref<8x128x16xf32, #tpu.memory_space<vmem>> -> memref<1x128x16xf32, #tpu.memory_space<vmem>>
      %dma_wait3A_443 = tpu.memref_squeeze %dma_wait3A_442 : memref<1x128x16xf32, #tpu.memory_space<vmem>> -> memref<128x16xf32, #tpu.memory_space<vmem>>
      %dma_wait3A_444 = arith.constant 0 : i32
      %dma_wait3A_445 = tpu.memref_slice %arg5[%run_scoped3A_349, %run_scoped3A_350, %dma_wait3A_444] : memref<79x2x128xi32, #tpu.memory_space<vmem>> -> memref<1x1x128xi32, #tpu.memory_space<vmem>>
      %dma_wait3A_446 = tpu.memref_squeeze %dma_wait3A_445 : memref<1x1x128xi32, #tpu.memory_space<vmem>> -> memref<128xi32, #tpu.memory_space<vmem>>
      %dma_wait3A_447 = arith.constant 0 : i32
      %dma_wait3A_448 = arith.constant 0 : i32
      %dma_wait3A_449 = tpu.memref_slice %arg8[%dma_wait3A_447, %dma_wait3A_448] : memref<10240x16xf32, #tpu.memory_space<vmem_shared>> -> memref<10240x16xf32, #tpu.memory_space<vmem_shared>>
      tpu.wait_indirect_dma semaphore(%run_scoped3A_429 : memref<!tpu.dma_semaphore, #tpu.memory_space<semaphore_mem>>) src(%dma_wait3A_443 : memref<128x16xf32, #tpu.memory_space<vmem>>) dst(%dma_wait3A_449 : memref<10240x16xf32, #tpu.memory_space<vmem_shared>>)
      tpu.yield
    }) : () -> ()
    %dma_start3A_351 = arith.constant 76 : i32
    %dma_start3A_352 = arith.constant 0 : i32
    %dma_start3A_353 = arith.constant 0 : i32
    %dma_start3A_354 = arith.constant 0 : i32
    %dma_start3A_355 = arith.constant 0 : i32
    %dma_start3A_356 = arith.constant 0 : i32
    %dma_start3A_357 = tpu.memref_slice %arg6[%dma_start3A_353, %dma_start3A_355, %dma_start3A_356] : memref<8x128x16xf32, #tpu.memory_space<vmem>> -> memref<1x128x16xf32, #tpu.memory_space<vmem>>
    %dma_start3A_358 = tpu.memref_squeeze %dma_start3A_357 : memref<1x128x16xf32, #tpu.memory_space<vmem>> -> memref<128x16xf32, #tpu.memory_space<vmem>>
    %dma_start3A_359 = arith.constant 0 : i32
    %dma_start3A_360 = tpu.memref_slice %arg5[%dma_start3A_351, %dma_start3A_352, %dma_start3A_359] : memref<79x2x128xi32, #tpu.memory_space<vmem>> -> memref<1x1x128xi32, #tpu.memory_space<vmem>>
    %dma_start3A_361 = tpu.memref_squeeze %dma_start3A_360 : memref<1x1x128xi32, #tpu.memory_space<vmem>> -> memref<128xi32, #tpu.memory_space<vmem>>
    %dma_start3A_362 = arith.constant 0 : i32
    %dma_start3A_363 = arith.constant 0 : i32
    %dma_start3A_364 = tpu.memref_slice %arg9[%dma_start3A_362, %dma_start3A_363] : memref<10000x16xf32, #tpu.memory_space<vmem_shared>> -> memref<10000x16xf32, #tpu.memory_space<vmem_shared>>
    %dma_start3A_365 = tpu.memref_slice %arg10[%dma_start3A_354] : memref<8x!tpu.dma_semaphore, #tpu.memory_space<semaphore_mem>> -> memref<1x!tpu.dma_semaphore, #tpu.memory_space<semaphore_mem>>
    %dma_start3A_366 = tpu.memref_squeeze %dma_start3A_365 : memref<1x!tpu.dma_semaphore, #tpu.memory_space<semaphore_mem>> -> memref<!tpu.dma_semaphore, #tpu.memory_space<semaphore_mem>>
    tpu.enqueue_indirect_dma source(%dma_start3A_364 : memref<10000x16xf32, #tpu.memory_space<vmem_shared>>) target(%dma_start3A_358 : memref<128x16xf32, #tpu.memory_space<vmem>>) offsets(%dma_start3A_361 : memref<128xi32, #tpu.memory_space<vmem>>) semaphore(%dma_start3A_366 : memref<!tpu.dma_semaphore, #tpu.memory_space<semaphore_mem>>)
    %dma_wait3A_367 = arith.constant 76 : i32
    %dma_wait3A_368 = arith.constant 0 : i32
    %dma_wait3A_369 = arith.constant 0 : i32
    %dma_wait3A_370 = arith.constant 0 : i32
    %dma_wait3A_371 = arith.constant 0 : i32
    %dma_wait3A_372 = arith.constant 0 : i32
    %dma_wait3A_373 = tpu.memref_slice %arg6[%dma_wait3A_369, %dma_wait3A_371, %dma_wait3A_372] : memref<8x128x16xf32, #tpu.memory_space<vmem>> -> memref<1x128x16xf32, #tpu.memory_space<vmem>>
    %dma_wait3A_374 = tpu.memref_squeeze %dma_wait3A_373 : memref<1x128x16xf32, #tpu.memory_space<vmem>> -> memref<128x16xf32, #tpu.memory_space<vmem>>
    %dma_wait3A_375 = arith.constant 0 : i32
    %dma_wait3A_376 = tpu.memref_slice %arg5[%dma_wait3A_367, %dma_wait3A_368, %dma_wait3A_375] : memref<79x2x128xi32, #tpu.memory_space<vmem>> -> memref<1x1x128xi32, #tpu.memory_space<vmem>>
    %dma_wait3A_377 = tpu.memref_squeeze %dma_wait3A_376 : memref<1x1x128xi32, #tpu.memory_space<vmem>> -> memref<128xi32, #tpu.memory_space<vmem>>
    %dma_wait3A_378 = arith.constant 0 : i32
    %dma_wait3A_379 = arith.constant 0 : i32
    %dma_wait3A_380 = tpu.memref_slice %arg9[%dma_wait3A_378, %dma_wait3A_379] : memref<10000x16xf32, #tpu.memory_space<vmem_shared>> -> memref<10000x16xf32, #tpu.memory_space<vmem_shared>>
    %dma_wait3A_381 = tpu.memref_slice %arg10[%dma_wait3A_370] : memref<8x!tpu.dma_semaphore, #tpu.memory_space<semaphore_mem>> -> memref<1x!tpu.dma_semaphore, #tpu.memory_space<semaphore_mem>>
    %dma_wait3A_382 = tpu.memref_squeeze %dma_wait3A_381 : memref<1x!tpu.dma_semaphore, #tpu.memory_space<semaphore_mem>> -> memref<!tpu.dma_semaphore, #tpu.memory_space<semaphore_mem>>
    tpu.wait_indirect_dma semaphore(%dma_wait3A_382 : memref<!tpu.dma_semaphore, #tpu.memory_space<semaphore_mem>>) src(%dma_wait3A_380 : memref<10000x16xf32, #tpu.memory_space<vmem_shared>>) dst(%dma_wait3A_374 : memref<128x16xf32, #tpu.memory_space<vmem>>)
    %run_scoped3A_383 = arith.constant 0 : i32
    %run_scoped3A_384 = arith.constant 76 : i32
    %run_scoped3A_385 = arith.constant 1 : i32
    "tpu.region"() ({
      %run_scoped3A_429 = tpu.sem_alloc : memref<!tpu.dma_semaphore, #tpu.memory_space<semaphore_mem>>
      %dma_start3A_430 = arith.constant 0 : i32
      %dma_start3A_431 = arith.constant 0 : i32
      %dma_start3A_432 = tpu.memref_slice %arg6[%run_scoped3A_383, %dma_start3A_430, %dma_start3A_431] : memref<8x128x16xf32, #tpu.memory_space<vmem>> -> memref<1x128x16xf32, #tpu.memory_space<vmem>>
      %dma_start3A_433 = tpu.memref_squeeze %dma_start3A_432 : memref<1x128x16xf32, #tpu.memory_space<vmem>> -> memref<128x16xf32, #tpu.memory_space<vmem>>
      %dma_start3A_434 = arith.constant 0 : i32
      %dma_start3A_435 = tpu.memref_slice %arg5[%run_scoped3A_384, %run_scoped3A_385, %dma_start3A_434] : memref<79x2x128xi32, #tpu.memory_space<vmem>> -> memref<1x1x128xi32, #tpu.memory_space<vmem>>
      %dma_start3A_436 = tpu.memref_squeeze %dma_start3A_435 : memref<1x1x128xi32, #tpu.memory_space<vmem>> -> memref<128xi32, #tpu.memory_space<vmem>>
      %dma_start3A_437 = arith.constant 0 : i32
      %dma_start3A_438 = arith.constant 0 : i32
      %dma_start3A_439 = tpu.memref_slice %arg8[%dma_start3A_437, %dma_start3A_438] : memref<10240x16xf32, #tpu.memory_space<vmem_shared>> -> memref<10240x16xf32, #tpu.memory_space<vmem_shared>>
      tpu.enqueue_indirect_dma source(%dma_start3A_433 : memref<128x16xf32, #tpu.memory_space<vmem>>) target(%dma_start3A_439 : memref<10240x16xf32, #tpu.memory_space<vmem_shared>>) offsets(%dma_start3A_436 : memref<128xi32, #tpu.memory_space<vmem>>) semaphore(%run_scoped3A_429 : memref<!tpu.dma_semaphore, #tpu.memory_space<semaphore_mem>>) {add = true}
      %dma_wait3A_440 = arith.constant 0 : i32
      %dma_wait3A_441 = arith.constant 0 : i32
      %dma_wait3A_442 = tpu.memref_slice %arg6[%run_scoped3A_383, %dma_wait3A_440, %dma_wait3A_441] : memref<8x128x16xf32, #tpu.memory_space<vmem>> -> memref<1x128x16xf32, #tpu.memory_space<vmem>>
      %dma_wait3A_443 = tpu.memref_squeeze %dma_wait3A_442 : memref<1x128x16xf32, #tpu.memory_space<vmem>> -> memref<128x16xf32, #tpu.memory_space<vmem>>
      %dma_wait3A_444 = arith.constant 0 : i32
      %dma_wait3A_445 = tpu.memref_slice %arg5[%run_scoped3A_384, %run_scoped3A_385, %dma_wait3A_444] : memref<79x2x128xi32, #tpu.memory_space<vmem>> -> memref<1x1x128xi32, #tpu.memory_space<vmem>>
      %dma_wait3A_446 = tpu.memref_squeeze %dma_wait3A_445 : memref<1x1x128xi32, #tpu.memory_space<vmem>> -> memref<128xi32, #tpu.memory_space<vmem>>
      %dma_wait3A_447 = arith.constant 0 : i32
      %dma_wait3A_448 = arith.constant 0 : i32
      %dma_wait3A_449 = tpu.memref_slice %arg8[%dma_wait3A_447, %dma_wait3A_448] : memref<10240x16xf32, #tpu.memory_space<vmem_shared>> -> memref<10240x16xf32, #tpu.memory_space<vmem_shared>>
      tpu.wait_indirect_dma semaphore(%run_scoped3A_429 : memref<!tpu.dma_semaphore, #tpu.memory_space<semaphore_mem>>) src(%dma_wait3A_443 : memref<128x16xf32, #tpu.memory_space<vmem>>) dst(%dma_wait3A_449 : memref<10240x16xf32, #tpu.memory_space<vmem_shared>>)
      tpu.yield
    }) : () -> ()
    %dma_start3A_386 = arith.constant 77 : i32
    %dma_start3A_387 = arith.constant 0 : i32
    %dma_start3A_388 = arith.constant 0 : i32
    %dma_start3A_389 = arith.constant 0 : i32
    %dma_start3A_390 = arith.constant 0 : i32
    %dma_start3A_391 = arith.constant 0 : i32
    %dma_start3A_392 = tpu.memref_slice %arg6[%dma_start3A_388, %dma_start3A_390, %dma_start3A_391] : memref<8x128x16xf32, #tpu.memory_space<vmem>> -> memref<1x128x16xf32, #tpu.memory_space<vmem>>
    %dma_start3A_393 = tpu.memref_squeeze %dma_start3A_392 : memref<1x128x16xf32, #tpu.memory_space<vmem>> -> memref<128x16xf32, #tpu.memory_space<vmem>>
    %dma_start3A_394 = arith.constant 0 : i32
    %dma_start3A_395 = tpu.memref_slice %arg5[%dma_start3A_386, %dma_start3A_387, %dma_start3A_394] : memref<79x2x128xi32, #tpu.memory_space<vmem>> -> memref<1x1x128xi32, #tpu.memory_space<vmem>>
    %dma_start3A_396 = tpu.memref_squeeze %dma_start3A_395 : memref<1x1x128xi32, #tpu.memory_space<vmem>> -> memref<128xi32, #tpu.memory_space<vmem>>
    %dma_start3A_397 = arith.constant 0 : i32
    %dma_start3A_398 = arith.constant 0 : i32
    %dma_start3A_399 = tpu.memref_slice %arg9[%dma_start3A_397, %dma_start3A_398] : memref<10000x16xf32, #tpu.memory_space<vmem_shared>> -> memref<10000x16xf32, #tpu.memory_space<vmem_shared>>
    %dma_start3A_400 = tpu.memref_slice %arg10[%dma_start3A_389] : memref<8x!tpu.dma_semaphore, #tpu.memory_space<semaphore_mem>> -> memref<1x!tpu.dma_semaphore, #tpu.memory_space<semaphore_mem>>
    %dma_start3A_401 = tpu.memref_squeeze %dma_start3A_400 : memref<1x!tpu.dma_semaphore, #tpu.memory_space<semaphore_mem>> -> memref<!tpu.dma_semaphore, #tpu.memory_space<semaphore_mem>>
    tpu.enqueue_indirect_dma source(%dma_start3A_399 : memref<10000x16xf32, #tpu.memory_space<vmem_shared>>) target(%dma_start3A_393 : memref<128x16xf32, #tpu.memory_space<vmem>>) offsets(%dma_start3A_396 : memref<128xi32, #tpu.memory_space<vmem>>) semaphore(%dma_start3A_401 : memref<!tpu.dma_semaphore, #tpu.memory_space<semaphore_mem>>)
    %dma_wait3A_402 = arith.constant 77 : i32
    %dma_wait3A_403 = arith.constant 0 : i32
    %dma_wait3A_404 = arith.constant 0 : i32
    %dma_wait3A_405 = arith.constant 0 : i32
    %dma_wait3A_406 = arith.constant 0 : i32
    %dma_wait3A_407 = arith.constant 0 : i32
    %dma_wait3A_408 = tpu.memref_slice %arg6[%dma_wait3A_404, %dma_wait3A_406, %dma_wait3A_407] : memref<8x128x16xf32, #tpu.memory_space<vmem>> -> memref<1x128x16xf32, #tpu.memory_space<vmem>>
    %dma_wait3A_409 = tpu.memref_squeeze %dma_wait3A_408 : memref<1x128x16xf32, #tpu.memory_space<vmem>> -> memref<128x16xf32, #tpu.memory_space<vmem>>
    %dma_wait3A_410 = arith.constant 0 : i32
    %dma_wait3A_411 = tpu.memref_slice %arg5[%dma_wait3A_402, %dma_wait3A_403, %dma_wait3A_410] : memref<79x2x128xi32, #tpu.memory_space<vmem>> -> memref<1x1x128xi32, #tpu.memory_space<vmem>>
    %dma_wait3A_412 = tpu.memref_squeeze %dma_wait3A_411 : memref<1x1x128xi32, #tpu.memory_space<vmem>> -> memref<128xi32, #tpu.memory_space<vmem>>
    %dma_wait3A_413 = arith.constant 0 : i32
    %dma_wait3A_414 = arith.constant 0 : i32
    %dma_wait3A_415 = tpu.memref_slice %arg9[%dma_wait3A_413, %dma_wait3A_414] : memref<10000x16xf32, #tpu.memory_space<vmem_shared>> -> memref<10000x16xf32, #tpu.memory_space<vmem_shared>>
    %dma_wait3A_416 = tpu.memref_slice %arg10[%dma_wait3A_405] : memref<8x!tpu.dma_semaphore, #tpu.memory_space<semaphore_mem>> -> memref<1x!tpu.dma_semaphore, #tpu.memory_space<semaphore_mem>>
    %dma_wait3A_417 = tpu.memref_squeeze %dma_wait3A_416 : memref<1x!tpu.dma_semaphore, #tpu.memory_space<semaphore_mem>> -> memref<!tpu.dma_semaphore, #tpu.memory_space<semaphore_mem>>
    tpu.wait_indirect_dma semaphore(%dma_wait3A_417 : memref<!tpu.dma_semaphore, #tpu.memory_space<semaphore_mem>>) src(%dma_wait3A_415 : memref<10000x16xf32, #tpu.memory_space<vmem_shared>>) dst(%dma_wait3A_409 : memref<128x16xf32, #tpu.memory_space<vmem>>)
    %run_scoped3A_418 = arith.constant 0 : i32
    %run_scoped3A_419 = arith.constant 77 : i32
    %run_scoped3A_420 = arith.constant 1 : i32
    "tpu.region"() ({
      %run_scoped3A_429 = tpu.sem_alloc : memref<!tpu.dma_semaphore, #tpu.memory_space<semaphore_mem>>
      %dma_start3A_430 = arith.constant 0 : i32
      %dma_start3A_431 = arith.constant 0 : i32
      %dma_start3A_432 = tpu.memref_slice %arg6[%run_scoped3A_418, %dma_start3A_430, %dma_start3A_431] : memref<8x128x16xf32, #tpu.memory_space<vmem>> -> memref<1x128x16xf32, #tpu.memory_space<vmem>>
      %dma_start3A_433 = tpu.memref_squeeze %dma_start3A_432 : memref<1x128x16xf32, #tpu.memory_space<vmem>> -> memref<128x16xf32, #tpu.memory_space<vmem>>
      %dma_start3A_434 = arith.constant 0 : i32
      %dma_start3A_435 = tpu.memref_slice %arg5[%run_scoped3A_419, %run_scoped3A_420, %dma_start3A_434] : memref<79x2x128xi32, #tpu.memory_space<vmem>> -> memref<1x1x128xi32, #tpu.memory_space<vmem>>
      %dma_start3A_436 = tpu.memref_squeeze %dma_start3A_435 : memref<1x1x128xi32, #tpu.memory_space<vmem>> -> memref<128xi32, #tpu.memory_space<vmem>>
      %dma_start3A_437 = arith.constant 0 : i32
      %dma_start3A_438 = arith.constant 0 : i32
      %dma_start3A_439 = tpu.memref_slice %arg8[%dma_start3A_437, %dma_start3A_438] : memref<10240x16xf32, #tpu.memory_space<vmem_shared>> -> memref<10240x16xf32, #tpu.memory_space<vmem_shared>>
      tpu.enqueue_indirect_dma source(%dma_start3A_433 : memref<128x16xf32, #tpu.memory_space<vmem>>) target(%dma_start3A_439 : memref<10240x16xf32, #tpu.memory_space<vmem_shared>>) offsets(%dma_start3A_436 : memref<128xi32, #tpu.memory_space<vmem>>) semaphore(%run_scoped3A_429 : memref<!tpu.dma_semaphore, #tpu.memory_space<semaphore_mem>>) {add = true}
      %dma_wait3A_440 = arith.constant 0 : i32
      %dma_wait3A_441 = arith.constant 0 : i32
      %dma_wait3A_442 = tpu.memref_slice %arg6[%run_scoped3A_418, %dma_wait3A_440, %dma_wait3A_441] : memref<8x128x16xf32, #tpu.memory_space<vmem>> -> memref<1x128x16xf32, #tpu.memory_space<vmem>>
      %dma_wait3A_443 = tpu.memref_squeeze %dma_wait3A_442 : memref<1x128x16xf32, #tpu.memory_space<vmem>> -> memref<128x16xf32, #tpu.memory_space<vmem>>
      %dma_wait3A_444 = arith.constant 0 : i32
      %dma_wait3A_445 = tpu.memref_slice %arg5[%run_scoped3A_419, %run_scoped3A_420, %dma_wait3A_444] : memref<79x2x128xi32, #tpu.memory_space<vmem>> -> memref<1x1x128xi32, #tpu.memory_space<vmem>>
      %dma_wait3A_446 = tpu.memref_squeeze %dma_wait3A_445 : memref<1x1x128xi32, #tpu.memory_space<vmem>> -> memref<128xi32, #tpu.memory_space<vmem>>
      %dma_wait3A_447 = arith.constant 0 : i32
      %dma_wait3A_448 = arith.constant 0 : i32
      %dma_wait3A_449 = tpu.memref_slice %arg8[%dma_wait3A_447, %dma_wait3A_448] : memref<10240x16xf32, #tpu.memory_space<vmem_shared>> -> memref<10240x16xf32, #tpu.memory_space<vmem_shared>>
      tpu.wait_indirect_dma semaphore(%run_scoped3A_429 : memref<!tpu.dma_semaphore, #tpu.memory_space<semaphore_mem>>) src(%dma_wait3A_443 : memref<128x16xf32, #tpu.memory_space<vmem>>) dst(%dma_wait3A_449 : memref<10240x16xf32, #tpu.memory_space<vmem_shared>>)
      tpu.yield
    }) : () -> ()
    %lt3A_421 = arith.constant 4 : i32
    %lt3A_422 = arith.cmpi slt, %add3A, %lt3A_421 : i32
    %convert_element_type3A_423 = arith.extui %lt3A_422 : i1 to i32
    %cond3A_424 = arith.constant 0 : i32
    %cond3A_425 = arith.cmpi ne, %convert_element_type3A_423, %cond3A_424 : i32
    scf.if %cond3A_425 {
      %dma_start3A_429 = arith.constant 78 : i32
      %dma_start3A_430 = arith.constant 0 : i32
      %dma_start3A_431 = arith.constant 0 : i32
      %dma_start3A_432 = arith.constant 0 : i32
      %dma_start3A_433 = arith.constant 0 : i32
      %dma_start3A_434 = arith.constant 0 : i32
      %dma_start3A_435 = tpu.memref_slice %arg6[%dma_start3A_431, %dma_start3A_433, %dma_start3A_434] : memref<8x128x16xf32, #tpu.memory_space<vmem>> -> memref<1x128x16xf32, #tpu.memory_space<vmem>>
      %dma_start3A_436 = tpu.memref_squeeze %dma_start3A_435 : memref<1x128x16xf32, #tpu.memory_space<vmem>> -> memref<128x16xf32, #tpu.memory_space<vmem>>
      %dma_start3A_437 = arith.constant 0 : i32
      %dma_start3A_438 = tpu.memref_slice %arg5[%dma_start3A_429, %dma_start3A_430, %dma_start3A_437] : memref<79x2x128xi32, #tpu.memory_space<vmem>> -> memref<1x1x128xi32, #tpu.memory_space<vmem>>
      %dma_start3A_439 = tpu.memref_squeeze %dma_start3A_438 : memref<1x1x128xi32, #tpu.memory_space<vmem>> -> memref<128xi32, #tpu.memory_space<vmem>>
      %dma_start3A_440 = arith.constant 0 : i32
      %dma_start3A_441 = arith.constant 0 : i32
      %dma_start3A_442 = tpu.memref_slice %arg9[%dma_start3A_440, %dma_start3A_441] : memref<10000x16xf32, #tpu.memory_space<vmem_shared>> -> memref<10000x16xf32, #tpu.memory_space<vmem_shared>>
      %dma_start3A_443 = tpu.memref_slice %arg10[%dma_start3A_432] : memref<8x!tpu.dma_semaphore, #tpu.memory_space<semaphore_mem>> -> memref<1x!tpu.dma_semaphore, #tpu.memory_space<semaphore_mem>>
      %dma_start3A_444 = tpu.memref_squeeze %dma_start3A_443 : memref<1x!tpu.dma_semaphore, #tpu.memory_space<semaphore_mem>> -> memref<!tpu.dma_semaphore, #tpu.memory_space<semaphore_mem>>
      tpu.enqueue_indirect_dma source(%dma_start3A_442 : memref<10000x16xf32, #tpu.memory_space<vmem_shared>>) target(%dma_start3A_436 : memref<128x16xf32, #tpu.memory_space<vmem>>) offsets(%dma_start3A_439 : memref<128xi32, #tpu.memory_space<vmem>>) semaphore(%dma_start3A_444 : memref<!tpu.dma_semaphore, #tpu.memory_space<semaphore_mem>>)
      %dma_wait3A_445 = arith.constant 78 : i32
      %dma_wait3A_446 = arith.constant 0 : i32
      %dma_wait3A_447 = arith.constant 0 : i32
      %dma_wait3A_448 = arith.constant 0 : i32
      %dma_wait3A_449 = arith.constant 0 : i32
      %dma_wait3A_450 = arith.constant 0 : i32
      %dma_wait3A_451 = tpu.memref_slice %arg6[%dma_wait3A_447, %dma_wait3A_449, %dma_wait3A_450] : memref<8x128x16xf32, #tpu.memory_space<vmem>> -> memref<1x128x16xf32, #tpu.memory_space<vmem>>
      %dma_wait3A_452 = tpu.memref_squeeze %dma_wait3A_451 : memref<1x128x16xf32, #tpu.memory_space<vmem>> -> memref<128x16xf32, #tpu.memory_space<vmem>>
      %dma_wait3A_453 = arith.constant 0 : i32
      %dma_wait3A_454 = tpu.memref_slice %arg5[%dma_wait3A_445, %dma_wait3A_446, %dma_wait3A_453] : memref<79x2x128xi32, #tpu.memory_space<vmem>> -> memref<1x1x128xi32, #tpu.memory_space<vmem>>
      %dma_wait3A_455 = tpu.memref_squeeze %dma_wait3A_454 : memref<1x1x128xi32, #tpu.memory_space<vmem>> -> memref<128xi32, #tpu.memory_space<vmem>>
      %dma_wait3A_456 = arith.constant 0 : i32
      %dma_wait3A_457 = arith.constant 0 : i32
      %dma_wait3A_458 = tpu.memref_slice %arg9[%dma_wait3A_456, %dma_wait3A_457] : memref<10000x16xf32, #tpu.memory_space<vmem_shared>> -> memref<10000x16xf32, #tpu.memory_space<vmem_shared>>
      %dma_wait3A_459 = tpu.memref_slice %arg10[%dma_wait3A_448] : memref<8x!tpu.dma_semaphore, #tpu.memory_space<semaphore_mem>> -> memref<1x!tpu.dma_semaphore, #tpu.memory_space<semaphore_mem>>
      %dma_wait3A_460 = tpu.memref_squeeze %dma_wait3A_459 : memref<1x!tpu.dma_semaphore, #tpu.memory_space<semaphore_mem>> -> memref<!tpu.dma_semaphore, #tpu.memory_space<semaphore_mem>>
      tpu.wait_indirect_dma semaphore(%dma_wait3A_460 : memref<!tpu.dma_semaphore, #tpu.memory_space<semaphore_mem>>) src(%dma_wait3A_458 : memref<10000x16xf32, #tpu.memory_space<vmem_shared>>) dst(%dma_wait3A_452 : memref<128x16xf32, #tpu.memory_space<vmem>>)
      %run_scoped3A_461 = arith.constant 0 : i32
      %run_scoped3A_462 = arith.constant 78 : i32
      %run_scoped3A_463 = arith.constant 1 : i32
      "tpu.region"() ({
        %run_scoped3A_464 = tpu.sem_alloc : memref<!tpu.dma_semaphore, #tpu.memory_space<semaphore_mem>>
        %dma_start3A_465 = arith.constant 0 : i32
        %dma_start3A_466 = arith.constant 0 : i32
        %dma_start3A_467 = tpu.memref_slice %arg6[%run_scoped3A_461, %dma_start3A_465, %dma_start3A_466] : memref<8x128x16xf32, #tpu.memory_space<vmem>> -> memref<1x128x16xf32, #tpu.memory_space<vmem>>
        %dma_start3A_468 = tpu.memref_squeeze %dma_start3A_467 : memref<1x128x16xf32, #tpu.memory_space<vmem>> -> memref<128x16xf32, #tpu.memory_space<vmem>>
        %dma_start3A_469 = arith.constant 0 : i32
        %dma_start3A_470 = tpu.memref_slice %arg5[%run_scoped3A_462, %run_scoped3A_463, %dma_start3A_469] : memref<79x2x128xi32, #tpu.memory_space<vmem>> -> memref<1x1x128xi32, #tpu.memory_space<vmem>>
        %dma_start3A_471 = tpu.memref_squeeze %dma_start3A_470 : memref<1x1x128xi32, #tpu.memory_space<vmem>> -> memref<128xi32, #tpu.memory_space<vmem>>
        %dma_start3A_472 = arith.constant 0 : i32
        %dma_start3A_473 = arith.constant 0 : i32
        %dma_start3A_474 = tpu.memref_slice %arg8[%dma_start3A_472, %dma_start3A_473] : memref<10240x16xf32, #tpu.memory_space<vmem_shared>> -> memref<10240x16xf32, #tpu.memory_space<vmem_shared>>
        tpu.enqueue_indirect_dma source(%dma_start3A_468 : memref<128x16xf32, #tpu.memory_space<vmem>>) target(%dma_start3A_474 : memref<10240x16xf32, #tpu.memory_space<vmem_shared>>) offsets(%dma_start3A_471 : memref<128xi32, #tpu.memory_space<vmem>>) semaphore(%run_scoped3A_464 : memref<!tpu.dma_semaphore, #tpu.memory_space<semaphore_mem>>) {add = true}
        %dma_wait3A_475 = arith.constant 0 : i32
        %dma_wait3A_476 = arith.constant 0 : i32
        %dma_wait3A_477 = tpu.memref_slice %arg6[%run_scoped3A_461, %dma_wait3A_475, %dma_wait3A_476] : memref<8x128x16xf32, #tpu.memory_space<vmem>> -> memref<1x128x16xf32, #tpu.memory_space<vmem>>
        %dma_wait3A_478 = tpu.memref_squeeze %dma_wait3A_477 : memref<1x128x16xf32, #tpu.memory_space<vmem>> -> memref<128x16xf32, #tpu.memory_space<vmem>>
        %dma_wait3A_479 = arith.constant 0 : i32
        %dma_wait3A_480 = tpu.memref_slice %arg5[%run_scoped3A_462, %run_scoped3A_463, %dma_wait3A_479] : memref<79x2x128xi32, #tpu.memory_space<vmem>> -> memref<1x1x128xi32, #tpu.memory_space<vmem>>
        %dma_wait3A_481 = tpu.memref_squeeze %dma_wait3A_480 : memref<1x1x128xi32, #tpu.memory_space<vmem>> -> memref<128xi32, #tpu.memory_space<vmem>>
        %dma_wait3A_482 = arith.constant 0 : i32
        %dma_wait3A_483 = arith.constant 0 : i32
        %dma_wait3A_484 = tpu.memref_slice %arg8[%dma_wait3A_482, %dma_wait3A_483] : memref<10240x16xf32, #tpu.memory_space<vmem_shared>> -> memref<10240x16xf32, #tpu.memory_space<vmem_shared>>
        tpu.wait_indirect_dma semaphore(%run_scoped3A_464 : memref<!tpu.dma_semaphore, #tpu.memory_space<semaphore_mem>>) src(%dma_wait3A_478 : memref<128x16xf32, #tpu.memory_space<vmem>>) dst(%dma_wait3A_484 : memref<10240x16xf32, #tpu.memory_space<vmem_shared>>)
        tpu.yield
      }) : () -> ()
    } else {
    }
    %barrier3A_426 = arith.constant 0 : index
    tpu.barrier barrier_id(%barrier3A_426)
    %mul3A_427 = arith.constant 640 : i32
    %mul3A_428 = arith.muli %arg1, %mul3A_427 : i32
    "tpu.region"() ({
      %run_scoped3A_429 = tpu.sem_alloc : memref<!tpu.dma_semaphore, #tpu.memory_space<semaphore_mem>>
      %dma_start3A_430 = arith.constant 0 : i32
      %dma_start3A_431 = tpu.memref_slice %arg4[%arg0, %mul3A_428, %dma_start3A_430] : memref<2x10240x16xf32, #tpu.memory_space<hbm>> -> memref<1x640x16xf32, #tpu.memory_space<hbm>>
      %dma_start3A_432 = tpu.memref_squeeze %dma_start3A_431 : memref<1x640x16xf32, #tpu.memory_space<hbm>> -> memref<640x16xf32, #tpu.memory_space<hbm>>
      %dma_start3A_433 = arith.constant 0 : i32
      %dma_start3A_434 = tpu.memref_slice %arg8[%mul3A_428, %dma_start3A_433] : memref<10240x16xf32, #tpu.memory_space<vmem_shared>> -> memref<640x16xf32, #tpu.memory_space<vmem_shared>>
      tpu.enqueue_dma source(%dma_start3A_434 : memref<640x16xf32, #tpu.memory_space<vmem_shared>>) target(%dma_start3A_432 : memref<640x16xf32, #tpu.memory_space<hbm>>) target_semaphore(%run_scoped3A_429 : memref<!tpu.dma_semaphore, #tpu.memory_space<semaphore_mem>>)
      %dma_wait3A_435 = arith.constant 0 : i32
      %dma_wait3A_436 = tpu.memref_slice %arg4[%arg0, %mul3A_428, %dma_wait3A_435] : memref<2x10240x16xf32, #tpu.memory_space<hbm>> -> memref<1x640x16xf32, #tpu.memory_space<hbm>>
      %dma_wait3A_437 = tpu.memref_squeeze %dma_wait3A_436 : memref<1x640x16xf32, #tpu.memory_space<hbm>> -> memref<640x16xf32, #tpu.memory_space<hbm>>
      %dma_wait3A_438 = arith.constant 0 : i32
      %dma_wait3A_439 = tpu.memref_slice %arg8[%mul3A_428, %dma_wait3A_438] : memref<10240x16xf32, #tpu.memory_space<vmem_shared>> -> memref<640x16xf32, #tpu.memory_space<vmem_shared>>
      tpu.wait_dma2 semaphore(%run_scoped3A_429 : memref<!tpu.dma_semaphore, #tpu.memory_space<semaphore_mem>>) src(%dma_wait3A_439 : memref<640x16xf32, #tpu.memory_space<vmem_shared>>) dst(%dma_wait3A_437 : memref<640x16xf32, #tpu.memory_space<hbm>>)
      tpu.yield
    }) : () -> ()
    return
  }
}

#map = affine_map<(d0, d1) -> (0, 0)>
#map1 = affine_map<(d0, d1) -> (0, 0, 0)>
module attributes {stable_mosaic.version = 14 : i64} {
  func.func @_sc_segsum_body(%arg0: i32, %arg1: i32, %arg2: memref<10000x16xf32, #tpu.memory_space<hbm>>, %arg3: memref<2500x2x128xi32, #tpu.memory_space<hbm>>, %arg4: memref<2x10240x16xf32, #tpu.memory_space<hbm>>, %arg5: memref<2x10240xf32, #tpu.memory_space<hbm>>, %arg6: memref<79x2x128xi32, #tpu.memory_space<vmem>>, %arg7: memref<8x128x16xf32, #tpu.memory_space<vmem>>, %arg8: memref<128xf32, #tpu.memory_space<vmem>>, %arg9: memref<640x16xf32, #tpu.memory_space<vmem>>, %arg10: memref<640xf32, #tpu.memory_space<vmem>>, %arg11: memref<10240x16xf32, #tpu.memory_space<vmem_shared>>, %arg12: memref<10240xf32, #tpu.memory_space<vmem_shared>>, %arg13: memref<10000x16xf32, #tpu.memory_space<vmem_shared>>, %arg14: memref<8x!tpu.dma_semaphore, #tpu.memory_space<semaphore_mem>>, %arg15: memref<8x!tpu.dma_semaphore, #tpu.memory_space<semaphore_mem>>, %arg16: memref<8x!tpu.dma_semaphore, #tpu.memory_space<semaphore_mem>>) attributes {dimension_semantics = [#tpu.dimension_semantics<core_parallel>, #tpu.dimension_semantics<subcore_parallel>], iteration_bounds = array<i64: 2, 16>, scalar_prefetch = 0 : i64, scratch_operands = 11 : i64, tpu.core_type = #tpu.core_type<sc_vector_subcore>, window_params = [{transform_indices = #map}, {transform_indices = #map1}, {transform_indices = #map1}, {transform_indices = #map}]} {
    %mul3A = arith.constant 16 : i32
    %mul3A_0 = arith.muli %arg0, %mul3A : i32
    %add3A = arith.addi %mul3A_0, %arg1 : i32
    %mul3A_1 = arith.constant 78 : i32
    %mul3A_2 = arith.muli %add3A, %mul3A_1 : i32
    %scan3A = arith.constant 0 : i32
    %scan3A_3 = arith.constant 0 : i32
    %scan3A_4 = arith.constant 640 : i32
    %scan3A_5 = arith.addi %scan3A_3, %scan3A_4 : i32
    %scan3A_6 = arith.constant 1 : i32
    %scan3A_7 = scf.for %scan3A_576 = %scan3A_3 to %scan3A_5 step %scan3A_6 iter_args(%scan3A_577 = %scan3A) -> (i32)  : i32 {
      %broadcast_in_dim3A_578 = arith.constant 0.000000e+00 : f32
      %broadcast_in_dim3A_579 = vector.broadcast %broadcast_in_dim3A_578 : f32 to vector<16xf32>
      %swap3A_580 = arith.index_cast %scan3A_576 : i32 to index
      %swap3A_581 = arith.constant 0 : index
      %swap3A_582 = tpu.vector_load %arg9[%swap3A_580, %swap3A_581] {strides = array<i32>} : memref<640x16xf32, #tpu.memory_space<vmem>>, vector<1x16xf32>,
      %swap3A_583 = vector.shape_cast %swap3A_582 : vector<1x16xf32> to vector<16xf32>
      %swap3A_584 = vector.shape_cast %broadcast_in_dim3A_579 : vector<16xf32> to vector<1x16xf32>
      tpu.vector_store %arg9[%swap3A_580, %swap3A_581], %swap3A_584 {strides = array<i32>} : memref<640x16xf32, #tpu.memory_space<vmem>>, vector<1x16xf32>,
      %scan3A_585 = arith.constant 0 : i32
      scf.yield %scan3A_585 : i32
    }
    %scan3A_8 = arith.constant 640 : i32
    %mul3A_9 = arith.constant 640 : i32
    %mul3A_10 = arith.muli %arg1, %mul3A_9 : i32
    "tpu.region"() ({
      %run_scoped3A_576 = tpu.sem_alloc : memref<!tpu.dma_semaphore, #tpu.memory_space<semaphore_mem>>
      %dma_start3A_577 = arith.constant 0 : i32
      %dma_start3A_578 = tpu.memref_slice %arg11[%mul3A_10, %dma_start3A_577] : memref<10240x16xf32, #tpu.memory_space<vmem_shared>> -> memref<640x16xf32, #tpu.memory_space<vmem_shared>>
      %dma_start3A_579 = arith.constant 0 : i32
      %dma_start3A_580 = tpu.memref_slice %arg11[%mul3A_10, %dma_start3A_579] : memref<10240x16xf32, #tpu.memory_space<vmem_shared>> -> memref<640x16xf32, #tpu.memory_space<vmem_shared>>
      tpu.enqueue_dma source(%arg9 : memref<640x16xf32, #tpu.memory_space<vmem>>) target(%dma_start3A_580 : memref<640x16xf32, #tpu.memory_space<vmem_shared>>) target_semaphore(%run_scoped3A_576 : memref<!tpu.dma_semaphore, #tpu.memory_space<semaphore_mem>>)
      %dma_wait3A_581 = arith.constant 0 : i32
      %dma_wait3A_582 = tpu.memref_slice %arg11[%mul3A_10, %dma_wait3A_581] : memref<10240x16xf32, #tpu.memory_space<vmem_shared>> -> memref<640x16xf32, #tpu.memory_space<vmem_shared>>
      %dma_wait3A_583 = arith.constant 0 : i32
      %dma_wait3A_584 = tpu.memref_slice %arg11[%mul3A_10, %dma_wait3A_583] : memref<10240x16xf32, #tpu.memory_space<vmem_shared>> -> memref<640x16xf32, #tpu.memory_space<vmem_shared>>
      tpu.wait_dma2 semaphore(%run_scoped3A_576 : memref<!tpu.dma_semaphore, #tpu.memory_space<semaphore_mem>>) src(%arg9 : memref<640x16xf32, #tpu.memory_space<vmem>>) dst(%dma_wait3A_584 : memref<640x16xf32, #tpu.memory_space<vmem_shared>>)
      tpu.yield
    }) : () -> ()
    %scan3A_11 = arith.constant 0 : i32
    %scan3A_12 = arith.constant 0 : i32
    %scan3A_13 = arith.constant 40 : i32
    %scan3A_14 = arith.addi %scan3A_12, %scan3A_13 : i32
    %scan3A_15 = arith.constant 1 : i32
    %scan3A_16 = scf.for %scan3A_576 = %scan3A_12 to %scan3A_14 step %scan3A_15 iter_args(%scan3A_577 = %scan3A_11) -> (i32)  : i32 {
      %broadcast_in_dim3A_578 = arith.constant 0.000000e+00 : f32
      %broadcast_in_dim3A_579 = vector.broadcast %broadcast_in_dim3A_578 : f32 to vector<16xf32>
      %mul3A_580 = arith.constant 16 : i32
      %mul3A_581 = arith.muli %scan3A_576, %mul3A_580 : i32
      %swap3A_582 = arith.index_cast %mul3A_581 : i32 to index
      %swap3A_583 = tpu.vector_load %arg10[%swap3A_582] {strides = array<i32>} : memref<640xf32, #tpu.memory_space<vmem>>, vector<16xf32>,
      %swap3A_584 = vector.shape_cast %swap3A_583 : vector<16xf32> to vector<16xf32>
      %swap3A_585 = vector.shape_cast %broadcast_in_dim3A_579 : vector<16xf32> to vector<16xf32>
      tpu.vector_store %arg10[%swap3A_582], %swap3A_585 {strides = array<i32>} : memref<640xf32, #tpu.memory_space<vmem>>, vector<16xf32>,
      %scan3A_586 = arith.constant 0 : i32
      scf.yield %scan3A_586 : i32
    }
    %scan3A_17 = arith.constant 40 : i32
    %mul3A_18 = arith.constant 640 : i32
    %mul3A_19 = arith.muli %arg1, %mul3A_18 : i32
    "tpu.region"() ({
      %run_scoped3A_576 = tpu.sem_alloc : memref<!tpu.dma_semaphore, #tpu.memory_space<semaphore_mem>>
      %dma_start3A_577 = tpu.memref_slice %arg12[%mul3A_19] : memref<10240xf32, #tpu.memory_space<vmem_shared>> -> memref<640xf32, #tpu.memory_space<vmem_shared>>
      %dma_start3A_578 = tpu.memref_slice %arg12[%mul3A_19] : memref<10240xf32, #tpu.memory_space<vmem_shared>> -> memref<640xf32, #tpu.memory_space<vmem_shared>>
      tpu.enqueue_dma source(%arg10 : memref<640xf32, #tpu.memory_space<vmem>>) target(%dma_start3A_578 : memref<640xf32, #tpu.memory_space<vmem_shared>>) target_semaphore(%run_scoped3A_576 : memref<!tpu.dma_semaphore, #tpu.memory_space<semaphore_mem>>)
      %dma_wait3A_579 = tpu.memref_slice %arg12[%mul3A_19] : memref<10240xf32, #tpu.memory_space<vmem_shared>> -> memref<640xf32, #tpu.memory_space<vmem_shared>>
      %dma_wait3A_580 = tpu.memref_slice %arg12[%mul3A_19] : memref<10240xf32, #tpu.memory_space<vmem_shared>> -> memref<640xf32, #tpu.memory_space<vmem_shared>>
      tpu.wait_dma2 semaphore(%run_scoped3A_576 : memref<!tpu.dma_semaphore, #tpu.memory_space<semaphore_mem>>) src(%arg10 : memref<640xf32, #tpu.memory_space<vmem>>) dst(%dma_wait3A_580 : memref<640xf32, #tpu.memory_space<vmem_shared>>)
      tpu.yield
    }) : () -> ()
    %broadcast_in_dim3A = arith.constant 1.000000e+00 : f32
    %broadcast_in_dim3A_20 = vector.broadcast %broadcast_in_dim3A : f32 to vector<16xf32>
    %swap3A = arith.constant 0 : index
    %swap3A_21 = tpu.vector_load %arg8[%swap3A] {strides = array<i32>} : memref<128xf32, #tpu.memory_space<vmem>>, vector<16xf32>,
    %swap3A_22 = vector.shape_cast %swap3A_21 : vector<16xf32> to vector<16xf32>
    %swap3A_23 = vector.shape_cast %broadcast_in_dim3A_20 : vector<16xf32> to vector<16xf32>
    tpu.vector_store %arg8[%swap3A], %swap3A_23 {strides = array<i32>} : memref<128xf32, #tpu.memory_space<vmem>>, vector<16xf32>,
    %broadcast_in_dim3A_24 = arith.constant 1.000000e+00 : f32
    %broadcast_in_dim3A_25 = vector.broadcast %broadcast_in_dim3A_24 : f32 to vector<16xf32>
    %swap3A_26 = arith.constant 16 : index
    %swap3A_27 = tpu.vector_load %arg8[%swap3A_26] {strides = array<i32>} : memref<128xf32, #tpu.memory_space<vmem>>, vector<16xf32>,
    %swap3A_28 = vector.shape_cast %swap3A_27 : vector<16xf32> to vector<16xf32>
    %swap3A_29 = vector.shape_cast %broadcast_in_dim3A_25 : vector<16xf32> to vector<16xf32>
    tpu.vector_store %arg8[%swap3A_26], %swap3A_29 {strides = array<i32>} : memref<128xf32, #tpu.memory_space<vmem>>, vector<16xf32>,
    %broadcast_in_dim3A_30 = arith.constant 1.000000e+00 : f32
    %broadcast_in_dim3A_31 = vector.broadcast %broadcast_in_dim3A_30 : f32 to vector<16xf32>
    %swap3A_32 = arith.constant 32 : index
    %swap3A_33 = tpu.vector_load %arg8[%swap3A_32] {strides = array<i32>} : memref<128xf32, #tpu.memory_space<vmem>>, vector<16xf32>,
    %swap3A_34 = vector.shape_cast %swap3A_33 : vector<16xf32> to vector<16xf32>
    %swap3A_35 = vector.shape_cast %broadcast_in_dim3A_31 : vector<16xf32> to vector<16xf32>
    tpu.vector_store %arg8[%swap3A_32], %swap3A_35 {strides = array<i32>} : memref<128xf32, #tpu.memory_space<vmem>>, vector<16xf32>,
    %broadcast_in_dim3A_36 = arith.constant 1.000000e+00 : f32
    %broadcast_in_dim3A_37 = vector.broadcast %broadcast_in_dim3A_36 : f32 to vector<16xf32>
    %swap3A_38 = arith.constant 48 : index
    %swap3A_39 = tpu.vector_load %arg8[%swap3A_38] {strides = array<i32>} : memref<128xf32, #tpu.memory_space<vmem>>, vector<16xf32>,
    %swap3A_40 = vector.shape_cast %swap3A_39 : vector<16xf32> to vector<16xf32>
    %swap3A_41 = vector.shape_cast %broadcast_in_dim3A_37 : vector<16xf32> to vector<16xf32>
    tpu.vector_store %arg8[%swap3A_38], %swap3A_41 {strides = array<i32>} : memref<128xf32, #tpu.memory_space<vmem>>, vector<16xf32>,
    %broadcast_in_dim3A_42 = arith.constant 1.000000e+00 : f32
    %broadcast_in_dim3A_43 = vector.broadcast %broadcast_in_dim3A_42 : f32 to vector<16xf32>
    %swap3A_44 = arith.constant 64 : index
    %swap3A_45 = tpu.vector_load %arg8[%swap3A_44] {strides = array<i32>} : memref<128xf32, #tpu.memory_space<vmem>>, vector<16xf32>,
    %swap3A_46 = vector.shape_cast %swap3A_45 : vector<16xf32> to vector<16xf32>
    %swap3A_47 = vector.shape_cast %broadcast_in_dim3A_43 : vector<16xf32> to vector<16xf32>
    tpu.vector_store %arg8[%swap3A_44], %swap3A_47 {strides = array<i32>} : memref<128xf32, #tpu.memory_space<vmem>>, vector<16xf32>,
    %broadcast_in_dim3A_48 = arith.constant 1.000000e+00 : f32
    %broadcast_in_dim3A_49 = vector.broadcast %broadcast_in_dim3A_48 : f32 to vector<16xf32>
    %swap3A_50 = arith.constant 80 : index
    %swap3A_51 = tpu.vector_load %arg8[%swap3A_50] {strides = array<i32>} : memref<128xf32, #tpu.memory_space<vmem>>, vector<16xf32>,
    %swap3A_52 = vector.shape_cast %swap3A_51 : vector<16xf32> to vector<16xf32>
    %swap3A_53 = vector.shape_cast %broadcast_in_dim3A_49 : vector<16xf32> to vector<16xf32>
    tpu.vector_store %arg8[%swap3A_50], %swap3A_53 {strides = array<i32>} : memref<128xf32, #tpu.memory_space<vmem>>, vector<16xf32>,
    %broadcast_in_dim3A_54 = arith.constant 1.000000e+00 : f32
    %broadcast_in_dim3A_55 = vector.broadcast %broadcast_in_dim3A_54 : f32 to vector<16xf32>
    %swap3A_56 = arith.constant 96 : index
    %swap3A_57 = tpu.vector_load %arg8[%swap3A_56] {strides = array<i32>} : memref<128xf32, #tpu.memory_space<vmem>>, vector<16xf32>,
    %swap3A_58 = vector.shape_cast %swap3A_57 : vector<16xf32> to vector<16xf32>
    %swap3A_59 = vector.shape_cast %broadcast_in_dim3A_55 : vector<16xf32> to vector<16xf32>
    tpu.vector_store %arg8[%swap3A_56], %swap3A_59 {strides = array<i32>} : memref<128xf32, #tpu.memory_space<vmem>>, vector<16xf32>,
    %broadcast_in_dim3A_60 = arith.constant 1.000000e+00 : f32
    %broadcast_in_dim3A_61 = vector.broadcast %broadcast_in_dim3A_60 : f32 to vector<16xf32>
    %swap3A_62 = arith.constant 112 : index
    %swap3A_63 = tpu.vector_load %arg8[%swap3A_62] {strides = array<i32>} : memref<128xf32, #tpu.memory_space<vmem>>, vector<16xf32>,
    %swap3A_64 = vector.shape_cast %swap3A_63 : vector<16xf32> to vector<16xf32>
    %swap3A_65 = vector.shape_cast %broadcast_in_dim3A_61 : vector<16xf32> to vector<16xf32>
    tpu.vector_store %arg8[%swap3A_62], %swap3A_65 {strides = array<i32>} : memref<128xf32, #tpu.memory_space<vmem>>, vector<16xf32>,
    %mul3A_66 = arith.constant 625 : i32
    %mul3A_67 = arith.muli %arg1, %mul3A_66 : i32
    "tpu.region"() ({
      %run_scoped3A_576 = tpu.sem_alloc : memref<!tpu.dma_semaphore, #tpu.memory_space<semaphore_mem>>
      %dma_start3A_577 = arith.constant 0 : i32
      %dma_start3A_578 = tpu.memref_slice %arg13[%mul3A_67, %dma_start3A_577] : memref<10000x16xf32, #tpu.memory_space<vmem_shared>> -> memref<625x16xf32, #tpu.memory_space<vmem_shared>>
      %dma_start3A_579 = arith.constant 0 : i32
      %dma_start3A_580 = tpu.memref_slice %arg2[%mul3A_67, %dma_start3A_579] : memref<10000x16xf32, #tpu.memory_space<hbm>> -> memref<625x16xf32, #tpu.memory_space<hbm>>
      tpu.enqueue_dma source(%dma_start3A_580 : memref<625x16xf32, #tpu.memory_space<hbm>>) target(%dma_start3A_578 : memref<625x16xf32, #tpu.memory_space<vmem_shared>>) target_semaphore(%run_scoped3A_576 : memref<!tpu.dma_semaphore, #tpu.memory_space<semaphore_mem>>)
      %dma_wait3A_581 = arith.constant 0 : i32
      %dma_wait3A_582 = tpu.memref_slice %arg13[%mul3A_67, %dma_wait3A_581] : memref<10000x16xf32, #tpu.memory_space<vmem_shared>> -> memref<625x16xf32, #tpu.memory_space<vmem_shared>>
      %dma_wait3A_583 = arith.constant 0 : i32
      %dma_wait3A_584 = tpu.memref_slice %arg2[%mul3A_67, %dma_wait3A_583] : memref<10000x16xf32, #tpu.memory_space<hbm>> -> memref<625x16xf32, #tpu.memory_space<hbm>>
      tpu.wait_dma2 semaphore(%run_scoped3A_576 : memref<!tpu.dma_semaphore, #tpu.memory_space<semaphore_mem>>) src(%dma_wait3A_584 : memref<625x16xf32, #tpu.memory_space<hbm>>) dst(%dma_wait3A_582 : memref<625x16xf32, #tpu.memory_space<vmem_shared>>)
      tpu.yield
    }) : () -> ()
    %barrier3A = arith.constant 0 : index
    tpu.barrier barrier_id(%barrier3A)
    "tpu.region"() ({
      %run_scoped3A_576 = tpu.sem_alloc : memref<!tpu.dma_semaphore, #tpu.memory_space<semaphore_mem>>
      %dma_start3A_577 = arith.constant 0 : i32
      %dma_start3A_578 = arith.constant 0 : i32
      %dma_start3A_579 = arith.constant 0 : i32
      %dma_start3A_580 = tpu.memref_slice %arg6[%dma_start3A_577, %dma_start3A_578, %dma_start3A_579] : memref<79x2x128xi32, #tpu.memory_space<vmem>> -> memref<78x2x128xi32, #tpu.memory_space<vmem>>
      %dma_start3A_581 = arith.constant 0 : i32
      %dma_start3A_582 = arith.constant 0 : i32
      %dma_start3A_583 = tpu.memref_slice %arg3[%mul3A_2, %dma_start3A_581, %dma_start3A_582] : memref<2500x2x128xi32, #tpu.memory_space<hbm>> -> memref<78x2x128xi32, #tpu.memory_space<hbm>>
      %dma_start3A_584 = arith.constant 0 : i32
      %dma_start3A_585 = arith.constant 0 : i32
      %dma_start3A_586 = arith.constant 0 : i32
      %dma_start3A_587 = tpu.memref_slice %arg6[%dma_start3A_584, %dma_start3A_585, %dma_start3A_586] : memref<79x2x128xi32, #tpu.memory_space<vmem>> -> memref<78x2x128xi32, #tpu.memory_space<vmem>>
      %dma_start3A_588 = arith.constant 0 : i32
      %dma_start3A_589 = arith.constant 0 : i32
      %dma_start3A_590 = tpu.memref_slice %arg3[%mul3A_2, %dma_start3A_588, %dma_start3A_589] : memref<2500x2x128xi32, #tpu.memory_space<hbm>> -> memref<78x2x128xi32, #tpu.memory_space<hbm>>
      tpu.enqueue_dma source(%dma_start3A_590 : memref<78x2x128xi32, #tpu.memory_space<hbm>>) target(%dma_start3A_587 : memref<78x2x128xi32, #tpu.memory_space<vmem>>) target_semaphore(%run_scoped3A_576 : memref<!tpu.dma_semaphore, #tpu.memory_space<semaphore_mem>>)
      %dma_wait3A_591 = arith.constant 0 : i32
      %dma_wait3A_592 = arith.constant 0 : i32
      %dma_wait3A_593 = arith.constant 0 : i32
      %dma_wait3A_594 = tpu.memref_slice %arg6[%dma_wait3A_591, %dma_wait3A_592, %dma_wait3A_593] : memref<79x2x128xi32, #tpu.memory_space<vmem>> -> memref<78x2x128xi32, #tpu.memory_space<vmem>>
      %dma_wait3A_595 = arith.constant 0 : i32
      %dma_wait3A_596 = arith.constant 0 : i32
      %dma_wait3A_597 = tpu.memref_slice %arg3[%mul3A_2, %dma_wait3A_595, %dma_wait3A_596] : memref<2500x2x128xi32, #tpu.memory_space<hbm>> -> memref<78x2x128xi32, #tpu.memory_space<hbm>>
      %dma_wait3A_598 = arith.constant 0 : i32
      %dma_wait3A_599 = arith.constant 0 : i32
      %dma_wait3A_600 = arith.constant 0 : i32
      %dma_wait3A_601 = tpu.memref_slice %arg6[%dma_wait3A_598, %dma_wait3A_599, %dma_wait3A_600] : memref<79x2x128xi32, #tpu.memory_space<vmem>> -> memref<78x2x128xi32, #tpu.memory_space<vmem>>
      %dma_wait3A_602 = arith.constant 0 : i32
      %dma_wait3A_603 = arith.constant 0 : i32
      %dma_wait3A_604 = tpu.memref_slice %arg3[%mul3A_2, %dma_wait3A_602, %dma_wait3A_603] : memref<2500x2x128xi32, #tpu.memory_space<hbm>> -> memref<78x2x128xi32, #tpu.memory_space<hbm>>
      tpu.wait_dma2 semaphore(%run_scoped3A_576 : memref<!tpu.dma_semaphore, #tpu.memory_space<semaphore_mem>>) src(%dma_wait3A_604 : memref<78x2x128xi32, #tpu.memory_space<hbm>>) dst(%dma_wait3A_601 : memref<78x2x128xi32, #tpu.memory_space<vmem>>)
      tpu.yield
    }) : () -> ()
    %lt3A = arith.constant 4 : i32
    %lt3A_68 = arith.cmpi slt, %add3A, %lt3A : i32
    %convert_element_type3A = arith.extui %lt3A_68 : i1 to i32
    %cond3A = arith.constant 0 : i32
    %cond3A_69 = arith.cmpi ne, %convert_element_type3A, %cond3A : i32
    scf.if %cond3A_69 {
      %add3A_576 = arith.constant 2496 : i32
      %add3A_577 = arith.addi %add3A_576, %add3A : i32
      "tpu.region"() ({
        %run_scoped3A_578 = tpu.sem_alloc : memref<!tpu.dma_semaphore, #tpu.memory_space<semaphore_mem>>
        %dma_start3A_579 = arith.constant 78 : i32
        %dma_start3A_580 = arith.constant 0 : i32
        %dma_start3A_581 = arith.constant 0 : i32
        %dma_start3A_582 = tpu.memref_slice %arg6[%dma_start3A_579, %dma_start3A_580, %dma_start3A_581] : memref<79x2x128xi32, #tpu.memory_space<vmem>> -> memref<1x2x128xi32, #tpu.memory_space<vmem>>
        %dma_start3A_583 = arith.constant 0 : i32
        %dma_start3A_584 = arith.constant 0 : i32
        %dma_start3A_585 = tpu.memref_slice %arg3[%add3A_577, %dma_start3A_583, %dma_start3A_584] : memref<2500x2x128xi32, #tpu.memory_space<hbm>> -> memref<1x2x128xi32, #tpu.memory_space<hbm>>
        %dma_start3A_586 = arith.constant 78 : i32
        %dma_start3A_587 = arith.constant 0 : i32
        %dma_start3A_588 = arith.constant 0 : i32
        %dma_start3A_589 = tpu.memref_slice %arg6[%dma_start3A_586, %dma_start3A_587, %dma_start3A_588] : memref<79x2x128xi32, #tpu.memory_space<vmem>> -> memref<1x2x128xi32, #tpu.memory_space<vmem>>
        %dma_start3A_590 = arith.constant 0 : i32
        %dma_start3A_591 = arith.constant 0 : i32
        %dma_start3A_592 = tpu.memref_slice %arg3[%add3A_577, %dma_start3A_590, %dma_start3A_591] : memref<2500x2x128xi32, #tpu.memory_space<hbm>> -> memref<1x2x128xi32, #tpu.memory_space<hbm>>
        tpu.enqueue_dma source(%dma_start3A_592 : memref<1x2x128xi32, #tpu.memory_space<hbm>>) target(%dma_start3A_589 : memref<1x2x128xi32, #tpu.memory_space<vmem>>) target_semaphore(%run_scoped3A_578 : memref<!tpu.dma_semaphore, #tpu.memory_space<semaphore_mem>>)
        %dma_wait3A_593 = arith.constant 78 : i32
        %dma_wait3A_594 = arith.constant 0 : i32
        %dma_wait3A_595 = arith.constant 0 : i32
        %dma_wait3A_596 = tpu.memref_slice %arg6[%dma_wait3A_593, %dma_wait3A_594, %dma_wait3A_595] : memref<79x2x128xi32, #tpu.memory_space<vmem>> -> memref<1x2x128xi32, #tpu.memory_space<vmem>>
        %dma_wait3A_597 = arith.constant 0 : i32
        %dma_wait3A_598 = arith.constant 0 : i32
        %dma_wait3A_599 = tpu.memref_slice %arg3[%add3A_577, %dma_wait3A_597, %dma_wait3A_598] : memref<2500x2x128xi32, #tpu.memory_space<hbm>> -> memref<1x2x128xi32, #tpu.memory_space<hbm>>
        %dma_wait3A_600 = arith.constant 78 : i32
        %dma_wait3A_601 = arith.constant 0 : i32
        %dma_wait3A_602 = arith.constant 0 : i32
        %dma_wait3A_603 = tpu.memref_slice %arg6[%dma_wait3A_600, %dma_wait3A_601, %dma_wait3A_602] : memref<79x2x128xi32, #tpu.memory_space<vmem>> -> memref<1x2x128xi32, #tpu.memory_space<vmem>>
        %dma_wait3A_604 = arith.constant 0 : i32
        %dma_wait3A_605 = arith.constant 0 : i32
        %dma_wait3A_606 = tpu.memref_slice %arg3[%add3A_577, %dma_wait3A_604, %dma_wait3A_605] : memref<2500x2x128xi32, #tpu.memory_space<hbm>> -> memref<1x2x128xi32, #tpu.memory_space<hbm>>
        tpu.wait_dma2 semaphore(%run_scoped3A_578 : memref<!tpu.dma_semaphore, #tpu.memory_space<semaphore_mem>>) src(%dma_wait3A_606 : memref<1x2x128xi32, #tpu.memory_space<hbm>>) dst(%dma_wait3A_603 : memref<1x2x128xi32, #tpu.memory_space<vmem>>)
        tpu.yield
      }) : () -> ()
    } else {
    }
    %dma_start3A = arith.constant 0 : i32
    %dma_start3A_70 = arith.constant 0 : i32
    %dma_start3A_71 = arith.constant 0 : i32
    %dma_start3A_72 = arith.constant 0 : i32
    %dma_start3A_73 = arith.constant 0 : i32
    %dma_start3A_74 = arith.constant 0 : i32
    %dma_start3A_75 = tpu.memref_slice %arg7[%dma_start3A_71, %dma_start3A_73, %dma_start3A_74] : memref<8x128x16xf32, #tpu.memory_space<vmem>> -> memref<1x128x16xf32, #tpu.memory_space<vmem>>
    %dma_start3A_76 = tpu.memref_squeeze %dma_start3A_75 : memref<1x128x16xf32, #tpu.memory_space<vmem>> -> memref<128x16xf32, #tpu.memory_space<vmem>>
    %dma_start3A_77 = arith.constant 0 : i32
    %dma_start3A_78 = tpu.memref_slice %arg6[%dma_start3A, %dma_start3A_70, %dma_start3A_77] : memref<79x2x128xi32, #tpu.memory_space<vmem>> -> memref<1x1x128xi32, #tpu.memory_space<vmem>>
    %dma_start3A_79 = tpu.memref_squeeze %dma_start3A_78 : memref<1x1x128xi32, #tpu.memory_space<vmem>> -> memref<128xi32, #tpu.memory_space<vmem>>
    %dma_start3A_80 = arith.constant 0 : i32
    %dma_start3A_81 = arith.constant 0 : i32
    %dma_start3A_82 = tpu.memref_slice %arg13[%dma_start3A_80, %dma_start3A_81] : memref<10000x16xf32, #tpu.memory_space<vmem_shared>> -> memref<10000x16xf32, #tpu.memory_space<vmem_shared>>
    %dma_start3A_83 = tpu.memref_slice %arg14[%dma_start3A_72] : memref<8x!tpu.dma_semaphore, #tpu.memory_space<semaphore_mem>> -> memref<1x!tpu.dma_semaphore, #tpu.memory_space<semaphore_mem>>
    %dma_start3A_84 = tpu.memref_squeeze %dma_start3A_83 : memref<1x!tpu.dma_semaphore, #tpu.memory_space<semaphore_mem>> -> memref<!tpu.dma_semaphore, #tpu.memory_space<semaphore_mem>>
    tpu.enqueue_indirect_dma source(%dma_start3A_82 : memref<10000x16xf32, #tpu.memory_space<vmem_shared>>) target(%dma_start3A_76 : memref<128x16xf32, #tpu.memory_space<vmem>>) offsets(%dma_start3A_79 : memref<128xi32, #tpu.memory_space<vmem>>) semaphore(%dma_start3A_84 : memref<!tpu.dma_semaphore, #tpu.memory_space<semaphore_mem>>)
    %dma_start3A_85 = arith.constant 1 : i32
    %dma_start3A_86 = arith.constant 0 : i32
    %dma_start3A_87 = arith.constant 1 : i32
    %dma_start3A_88 = arith.constant 1 : i32
    %dma_start3A_89 = arith.constant 0 : i32
    %dma_start3A_90 = arith.constant 0 : i32
    %dma_start3A_91 = tpu.memref_slice %arg7[%dma_start3A_87, %dma_start3A_89, %dma_start3A_90] : memref<8x128x16xf32, #tpu.memory_space<vmem>> -> memref<1x128x16xf32, #tpu.memory_space<vmem>>
    %dma_start3A_92 = tpu.memref_squeeze %dma_start3A_91 : memref<1x128x16xf32, #tpu.memory_space<vmem>> -> memref<128x16xf32, #tpu.memory_space<vmem>>
    %dma_start3A_93 = arith.constant 0 : i32
    %dma_start3A_94 = tpu.memref_slice %arg6[%dma_start3A_85, %dma_start3A_86, %dma_start3A_93] : memref<79x2x128xi32, #tpu.memory_space<vmem>> -> memref<1x1x128xi32, #tpu.memory_space<vmem>>
    %dma_start3A_95 = tpu.memref_squeeze %dma_start3A_94 : memref<1x1x128xi32, #tpu.memory_space<vmem>> -> memref<128xi32, #tpu.memory_space<vmem>>
    %dma_start3A_96 = arith.constant 0 : i32
    %dma_start3A_97 = arith.constant 0 : i32
    %dma_start3A_98 = tpu.memref_slice %arg13[%dma_start3A_96, %dma_start3A_97] : memref<10000x16xf32, #tpu.memory_space<vmem_shared>> -> memref<10000x16xf32, #tpu.memory_space<vmem_shared>>
    %dma_start3A_99 = tpu.memref_slice %arg14[%dma_start3A_88] : memref<8x!tpu.dma_semaphore, #tpu.memory_space<semaphore_mem>> -> memref<1x!tpu.dma_semaphore, #tpu.memory_space<semaphore_mem>>
    %dma_start3A_100 = tpu.memref_squeeze %dma_start3A_99 : memref<1x!tpu.dma_semaphore, #tpu.memory_space<semaphore_mem>> -> memref<!tpu.dma_semaphore, #tpu.memory_space<semaphore_mem>>
    tpu.enqueue_indirect_dma source(%dma_start3A_98 : memref<10000x16xf32, #tpu.memory_space<vmem_shared>>) target(%dma_start3A_92 : memref<128x16xf32, #tpu.memory_space<vmem>>) offsets(%dma_start3A_95 : memref<128xi32, #tpu.memory_space<vmem>>) semaphore(%dma_start3A_100 : memref<!tpu.dma_semaphore, #tpu.memory_space<semaphore_mem>>)
    %dma_start3A_101 = arith.constant 2 : i32
    %dma_start3A_102 = arith.constant 0 : i32
    %dma_start3A_103 = arith.constant 2 : i32
    %dma_start3A_104 = arith.constant 2 : i32
    %dma_start3A_105 = arith.constant 0 : i32
    %dma_start3A_106 = arith.constant 0 : i32
    %dma_start3A_107 = tpu.memref_slice %arg7[%dma_start3A_103, %dma_start3A_105, %dma_start3A_106] : memref<8x128x16xf32, #tpu.memory_space<vmem>> -> memref<1x128x16xf32, #tpu.memory_space<vmem>>
    %dma_start3A_108 = tpu.memref_squeeze %dma_start3A_107 : memref<1x128x16xf32, #tpu.memory_space<vmem>> -> memref<128x16xf32, #tpu.memory_space<vmem>>
    %dma_start3A_109 = arith.constant 0 : i32
    %dma_start3A_110 = tpu.memref_slice %arg6[%dma_start3A_101, %dma_start3A_102, %dma_start3A_109] : memref<79x2x128xi32, #tpu.memory_space<vmem>> -> memref<1x1x128xi32, #tpu.memory_space<vmem>>
    %dma_start3A_111 = tpu.memref_squeeze %dma_start3A_110 : memref<1x1x128xi32, #tpu.memory_space<vmem>> -> memref<128xi32, #tpu.memory_space<vmem>>
    %dma_start3A_112 = arith.constant 0 : i32
    %dma_start3A_113 = arith.constant 0 : i32
    %dma_start3A_114 = tpu.memref_slice %arg13[%dma_start3A_112, %dma_start3A_113] : memref<10000x16xf32, #tpu.memory_space<vmem_shared>> -> memref<10000x16xf32, #tpu.memory_space<vmem_shared>>
    %dma_start3A_115 = tpu.memref_slice %arg14[%dma_start3A_104] : memref<8x!tpu.dma_semaphore, #tpu.memory_space<semaphore_mem>> -> memref<1x!tpu.dma_semaphore, #tpu.memory_space<semaphore_mem>>
    %dma_start3A_116 = tpu.memref_squeeze %dma_start3A_115 : memref<1x!tpu.dma_semaphore, #tpu.memory_space<semaphore_mem>> -> memref<!tpu.dma_semaphore, #tpu.memory_space<semaphore_mem>>
    tpu.enqueue_indirect_dma source(%dma_start3A_114 : memref<10000x16xf32, #tpu.memory_space<vmem_shared>>) target(%dma_start3A_108 : memref<128x16xf32, #tpu.memory_space<vmem>>) offsets(%dma_start3A_111 : memref<128xi32, #tpu.memory_space<vmem>>) semaphore(%dma_start3A_116 : memref<!tpu.dma_semaphore, #tpu.memory_space<semaphore_mem>>)
    %dma_start3A_117 = arith.constant 3 : i32
    %dma_start3A_118 = arith.constant 0 : i32
    %dma_start3A_119 = arith.constant 3 : i32
    %dma_start3A_120 = arith.constant 3 : i32
    %dma_start3A_121 = arith.constant 0 : i32
    %dma_start3A_122 = arith.constant 0 : i32
    %dma_start3A_123 = tpu.memref_slice %arg7[%dma_start3A_119, %dma_start3A_121, %dma_start3A_122] : memref<8x128x16xf32, #tpu.memory_space<vmem>> -> memref<1x128x16xf32, #tpu.memory_space<vmem>>
    %dma_start3A_124 = tpu.memref_squeeze %dma_start3A_123 : memref<1x128x16xf32, #tpu.memory_space<vmem>> -> memref<128x16xf32, #tpu.memory_space<vmem>>
    %dma_start3A_125 = arith.constant 0 : i32
    %dma_start3A_126 = tpu.memref_slice %arg6[%dma_start3A_117, %dma_start3A_118, %dma_start3A_125] : memref<79x2x128xi32, #tpu.memory_space<vmem>> -> memref<1x1x128xi32, #tpu.memory_space<vmem>>
    %dma_start3A_127 = tpu.memref_squeeze %dma_start3A_126 : memref<1x1x128xi32, #tpu.memory_space<vmem>> -> memref<128xi32, #tpu.memory_space<vmem>>
    %dma_start3A_128 = arith.constant 0 : i32
    %dma_start3A_129 = arith.constant 0 : i32
    %dma_start3A_130 = tpu.memref_slice %arg13[%dma_start3A_128, %dma_start3A_129] : memref<10000x16xf32, #tpu.memory_space<vmem_shared>> -> memref<10000x16xf32, #tpu.memory_space<vmem_shared>>
    %dma_start3A_131 = tpu.memref_slice %arg14[%dma_start3A_120] : memref<8x!tpu.dma_semaphore, #tpu.memory_space<semaphore_mem>> -> memref<1x!tpu.dma_semaphore, #tpu.memory_space<semaphore_mem>>
    %dma_start3A_132 = tpu.memref_squeeze %dma_start3A_131 : memref<1x!tpu.dma_semaphore, #tpu.memory_space<semaphore_mem>> -> memref<!tpu.dma_semaphore, #tpu.memory_space<semaphore_mem>>
    tpu.enqueue_indirect_dma source(%dma_start3A_130 : memref<10000x16xf32, #tpu.memory_space<vmem_shared>>) target(%dma_start3A_124 : memref<128x16xf32, #tpu.memory_space<vmem>>) offsets(%dma_start3A_127 : memref<128xi32, #tpu.memory_space<vmem>>) semaphore(%dma_start3A_132 : memref<!tpu.dma_semaphore, #tpu.memory_space<semaphore_mem>>)
    %scan3A_133 = arith.constant 0 : i32
    %scan3A_134 = arith.constant 0 : i32
    %scan3A_135 = arith.constant 9 : i32
    %scan3A_136 = arith.addi %scan3A_134, %scan3A_135 : i32
    %scan3A_137 = arith.constant 1 : i32
    %scan3A_138 = scf.for %scan3A_576 = %scan3A_134 to %scan3A_136 step %scan3A_137 iter_args(%scan3A_577 = %scan3A_133) -> (i32)  : i32 {
      %mul3A_578 = arith.constant 8 : i32
      %mul3A_579 = arith.muli %scan3A_576, %mul3A_578 : i32
      %add3A_580 = arith.constant 0 : i32
      %add3A_581 = arith.addi %mul3A_579, %add3A_580 : i32
      %dma_wait3A_582 = arith.constant 0 : i32
      %dma_wait3A_583 = arith.constant 0 : i32
      %dma_wait3A_584 = arith.constant 0 : i32
      %dma_wait3A_585 = arith.constant 0 : i32
      %dma_wait3A_586 = arith.constant 0 : i32
      %dma_wait3A_587 = tpu.memref_slice %arg7[%dma_wait3A_583, %dma_wait3A_585, %dma_wait3A_586] : memref<8x128x16xf32, #tpu.memory_space<vmem>> -> memref<1x128x16xf32, #tpu.memory_space<vmem>>
      %dma_wait3A_588 = tpu.memref_squeeze %dma_wait3A_587 : memref<1x128x16xf32, #tpu.memory_space<vmem>> -> memref<128x16xf32, #tpu.memory_space<vmem>>
      %dma_wait3A_589 = arith.constant 0 : i32
      %dma_wait3A_590 = tpu.memref_slice %arg6[%add3A_581, %dma_wait3A_582, %dma_wait3A_589] : memref<79x2x128xi32, #tpu.memory_space<vmem>> -> memref<1x1x128xi32, #tpu.memory_space<vmem>>
      %dma_wait3A_591 = tpu.memref_squeeze %dma_wait3A_590 : memref<1x1x128xi32, #tpu.memory_space<vmem>> -> memref<128xi32, #tpu.memory_space<vmem>>
      %dma_wait3A_592 = arith.constant 0 : i32
      %dma_wait3A_593 = arith.constant 0 : i32
      %dma_wait3A_594 = tpu.memref_slice %arg13[%dma_wait3A_592, %dma_wait3A_593] : memref<10000x16xf32, #tpu.memory_space<vmem_shared>> -> memref<10000x16xf32, #tpu.memory_space<vmem_shared>>
      %dma_wait3A_595 = tpu.memref_slice %arg14[%dma_wait3A_584] : memref<8x!tpu.dma_semaphore, #tpu.memory_space<semaphore_mem>> -> memref<1x!tpu.dma_semaphore, #tpu.memory_space<semaphore_mem>>
      %dma_wait3A_596 = tpu.memref_squeeze %dma_wait3A_595 : memref<1x!tpu.dma_semaphore, #tpu.memory_space<semaphore_mem>> -> memref<!tpu.dma_semaphore, #tpu.memory_space<semaphore_mem>>
      tpu.wait_indirect_dma semaphore(%dma_wait3A_596 : memref<!tpu.dma_semaphore, #tpu.memory_space<semaphore_mem>>) src(%dma_wait3A_594 : memref<10000x16xf32, #tpu.memory_space<vmem_shared>>) dst(%dma_wait3A_588 : memref<128x16xf32, #tpu.memory_space<vmem>>)
      %dma_start3A_597 = arith.constant 0 : i32
      %dma_start3A_598 = arith.constant 1 : i32
      %dma_start3A_599 = arith.constant 0 : i32
      %dma_start3A_600 = arith.constant 0 : i32
      %dma_start3A_601 = arith.constant 0 : i32
      %dma_start3A_602 = tpu.memref_slice %arg7[%dma_start3A_597, %dma_start3A_600, %dma_start3A_601] : memref<8x128x16xf32, #tpu.memory_space<vmem>> -> memref<1x128x16xf32, #tpu.memory_space<vmem>>
      %dma_start3A_603 = tpu.memref_squeeze %dma_start3A_602 : memref<1x128x16xf32, #tpu.memory_space<vmem>> -> memref<128x16xf32, #tpu.memory_space<vmem>>
      %dma_start3A_604 = arith.constant 0 : i32
      %dma_start3A_605 = tpu.memref_slice %arg6[%add3A_581, %dma_start3A_598, %dma_start3A_604] : memref<79x2x128xi32, #tpu.memory_space<vmem>> -> memref<1x1x128xi32, #tpu.memory_space<vmem>>
      %dma_start3A_606 = tpu.memref_squeeze %dma_start3A_605 : memref<1x1x128xi32, #tpu.memory_space<vmem>> -> memref<128xi32, #tpu.memory_space<vmem>>
      %dma_start3A_607 = arith.constant 0 : i32
      %dma_start3A_608 = arith.constant 0 : i32
      %dma_start3A_609 = tpu.memref_slice %arg11[%dma_start3A_607, %dma_start3A_608] : memref<10240x16xf32, #tpu.memory_space<vmem_shared>> -> memref<10240x16xf32, #tpu.memory_space<vmem_shared>>
      %dma_start3A_610 = tpu.memref_slice %arg15[%dma_start3A_599] : memref<8x!tpu.dma_semaphore, #tpu.memory_space<semaphore_mem>> -> memref<1x!tpu.dma_semaphore, #tpu.memory_space<semaphore_mem>>
      %dma_start3A_611 = tpu.memref_squeeze %dma_start3A_610 : memref<1x!tpu.dma_semaphore, #tpu.memory_space<semaphore_mem>> -> memref<!tpu.dma_semaphore, #tpu.memory_space<semaphore_mem>>
      tpu.enqueue_indirect_dma source(%dma_start3A_603 : memref<128x16xf32, #tpu.memory_space<vmem>>) target(%dma_start3A_609 : memref<10240x16xf32, #tpu.memory_space<vmem_shared>>) offsets(%dma_start3A_606 : memref<128xi32, #tpu.memory_space<vmem>>) semaphore(%dma_start3A_611 : memref<!tpu.dma_semaphore, #tpu.memory_space<semaphore_mem>>) {add = true}
      %dma_start3A_612 = arith.constant 1 : i32
      %dma_start3A_613 = arith.constant 0 : i32
      %dma_start3A_614 = arith.constant 0 : i32
      %dma_start3A_615 = tpu.memref_slice %arg6[%add3A_581, %dma_start3A_612, %dma_start3A_614] : memref<79x2x128xi32, #tpu.memory_space<vmem>> -> memref<1x1x128xi32, #tpu.memory_space<vmem>>
      %dma_start3A_616 = tpu.memref_squeeze %dma_start3A_615 : memref<1x1x128xi32, #tpu.memory_space<vmem>> -> memref<128xi32, #tpu.memory_space<vmem>>
      %dma_start3A_617 = arith.constant 0 : i32
      %dma_start3A_618 = tpu.memref_slice %arg12[%dma_start3A_617] : memref<10240xf32, #tpu.memory_space<vmem_shared>> -> memref<10240xf32, #tpu.memory_space<vmem_shared>>
      %dma_start3A_619 = tpu.memref_slice %arg16[%dma_start3A_613] : memref<8x!tpu.dma_semaphore, #tpu.memory_space<semaphore_mem>> -> memref<1x!tpu.dma_semaphore, #tpu.memory_space<semaphore_mem>>
      %dma_start3A_620 = tpu.memref_squeeze %dma_start3A_619 : memref<1x!tpu.dma_semaphore, #tpu.memory_space<semaphore_mem>> -> memref<!tpu.dma_semaphore, #tpu.memory_space<semaphore_mem>>
      tpu.enqueue_indirect_dma source(%arg8 : memref<128xf32, #tpu.memory_space<vmem>>) target(%dma_start3A_618 : memref<10240xf32, #tpu.memory_space<vmem_shared>>) offsets(%dma_start3A_616 : memref<128xi32, #tpu.memory_space<vmem>>) semaphore(%dma_start3A_620 : memref<!tpu.dma_semaphore, #tpu.memory_space<semaphore_mem>>) {add = true}
      %add3A_621 = arith.constant 4 : i32
      %add3A_622 = arith.addi %add3A_581, %add3A_621 : i32
      %lt3A_623 = arith.constant 72 : i32
      %lt3A_624 = arith.cmpi slt, %add3A_622, %lt3A_623 : i32
      %convert_element_type3A_625 = arith.extui %lt3A_624 : i1 to i32
      %cond3A_626 = arith.constant 0 : i32
      %cond3A_627 = arith.cmpi ne, %convert_element_type3A_625, %cond3A_626 : i32
      scf.if %cond3A_627 {
        %add3A_965 = arith.constant 4 : i32
        %add3A_966 = arith.addi %add3A_581, %add3A_965 : i32
        %ge3A = arith.constant 8 : i32
        %ge3A_967 = arith.cmpi sge, %add3A_966, %ge3A : i32
        %convert_element_type3A_968 = arith.extui %ge3A_967 : i1 to i32
        %cond3A_969 = arith.constant 0 : i32
        %cond3A_970 = arith.cmpi ne, %convert_element_type3A_968, %cond3A_969 : i32
        scf.if %cond3A_970 {
          %dma_wait3A_988 = arith.constant 4 : i32
          %dma_wait3A_989 = arith.constant 1 : i32
          %dma_wait3A_990 = arith.constant 4 : i32
          %dma_wait3A_991 = arith.constant 0 : i32
          %dma_wait3A_992 = arith.constant 0 : i32
          %dma_wait3A_993 = tpu.memref_slice %arg7[%dma_wait3A_988, %dma_wait3A_991, %dma_wait3A_992] : memref<8x128x16xf32, #tpu.memory_space<vmem>> -> memref<1x128x16xf32, #tpu.memory_space<vmem>>
          %dma_wait3A_994 = tpu.memref_squeeze %dma_wait3A_993 : memref<1x128x16xf32, #tpu.memory_space<vmem>> -> memref<128x16xf32, #tpu.memory_space<vmem>>
          %dma_wait3A_995 = arith.constant 0 : i32
          %dma_wait3A_996 = tpu.memref_slice %arg6[%add3A_581, %dma_wait3A_989, %dma_wait3A_995] : memref<79x2x128xi32, #tpu.memory_space<vmem>> -> memref<1x1x128xi32, #tpu.memory_space<vmem>>
          %dma_wait3A_997 = tpu.memref_squeeze %dma_wait3A_996 : memref<1x1x128xi32, #tpu.memory_space<vmem>> -> memref<128xi32, #tpu.memory_space<vmem>>
          %dma_wait3A_998 = arith.constant 0 : i32
          %dma_wait3A_999 = arith.constant 0 : i32
          %dma_wait3A_1000 = tpu.memref_slice %arg11[%dma_wait3A_998, %dma_wait3A_999] : memref<10240x16xf32, #tpu.memory_space<vmem_shared>> -> memref<10240x16xf32, #tpu.memory_space<vmem_shared>>
          %dma_wait3A_1001 = tpu.memref_slice %arg15[%dma_wait3A_990] : memref<8x!tpu.dma_semaphore, #tpu.memory_space<semaphore_mem>> -> memref<1x!tpu.dma_semaphore, #tpu.memory_space<semaphore_mem>>
          %dma_wait3A_1002 = tpu.memref_squeeze %dma_wait3A_1001 : memref<1x!tpu.dma_semaphore, #tpu.memory_space<semaphore_mem>> -> memref<!tpu.dma_semaphore, #tpu.memory_space<semaphore_mem>>
          tpu.wait_indirect_dma semaphore(%dma_wait3A_1002 : memref<!tpu.dma_semaphore, #tpu.memory_space<semaphore_mem>>) src(%dma_wait3A_994 : memref<128x16xf32, #tpu.memory_space<vmem>>) dst(%dma_wait3A_1000 : memref<10240x16xf32, #tpu.memory_space<vmem_shared>>)
          %dma_wait3A_1003 = arith.constant 1 : i32
          %dma_wait3A_1004 = arith.constant 4 : i32
          %dma_wait3A_1005 = arith.constant 0 : i32
          %dma_wait3A_1006 = tpu.memref_slice %arg6[%add3A_581, %dma_wait3A_1003, %dma_wait3A_1005] : memref<79x2x128xi32, #tpu.memory_space<vmem>> -> memref<1x1x128xi32, #tpu.memory_space<vmem>>
          %dma_wait3A_1007 = tpu.memref_squeeze %dma_wait3A_1006 : memref<1x1x128xi32, #tpu.memory_space<vmem>> -> memref<128xi32, #tpu.memory_space<vmem>>
          %dma_wait3A_1008 = arith.constant 0 : i32
          %dma_wait3A_1009 = tpu.memref_slice %arg12[%dma_wait3A_1008] : memref<10240xf32, #tpu.memory_space<vmem_shared>> -> memref<10240xf32, #tpu.memory_space<vmem_shared>>
          %dma_wait3A_1010 = tpu.memref_slice %arg16[%dma_wait3A_1004] : memref<8x!tpu.dma_semaphore, #tpu.memory_space<semaphore_mem>> -> memref<1x!tpu.dma_semaphore, #tpu.memory_space<semaphore_mem>>
          %dma_wait3A_1011 = tpu.memref_squeeze %dma_wait3A_1010 : memref<1x!tpu.dma_semaphore, #tpu.memory_space<semaphore_mem>> -> memref<!tpu.dma_semaphore, #tpu.memory_space<semaphore_mem>>
          tpu.wait_indirect_dma semaphore(%dma_wait3A_1011 : memref<!tpu.dma_semaphore, #tpu.memory_space<semaphore_mem>>) src(%arg8 : memref<128xf32, #tpu.memory_space<vmem>>) dst(%dma_wait3A_1009 : memref<10240xf32, #tpu.memory_space<vmem_shared>>)
        } else {
        }
        %add3A_971 = arith.constant 4 : i32
        %add3A_972 = arith.addi %add3A_581, %add3A_971 : i32
        %dma_start3A_973 = arith.constant 0 : i32
        %dma_start3A_974 = arith.constant 4 : i32
        %dma_start3A_975 = arith.constant 4 : i32
        %dma_start3A_976 = arith.constant 0 : i32
        %dma_start3A_977 = arith.constant 0 : i32
        %dma_start3A_978 = tpu.memref_slice %arg7[%dma_start3A_974, %dma_start3A_976, %dma_start3A_977] : memref<8x128x16xf32, #tpu.memory_space<vmem>> -> memref<1x128x16xf32, #tpu.memory_space<vmem>>
        %dma_start3A_979 = tpu.memref_squeeze %dma_start3A_978 : memref<1x128x16xf32, #tpu.memory_space<vmem>> -> memref<128x16xf32, #tpu.memory_space<vmem>>
        %dma_start3A_980 = arith.constant 0 : i32
        %dma_start3A_981 = tpu.memref_slice %arg6[%add3A_972, %dma_start3A_973, %dma_start3A_980] : memref<79x2x128xi32, #tpu.memory_space<vmem>> -> memref<1x1x128xi32, #tpu.memory_space<vmem>>
        %dma_start3A_982 = tpu.memref_squeeze %dma_start3A_981 : memref<1x1x128xi32, #tpu.memory_space<vmem>> -> memref<128xi32, #tpu.memory_space<vmem>>
        %dma_start3A_983 = arith.constant 0 : i32
        %dma_start3A_984 = arith.constant 0 : i32
        %dma_start3A_985 = tpu.memref_slice %arg13[%dma_start3A_983, %dma_start3A_984] : memref<10000x16xf32, #tpu.memory_space<vmem_shared>> -> memref<10000x16xf32, #tpu.memory_space<vmem_shared>>
        %dma_start3A_986 = tpu.memref_slice %arg14[%dma_start3A_975] : memref<8x!tpu.dma_semaphore, #tpu.memory_space<semaphore_mem>> -> memref<1x!tpu.dma_semaphore, #tpu.memory_space<semaphore_mem>>
        %dma_start3A_987 = tpu.memref_squeeze %dma_start3A_986 : memref<1x!tpu.dma_semaphore, #tpu.memory_space<semaphore_mem>> -> memref<!tpu.dma_semaphore, #tpu.memory_space<semaphore_mem>>
        tpu.enqueue_indirect_dma source(%dma_start3A_985 : memref<10000x16xf32, #tpu.memory_space<vmem_shared>>) target(%dma_start3A_979 : memref<128x16xf32, #tpu.memory_space<vmem>>) offsets(%dma_start3A_982 : memref<128xi32, #tpu.memory_space<vmem>>) semaphore(%dma_start3A_987 : memref<!tpu.dma_semaphore, #tpu.memory_space<semaphore_mem>>)
      } else {
      }
      %add3A_628 = arith.constant 1 : i32
      %add3A_629 = arith.addi %mul3A_579, %add3A_628 : i32
      %dma_wait3A_630 = arith.constant 0 : i32
      %dma_wait3A_631 = arith.constant 1 : i32
      %dma_wait3A_632 = arith.constant 1 : i32
      %dma_wait3A_633 = arith.constant 0 : i32
      %dma_wait3A_634 = arith.constant 0 : i32
      %dma_wait3A_635 = tpu.memref_slice %arg7[%dma_wait3A_631, %dma_wait3A_633, %dma_wait3A_634] : memref<8x128x16xf32, #tpu.memory_space<vmem>> -> memref<1x128x16xf32, #tpu.memory_space<vmem>>
      %dma_wait3A_636 = tpu.memref_squeeze %dma_wait3A_635 : memref<1x128x16xf32, #tpu.memory_space<vmem>> -> memref<128x16xf32, #tpu.memory_space<vmem>>
      %dma_wait3A_637 = arith.constant 0 : i32
      %dma_wait3A_638 = tpu.memref_slice %arg6[%add3A_629, %dma_wait3A_630, %dma_wait3A_637] : memref<79x2x128xi32, #tpu.memory_space<vmem>> -> memref<1x1x128xi32, #tpu.memory_space<vmem>>
      %dma_wait3A_639 = tpu.memref_squeeze %dma_wait3A_638 : memref<1x1x128xi32, #tpu.memory_space<vmem>> -> memref<128xi32, #tpu.memory_space<vmem>>
      %dma_wait3A_640 = arith.constant 0 : i32
      %dma_wait3A_641 = arith.constant 0 : i32
      %dma_wait3A_642 = tpu.memref_slice %arg13[%dma_wait3A_640, %dma_wait3A_641] : memref<10000x16xf32, #tpu.memory_space<vmem_shared>> -> memref<10000x16xf32, #tpu.memory_space<vmem_shared>>
      %dma_wait3A_643 = tpu.memref_slice %arg14[%dma_wait3A_632] : memref<8x!tpu.dma_semaphore, #tpu.memory_space<semaphore_mem>> -> memref<1x!tpu.dma_semaphore, #tpu.memory_space<semaphore_mem>>
      %dma_wait3A_644 = tpu.memref_squeeze %dma_wait3A_643 : memref<1x!tpu.dma_semaphore, #tpu.memory_space<semaphore_mem>> -> memref<!tpu.dma_semaphore, #tpu.memory_space<semaphore_mem>>
      tpu.wait_indirect_dma semaphore(%dma_wait3A_644 : memref<!tpu.dma_semaphore, #tpu.memory_space<semaphore_mem>>) src(%dma_wait3A_642 : memref<10000x16xf32, #tpu.memory_space<vmem_shared>>) dst(%dma_wait3A_636 : memref<128x16xf32, #tpu.memory_space<vmem>>)
      %dma_start3A_645 = arith.constant 1 : i32
      %dma_start3A_646 = arith.constant 1 : i32
      %dma_start3A_647 = arith.constant 1 : i32
      %dma_start3A_648 = arith.constant 0 : i32
      %dma_start3A_649 = arith.constant 0 : i32
      %dma_start3A_650 = tpu.memref_slice %arg7[%dma_start3A_645, %dma_start3A_648, %dma_start3A_649] : memref<8x128x16xf32, #tpu.memory_space<vmem>> -> memref<1x128x16xf32, #tpu.memory_space<vmem>>
      %dma_start3A_651 = tpu.memref_squeeze %dma_start3A_650 : memref<1x128x16xf32, #tpu.memory_space<vmem>> -> memref<128x16xf32, #tpu.memory_space<vmem>>
      %dma_start3A_652 = arith.constant 0 : i32
      %dma_start3A_653 = tpu.memref_slice %arg6[%add3A_629, %dma_start3A_646, %dma_start3A_652] : memref<79x2x128xi32, #tpu.memory_space<vmem>> -> memref<1x1x128xi32, #tpu.memory_space<vmem>>
      %dma_start3A_654 = tpu.memref_squeeze %dma_start3A_653 : memref<1x1x128xi32, #tpu.memory_space<vmem>> -> memref<128xi32, #tpu.memory_space<vmem>>
      %dma_start3A_655 = arith.constant 0 : i32
      %dma_start3A_656 = arith.constant 0 : i32
      %dma_start3A_657 = tpu.memref_slice %arg11[%dma_start3A_655, %dma_start3A_656] : memref<10240x16xf32, #tpu.memory_space<vmem_shared>> -> memref<10240x16xf32, #tpu.memory_space<vmem_shared>>
      %dma_start3A_658 = tpu.memref_slice %arg15[%dma_start3A_647] : memref<8x!tpu.dma_semaphore, #tpu.memory_space<semaphore_mem>> -> memref<1x!tpu.dma_semaphore, #tpu.memory_space<semaphore_mem>>
      %dma_start3A_659 = tpu.memref_squeeze %dma_start3A_658 : memref<1x!tpu.dma_semaphore, #tpu.memory_space<semaphore_mem>> -> memref<!tpu.dma_semaphore, #tpu.memory_space<semaphore_mem>>
      tpu.enqueue_indirect_dma source(%dma_start3A_651 : memref<128x16xf32, #tpu.memory_space<vmem>>) target(%dma_start3A_657 : memref<10240x16xf32, #tpu.memory_space<vmem_shared>>) offsets(%dma_start3A_654 : memref<128xi32, #tpu.memory_space<vmem>>) semaphore(%dma_start3A_659 : memref<!tpu.dma_semaphore, #tpu.memory_space<semaphore_mem>>) {add = true}
      %dma_start3A_660 = arith.constant 1 : i32
      %dma_start3A_661 = arith.constant 1 : i32
      %dma_start3A_662 = arith.constant 0 : i32
      %dma_start3A_663 = tpu.memref_slice %arg6[%add3A_629, %dma_start3A_660, %dma_start3A_662] : memref<79x2x128xi32, #tpu.memory_space<vmem>> -> memref<1x1x128xi32, #tpu.memory_space<vmem>>
      %dma_start3A_664 = tpu.memref_squeeze %dma_start3A_663 : memref<1x1x128xi32, #tpu.memory_space<vmem>> -> memref<128xi32, #tpu.memory_space<vmem>>
      %dma_start3A_665 = arith.constant 0 : i32
      %dma_start3A_666 = tpu.memref_slice %arg12[%dma_start3A_665] : memref<10240xf32, #tpu.memory_space<vmem_shared>> -> memref<10240xf32, #tpu.memory_space<vmem_shared>>
      %dma_start3A_667 = tpu.memref_slice %arg16[%dma_start3A_661] : memref<8x!tpu.dma_semaphore, #tpu.memory_space<semaphore_mem>> -> memref<1x!tpu.dma_semaphore, #tpu.memory_space<semaphore_mem>>
      %dma_start3A_668 = tpu.memref_squeeze %dma_start3A_667 : memref<1x!tpu.dma_semaphore, #tpu.memory_space<semaphore_mem>> -> memref<!tpu.dma_semaphore, #tpu.memory_space<semaphore_mem>>
      tpu.enqueue_indirect_dma source(%arg8 : memref<128xf32, #tpu.memory_space<vmem>>) target(%dma_start3A_666 : memref<10240xf32, #tpu.memory_space<vmem_shared>>) offsets(%dma_start3A_664 : memref<128xi32, #tpu.memory_space<vmem>>) semaphore(%dma_start3A_668 : memref<!tpu.dma_semaphore, #tpu.memory_space<semaphore_mem>>) {add = true}
      %add3A_669 = arith.constant 4 : i32
      %add3A_670 = arith.addi %add3A_629, %add3A_669 : i32
      %lt3A_671 = arith.constant 72 : i32
      %lt3A_672 = arith.cmpi slt, %add3A_670, %lt3A_671 : i32
      %convert_element_type3A_673 = arith.extui %lt3A_672 : i1 to i32
      %cond3A_674 = arith.constant 0 : i32
      %cond3A_675 = arith.cmpi ne, %convert_element_type3A_673, %cond3A_674 : i32
      scf.if %cond3A_675 {
        %add3A_965 = arith.constant 4 : i32
        %add3A_966 = arith.addi %add3A_629, %add3A_965 : i32
        %ge3A = arith.constant 8 : i32
        %ge3A_967 = arith.cmpi sge, %add3A_966, %ge3A : i32
        %convert_element_type3A_968 = arith.extui %ge3A_967 : i1 to i32
        %cond3A_969 = arith.constant 0 : i32
        %cond3A_970 = arith.cmpi ne, %convert_element_type3A_968, %cond3A_969 : i32
        scf.if %cond3A_970 {
          %dma_wait3A_988 = arith.constant 5 : i32
          %dma_wait3A_989 = arith.constant 1 : i32
          %dma_wait3A_990 = arith.constant 5 : i32
          %dma_wait3A_991 = arith.constant 0 : i32
          %dma_wait3A_992 = arith.constant 0 : i32
          %dma_wait3A_993 = tpu.memref_slice %arg7[%dma_wait3A_988, %dma_wait3A_991, %dma_wait3A_992] : memref<8x128x16xf32, #tpu.memory_space<vmem>> -> memref<1x128x16xf32, #tpu.memory_space<vmem>>
          %dma_wait3A_994 = tpu.memref_squeeze %dma_wait3A_993 : memref<1x128x16xf32, #tpu.memory_space<vmem>> -> memref<128x16xf32, #tpu.memory_space<vmem>>
          %dma_wait3A_995 = arith.constant 0 : i32
          %dma_wait3A_996 = tpu.memref_slice %arg6[%add3A_629, %dma_wait3A_989, %dma_wait3A_995] : memref<79x2x128xi32, #tpu.memory_space<vmem>> -> memref<1x1x128xi32, #tpu.memory_space<vmem>>
          %dma_wait3A_997 = tpu.memref_squeeze %dma_wait3A_996 : memref<1x1x128xi32, #tpu.memory_space<vmem>> -> memref<128xi32, #tpu.memory_space<vmem>>
          %dma_wait3A_998 = arith.constant 0 : i32
          %dma_wait3A_999 = arith.constant 0 : i32
          %dma_wait3A_1000 = tpu.memref_slice %arg11[%dma_wait3A_998, %dma_wait3A_999] : memref<10240x16xf32, #tpu.memory_space<vmem_shared>> -> memref<10240x16xf32, #tpu.memory_space<vmem_shared>>
          %dma_wait3A_1001 = tpu.memref_slice %arg15[%dma_wait3A_990] : memref<8x!tpu.dma_semaphore, #tpu.memory_space<semaphore_mem>> -> memref<1x!tpu.dma_semaphore, #tpu.memory_space<semaphore_mem>>
          %dma_wait3A_1002 = tpu.memref_squeeze %dma_wait3A_1001 : memref<1x!tpu.dma_semaphore, #tpu.memory_space<semaphore_mem>> -> memref<!tpu.dma_semaphore, #tpu.memory_space<semaphore_mem>>
          tpu.wait_indirect_dma semaphore(%dma_wait3A_1002 : memref<!tpu.dma_semaphore, #tpu.memory_space<semaphore_mem>>) src(%dma_wait3A_994 : memref<128x16xf32, #tpu.memory_space<vmem>>) dst(%dma_wait3A_1000 : memref<10240x16xf32, #tpu.memory_space<vmem_shared>>)
          %dma_wait3A_1003 = arith.constant 1 : i32
          %dma_wait3A_1004 = arith.constant 5 : i32
          %dma_wait3A_1005 = arith.constant 0 : i32
          %dma_wait3A_1006 = tpu.memref_slice %arg6[%add3A_629, %dma_wait3A_1003, %dma_wait3A_1005] : memref<79x2x128xi32, #tpu.memory_space<vmem>> -> memref<1x1x128xi32, #tpu.memory_space<vmem>>
          %dma_wait3A_1007 = tpu.memref_squeeze %dma_wait3A_1006 : memref<1x1x128xi32, #tpu.memory_space<vmem>> -> memref<128xi32, #tpu.memory_space<vmem>>
          %dma_wait3A_1008 = arith.constant 0 : i32
          %dma_wait3A_1009 = tpu.memref_slice %arg12[%dma_wait3A_1008] : memref<10240xf32, #tpu.memory_space<vmem_shared>> -> memref<10240xf32, #tpu.memory_space<vmem_shared>>
          %dma_wait3A_1010 = tpu.memref_slice %arg16[%dma_wait3A_1004] : memref<8x!tpu.dma_semaphore, #tpu.memory_space<semaphore_mem>> -> memref<1x!tpu.dma_semaphore, #tpu.memory_space<semaphore_mem>>
          %dma_wait3A_1011 = tpu.memref_squeeze %dma_wait3A_1010 : memref<1x!tpu.dma_semaphore, #tpu.memory_space<semaphore_mem>> -> memref<!tpu.dma_semaphore, #tpu.memory_space<semaphore_mem>>
          tpu.wait_indirect_dma semaphore(%dma_wait3A_1011 : memref<!tpu.dma_semaphore, #tpu.memory_space<semaphore_mem>>) src(%arg8 : memref<128xf32, #tpu.memory_space<vmem>>) dst(%dma_wait3A_1009 : memref<10240xf32, #tpu.memory_space<vmem_shared>>)
        } else {
        }
        %add3A_971 = arith.constant 4 : i32
        %add3A_972 = arith.addi %add3A_629, %add3A_971 : i32
        %dma_start3A_973 = arith.constant 0 : i32
        %dma_start3A_974 = arith.constant 5 : i32
        %dma_start3A_975 = arith.constant 5 : i32
        %dma_start3A_976 = arith.constant 0 : i32
        %dma_start3A_977 = arith.constant 0 : i32
        %dma_start3A_978 = tpu.memref_slice %arg7[%dma_start3A_974, %dma_start3A_976, %dma_start3A_977] : memref<8x128x16xf32, #tpu.memory_space<vmem>> -> memref<1x128x16xf32, #tpu.memory_space<vmem>>
        %dma_start3A_979 = tpu.memref_squeeze %dma_start3A_978 : memref<1x128x16xf32, #tpu.memory_space<vmem>> -> memref<128x16xf32, #tpu.memory_space<vmem>>
        %dma_start3A_980 = arith.constant 0 : i32
        %dma_start3A_981 = tpu.memref_slice %arg6[%add3A_972, %dma_start3A_973, %dma_start3A_980] : memref<79x2x128xi32, #tpu.memory_space<vmem>> -> memref<1x1x128xi32, #tpu.memory_space<vmem>>
        %dma_start3A_982 = tpu.memref_squeeze %dma_start3A_981 : memref<1x1x128xi32, #tpu.memory_space<vmem>> -> memref<128xi32, #tpu.memory_space<vmem>>
        %dma_start3A_983 = arith.constant 0 : i32
        %dma_start3A_984 = arith.constant 0 : i32
        %dma_start3A_985 = tpu.memref_slice %arg13[%dma_start3A_983, %dma_start3A_984] : memref<10000x16xf32, #tpu.memory_space<vmem_shared>> -> memref<10000x16xf32, #tpu.memory_space<vmem_shared>>
        %dma_start3A_986 = tpu.memref_slice %arg14[%dma_start3A_975] : memref<8x!tpu.dma_semaphore, #tpu.memory_space<semaphore_mem>> -> memref<1x!tpu.dma_semaphore, #tpu.memory_space<semaphore_mem>>
        %dma_start3A_987 = tpu.memref_squeeze %dma_start3A_986 : memref<1x!tpu.dma_semaphore, #tpu.memory_space<semaphore_mem>> -> memref<!tpu.dma_semaphore, #tpu.memory_space<semaphore_mem>>
        tpu.enqueue_indirect_dma source(%dma_start3A_985 : memref<10000x16xf32, #tpu.memory_space<vmem_shared>>) target(%dma_start3A_979 : memref<128x16xf32, #tpu.memory_space<vmem>>) offsets(%dma_start3A_982 : memref<128xi32, #tpu.memory_space<vmem>>) semaphore(%dma_start3A_987 : memref<!tpu.dma_semaphore, #tpu.memory_space<semaphore_mem>>)
      } else {
      }
      %add3A_676 = arith.constant 2 : i32
      %add3A_677 = arith.addi %mul3A_579, %add3A_676 : i32
      %dma_wait3A_678 = arith.constant 0 : i32
      %dma_wait3A_679 = arith.constant 2 : i32
      %dma_wait3A_680 = arith.constant 2 : i32
      %dma_wait3A_681 = arith.constant 0 : i32
      %dma_wait3A_682 = arith.constant 0 : i32
      %dma_wait3A_683 = tpu.memref_slice %arg7[%dma_wait3A_679, %dma_wait3A_681, %dma_wait3A_682] : memref<8x128x16xf32, #tpu.memory_space<vmem>> -> memref<1x128x16xf32, #tpu.memory_space<vmem>>
      %dma_wait3A_684 = tpu.memref_squeeze %dma_wait3A_683 : memref<1x128x16xf32, #tpu.memory_space<vmem>> -> memref<128x16xf32, #tpu.memory_space<vmem>>
      %dma_wait3A_685 = arith.constant 0 : i32
      %dma_wait3A_686 = tpu.memref_slice %arg6[%add3A_677, %dma_wait3A_678, %dma_wait3A_685] : memref<79x2x128xi32, #tpu.memory_space<vmem>> -> memref<1x1x128xi32, #tpu.memory_space<vmem>>
      %dma_wait3A_687 = tpu.memref_squeeze %dma_wait3A_686 : memref<1x1x128xi32, #tpu.memory_space<vmem>> -> memref<128xi32, #tpu.memory_space<vmem>>
      %dma_wait3A_688 = arith.constant 0 : i32
      %dma_wait3A_689 = arith.constant 0 : i32
      %dma_wait3A_690 = tpu.memref_slice %arg13[%dma_wait3A_688, %dma_wait3A_689] : memref<10000x16xf32, #tpu.memory_space<vmem_shared>> -> memref<10000x16xf32, #tpu.memory_space<vmem_shared>>
      %dma_wait3A_691 = tpu.memref_slice %arg14[%dma_wait3A_680] : memref<8x!tpu.dma_semaphore, #tpu.memory_space<semaphore_mem>> -> memref<1x!tpu.dma_semaphore, #tpu.memory_space<semaphore_mem>>
      %dma_wait3A_692 = tpu.memref_squeeze %dma_wait3A_691 : memref<1x!tpu.dma_semaphore, #tpu.memory_space<semaphore_mem>> -> memref<!tpu.dma_semaphore, #tpu.memory_space<semaphore_mem>>
      tpu.wait_indirect_dma semaphore(%dma_wait3A_692 : memref<!tpu.dma_semaphore, #tpu.memory_space<semaphore_mem>>) src(%dma_wait3A_690 : memref<10000x16xf32, #tpu.memory_space<vmem_shared>>) dst(%dma_wait3A_684 : memref<128x16xf32, #tpu.memory_space<vmem>>)
      %dma_start3A_693 = arith.constant 2 : i32
      %dma_start3A_694 = arith.constant 1 : i32
      %dma_start3A_695 = arith.constant 2 : i32
      %dma_start3A_696 = arith.constant 0 : i32
      %dma_start3A_697 = arith.constant 0 : i32
      %dma_start3A_698 = tpu.memref_slice %arg7[%dma_start3A_693, %dma_start3A_696, %dma_start3A_697] : memref<8x128x16xf32, #tpu.memory_space<vmem>> -> memref<1x128x16xf32, #tpu.memory_space<vmem>>
      %dma_start3A_699 = tpu.memref_squeeze %dma_start3A_698 : memref<1x128x16xf32, #tpu.memory_space<vmem>> -> memref<128x16xf32, #tpu.memory_space<vmem>>
      %dma_start3A_700 = arith.constant 0 : i32
      %dma_start3A_701 = tpu.memref_slice %arg6[%add3A_677, %dma_start3A_694, %dma_start3A_700] : memref<79x2x128xi32, #tpu.memory_space<vmem>> -> memref<1x1x128xi32, #tpu.memory_space<vmem>>
      %dma_start3A_702 = tpu.memref_squeeze %dma_start3A_701 : memref<1x1x128xi32, #tpu.memory_space<vmem>> -> memref<128xi32, #tpu.memory_space<vmem>>
      %dma_start3A_703 = arith.constant 0 : i32
      %dma_start3A_704 = arith.constant 0 : i32
      %dma_start3A_705 = tpu.memref_slice %arg11[%dma_start3A_703, %dma_start3A_704] : memref<10240x16xf32, #tpu.memory_space<vmem_shared>> -> memref<10240x16xf32, #tpu.memory_space<vmem_shared>>
      %dma_start3A_706 = tpu.memref_slice %arg15[%dma_start3A_695] : memref<8x!tpu.dma_semaphore, #tpu.memory_space<semaphore_mem>> -> memref<1x!tpu.dma_semaphore, #tpu.memory_space<semaphore_mem>>
      %dma_start3A_707 = tpu.memref_squeeze %dma_start3A_706 : memref<1x!tpu.dma_semaphore, #tpu.memory_space<semaphore_mem>> -> memref<!tpu.dma_semaphore, #tpu.memory_space<semaphore_mem>>
      tpu.enqueue_indirect_dma source(%dma_start3A_699 : memref<128x16xf32, #tpu.memory_space<vmem>>) target(%dma_start3A_705 : memref<10240x16xf32, #tpu.memory_space<vmem_shared>>) offsets(%dma_start3A_702 : memref<128xi32, #tpu.memory_space<vmem>>) semaphore(%dma_start3A_707 : memref<!tpu.dma_semaphore, #tpu.memory_space<semaphore_mem>>) {add = true}
      %dma_start3A_708 = arith.constant 1 : i32
      %dma_start3A_709 = arith.constant 2 : i32
      %dma_start3A_710 = arith.constant 0 : i32
      %dma_start3A_711 = tpu.memref_slice %arg6[%add3A_677, %dma_start3A_708, %dma_start3A_710] : memref<79x2x128xi32, #tpu.memory_space<vmem>> -> memref<1x1x128xi32, #tpu.memory_space<vmem>>
      %dma_start3A_712 = tpu.memref_squeeze %dma_start3A_711 : memref<1x1x128xi32, #tpu.memory_space<vmem>> -> memref<128xi32, #tpu.memory_space<vmem>>
      %dma_start3A_713 = arith.constant 0 : i32
      %dma_start3A_714 = tpu.memref_slice %arg12[%dma_start3A_713] : memref<10240xf32, #tpu.memory_space<vmem_shared>> -> memref<10240xf32, #tpu.memory_space<vmem_shared>>
      %dma_start3A_715 = tpu.memref_slice %arg16[%dma_start3A_709] : memref<8x!tpu.dma_semaphore, #tpu.memory_space<semaphore_mem>> -> memref<1x!tpu.dma_semaphore, #tpu.memory_space<semaphore_mem>>
      %dma_start3A_716 = tpu.memref_squeeze %dma_start3A_715 : memref<1x!tpu.dma_semaphore, #tpu.memory_space<semaphore_mem>> -> memref<!tpu.dma_semaphore, #tpu.memory_space<semaphore_mem>>
      tpu.enqueue_indirect_dma source(%arg8 : memref<128xf32, #tpu.memory_space<vmem>>) target(%dma_start3A_714 : memref<10240xf32, #tpu.memory_space<vmem_shared>>) offsets(%dma_start3A_712 : memref<128xi32, #tpu.memory_space<vmem>>) semaphore(%dma_start3A_716 : memref<!tpu.dma_semaphore, #tpu.memory_space<semaphore_mem>>) {add = true}
      %add3A_717 = arith.constant 4 : i32
      %add3A_718 = arith.addi %add3A_677, %add3A_717 : i32
      %lt3A_719 = arith.constant 72 : i32
      %lt3A_720 = arith.cmpi slt, %add3A_718, %lt3A_719 : i32
      %convert_element_type3A_721 = arith.extui %lt3A_720 : i1 to i32
      %cond3A_722 = arith.constant 0 : i32
      %cond3A_723 = arith.cmpi ne, %convert_element_type3A_721, %cond3A_722 : i32
      scf.if %cond3A_723 {
        %add3A_965 = arith.constant 4 : i32
        %add3A_966 = arith.addi %add3A_677, %add3A_965 : i32
        %ge3A = arith.constant 8 : i32
        %ge3A_967 = arith.cmpi sge, %add3A_966, %ge3A : i32
        %convert_element_type3A_968 = arith.extui %ge3A_967 : i1 to i32
        %cond3A_969 = arith.constant 0 : i32
        %cond3A_970 = arith.cmpi ne, %convert_element_type3A_968, %cond3A_969 : i32
        scf.if %cond3A_970 {
          %dma_wait3A_988 = arith.constant 6 : i32
          %dma_wait3A_989 = arith.constant 1 : i32
          %dma_wait3A_990 = arith.constant 6 : i32
          %dma_wait3A_991 = arith.constant 0 : i32
          %dma_wait3A_992 = arith.constant 0 : i32
          %dma_wait3A_993 = tpu.memref_slice %arg7[%dma_wait3A_988, %dma_wait3A_991, %dma_wait3A_992] : memref<8x128x16xf32, #tpu.memory_space<vmem>> -> memref<1x128x16xf32, #tpu.memory_space<vmem>>
          %dma_wait3A_994 = tpu.memref_squeeze %dma_wait3A_993 : memref<1x128x16xf32, #tpu.memory_space<vmem>> -> memref<128x16xf32, #tpu.memory_space<vmem>>
          %dma_wait3A_995 = arith.constant 0 : i32
          %dma_wait3A_996 = tpu.memref_slice %arg6[%add3A_677, %dma_wait3A_989, %dma_wait3A_995] : memref<79x2x128xi32, #tpu.memory_space<vmem>> -> memref<1x1x128xi32, #tpu.memory_space<vmem>>
          %dma_wait3A_997 = tpu.memref_squeeze %dma_wait3A_996 : memref<1x1x128xi32, #tpu.memory_space<vmem>> -> memref<128xi32, #tpu.memory_space<vmem>>
          %dma_wait3A_998 = arith.constant 0 : i32
          %dma_wait3A_999 = arith.constant 0 : i32
          %dma_wait3A_1000 = tpu.memref_slice %arg11[%dma_wait3A_998, %dma_wait3A_999] : memref<10240x16xf32, #tpu.memory_space<vmem_shared>> -> memref<10240x16xf32, #tpu.memory_space<vmem_shared>>
          %dma_wait3A_1001 = tpu.memref_slice %arg15[%dma_wait3A_990] : memref<8x!tpu.dma_semaphore, #tpu.memory_space<semaphore_mem>> -> memref<1x!tpu.dma_semaphore, #tpu.memory_space<semaphore_mem>>
          %dma_wait3A_1002 = tpu.memref_squeeze %dma_wait3A_1001 : memref<1x!tpu.dma_semaphore, #tpu.memory_space<semaphore_mem>> -> memref<!tpu.dma_semaphore, #tpu.memory_space<semaphore_mem>>
          tpu.wait_indirect_dma semaphore(%dma_wait3A_1002 : memref<!tpu.dma_semaphore, #tpu.memory_space<semaphore_mem>>) src(%dma_wait3A_994 : memref<128x16xf32, #tpu.memory_space<vmem>>) dst(%dma_wait3A_1000 : memref<10240x16xf32, #tpu.memory_space<vmem_shared>>)
          %dma_wait3A_1003 = arith.constant 1 : i32
          %dma_wait3A_1004 = arith.constant 6 : i32
          %dma_wait3A_1005 = arith.constant 0 : i32
          %dma_wait3A_1006 = tpu.memref_slice %arg6[%add3A_677, %dma_wait3A_1003, %dma_wait3A_1005] : memref<79x2x128xi32, #tpu.memory_space<vmem>> -> memref<1x1x128xi32, #tpu.memory_space<vmem>>
          %dma_wait3A_1007 = tpu.memref_squeeze %dma_wait3A_1006 : memref<1x1x128xi32, #tpu.memory_space<vmem>> -> memref<128xi32, #tpu.memory_space<vmem>>
          %dma_wait3A_1008 = arith.constant 0 : i32
          %dma_wait3A_1009 = tpu.memref_slice %arg12[%dma_wait3A_1008] : memref<10240xf32, #tpu.memory_space<vmem_shared>> -> memref<10240xf32, #tpu.memory_space<vmem_shared>>
          %dma_wait3A_1010 = tpu.memref_slice %arg16[%dma_wait3A_1004] : memref<8x!tpu.dma_semaphore, #tpu.memory_space<semaphore_mem>> -> memref<1x!tpu.dma_semaphore, #tpu.memory_space<semaphore_mem>>
          %dma_wait3A_1011 = tpu.memref_squeeze %dma_wait3A_1010 : memref<1x!tpu.dma_semaphore, #tpu.memory_space<semaphore_mem>> -> memref<!tpu.dma_semaphore, #tpu.memory_space<semaphore_mem>>
          tpu.wait_indirect_dma semaphore(%dma_wait3A_1011 : memref<!tpu.dma_semaphore, #tpu.memory_space<semaphore_mem>>) src(%arg8 : memref<128xf32, #tpu.memory_space<vmem>>) dst(%dma_wait3A_1009 : memref<10240xf32, #tpu.memory_space<vmem_shared>>)
        } else {
        }
        %add3A_971 = arith.constant 4 : i32
        %add3A_972 = arith.addi %add3A_677, %add3A_971 : i32
        %dma_start3A_973 = arith.constant 0 : i32
        %dma_start3A_974 = arith.constant 6 : i32
        %dma_start3A_975 = arith.constant 6 : i32
        %dma_start3A_976 = arith.constant 0 : i32
        %dma_start3A_977 = arith.constant 0 : i32
        %dma_start3A_978 = tpu.memref_slice %arg7[%dma_start3A_974, %dma_start3A_976, %dma_start3A_977] : memref<8x128x16xf32, #tpu.memory_space<vmem>> -> memref<1x128x16xf32, #tpu.memory_space<vmem>>
        %dma_start3A_979 = tpu.memref_squeeze %dma_start3A_978 : memref<1x128x16xf32, #tpu.memory_space<vmem>> -> memref<128x16xf32, #tpu.memory_space<vmem>>
        %dma_start3A_980 = arith.constant 0 : i32
        %dma_start3A_981 = tpu.memref_slice %arg6[%add3A_972, %dma_start3A_973, %dma_start3A_980] : memref<79x2x128xi32, #tpu.memory_space<vmem>> -> memref<1x1x128xi32, #tpu.memory_space<vmem>>
        %dma_start3A_982 = tpu.memref_squeeze %dma_start3A_981 : memref<1x1x128xi32, #tpu.memory_space<vmem>> -> memref<128xi32, #tpu.memory_space<vmem>>
        %dma_start3A_983 = arith.constant 0 : i32
        %dma_start3A_984 = arith.constant 0 : i32
        %dma_start3A_985 = tpu.memref_slice %arg13[%dma_start3A_983, %dma_start3A_984] : memref<10000x16xf32, #tpu.memory_space<vmem_shared>> -> memref<10000x16xf32, #tpu.memory_space<vmem_shared>>
        %dma_start3A_986 = tpu.memref_slice %arg14[%dma_start3A_975] : memref<8x!tpu.dma_semaphore, #tpu.memory_space<semaphore_mem>> -> memref<1x!tpu.dma_semaphore, #tpu.memory_space<semaphore_mem>>
        %dma_start3A_987 = tpu.memref_squeeze %dma_start3A_986 : memref<1x!tpu.dma_semaphore, #tpu.memory_space<semaphore_mem>> -> memref<!tpu.dma_semaphore, #tpu.memory_space<semaphore_mem>>
        tpu.enqueue_indirect_dma source(%dma_start3A_985 : memref<10000x16xf32, #tpu.memory_space<vmem_shared>>) target(%dma_start3A_979 : memref<128x16xf32, #tpu.memory_space<vmem>>) offsets(%dma_start3A_982 : memref<128xi32, #tpu.memory_space<vmem>>) semaphore(%dma_start3A_987 : memref<!tpu.dma_semaphore, #tpu.memory_space<semaphore_mem>>)
      } else {
      }
      %add3A_724 = arith.constant 3 : i32
      %add3A_725 = arith.addi %mul3A_579, %add3A_724 : i32
      %dma_wait3A_726 = arith.constant 0 : i32
      %dma_wait3A_727 = arith.constant 3 : i32
      %dma_wait3A_728 = arith.constant 3 : i32
      %dma_wait3A_729 = arith.constant 0 : i32
      %dma_wait3A_730 = arith.constant 0 : i32
      %dma_wait3A_731 = tpu.memref_slice %arg7[%dma_wait3A_727, %dma_wait3A_729, %dma_wait3A_730] : memref<8x128x16xf32, #tpu.memory_space<vmem>> -> memref<1x128x16xf32, #tpu.memory_space<vmem>>
      %dma_wait3A_732 = tpu.memref_squeeze %dma_wait3A_731 : memref<1x128x16xf32, #tpu.memory_space<vmem>> -> memref<128x16xf32, #tpu.memory_space<vmem>>
      %dma_wait3A_733 = arith.constant 0 : i32
      %dma_wait3A_734 = tpu.memref_slice %arg6[%add3A_725, %dma_wait3A_726, %dma_wait3A_733] : memref<79x2x128xi32, #tpu.memory_space<vmem>> -> memref<1x1x128xi32, #tpu.memory_space<vmem>>
      %dma_wait3A_735 = tpu.memref_squeeze %dma_wait3A_734 : memref<1x1x128xi32, #tpu.memory_space<vmem>> -> memref<128xi32, #tpu.memory_space<vmem>>
      %dma_wait3A_736 = arith.constant 0 : i32
      %dma_wait3A_737 = arith.constant 0 : i32
      %dma_wait3A_738 = tpu.memref_slice %arg13[%dma_wait3A_736, %dma_wait3A_737] : memref<10000x16xf32, #tpu.memory_space<vmem_shared>> -> memref<10000x16xf32, #tpu.memory_space<vmem_shared>>
      %dma_wait3A_739 = tpu.memref_slice %arg14[%dma_wait3A_728] : memref<8x!tpu.dma_semaphore, #tpu.memory_space<semaphore_mem>> -> memref<1x!tpu.dma_semaphore, #tpu.memory_space<semaphore_mem>>
      %dma_wait3A_740 = tpu.memref_squeeze %dma_wait3A_739 : memref<1x!tpu.dma_semaphore, #tpu.memory_space<semaphore_mem>> -> memref<!tpu.dma_semaphore, #tpu.memory_space<semaphore_mem>>
      tpu.wait_indirect_dma semaphore(%dma_wait3A_740 : memref<!tpu.dma_semaphore, #tpu.memory_space<semaphore_mem>>) src(%dma_wait3A_738 : memref<10000x16xf32, #tpu.memory_space<vmem_shared>>) dst(%dma_wait3A_732 : memref<128x16xf32, #tpu.memory_space<vmem>>)
      %dma_start3A_741 = arith.constant 3 : i32
      %dma_start3A_742 = arith.constant 1 : i32
      %dma_start3A_743 = arith.constant 3 : i32
      %dma_start3A_744 = arith.constant 0 : i32
      %dma_start3A_745 = arith.constant 0 : i32
      %dma_start3A_746 = tpu.memref_slice %arg7[%dma_start3A_741, %dma_start3A_744, %dma_start3A_745] : memref<8x128x16xf32, #tpu.memory_space<vmem>> -> memref<1x128x16xf32, #tpu.memory_space<vmem>>
      %dma_start3A_747 = tpu.memref_squeeze %dma_start3A_746 : memref<1x128x16xf32, #tpu.memory_space<vmem>> -> memref<128x16xf32, #tpu.memory_space<vmem>>
      %dma_start3A_748 = arith.constant 0 : i32
      %dma_start3A_749 = tpu.memref_slice %arg6[%add3A_725, %dma_start3A_742, %dma_start3A_748] : memref<79x2x128xi32, #tpu.memory_space<vmem>> -> memref<1x1x128xi32, #tpu.memory_space<vmem>>
      %dma_start3A_750 = tpu.memref_squeeze %dma_start3A_749 : memref<1x1x128xi32, #tpu.memory_space<vmem>> -> memref<128xi32, #tpu.memory_space<vmem>>
      %dma_start3A_751 = arith.constant 0 : i32
      %dma_start3A_752 = arith.constant 0 : i32
      %dma_start3A_753 = tpu.memref_slice %arg11[%dma_start3A_751, %dma_start3A_752] : memref<10240x16xf32, #tpu.memory_space<vmem_shared>> -> memref<10240x16xf32, #tpu.memory_space<vmem_shared>>
      %dma_start3A_754 = tpu.memref_slice %arg15[%dma_start3A_743] : memref<8x!tpu.dma_semaphore, #tpu.memory_space<semaphore_mem>> -> memref<1x!tpu.dma_semaphore, #tpu.memory_space<semaphore_mem>>
      %dma_start3A_755 = tpu.memref_squeeze %dma_start3A_754 : memref<1x!tpu.dma_semaphore, #tpu.memory_space<semaphore_mem>> -> memref<!tpu.dma_semaphore, #tpu.memory_space<semaphore_mem>>
      tpu.enqueue_indirect_dma source(%dma_start3A_747 : memref<128x16xf32, #tpu.memory_space<vmem>>) target(%dma_start3A_753 : memref<10240x16xf32, #tpu.memory_space<vmem_shared>>) offsets(%dma_start3A_750 : memref<128xi32, #tpu.memory_space<vmem>>) semaphore(%dma_start3A_755 : memref<!tpu.dma_semaphore, #tpu.memory_space<semaphore_mem>>) {add = true}
      %dma_start3A_756 = arith.constant 1 : i32
      %dma_start3A_757 = arith.constant 3 : i32
      %dma_start3A_758 = arith.constant 0 : i32
      %dma_start3A_759 = tpu.memref_slice %arg6[%add3A_725, %dma_start3A_756, %dma_start3A_758] : memref<79x2x128xi32, #tpu.memory_space<vmem>> -> memref<1x1x128xi32, #tpu.memory_space<vmem>>
      %dma_start3A_760 = tpu.memref_squeeze %dma_start3A_759 : memref<1x1x128xi32, #tpu.memory_space<vmem>> -> memref<128xi32, #tpu.memory_space<vmem>>
      %dma_start3A_761 = arith.constant 0 : i32
      %dma_start3A_762 = tpu.memref_slice %arg12[%dma_start3A_761] : memref<10240xf32, #tpu.memory_space<vmem_shared>> -> memref<10240xf32, #tpu.memory_space<vmem_shared>>
      %dma_start3A_763 = tpu.memref_slice %arg16[%dma_start3A_757] : memref<8x!tpu.dma_semaphore, #tpu.memory_space<semaphore_mem>> -> memref<1x!tpu.dma_semaphore, #tpu.memory_space<semaphore_mem>>
      %dma_start3A_764 = tpu.memref_squeeze %dma_start3A_763 : memref<1x!tpu.dma_semaphore, #tpu.memory_space<semaphore_mem>> -> memref<!tpu.dma_semaphore, #tpu.memory_space<semaphore_mem>>
      tpu.enqueue_indirect_dma source(%arg8 : memref<128xf32, #tpu.memory_space<vmem>>) target(%dma_start3A_762 : memref<10240xf32, #tpu.memory_space<vmem_shared>>) offsets(%dma_start3A_760 : memref<128xi32, #tpu.memory_space<vmem>>) semaphore(%dma_start3A_764 : memref<!tpu.dma_semaphore, #tpu.memory_space<semaphore_mem>>) {add = true}
      %add3A_765 = arith.constant 4 : i32
      %add3A_766 = arith.addi %add3A_725, %add3A_765 : i32
      %lt3A_767 = arith.constant 72 : i32
      %lt3A_768 = arith.cmpi slt, %add3A_766, %lt3A_767 : i32
      %convert_element_type3A_769 = arith.extui %lt3A_768 : i1 to i32
      %cond3A_770 = arith.constant 0 : i32
      %cond3A_771 = arith.cmpi ne, %convert_element_type3A_769, %cond3A_770 : i32
      scf.if %cond3A_771 {
        %add3A_965 = arith.constant 4 : i32
        %add3A_966 = arith.addi %add3A_725, %add3A_965 : i32
        %ge3A = arith.constant 8 : i32
        %ge3A_967 = arith.cmpi sge, %add3A_966, %ge3A : i32
        %convert_element_type3A_968 = arith.extui %ge3A_967 : i1 to i32
        %cond3A_969 = arith.constant 0 : i32
        %cond3A_970 = arith.cmpi ne, %convert_element_type3A_968, %cond3A_969 : i32
        scf.if %cond3A_970 {
          %dma_wait3A_988 = arith.constant 7 : i32
          %dma_wait3A_989 = arith.constant 1 : i32
          %dma_wait3A_990 = arith.constant 7 : i32
          %dma_wait3A_991 = arith.constant 0 : i32
          %dma_wait3A_992 = arith.constant 0 : i32
          %dma_wait3A_993 = tpu.memref_slice %arg7[%dma_wait3A_988, %dma_wait3A_991, %dma_wait3A_992] : memref<8x128x16xf32, #tpu.memory_space<vmem>> -> memref<1x128x16xf32, #tpu.memory_space<vmem>>
          %dma_wait3A_994 = tpu.memref_squeeze %dma_wait3A_993 : memref<1x128x16xf32, #tpu.memory_space<vmem>> -> memref<128x16xf32, #tpu.memory_space<vmem>>
          %dma_wait3A_995 = arith.constant 0 : i32
          %dma_wait3A_996 = tpu.memref_slice %arg6[%add3A_725, %dma_wait3A_989, %dma_wait3A_995] : memref<79x2x128xi32, #tpu.memory_space<vmem>> -> memref<1x1x128xi32, #tpu.memory_space<vmem>>
          %dma_wait3A_997 = tpu.memref_squeeze %dma_wait3A_996 : memref<1x1x128xi32, #tpu.memory_space<vmem>> -> memref<128xi32, #tpu.memory_space<vmem>>
          %dma_wait3A_998 = arith.constant 0 : i32
          %dma_wait3A_999 = arith.constant 0 : i32
          %dma_wait3A_1000 = tpu.memref_slice %arg11[%dma_wait3A_998, %dma_wait3A_999] : memref<10240x16xf32, #tpu.memory_space<vmem_shared>> -> memref<10240x16xf32, #tpu.memory_space<vmem_shared>>
          %dma_wait3A_1001 = tpu.memref_slice %arg15[%dma_wait3A_990] : memref<8x!tpu.dma_semaphore, #tpu.memory_space<semaphore_mem>> -> memref<1x!tpu.dma_semaphore, #tpu.memory_space<semaphore_mem>>
          %dma_wait3A_1002 = tpu.memref_squeeze %dma_wait3A_1001 : memref<1x!tpu.dma_semaphore, #tpu.memory_space<semaphore_mem>> -> memref<!tpu.dma_semaphore, #tpu.memory_space<semaphore_mem>>
          tpu.wait_indirect_dma semaphore(%dma_wait3A_1002 : memref<!tpu.dma_semaphore, #tpu.memory_space<semaphore_mem>>) src(%dma_wait3A_994 : memref<128x16xf32, #tpu.memory_space<vmem>>) dst(%dma_wait3A_1000 : memref<10240x16xf32, #tpu.memory_space<vmem_shared>>)
          %dma_wait3A_1003 = arith.constant 1 : i32
          %dma_wait3A_1004 = arith.constant 7 : i32
          %dma_wait3A_1005 = arith.constant 0 : i32
          %dma_wait3A_1006 = tpu.memref_slice %arg6[%add3A_725, %dma_wait3A_1003, %dma_wait3A_1005] : memref<79x2x128xi32, #tpu.memory_space<vmem>> -> memref<1x1x128xi32, #tpu.memory_space<vmem>>
          %dma_wait3A_1007 = tpu.memref_squeeze %dma_wait3A_1006 : memref<1x1x128xi32, #tpu.memory_space<vmem>> -> memref<128xi32, #tpu.memory_space<vmem>>
          %dma_wait3A_1008 = arith.constant 0 : i32
          %dma_wait3A_1009 = tpu.memref_slice %arg12[%dma_wait3A_1008] : memref<10240xf32, #tpu.memory_space<vmem_shared>> -> memref<10240xf32, #tpu.memory_space<vmem_shared>>
          %dma_wait3A_1010 = tpu.memref_slice %arg16[%dma_wait3A_1004] : memref<8x!tpu.dma_semaphore, #tpu.memory_space<semaphore_mem>> -> memref<1x!tpu.dma_semaphore, #tpu.memory_space<semaphore_mem>>
          %dma_wait3A_1011 = tpu.memref_squeeze %dma_wait3A_1010 : memref<1x!tpu.dma_semaphore, #tpu.memory_space<semaphore_mem>> -> memref<!tpu.dma_semaphore, #tpu.memory_space<semaphore_mem>>
          tpu.wait_indirect_dma semaphore(%dma_wait3A_1011 : memref<!tpu.dma_semaphore, #tpu.memory_space<semaphore_mem>>) src(%arg8 : memref<128xf32, #tpu.memory_space<vmem>>) dst(%dma_wait3A_1009 : memref<10240xf32, #tpu.memory_space<vmem_shared>>)
        } else {
        }
        %add3A_971 = arith.constant 4 : i32
        %add3A_972 = arith.addi %add3A_725, %add3A_971 : i32
        %dma_start3A_973 = arith.constant 0 : i32
        %dma_start3A_974 = arith.constant 7 : i32
        %dma_start3A_975 = arith.constant 7 : i32
        %dma_start3A_976 = arith.constant 0 : i32
        %dma_start3A_977 = arith.constant 0 : i32
        %dma_start3A_978 = tpu.memref_slice %arg7[%dma_start3A_974, %dma_start3A_976, %dma_start3A_977] : memref<8x128x16xf32, #tpu.memory_space<vmem>> -> memref<1x128x16xf32, #tpu.memory_space<vmem>>
        %dma_start3A_979 = tpu.memref_squeeze %dma_start3A_978 : memref<1x128x16xf32, #tpu.memory_space<vmem>> -> memref<128x16xf32, #tpu.memory_space<vmem>>
        %dma_start3A_980 = arith.constant 0 : i32
        %dma_start3A_981 = tpu.memref_slice %arg6[%add3A_972, %dma_start3A_973, %dma_start3A_980] : memref<79x2x128xi32, #tpu.memory_space<vmem>> -> memref<1x1x128xi32, #tpu.memory_space<vmem>>
        %dma_start3A_982 = tpu.memref_squeeze %dma_start3A_981 : memref<1x1x128xi32, #tpu.memory_space<vmem>> -> memref<128xi32, #tpu.memory_space<vmem>>
        %dma_start3A_983 = arith.constant 0 : i32
        %dma_start3A_984 = arith.constant 0 : i32
        %dma_start3A_985 = tpu.memref_slice %arg13[%dma_start3A_983, %dma_start3A_984] : memref<10000x16xf32, #tpu.memory_space<vmem_shared>> -> memref<10000x16xf32, #tpu.memory_space<vmem_shared>>
        %dma_start3A_986 = tpu.memref_slice %arg14[%dma_start3A_975] : memref<8x!tpu.dma_semaphore, #tpu.memory_space<semaphore_mem>> -> memref<1x!tpu.dma_semaphore, #tpu.memory_space<semaphore_mem>>
        %dma_start3A_987 = tpu.memref_squeeze %dma_start3A_986 : memref<1x!tpu.dma_semaphore, #tpu.memory_space<semaphore_mem>> -> memref<!tpu.dma_semaphore, #tpu.memory_space<semaphore_mem>>
        tpu.enqueue_indirect_dma source(%dma_start3A_985 : memref<10000x16xf32, #tpu.memory_space<vmem_shared>>) target(%dma_start3A_979 : memref<128x16xf32, #tpu.memory_space<vmem>>) offsets(%dma_start3A_982 : memref<128xi32, #tpu.memory_space<vmem>>) semaphore(%dma_start3A_987 : memref<!tpu.dma_semaphore, #tpu.memory_space<semaphore_mem>>)
      } else {
      }
      %add3A_772 = arith.constant 4 : i32
      %add3A_773 = arith.addi %mul3A_579, %add3A_772 : i32
      %dma_wait3A_774 = arith.constant 0 : i32
      %dma_wait3A_775 = arith.constant 4 : i32
      %dma_wait3A_776 = arith.constant 4 : i32
      %dma_wait3A_777 = arith.constant 0 : i32
      %dma_wait3A_778 = arith.constant 0 : i32
      %dma_wait3A_779 = tpu.memref_slice %arg7[%dma_wait3A_775, %dma_wait3A_777, %dma_wait3A_778] : memref<8x128x16xf32, #tpu.memory_space<vmem>> -> memref<1x128x16xf32, #tpu.memory_space<vmem>>
      %dma_wait3A_780 = tpu.memref_squeeze %dma_wait3A_779 : memref<1x128x16xf32, #tpu.memory_space<vmem>> -> memref<128x16xf32, #tpu.memory_space<vmem>>
      %dma_wait3A_781 = arith.constant 0 : i32
      %dma_wait3A_782 = tpu.memref_slice %arg6[%add3A_773, %dma_wait3A_774, %dma_wait3A_781] : memref<79x2x128xi32, #tpu.memory_space<vmem>> -> memref<1x1x128xi32, #tpu.memory_space<vmem>>
      %dma_wait3A_783 = tpu.memref_squeeze %dma_wait3A_782 : memref<1x1x128xi32, #tpu.memory_space<vmem>> -> memref<128xi32, #tpu.memory_space<vmem>>
      %dma_wait3A_784 = arith.constant 0 : i32
      %dma_wait3A_785 = arith.constant 0 : i32
      %dma_wait3A_786 = tpu.memref_slice %arg13[%dma_wait3A_784, %dma_wait3A_785] : memref<10000x16xf32, #tpu.memory_space<vmem_shared>> -> memref<10000x16xf32, #tpu.memory_space<vmem_shared>>
      %dma_wait3A_787 = tpu.memref_slice %arg14[%dma_wait3A_776] : memref<8x!tpu.dma_semaphore, #tpu.memory_space<semaphore_mem>> -> memref<1x!tpu.dma_semaphore, #tpu.memory_space<semaphore_mem>>
      %dma_wait3A_788 = tpu.memref_squeeze %dma_wait3A_787 : memref<1x!tpu.dma_semaphore, #tpu.memory_space<semaphore_mem>> -> memref<!tpu.dma_semaphore, #tpu.memory_space<semaphore_mem>>
      tpu.wait_indirect_dma semaphore(%dma_wait3A_788 : memref<!tpu.dma_semaphore, #tpu.memory_space<semaphore_mem>>) src(%dma_wait3A_786 : memref<10000x16xf32, #tpu.memory_space<vmem_shared>>) dst(%dma_wait3A_780 : memref<128x16xf32, #tpu.memory_space<vmem>>)
      %dma_start3A_789 = arith.constant 4 : i32
      %dma_start3A_790 = arith.constant 1 : i32
      %dma_start3A_791 = arith.constant 4 : i32
      %dma_start3A_792 = arith.constant 0 : i32
      %dma_start3A_793 = arith.constant 0 : i32
      %dma_start3A_794 = tpu.memref_slice %arg7[%dma_start3A_789, %dma_start3A_792, %dma_start3A_793] : memref<8x128x16xf32, #tpu.memory_space<vmem>> -> memref<1x128x16xf32, #tpu.memory_space<vmem>>
      %dma_start3A_795 = tpu.memref_squeeze %dma_start3A_794 : memref<1x128x16xf32, #tpu.memory_space<vmem>> -> memref<128x16xf32, #tpu.memory_space<vmem>>
      %dma_start3A_796 = arith.constant 0 : i32
      %dma_start3A_797 = tpu.memref_slice %arg6[%add3A_773, %dma_start3A_790, %dma_start3A_796] : memref<79x2x128xi32, #tpu.memory_space<vmem>> -> memref<1x1x128xi32, #tpu.memory_space<vmem>>
      %dma_start3A_798 = tpu.memref_squeeze %dma_start3A_797 : memref<1x1x128xi32, #tpu.memory_space<vmem>> -> memref<128xi32, #tpu.memory_space<vmem>>
      %dma_start3A_799 = arith.constant 0 : i32
      %dma_start3A_800 = arith.constant 0 : i32
      %dma_start3A_801 = tpu.memref_slice %arg11[%dma_start3A_799, %dma_start3A_800] : memref<10240x16xf32, #tpu.memory_space<vmem_shared>> -> memref<10240x16xf32, #tpu.memory_space<vmem_shared>>
      %dma_start3A_802 = tpu.memref_slice %arg15[%dma_start3A_791] : memref<8x!tpu.dma_semaphore, #tpu.memory_space<semaphore_mem>> -> memref<1x!tpu.dma_semaphore, #tpu.memory_space<semaphore_mem>>
      %dma_start3A_803 = tpu.memref_squeeze %dma_start3A_802 : memref<1x!tpu.dma_semaphore, #tpu.memory_space<semaphore_mem>> -> memref<!tpu.dma_semaphore, #tpu.memory_space<semaphore_mem>>
      tpu.enqueue_indirect_dma source(%dma_start3A_795 : memref<128x16xf32, #tpu.memory_space<vmem>>) target(%dma_start3A_801 : memref<10240x16xf32, #tpu.memory_space<vmem_shared>>) offsets(%dma_start3A_798 : memref<128xi32, #tpu.memory_space<vmem>>) semaphore(%dma_start3A_803 : memref<!tpu.dma_semaphore, #tpu.memory_space<semaphore_mem>>) {add = true}
      %dma_start3A_804 = arith.constant 1 : i32
      %dma_start3A_805 = arith.constant 4 : i32
      %dma_start3A_806 = arith.constant 0 : i32
      %dma_start3A_807 = tpu.memref_slice %arg6[%add3A_773, %dma_start3A_804, %dma_start3A_806] : memref<79x2x128xi32, #tpu.memory_space<vmem>> -> memref<1x1x128xi32, #tpu.memory_space<vmem>>
      %dma_start3A_808 = tpu.memref_squeeze %dma_start3A_807 : memref<1x1x128xi32, #tpu.memory_space<vmem>> -> memref<128xi32, #tpu.memory_space<vmem>>
      %dma_start3A_809 = arith.constant 0 : i32
      %dma_start3A_810 = tpu.memref_slice %arg12[%dma_start3A_809] : memref<10240xf32, #tpu.memory_space<vmem_shared>> -> memref<10240xf32, #tpu.memory_space<vmem_shared>>
      %dma_start3A_811 = tpu.memref_slice %arg16[%dma_start3A_805] : memref<8x!tpu.dma_semaphore, #tpu.memory_space<semaphore_mem>> -> memref<1x!tpu.dma_semaphore, #tpu.memory_space<semaphore_mem>>
      %dma_start3A_812 = tpu.memref_squeeze %dma_start3A_811 : memref<1x!tpu.dma_semaphore, #tpu.memory_space<semaphore_mem>> -> memref<!tpu.dma_semaphore, #tpu.memory_space<semaphore_mem>>
      tpu.enqueue_indirect_dma source(%arg8 : memref<128xf32, #tpu.memory_space<vmem>>) target(%dma_start3A_810 : memref<10240xf32, #tpu.memory_space<vmem_shared>>) offsets(%dma_start3A_808 : memref<128xi32, #tpu.memory_space<vmem>>) semaphore(%dma_start3A_812 : memref<!tpu.dma_semaphore, #tpu.memory_space<semaphore_mem>>) {add = true}
      %add3A_813 = arith.constant 4 : i32
      %add3A_814 = arith.addi %add3A_773, %add3A_813 : i32
      %lt3A_815 = arith.constant 72 : i32
      %lt3A_816 = arith.cmpi slt, %add3A_814, %lt3A_815 : i32
      %convert_element_type3A_817 = arith.extui %lt3A_816 : i1 to i32
      %cond3A_818 = arith.constant 0 : i32
      %cond3A_819 = arith.cmpi ne, %convert_element_type3A_817, %cond3A_818 : i32
      scf.if %cond3A_819 {
        %add3A_965 = arith.constant 4 : i32
        %add3A_966 = arith.addi %add3A_773, %add3A_965 : i32
        %ge3A = arith.constant 8 : i32
        %ge3A_967 = arith.cmpi sge, %add3A_966, %ge3A : i32
        %convert_element_type3A_968 = arith.extui %ge3A_967 : i1 to i32
        %cond3A_969 = arith.constant 0 : i32
        %cond3A_970 = arith.cmpi ne, %convert_element_type3A_968, %cond3A_969 : i32
        scf.if %cond3A_970 {
          %dma_wait3A_988 = arith.constant 0 : i32
          %dma_wait3A_989 = arith.constant 1 : i32
          %dma_wait3A_990 = arith.constant 0 : i32
          %dma_wait3A_991 = arith.constant 0 : i32
          %dma_wait3A_992 = arith.constant 0 : i32
          %dma_wait3A_993 = tpu.memref_slice %arg7[%dma_wait3A_988, %dma_wait3A_991, %dma_wait3A_992] : memref<8x128x16xf32, #tpu.memory_space<vmem>> -> memref<1x128x16xf32, #tpu.memory_space<vmem>>
          %dma_wait3A_994 = tpu.memref_squeeze %dma_wait3A_993 : memref<1x128x16xf32, #tpu.memory_space<vmem>> -> memref<128x16xf32, #tpu.memory_space<vmem>>
          %dma_wait3A_995 = arith.constant 0 : i32
          %dma_wait3A_996 = tpu.memref_slice %arg6[%add3A_773, %dma_wait3A_989, %dma_wait3A_995] : memref<79x2x128xi32, #tpu.memory_space<vmem>> -> memref<1x1x128xi32, #tpu.memory_space<vmem>>
          %dma_wait3A_997 = tpu.memref_squeeze %dma_wait3A_996 : memref<1x1x128xi32, #tpu.memory_space<vmem>> -> memref<128xi32, #tpu.memory_space<vmem>>
          %dma_wait3A_998 = arith.constant 0 : i32
          %dma_wait3A_999 = arith.constant 0 : i32
          %dma_wait3A_1000 = tpu.memref_slice %arg11[%dma_wait3A_998, %dma_wait3A_999] : memref<10240x16xf32, #tpu.memory_space<vmem_shared>> -> memref<10240x16xf32, #tpu.memory_space<vmem_shared>>
          %dma_wait3A_1001 = tpu.memref_slice %arg15[%dma_wait3A_990] : memref<8x!tpu.dma_semaphore, #tpu.memory_space<semaphore_mem>> -> memref<1x!tpu.dma_semaphore, #tpu.memory_space<semaphore_mem>>
          %dma_wait3A_1002 = tpu.memref_squeeze %dma_wait3A_1001 : memref<1x!tpu.dma_semaphore, #tpu.memory_space<semaphore_mem>> -> memref<!tpu.dma_semaphore, #tpu.memory_space<semaphore_mem>>
          tpu.wait_indirect_dma semaphore(%dma_wait3A_1002 : memref<!tpu.dma_semaphore, #tpu.memory_space<semaphore_mem>>) src(%dma_wait3A_994 : memref<128x16xf32, #tpu.memory_space<vmem>>) dst(%dma_wait3A_1000 : memref<10240x16xf32, #tpu.memory_space<vmem_shared>>)
          %dma_wait3A_1003 = arith.constant 1 : i32
          %dma_wait3A_1004 = arith.constant 0 : i32
          %dma_wait3A_1005 = arith.constant 0 : i32
          %dma_wait3A_1006 = tpu.memref_slice %arg6[%add3A_773, %dma_wait3A_1003, %dma_wait3A_1005] : memref<79x2x128xi32, #tpu.memory_space<vmem>> -> memref<1x1x128xi32, #tpu.memory_space<vmem>>
          %dma_wait3A_1007 = tpu.memref_squeeze %dma_wait3A_1006 : memref<1x1x128xi32, #tpu.memory_space<vmem>> -> memref<128xi32, #tpu.memory_space<vmem>>
          %dma_wait3A_1008 = arith.constant 0 : i32
          %dma_wait3A_1009 = tpu.memref_slice %arg12[%dma_wait3A_1008] : memref<10240xf32, #tpu.memory_space<vmem_shared>> -> memref<10240xf32, #tpu.memory_space<vmem_shared>>
          %dma_wait3A_1010 = tpu.memref_slice %arg16[%dma_wait3A_1004] : memref<8x!tpu.dma_semaphore, #tpu.memory_space<semaphore_mem>> -> memref<1x!tpu.dma_semaphore, #tpu.memory_space<semaphore_mem>>
          %dma_wait3A_1011 = tpu.memref_squeeze %dma_wait3A_1010 : memref<1x!tpu.dma_semaphore, #tpu.memory_space<semaphore_mem>> -> memref<!tpu.dma_semaphore, #tpu.memory_space<semaphore_mem>>
          tpu.wait_indirect_dma semaphore(%dma_wait3A_1011 : memref<!tpu.dma_semaphore, #tpu.memory_space<semaphore_mem>>) src(%arg8 : memref<128xf32, #tpu.memory_space<vmem>>) dst(%dma_wait3A_1009 : memref<10240xf32, #tpu.memory_space<vmem_shared>>)
        } else {
        }
        %add3A_971 = arith.constant 4 : i32
        %add3A_972 = arith.addi %add3A_773, %add3A_971 : i32
        %dma_start3A_973 = arith.constant 0 : i32
        %dma_start3A_974 = arith.constant 0 : i32
        %dma_start3A_975 = arith.constant 0 : i32
        %dma_start3A_976 = arith.constant 0 : i32
        %dma_start3A_977 = arith.constant 0 : i32
        %dma_start3A_978 = tpu.memref_slice %arg7[%dma_start3A_974, %dma_start3A_976, %dma_start3A_977] : memref<8x128x16xf32, #tpu.memory_space<vmem>> -> memref<1x128x16xf32, #tpu.memory_space<vmem>>
        %dma_start3A_979 = tpu.memref_squeeze %dma_start3A_978 : memref<1x128x16xf32, #tpu.memory_space<vmem>> -> memref<128x16xf32, #tpu.memory_space<vmem>>
        %dma_start3A_980 = arith.constant 0 : i32
        %dma_start3A_981 = tpu.memref_slice %arg6[%add3A_972, %dma_start3A_973, %dma_start3A_980] : memref<79x2x128xi32, #tpu.memory_space<vmem>> -> memref<1x1x128xi32, #tpu.memory_space<vmem>>
        %dma_start3A_982 = tpu.memref_squeeze %dma_start3A_981 : memref<1x1x128xi32, #tpu.memory_space<vmem>> -> memref<128xi32, #tpu.memory_space<vmem>>
        %dma_start3A_983 = arith.constant 0 : i32
        %dma_start3A_984 = arith.constant 0 : i32
        %dma_start3A_985 = tpu.memref_slice %arg13[%dma_start3A_983, %dma_start3A_984] : memref<10000x16xf32, #tpu.memory_space<vmem_shared>> -> memref<10000x16xf32, #tpu.memory_space<vmem_shared>>
        %dma_start3A_986 = tpu.memref_slice %arg14[%dma_start3A_975] : memref<8x!tpu.dma_semaphore, #tpu.memory_space<semaphore_mem>> -> memref<1x!tpu.dma_semaphore, #tpu.memory_space<semaphore_mem>>
        %dma_start3A_987 = tpu.memref_squeeze %dma_start3A_986 : memref<1x!tpu.dma_semaphore, #tpu.memory_space<semaphore_mem>> -> memref<!tpu.dma_semaphore, #tpu.memory_space<semaphore_mem>>
        tpu.enqueue_indirect_dma source(%dma_start3A_985 : memref<10000x16xf32, #tpu.memory_space<vmem_shared>>) target(%dma_start3A_979 : memref<128x16xf32, #tpu.memory_space<vmem>>) offsets(%dma_start3A_982 : memref<128xi32, #tpu.memory_space<vmem>>) semaphore(%dma_start3A_987 : memref<!tpu.dma_semaphore, #tpu.memory_space<semaphore_mem>>)
      } else {
      }
      %add3A_820 = arith.constant 5 : i32
      %add3A_821 = arith.addi %mul3A_579, %add3A_820 : i32
      %dma_wait3A_822 = arith.constant 0 : i32
      %dma_wait3A_823 = arith.constant 5 : i32
      %dma_wait3A_824 = arith.constant 5 : i32
      %dma_wait3A_825 = arith.constant 0 : i32
      %dma_wait3A_826 = arith.constant 0 : i32
      %dma_wait3A_827 = tpu.memref_slice %arg7[%dma_wait3A_823, %dma_wait3A_825, %dma_wait3A_826] : memref<8x128x16xf32, #tpu.memory_space<vmem>> -> memref<1x128x16xf32, #tpu.memory_space<vmem>>
      %dma_wait3A_828 = tpu.memref_squeeze %dma_wait3A_827 : memref<1x128x16xf32, #tpu.memory_space<vmem>> -> memref<128x16xf32, #tpu.memory_space<vmem>>
      %dma_wait3A_829 = arith.constant 0 : i32
      %dma_wait3A_830 = tpu.memref_slice %arg6[%add3A_821, %dma_wait3A_822, %dma_wait3A_829] : memref<79x2x128xi32, #tpu.memory_space<vmem>> -> memref<1x1x128xi32, #tpu.memory_space<vmem>>
      %dma_wait3A_831 = tpu.memref_squeeze %dma_wait3A_830 : memref<1x1x128xi32, #tpu.memory_space<vmem>> -> memref<128xi32, #tpu.memory_space<vmem>>
      %dma_wait3A_832 = arith.constant 0 : i32
      %dma_wait3A_833 = arith.constant 0 : i32
      %dma_wait3A_834 = tpu.memref_slice %arg13[%dma_wait3A_832, %dma_wait3A_833] : memref<10000x16xf32, #tpu.memory_space<vmem_shared>> -> memref<10000x16xf32, #tpu.memory_space<vmem_shared>>
      %dma_wait3A_835 = tpu.memref_slice %arg14[%dma_wait3A_824] : memref<8x!tpu.dma_semaphore, #tpu.memory_space<semaphore_mem>> -> memref<1x!tpu.dma_semaphore, #tpu.memory_space<semaphore_mem>>
      %dma_wait3A_836 = tpu.memref_squeeze %dma_wait3A_835 : memref<1x!tpu.dma_semaphore, #tpu.memory_space<semaphore_mem>> -> memref<!tpu.dma_semaphore, #tpu.memory_space<semaphore_mem>>
      tpu.wait_indirect_dma semaphore(%dma_wait3A_836 : memref<!tpu.dma_semaphore, #tpu.memory_space<semaphore_mem>>) src(%dma_wait3A_834 : memref<10000x16xf32, #tpu.memory_space<vmem_shared>>) dst(%dma_wait3A_828 : memref<128x16xf32, #tpu.memory_space<vmem>>)
      %dma_start3A_837 = arith.constant 5 : i32
      %dma_start3A_838 = arith.constant 1 : i32
      %dma_start3A_839 = arith.constant 5 : i32
      %dma_start3A_840 = arith.constant 0 : i32
      %dma_start3A_841 = arith.constant 0 : i32
      %dma_start3A_842 = tpu.memref_slice %arg7[%dma_start3A_837, %dma_start3A_840, %dma_start3A_841] : memref<8x128x16xf32, #tpu.memory_space<vmem>> -> memref<1x128x16xf32, #tpu.memory_space<vmem>>
      %dma_start3A_843 = tpu.memref_squeeze %dma_start3A_842 : memref<1x128x16xf32, #tpu.memory_space<vmem>> -> memref<128x16xf32, #tpu.memory_space<vmem>>
      %dma_start3A_844 = arith.constant 0 : i32
      %dma_start3A_845 = tpu.memref_slice %arg6[%add3A_821, %dma_start3A_838, %dma_start3A_844] : memref<79x2x128xi32, #tpu.memory_space<vmem>> -> memref<1x1x128xi32, #tpu.memory_space<vmem>>
      %dma_start3A_846 = tpu.memref_squeeze %dma_start3A_845 : memref<1x1x128xi32, #tpu.memory_space<vmem>> -> memref<128xi32, #tpu.memory_space<vmem>>
      %dma_start3A_847 = arith.constant 0 : i32
      %dma_start3A_848 = arith.constant 0 : i32
      %dma_start3A_849 = tpu.memref_slice %arg11[%dma_start3A_847, %dma_start3A_848] : memref<10240x16xf32, #tpu.memory_space<vmem_shared>> -> memref<10240x16xf32, #tpu.memory_space<vmem_shared>>
      %dma_start3A_850 = tpu.memref_slice %arg15[%dma_start3A_839] : memref<8x!tpu.dma_semaphore, #tpu.memory_space<semaphore_mem>> -> memref<1x!tpu.dma_semaphore, #tpu.memory_space<semaphore_mem>>
      %dma_start3A_851 = tpu.memref_squeeze %dma_start3A_850 : memref<1x!tpu.dma_semaphore, #tpu.memory_space<semaphore_mem>> -> memref<!tpu.dma_semaphore, #tpu.memory_space<semaphore_mem>>
      tpu.enqueue_indirect_dma source(%dma_start3A_843 : memref<128x16xf32, #tpu.memory_space<vmem>>) target(%dma_start3A_849 : memref<10240x16xf32, #tpu.memory_space<vmem_shared>>) offsets(%dma_start3A_846 : memref<128xi32, #tpu.memory_space<vmem>>) semaphore(%dma_start3A_851 : memref<!tpu.dma_semaphore, #tpu.memory_space<semaphore_mem>>) {add = true}
      %dma_start3A_852 = arith.constant 1 : i32
      %dma_start3A_853 = arith.constant 5 : i32
      %dma_start3A_854 = arith.constant 0 : i32
      %dma_start3A_855 = tpu.memref_slice %arg6[%add3A_821, %dma_start3A_852, %dma_start3A_854] : memref<79x2x128xi32, #tpu.memory_space<vmem>> -> memref<1x1x128xi32, #tpu.memory_space<vmem>>
      %dma_start3A_856 = tpu.memref_squeeze %dma_start3A_855 : memref<1x1x128xi32, #tpu.memory_space<vmem>> -> memref<128xi32, #tpu.memory_space<vmem>>
      %dma_start3A_857 = arith.constant 0 : i32
      %dma_start3A_858 = tpu.memref_slice %arg12[%dma_start3A_857] : memref<10240xf32, #tpu.memory_space<vmem_shared>> -> memref<10240xf32, #tpu.memory_space<vmem_shared>>
      %dma_start3A_859 = tpu.memref_slice %arg16[%dma_start3A_853] : memref<8x!tpu.dma_semaphore, #tpu.memory_space<semaphore_mem>> -> memref<1x!tpu.dma_semaphore, #tpu.memory_space<semaphore_mem>>
      %dma_start3A_860 = tpu.memref_squeeze %dma_start3A_859 : memref<1x!tpu.dma_semaphore, #tpu.memory_space<semaphore_mem>> -> memref<!tpu.dma_semaphore, #tpu.memory_space<semaphore_mem>>
      tpu.enqueue_indirect_dma source(%arg8 : memref<128xf32, #tpu.memory_space<vmem>>) target(%dma_start3A_858 : memref<10240xf32, #tpu.memory_space<vmem_shared>>) offsets(%dma_start3A_856 : memref<128xi32, #tpu.memory_space<vmem>>) semaphore(%dma_start3A_860 : memref<!tpu.dma_semaphore, #tpu.memory_space<semaphore_mem>>) {add = true}
      %add3A_861 = arith.constant 4 : i32
      %add3A_862 = arith.addi %add3A_821, %add3A_861 : i32
      %lt3A_863 = arith.constant 72 : i32
      %lt3A_864 = arith.cmpi slt, %add3A_862, %lt3A_863 : i32
      %convert_element_type3A_865 = arith.extui %lt3A_864 : i1 to i32
      %cond3A_866 = arith.constant 0 : i32
      %cond3A_867 = arith.cmpi ne, %convert_element_type3A_865, %cond3A_866 : i32
      scf.if %cond3A_867 {
        %add3A_965 = arith.constant 4 : i32
        %add3A_966 = arith.addi %add3A_821, %add3A_965 : i32
        %ge3A = arith.constant 8 : i32
        %ge3A_967 = arith.cmpi sge, %add3A_966, %ge3A : i32
        %convert_element_type3A_968 = arith.extui %ge3A_967 : i1 to i32
        %cond3A_969 = arith.constant 0 : i32
        %cond3A_970 = arith.cmpi ne, %convert_element_type3A_968, %cond3A_969 : i32
        scf.if %cond3A_970 {
          %dma_wait3A_988 = arith.constant 1 : i32
          %dma_wait3A_989 = arith.constant 1 : i32
          %dma_wait3A_990 = arith.constant 1 : i32
          %dma_wait3A_991 = arith.constant 0 : i32
          %dma_wait3A_992 = arith.constant 0 : i32
          %dma_wait3A_993 = tpu.memref_slice %arg7[%dma_wait3A_988, %dma_wait3A_991, %dma_wait3A_992] : memref<8x128x16xf32, #tpu.memory_space<vmem>> -> memref<1x128x16xf32, #tpu.memory_space<vmem>>
          %dma_wait3A_994 = tpu.memref_squeeze %dma_wait3A_993 : memref<1x128x16xf32, #tpu.memory_space<vmem>> -> memref<128x16xf32, #tpu.memory_space<vmem>>
          %dma_wait3A_995 = arith.constant 0 : i32
          %dma_wait3A_996 = tpu.memref_slice %arg6[%add3A_821, %dma_wait3A_989, %dma_wait3A_995] : memref<79x2x128xi32, #tpu.memory_space<vmem>> -> memref<1x1x128xi32, #tpu.memory_space<vmem>>
          %dma_wait3A_997 = tpu.memref_squeeze %dma_wait3A_996 : memref<1x1x128xi32, #tpu.memory_space<vmem>> -> memref<128xi32, #tpu.memory_space<vmem>>
          %dma_wait3A_998 = arith.constant 0 : i32
          %dma_wait3A_999 = arith.constant 0 : i32
          %dma_wait3A_1000 = tpu.memref_slice %arg11[%dma_wait3A_998, %dma_wait3A_999] : memref<10240x16xf32, #tpu.memory_space<vmem_shared>> -> memref<10240x16xf32, #tpu.memory_space<vmem_shared>>
          %dma_wait3A_1001 = tpu.memref_slice %arg15[%dma_wait3A_990] : memref<8x!tpu.dma_semaphore, #tpu.memory_space<semaphore_mem>> -> memref<1x!tpu.dma_semaphore, #tpu.memory_space<semaphore_mem>>
          %dma_wait3A_1002 = tpu.memref_squeeze %dma_wait3A_1001 : memref<1x!tpu.dma_semaphore, #tpu.memory_space<semaphore_mem>> -> memref<!tpu.dma_semaphore, #tpu.memory_space<semaphore_mem>>
          tpu.wait_indirect_dma semaphore(%dma_wait3A_1002 : memref<!tpu.dma_semaphore, #tpu.memory_space<semaphore_mem>>) src(%dma_wait3A_994 : memref<128x16xf32, #tpu.memory_space<vmem>>) dst(%dma_wait3A_1000 : memref<10240x16xf32, #tpu.memory_space<vmem_shared>>)
          %dma_wait3A_1003 = arith.constant 1 : i32
          %dma_wait3A_1004 = arith.constant 1 : i32
          %dma_wait3A_1005 = arith.constant 0 : i32
          %dma_wait3A_1006 = tpu.memref_slice %arg6[%add3A_821, %dma_wait3A_1003, %dma_wait3A_1005] : memref<79x2x128xi32, #tpu.memory_space<vmem>> -> memref<1x1x128xi32, #tpu.memory_space<vmem>>
          %dma_wait3A_1007 = tpu.memref_squeeze %dma_wait3A_1006 : memref<1x1x128xi32, #tpu.memory_space<vmem>> -> memref<128xi32, #tpu.memory_space<vmem>>
          %dma_wait3A_1008 = arith.constant 0 : i32
          %dma_wait3A_1009 = tpu.memref_slice %arg12[%dma_wait3A_1008] : memref<10240xf32, #tpu.memory_space<vmem_shared>> -> memref<10240xf32, #tpu.memory_space<vmem_shared>>
          %dma_wait3A_1010 = tpu.memref_slice %arg16[%dma_wait3A_1004] : memref<8x!tpu.dma_semaphore, #tpu.memory_space<semaphore_mem>> -> memref<1x!tpu.dma_semaphore, #tpu.memory_space<semaphore_mem>>
          %dma_wait3A_1011 = tpu.memref_squeeze %dma_wait3A_1010 : memref<1x!tpu.dma_semaphore, #tpu.memory_space<semaphore_mem>> -> memref<!tpu.dma_semaphore, #tpu.memory_space<semaphore_mem>>
          tpu.wait_indirect_dma semaphore(%dma_wait3A_1011 : memref<!tpu.dma_semaphore, #tpu.memory_space<semaphore_mem>>) src(%arg8 : memref<128xf32, #tpu.memory_space<vmem>>) dst(%dma_wait3A_1009 : memref<10240xf32, #tpu.memory_space<vmem_shared>>)
        } else {
        }
        %add3A_971 = arith.constant 4 : i32
        %add3A_972 = arith.addi %add3A_821, %add3A_971 : i32
        %dma_start3A_973 = arith.constant 0 : i32
        %dma_start3A_974 = arith.constant 1 : i32
        %dma_start3A_975 = arith.constant 1 : i32
        %dma_start3A_976 = arith.constant 0 : i32
        %dma_start3A_977 = arith.constant 0 : i32
        %dma_start3A_978 = tpu.memref_slice %arg7[%dma_start3A_974, %dma_start3A_976, %dma_start3A_977] : memref<8x128x16xf32, #tpu.memory_space<vmem>> -> memref<1x128x16xf32, #tpu.memory_space<vmem>>
        %dma_start3A_979 = tpu.memref_squeeze %dma_start3A_978 : memref<1x128x16xf32, #tpu.memory_space<vmem>> -> memref<128x16xf32, #tpu.memory_space<vmem>>
        %dma_start3A_980 = arith.constant 0 : i32
        %dma_start3A_981 = tpu.memref_slice %arg6[%add3A_972, %dma_start3A_973, %dma_start3A_980] : memref<79x2x128xi32, #tpu.memory_space<vmem>> -> memref<1x1x128xi32, #tpu.memory_space<vmem>>
        %dma_start3A_982 = tpu.memref_squeeze %dma_start3A_981 : memref<1x1x128xi32, #tpu.memory_space<vmem>> -> memref<128xi32, #tpu.memory_space<vmem>>
        %dma_start3A_983 = arith.constant 0 : i32
        %dma_start3A_984 = arith.constant 0 : i32
        %dma_start3A_985 = tpu.memref_slice %arg13[%dma_start3A_983, %dma_start3A_984] : memref<10000x16xf32, #tpu.memory_space<vmem_shared>> -> memref<10000x16xf32, #tpu.memory_space<vmem_shared>>
        %dma_start3A_986 = tpu.memref_slice %arg14[%dma_start3A_975] : memref<8x!tpu.dma_semaphore, #tpu.memory_space<semaphore_mem>> -> memref<1x!tpu.dma_semaphore, #tpu.memory_space<semaphore_mem>>
        %dma_start3A_987 = tpu.memref_squeeze %dma_start3A_986 : memref<1x!tpu.dma_semaphore, #tpu.memory_space<semaphore_mem>> -> memref<!tpu.dma_semaphore, #tpu.memory_space<semaphore_mem>>
        tpu.enqueue_indirect_dma source(%dma_start3A_985 : memref<10000x16xf32, #tpu.memory_space<vmem_shared>>) target(%dma_start3A_979 : memref<128x16xf32, #tpu.memory_space<vmem>>) offsets(%dma_start3A_982 : memref<128xi32, #tpu.memory_space<vmem>>) semaphore(%dma_start3A_987 : memref<!tpu.dma_semaphore, #tpu.memory_space<semaphore_mem>>)
      } else {
      }
      %add3A_868 = arith.constant 6 : i32
      %add3A_869 = arith.addi %mul3A_579, %add3A_868 : i32
      %dma_wait3A_870 = arith.constant 0 : i32
      %dma_wait3A_871 = arith.constant 6 : i32
      %dma_wait3A_872 = arith.constant 6 : i32
      %dma_wait3A_873 = arith.constant 0 : i32
      %dma_wait3A_874 = arith.constant 0 : i32
      %dma_wait3A_875 = tpu.memref_slice %arg7[%dma_wait3A_871, %dma_wait3A_873, %dma_wait3A_874] : memref<8x128x16xf32, #tpu.memory_space<vmem>> -> memref<1x128x16xf32, #tpu.memory_space<vmem>>
      %dma_wait3A_876 = tpu.memref_squeeze %dma_wait3A_875 : memref<1x128x16xf32, #tpu.memory_space<vmem>> -> memref<128x16xf32, #tpu.memory_space<vmem>>
      %dma_wait3A_877 = arith.constant 0 : i32
      %dma_wait3A_878 = tpu.memref_slice %arg6[%add3A_869, %dma_wait3A_870, %dma_wait3A_877] : memref<79x2x128xi32, #tpu.memory_space<vmem>> -> memref<1x1x128xi32, #tpu.memory_space<vmem>>
      %dma_wait3A_879 = tpu.memref_squeeze %dma_wait3A_878 : memref<1x1x128xi32, #tpu.memory_space<vmem>> -> memref<128xi32, #tpu.memory_space<vmem>>
      %dma_wait3A_880 = arith.constant 0 : i32
      %dma_wait3A_881 = arith.constant 0 : i32
      %dma_wait3A_882 = tpu.memref_slice %arg13[%dma_wait3A_880, %dma_wait3A_881] : memref<10000x16xf32, #tpu.memory_space<vmem_shared>> -> memref<10000x16xf32, #tpu.memory_space<vmem_shared>>
      %dma_wait3A_883 = tpu.memref_slice %arg14[%dma_wait3A_872] : memref<8x!tpu.dma_semaphore, #tpu.memory_space<semaphore_mem>> -> memref<1x!tpu.dma_semaphore, #tpu.memory_space<semaphore_mem>>
      %dma_wait3A_884 = tpu.memref_squeeze %dma_wait3A_883 : memref<1x!tpu.dma_semaphore, #tpu.memory_space<semaphore_mem>> -> memref<!tpu.dma_semaphore, #tpu.memory_space<semaphore_mem>>
      tpu.wait_indirect_dma semaphore(%dma_wait3A_884 : memref<!tpu.dma_semaphore, #tpu.memory_space<semaphore_mem>>) src(%dma_wait3A_882 : memref<10000x16xf32, #tpu.memory_space<vmem_shared>>) dst(%dma_wait3A_876 : memref<128x16xf32, #tpu.memory_space<vmem>>)
      %dma_start3A_885 = arith.constant 6 : i32
      %dma_start3A_886 = arith.constant 1 : i32
      %dma_start3A_887 = arith.constant 6 : i32
      %dma_start3A_888 = arith.constant 0 : i32
      %dma_start3A_889 = arith.constant 0 : i32
      %dma_start3A_890 = tpu.memref_slice %arg7[%dma_start3A_885, %dma_start3A_888, %dma_start3A_889] : memref<8x128x16xf32, #tpu.memory_space<vmem>> -> memref<1x128x16xf32, #tpu.memory_space<vmem>>
      %dma_start3A_891 = tpu.memref_squeeze %dma_start3A_890 : memref<1x128x16xf32, #tpu.memory_space<vmem>> -> memref<128x16xf32, #tpu.memory_space<vmem>>
      %dma_start3A_892 = arith.constant 0 : i32
      %dma_start3A_893 = tpu.memref_slice %arg6[%add3A_869, %dma_start3A_886, %dma_start3A_892] : memref<79x2x128xi32, #tpu.memory_space<vmem>> -> memref<1x1x128xi32, #tpu.memory_space<vmem>>
      %dma_start3A_894 = tpu.memref_squeeze %dma_start3A_893 : memref<1x1x128xi32, #tpu.memory_space<vmem>> -> memref<128xi32, #tpu.memory_space<vmem>>
      %dma_start3A_895 = arith.constant 0 : i32
      %dma_start3A_896 = arith.constant 0 : i32
      %dma_start3A_897 = tpu.memref_slice %arg11[%dma_start3A_895, %dma_start3A_896] : memref<10240x16xf32, #tpu.memory_space<vmem_shared>> -> memref<10240x16xf32, #tpu.memory_space<vmem_shared>>
      %dma_start3A_898 = tpu.memref_slice %arg15[%dma_start3A_887] : memref<8x!tpu.dma_semaphore, #tpu.memory_space<semaphore_mem>> -> memref<1x!tpu.dma_semaphore, #tpu.memory_space<semaphore_mem>>
      %dma_start3A_899 = tpu.memref_squeeze %dma_start3A_898 : memref<1x!tpu.dma_semaphore, #tpu.memory_space<semaphore_mem>> -> memref<!tpu.dma_semaphore, #tpu.memory_space<semaphore_mem>>
      tpu.enqueue_indirect_dma source(%dma_start3A_891 : memref<128x16xf32, #tpu.memory_space<vmem>>) target(%dma_start3A_897 : memref<10240x16xf32, #tpu.memory_space<vmem_shared>>) offsets(%dma_start3A_894 : memref<128xi32, #tpu.memory_space<vmem>>) semaphore(%dma_start3A_899 : memref<!tpu.dma_semaphore, #tpu.memory_space<semaphore_mem>>) {add = true}
      %dma_start3A_900 = arith.constant 1 : i32
      %dma_start3A_901 = arith.constant 6 : i32
      %dma_start3A_902 = arith.constant 0 : i32
      %dma_start3A_903 = tpu.memref_slice %arg6[%add3A_869, %dma_start3A_900, %dma_start3A_902] : memref<79x2x128xi32, #tpu.memory_space<vmem>> -> memref<1x1x128xi32, #tpu.memory_space<vmem>>
      %dma_start3A_904 = tpu.memref_squeeze %dma_start3A_903 : memref<1x1x128xi32, #tpu.memory_space<vmem>> -> memref<128xi32, #tpu.memory_space<vmem>>
      %dma_start3A_905 = arith.constant 0 : i32
      %dma_start3A_906 = tpu.memref_slice %arg12[%dma_start3A_905] : memref<10240xf32, #tpu.memory_space<vmem_shared>> -> memref<10240xf32, #tpu.memory_space<vmem_shared>>
      %dma_start3A_907 = tpu.memref_slice %arg16[%dma_start3A_901] : memref<8x!tpu.dma_semaphore, #tpu.memory_space<semaphore_mem>> -> memref<1x!tpu.dma_semaphore, #tpu.memory_space<semaphore_mem>>
      %dma_start3A_908 = tpu.memref_squeeze %dma_start3A_907 : memref<1x!tpu.dma_semaphore, #tpu.memory_space<semaphore_mem>> -> memref<!tpu.dma_semaphore, #tpu.memory_space<semaphore_mem>>
      tpu.enqueue_indirect_dma source(%arg8 : memref<128xf32, #tpu.memory_space<vmem>>) target(%dma_start3A_906 : memref<10240xf32, #tpu.memory_space<vmem_shared>>) offsets(%dma_start3A_904 : memref<128xi32, #tpu.memory_space<vmem>>) semaphore(%dma_start3A_908 : memref<!tpu.dma_semaphore, #tpu.memory_space<semaphore_mem>>) {add = true}
      %add3A_909 = arith.constant 4 : i32
      %add3A_910 = arith.addi %add3A_869, %add3A_909 : i32
      %lt3A_911 = arith.constant 72 : i32
      %lt3A_912 = arith.cmpi slt, %add3A_910, %lt3A_911 : i32
      %convert_element_type3A_913 = arith.extui %lt3A_912 : i1 to i32
      %cond3A_914 = arith.constant 0 : i32
      %cond3A_915 = arith.cmpi ne, %convert_element_type3A_913, %cond3A_914 : i32
      scf.if %cond3A_915 {
        %add3A_965 = arith.constant 4 : i32
        %add3A_966 = arith.addi %add3A_869, %add3A_965 : i32
        %ge3A = arith.constant 8 : i32
        %ge3A_967 = arith.cmpi sge, %add3A_966, %ge3A : i32
        %convert_element_type3A_968 = arith.extui %ge3A_967 : i1 to i32
        %cond3A_969 = arith.constant 0 : i32
        %cond3A_970 = arith.cmpi ne, %convert_element_type3A_968, %cond3A_969 : i32
        scf.if %cond3A_970 {
          %dma_wait3A_988 = arith.constant 2 : i32
          %dma_wait3A_989 = arith.constant 1 : i32
          %dma_wait3A_990 = arith.constant 2 : i32
          %dma_wait3A_991 = arith.constant 0 : i32
          %dma_wait3A_992 = arith.constant 0 : i32
          %dma_wait3A_993 = tpu.memref_slice %arg7[%dma_wait3A_988, %dma_wait3A_991, %dma_wait3A_992] : memref<8x128x16xf32, #tpu.memory_space<vmem>> -> memref<1x128x16xf32, #tpu.memory_space<vmem>>
          %dma_wait3A_994 = tpu.memref_squeeze %dma_wait3A_993 : memref<1x128x16xf32, #tpu.memory_space<vmem>> -> memref<128x16xf32, #tpu.memory_space<vmem>>
          %dma_wait3A_995 = arith.constant 0 : i32
          %dma_wait3A_996 = tpu.memref_slice %arg6[%add3A_869, %dma_wait3A_989, %dma_wait3A_995] : memref<79x2x128xi32, #tpu.memory_space<vmem>> -> memref<1x1x128xi32, #tpu.memory_space<vmem>>
          %dma_wait3A_997 = tpu.memref_squeeze %dma_wait3A_996 : memref<1x1x128xi32, #tpu.memory_space<vmem>> -> memref<128xi32, #tpu.memory_space<vmem>>
          %dma_wait3A_998 = arith.constant 0 : i32
          %dma_wait3A_999 = arith.constant 0 : i32
          %dma_wait3A_1000 = tpu.memref_slice %arg11[%dma_wait3A_998, %dma_wait3A_999] : memref<10240x16xf32, #tpu.memory_space<vmem_shared>> -> memref<10240x16xf32, #tpu.memory_space<vmem_shared>>
          %dma_wait3A_1001 = tpu.memref_slice %arg15[%dma_wait3A_990] : memref<8x!tpu.dma_semaphore, #tpu.memory_space<semaphore_mem>> -> memref<1x!tpu.dma_semaphore, #tpu.memory_space<semaphore_mem>>
          %dma_wait3A_1002 = tpu.memref_squeeze %dma_wait3A_1001 : memref<1x!tpu.dma_semaphore, #tpu.memory_space<semaphore_mem>> -> memref<!tpu.dma_semaphore, #tpu.memory_space<semaphore_mem>>
          tpu.wait_indirect_dma semaphore(%dma_wait3A_1002 : memref<!tpu.dma_semaphore, #tpu.memory_space<semaphore_mem>>) src(%dma_wait3A_994 : memref<128x16xf32, #tpu.memory_space<vmem>>) dst(%dma_wait3A_1000 : memref<10240x16xf32, #tpu.memory_space<vmem_shared>>)
          %dma_wait3A_1003 = arith.constant 1 : i32
          %dma_wait3A_1004 = arith.constant 2 : i32
          %dma_wait3A_1005 = arith.constant 0 : i32
          %dma_wait3A_1006 = tpu.memref_slice %arg6[%add3A_869, %dma_wait3A_1003, %dma_wait3A_1005] : memref<79x2x128xi32, #tpu.memory_space<vmem>> -> memref<1x1x128xi32, #tpu.memory_space<vmem>>
          %dma_wait3A_1007 = tpu.memref_squeeze %dma_wait3A_1006 : memref<1x1x128xi32, #tpu.memory_space<vmem>> -> memref<128xi32, #tpu.memory_space<vmem>>
          %dma_wait3A_1008 = arith.constant 0 : i32
          %dma_wait3A_1009 = tpu.memref_slice %arg12[%dma_wait3A_1008] : memref<10240xf32, #tpu.memory_space<vmem_shared>> -> memref<10240xf32, #tpu.memory_space<vmem_shared>>
          %dma_wait3A_1010 = tpu.memref_slice %arg16[%dma_wait3A_1004] : memref<8x!tpu.dma_semaphore, #tpu.memory_space<semaphore_mem>> -> memref<1x!tpu.dma_semaphore, #tpu.memory_space<semaphore_mem>>
          %dma_wait3A_1011 = tpu.memref_squeeze %dma_wait3A_1010 : memref<1x!tpu.dma_semaphore, #tpu.memory_space<semaphore_mem>> -> memref<!tpu.dma_semaphore, #tpu.memory_space<semaphore_mem>>
          tpu.wait_indirect_dma semaphore(%dma_wait3A_1011 : memref<!tpu.dma_semaphore, #tpu.memory_space<semaphore_mem>>) src(%arg8 : memref<128xf32, #tpu.memory_space<vmem>>) dst(%dma_wait3A_1009 : memref<10240xf32, #tpu.memory_space<vmem_shared>>)
        } else {
        }
        %add3A_971 = arith.constant 4 : i32
        %add3A_972 = arith.addi %add3A_869, %add3A_971 : i32
        %dma_start3A_973 = arith.constant 0 : i32
        %dma_start3A_974 = arith.constant 2 : i32
        %dma_start3A_975 = arith.constant 2 : i32
        %dma_start3A_976 = arith.constant 0 : i32
        %dma_start3A_977 = arith.constant 0 : i32
        %dma_start3A_978 = tpu.memref_slice %arg7[%dma_start3A_974, %dma_start3A_976, %dma_start3A_977] : memref<8x128x16xf32, #tpu.memory_space<vmem>> -> memref<1x128x16xf32, #tpu.memory_space<vmem>>
        %dma_start3A_979 = tpu.memref_squeeze %dma_start3A_978 : memref<1x128x16xf32, #tpu.memory_space<vmem>> -> memref<128x16xf32, #tpu.memory_space<vmem>>
        %dma_start3A_980 = arith.constant 0 : i32
        %dma_start3A_981 = tpu.memref_slice %arg6[%add3A_972, %dma_start3A_973, %dma_start3A_980] : memref<79x2x128xi32, #tpu.memory_space<vmem>> -> memref<1x1x128xi32, #tpu.memory_space<vmem>>
        %dma_start3A_982 = tpu.memref_squeeze %dma_start3A_981 : memref<1x1x128xi32, #tpu.memory_space<vmem>> -> memref<128xi32, #tpu.memory_space<vmem>>
        %dma_start3A_983 = arith.constant 0 : i32
        %dma_start3A_984 = arith.constant 0 : i32
        %dma_start3A_985 = tpu.memref_slice %arg13[%dma_start3A_983, %dma_start3A_984] : memref<10000x16xf32, #tpu.memory_space<vmem_shared>> -> memref<10000x16xf32, #tpu.memory_space<vmem_shared>>
        %dma_start3A_986 = tpu.memref_slice %arg14[%dma_start3A_975] : memref<8x!tpu.dma_semaphore, #tpu.memory_space<semaphore_mem>> -> memref<1x!tpu.dma_semaphore, #tpu.memory_space<semaphore_mem>>
        %dma_start3A_987 = tpu.memref_squeeze %dma_start3A_986 : memref<1x!tpu.dma_semaphore, #tpu.memory_space<semaphore_mem>> -> memref<!tpu.dma_semaphore, #tpu.memory_space<semaphore_mem>>
        tpu.enqueue_indirect_dma source(%dma_start3A_985 : memref<10000x16xf32, #tpu.memory_space<vmem_shared>>) target(%dma_start3A_979 : memref<128x16xf32, #tpu.memory_space<vmem>>) offsets(%dma_start3A_982 : memref<128xi32, #tpu.memory_space<vmem>>) semaphore(%dma_start3A_987 : memref<!tpu.dma_semaphore, #tpu.memory_space<semaphore_mem>>)
      } else {
      }
      %add3A_916 = arith.constant 7 : i32
      %add3A_917 = arith.addi %mul3A_579, %add3A_916 : i32
      %dma_wait3A_918 = arith.constant 0 : i32
      %dma_wait3A_919 = arith.constant 7 : i32
      %dma_wait3A_920 = arith.constant 7 : i32
      %dma_wait3A_921 = arith.constant 0 : i32
      %dma_wait3A_922 = arith.constant 0 : i32
      %dma_wait3A_923 = tpu.memref_slice %arg7[%dma_wait3A_919, %dma_wait3A_921, %dma_wait3A_922] : memref<8x128x16xf32, #tpu.memory_space<vmem>> -> memref<1x128x16xf32, #tpu.memory_space<vmem>>
      %dma_wait3A_924 = tpu.memref_squeeze %dma_wait3A_923 : memref<1x128x16xf32, #tpu.memory_space<vmem>> -> memref<128x16xf32, #tpu.memory_space<vmem>>
      %dma_wait3A_925 = arith.constant 0 : i32
      %dma_wait3A_926 = tpu.memref_slice %arg6[%add3A_917, %dma_wait3A_918, %dma_wait3A_925] : memref<79x2x128xi32, #tpu.memory_space<vmem>> -> memref<1x1x128xi32, #tpu.memory_space<vmem>>
      %dma_wait3A_927 = tpu.memref_squeeze %dma_wait3A_926 : memref<1x1x128xi32, #tpu.memory_space<vmem>> -> memref<128xi32, #tpu.memory_space<vmem>>
      %dma_wait3A_928 = arith.constant 0 : i32
      %dma_wait3A_929 = arith.constant 0 : i32
      %dma_wait3A_930 = tpu.memref_slice %arg13[%dma_wait3A_928, %dma_wait3A_929] : memref<10000x16xf32, #tpu.memory_space<vmem_shared>> -> memref<10000x16xf32, #tpu.memory_space<vmem_shared>>
      %dma_wait3A_931 = tpu.memref_slice %arg14[%dma_wait3A_920] : memref<8x!tpu.dma_semaphore, #tpu.memory_space<semaphore_mem>> -> memref<1x!tpu.dma_semaphore, #tpu.memory_space<semaphore_mem>>
      %dma_wait3A_932 = tpu.memref_squeeze %dma_wait3A_931 : memref<1x!tpu.dma_semaphore, #tpu.memory_space<semaphore_mem>> -> memref<!tpu.dma_semaphore, #tpu.memory_space<semaphore_mem>>
      tpu.wait_indirect_dma semaphore(%dma_wait3A_932 : memref<!tpu.dma_semaphore, #tpu.memory_space<semaphore_mem>>) src(%dma_wait3A_930 : memref<10000x16xf32, #tpu.memory_space<vmem_shared>>) dst(%dma_wait3A_924 : memref<128x16xf32, #tpu.memory_space<vmem>>)
      %dma_start3A_933 = arith.constant 7 : i32
      %dma_start3A_934 = arith.constant 1 : i32
      %dma_start3A_935 = arith.constant 7 : i32
      %dma_start3A_936 = arith.constant 0 : i32
      %dma_start3A_937 = arith.constant 0 : i32
      %dma_start3A_938 = tpu.memref_slice %arg7[%dma_start3A_933, %dma_start3A_936, %dma_start3A_937] : memref<8x128x16xf32, #tpu.memory_space<vmem>> -> memref<1x128x16xf32, #tpu.memory_space<vmem>>
      %dma_start3A_939 = tpu.memref_squeeze %dma_start3A_938 : memref<1x128x16xf32, #tpu.memory_space<vmem>> -> memref<128x16xf32, #tpu.memory_space<vmem>>
      %dma_start3A_940 = arith.constant 0 : i32
      %dma_start3A_941 = tpu.memref_slice %arg6[%add3A_917, %dma_start3A_934, %dma_start3A_940] : memref<79x2x128xi32, #tpu.memory_space<vmem>> -> memref<1x1x128xi32, #tpu.memory_space<vmem>>
      %dma_start3A_942 = tpu.memref_squeeze %dma_start3A_941 : memref<1x1x128xi32, #tpu.memory_space<vmem>> -> memref<128xi32, #tpu.memory_space<vmem>>
      %dma_start3A_943 = arith.constant 0 : i32
      %dma_start3A_944 = arith.constant 0 : i32
      %dma_start3A_945 = tpu.memref_slice %arg11[%dma_start3A_943, %dma_start3A_944] : memref<10240x16xf32, #tpu.memory_space<vmem_shared>> -> memref<10240x16xf32, #tpu.memory_space<vmem_shared>>
      %dma_start3A_946 = tpu.memref_slice %arg15[%dma_start3A_935] : memref<8x!tpu.dma_semaphore, #tpu.memory_space<semaphore_mem>> -> memref<1x!tpu.dma_semaphore, #tpu.memory_space<semaphore_mem>>
      %dma_start3A_947 = tpu.memref_squeeze %dma_start3A_946 : memref<1x!tpu.dma_semaphore, #tpu.memory_space<semaphore_mem>> -> memref<!tpu.dma_semaphore, #tpu.memory_space<semaphore_mem>>
      tpu.enqueue_indirect_dma source(%dma_start3A_939 : memref<128x16xf32, #tpu.memory_space<vmem>>) target(%dma_start3A_945 : memref<10240x16xf32, #tpu.memory_space<vmem_shared>>) offsets(%dma_start3A_942 : memref<128xi32, #tpu.memory_space<vmem>>) semaphore(%dma_start3A_947 : memref<!tpu.dma_semaphore, #tpu.memory_space<semaphore_mem>>) {add = true}
      %dma_start3A_948 = arith.constant 1 : i32
      %dma_start3A_949 = arith.constant 7 : i32
      %dma_start3A_950 = arith.constant 0 : i32
      %dma_start3A_951 = tpu.memref_slice %arg6[%add3A_917, %dma_start3A_948, %dma_start3A_950] : memref<79x2x128xi32, #tpu.memory_space<vmem>> -> memref<1x1x128xi32, #tpu.memory_space<vmem>>
      %dma_start3A_952 = tpu.memref_squeeze %dma_start3A_951 : memref<1x1x128xi32, #tpu.memory_space<vmem>> -> memref<128xi32, #tpu.memory_space<vmem>>
      %dma_start3A_953 = arith.constant 0 : i32
      %dma_start3A_954 = tpu.memref_slice %arg12[%dma_start3A_953] : memref<10240xf32, #tpu.memory_space<vmem_shared>> -> memref<10240xf32, #tpu.memory_space<vmem_shared>>
      %dma_start3A_955 = tpu.memref_slice %arg16[%dma_start3A_949] : memref<8x!tpu.dma_semaphore, #tpu.memory_space<semaphore_mem>> -> memref<1x!tpu.dma_semaphore, #tpu.memory_space<semaphore_mem>>
      %dma_start3A_956 = tpu.memref_squeeze %dma_start3A_955 : memref<1x!tpu.dma_semaphore, #tpu.memory_space<semaphore_mem>> -> memref<!tpu.dma_semaphore, #tpu.memory_space<semaphore_mem>>
      tpu.enqueue_indirect_dma source(%arg8 : memref<128xf32, #tpu.memory_space<vmem>>) target(%dma_start3A_954 : memref<10240xf32, #tpu.memory_space<vmem_shared>>) offsets(%dma_start3A_952 : memref<128xi32, #tpu.memory_space<vmem>>) semaphore(%dma_start3A_956 : memref<!tpu.dma_semaphore, #tpu.memory_space<semaphore_mem>>) {add = true}
      %add3A_957 = arith.constant 4 : i32
      %add3A_958 = arith.addi %add3A_917, %add3A_957 : i32
      %lt3A_959 = arith.constant 72 : i32
      %lt3A_960 = arith.cmpi slt, %add3A_958, %lt3A_959 : i32
      %convert_element_type3A_961 = arith.extui %lt3A_960 : i1 to i32
      %cond3A_962 = arith.constant 0 : i32
      %cond3A_963 = arith.cmpi ne, %convert_element_type3A_961, %cond3A_962 : i32
      scf.if %cond3A_963 {
        %add3A_965 = arith.constant 4 : i32
        %add3A_966 = arith.addi %add3A_917, %add3A_965 : i32
        %ge3A = arith.constant 8 : i32
        %ge3A_967 = arith.cmpi sge, %add3A_966, %ge3A : i32
        %convert_element_type3A_968 = arith.extui %ge3A_967 : i1 to i32
        %cond3A_969 = arith.constant 0 : i32
        %cond3A_970 = arith.cmpi ne, %convert_element_type3A_968, %cond3A_969 : i32
        scf.if %cond3A_970 {
          %dma_wait3A_988 = arith.constant 3 : i32
          %dma_wait3A_989 = arith.constant 1 : i32
          %dma_wait3A_990 = arith.constant 3 : i32
          %dma_wait3A_991 = arith.constant 0 : i32
          %dma_wait3A_992 = arith.constant 0 : i32
          %dma_wait3A_993 = tpu.memref_slice %arg7[%dma_wait3A_988, %dma_wait3A_991, %dma_wait3A_992] : memref<8x128x16xf32, #tpu.memory_space<vmem>> -> memref<1x128x16xf32, #tpu.memory_space<vmem>>
          %dma_wait3A_994 = tpu.memref_squeeze %dma_wait3A_993 : memref<1x128x16xf32, #tpu.memory_space<vmem>> -> memref<128x16xf32, #tpu.memory_space<vmem>>
          %dma_wait3A_995 = arith.constant 0 : i32
          %dma_wait3A_996 = tpu.memref_slice %arg6[%add3A_917, %dma_wait3A_989, %dma_wait3A_995] : memref<79x2x128xi32, #tpu.memory_space<vmem>> -> memref<1x1x128xi32, #tpu.memory_space<vmem>>
          %dma_wait3A_997 = tpu.memref_squeeze %dma_wait3A_996 : memref<1x1x128xi32, #tpu.memory_space<vmem>> -> memref<128xi32, #tpu.memory_space<vmem>>
          %dma_wait3A_998 = arith.constant 0 : i32
          %dma_wait3A_999 = arith.constant 0 : i32
          %dma_wait3A_1000 = tpu.memref_slice %arg11[%dma_wait3A_998, %dma_wait3A_999] : memref<10240x16xf32, #tpu.memory_space<vmem_shared>> -> memref<10240x16xf32, #tpu.memory_space<vmem_shared>>
          %dma_wait3A_1001 = tpu.memref_slice %arg15[%dma_wait3A_990] : memref<8x!tpu.dma_semaphore, #tpu.memory_space<semaphore_mem>> -> memref<1x!tpu.dma_semaphore, #tpu.memory_space<semaphore_mem>>
          %dma_wait3A_1002 = tpu.memref_squeeze %dma_wait3A_1001 : memref<1x!tpu.dma_semaphore, #tpu.memory_space<semaphore_mem>> -> memref<!tpu.dma_semaphore, #tpu.memory_space<semaphore_mem>>
          tpu.wait_indirect_dma semaphore(%dma_wait3A_1002 : memref<!tpu.dma_semaphore, #tpu.memory_space<semaphore_mem>>) src(%dma_wait3A_994 : memref<128x16xf32, #tpu.memory_space<vmem>>) dst(%dma_wait3A_1000 : memref<10240x16xf32, #tpu.memory_space<vmem_shared>>)
          %dma_wait3A_1003 = arith.constant 1 : i32
          %dma_wait3A_1004 = arith.constant 3 : i32
          %dma_wait3A_1005 = arith.constant 0 : i32
          %dma_wait3A_1006 = tpu.memref_slice %arg6[%add3A_917, %dma_wait3A_1003, %dma_wait3A_1005] : memref<79x2x128xi32, #tpu.memory_space<vmem>> -> memref<1x1x128xi32, #tpu.memory_space<vmem>>
          %dma_wait3A_1007 = tpu.memref_squeeze %dma_wait3A_1006 : memref<1x1x128xi32, #tpu.memory_space<vmem>> -> memref<128xi32, #tpu.memory_space<vmem>>
          %dma_wait3A_1008 = arith.constant 0 : i32
          %dma_wait3A_1009 = tpu.memref_slice %arg12[%dma_wait3A_1008] : memref<10240xf32, #tpu.memory_space<vmem_shared>> -> memref<10240xf32, #tpu.memory_space<vmem_shared>>
          %dma_wait3A_1010 = tpu.memref_slice %arg16[%dma_wait3A_1004] : memref<8x!tpu.dma_semaphore, #tpu.memory_space<semaphore_mem>> -> memref<1x!tpu.dma_semaphore, #tpu.memory_space<semaphore_mem>>
          %dma_wait3A_1011 = tpu.memref_squeeze %dma_wait3A_1010 : memref<1x!tpu.dma_semaphore, #tpu.memory_space<semaphore_mem>> -> memref<!tpu.dma_semaphore, #tpu.memory_space<semaphore_mem>>
          tpu.wait_indirect_dma semaphore(%dma_wait3A_1011 : memref<!tpu.dma_semaphore, #tpu.memory_space<semaphore_mem>>) src(%arg8 : memref<128xf32, #tpu.memory_space<vmem>>) dst(%dma_wait3A_1009 : memref<10240xf32, #tpu.memory_space<vmem_shared>>)
        } else {
        }
        %add3A_971 = arith.constant 4 : i32
        %add3A_972 = arith.addi %add3A_917, %add3A_971 : i32
        %dma_start3A_973 = arith.constant 0 : i32
        %dma_start3A_974 = arith.constant 3 : i32
        %dma_start3A_975 = arith.constant 3 : i32
        %dma_start3A_976 = arith.constant 0 : i32
        %dma_start3A_977 = arith.constant 0 : i32
        %dma_start3A_978 = tpu.memref_slice %arg7[%dma_start3A_974, %dma_start3A_976, %dma_start3A_977] : memref<8x128x16xf32, #tpu.memory_space<vmem>> -> memref<1x128x16xf32, #tpu.memory_space<vmem>>
        %dma_start3A_979 = tpu.memref_squeeze %dma_start3A_978 : memref<1x128x16xf32, #tpu.memory_space<vmem>> -> memref<128x16xf32, #tpu.memory_space<vmem>>
        %dma_start3A_980 = arith.constant 0 : i32
        %dma_start3A_981 = tpu.memref_slice %arg6[%add3A_972, %dma_start3A_973, %dma_start3A_980] : memref<79x2x128xi32, #tpu.memory_space<vmem>> -> memref<1x1x128xi32, #tpu.memory_space<vmem>>
        %dma_start3A_982 = tpu.memref_squeeze %dma_start3A_981 : memref<1x1x128xi32, #tpu.memory_space<vmem>> -> memref<128xi32, #tpu.memory_space<vmem>>
        %dma_start3A_983 = arith.constant 0 : i32
        %dma_start3A_984 = arith.constant 0 : i32
        %dma_start3A_985 = tpu.memref_slice %arg13[%dma_start3A_983, %dma_start3A_984] : memref<10000x16xf32, #tpu.memory_space<vmem_shared>> -> memref<10000x16xf32, #tpu.memory_space<vmem_shared>>
        %dma_start3A_986 = tpu.memref_slice %arg14[%dma_start3A_975] : memref<8x!tpu.dma_semaphore, #tpu.memory_space<semaphore_mem>> -> memref<1x!tpu.dma_semaphore, #tpu.memory_space<semaphore_mem>>
        %dma_start3A_987 = tpu.memref_squeeze %dma_start3A_986 : memref<1x!tpu.dma_semaphore, #tpu.memory_space<semaphore_mem>> -> memref<!tpu.dma_semaphore, #tpu.memory_space<semaphore_mem>>
        tpu.enqueue_indirect_dma source(%dma_start3A_985 : memref<10000x16xf32, #tpu.memory_space<vmem_shared>>) target(%dma_start3A_979 : memref<128x16xf32, #tpu.memory_space<vmem>>) offsets(%dma_start3A_982 : memref<128xi32, #tpu.memory_space<vmem>>) semaphore(%dma_start3A_987 : memref<!tpu.dma_semaphore, #tpu.memory_space<semaphore_mem>>)
      } else {
      }
      %scan3A_964 = arith.constant 0 : i32
      scf.yield %scan3A_964 : i32
    }
    %scan3A_139 = arith.constant 9 : i32
    %dma_wait3A = arith.constant 0 : i32
    %dma_wait3A_140 = arith.constant 0 : i32
    %dma_wait3A_141 = arith.constant 1 : i32
    %dma_wait3A_142 = arith.constant 0 : i32
    %dma_wait3A_143 = arith.constant 0 : i32
    %dma_wait3A_144 = arith.constant 0 : i32
    %dma_wait3A_145 = tpu.memref_slice %arg7[%dma_wait3A, %dma_wait3A_143, %dma_wait3A_144] : memref<8x128x16xf32, #tpu.memory_space<vmem>> -> memref<1x128x16xf32, #tpu.memory_space<vmem>>
    %dma_wait3A_146 = tpu.memref_squeeze %dma_wait3A_145 : memref<1x128x16xf32, #tpu.memory_space<vmem>> -> memref<128x16xf32, #tpu.memory_space<vmem>>
    %dma_wait3A_147 = arith.constant 0 : i32
    %dma_wait3A_148 = tpu.memref_slice %arg6[%dma_wait3A_140, %dma_wait3A_141, %dma_wait3A_147] : memref<79x2x128xi32, #tpu.memory_space<vmem>> -> memref<1x1x128xi32, #tpu.memory_space<vmem>>
    %dma_wait3A_149 = tpu.memref_squeeze %dma_wait3A_148 : memref<1x1x128xi32, #tpu.memory_space<vmem>> -> memref<128xi32, #tpu.memory_space<vmem>>
    %dma_wait3A_150 = arith.constant 0 : i32
    %dma_wait3A_151 = arith.constant 0 : i32
    %dma_wait3A_152 = tpu.memref_slice %arg11[%dma_wait3A_150, %dma_wait3A_151] : memref<10240x16xf32, #tpu.memory_space<vmem_shared>> -> memref<10240x16xf32, #tpu.memory_space<vmem_shared>>
    %dma_wait3A_153 = tpu.memref_slice %arg15[%dma_wait3A_142] : memref<8x!tpu.dma_semaphore, #tpu.memory_space<semaphore_mem>> -> memref<1x!tpu.dma_semaphore, #tpu.memory_space<semaphore_mem>>
    %dma_wait3A_154 = tpu.memref_squeeze %dma_wait3A_153 : memref<1x!tpu.dma_semaphore, #tpu.memory_space<semaphore_mem>> -> memref<!tpu.dma_semaphore, #tpu.memory_space<semaphore_mem>>
    tpu.wait_indirect_dma semaphore(%dma_wait3A_154 : memref<!tpu.dma_semaphore, #tpu.memory_space<semaphore_mem>>) src(%dma_wait3A_146 : memref<128x16xf32, #tpu.memory_space<vmem>>) dst(%dma_wait3A_152 : memref<10240x16xf32, #tpu.memory_space<vmem_shared>>)
    %dma_wait3A_155 = arith.constant 0 : i32
    %dma_wait3A_156 = arith.constant 1 : i32
    %dma_wait3A_157 = arith.constant 0 : i32
    %dma_wait3A_158 = arith.constant 0 : i32
    %dma_wait3A_159 = tpu.memref_slice %arg6[%dma_wait3A_155, %dma_wait3A_156, %dma_wait3A_158] : memref<79x2x128xi32, #tpu.memory_space<vmem>> -> memref<1x1x128xi32, #tpu.memory_space<vmem>>
    %dma_wait3A_160 = tpu.memref_squeeze %dma_wait3A_159 : memref<1x1x128xi32, #tpu.memory_space<vmem>> -> memref<128xi32, #tpu.memory_space<vmem>>
    %dma_wait3A_161 = arith.constant 0 : i32
    %dma_wait3A_162 = tpu.memref_slice %arg12[%dma_wait3A_161] : memref<10240xf32, #tpu.memory_space<vmem_shared>> -> memref<10240xf32, #tpu.memory_space<vmem_shared>>
    %dma_wait3A_163 = tpu.memref_slice %arg16[%dma_wait3A_157] : memref<8x!tpu.dma_semaphore, #tpu.memory_space<semaphore_mem>> -> memref<1x!tpu.dma_semaphore, #tpu.memory_space<semaphore_mem>>
    %dma_wait3A_164 = tpu.memref_squeeze %dma_wait3A_163 : memref<1x!tpu.dma_semaphore, #tpu.memory_space<semaphore_mem>> -> memref<!tpu.dma_semaphore, #tpu.memory_space<semaphore_mem>>
    tpu.wait_indirect_dma semaphore(%dma_wait3A_164 : memref<!tpu.dma_semaphore, #tpu.memory_space<semaphore_mem>>) src(%arg8 : memref<128xf32, #tpu.memory_space<vmem>>) dst(%dma_wait3A_162 : memref<10240xf32, #tpu.memory_space<vmem_shared>>)
    %dma_wait3A_165 = arith.constant 1 : i32
    %dma_wait3A_166 = arith.constant 0 : i32
    %dma_wait3A_167 = arith.constant 1 : i32
    %dma_wait3A_168 = arith.constant 1 : i32
    %dma_wait3A_169 = arith.constant 0 : i32
    %dma_wait3A_170 = arith.constant 0 : i32
    %dma_wait3A_171 = tpu.memref_slice %arg7[%dma_wait3A_165, %dma_wait3A_169, %dma_wait3A_170] : memref<8x128x16xf32, #tpu.memory_space<vmem>> -> memref<1x128x16xf32, #tpu.memory_space<vmem>>
    %dma_wait3A_172 = tpu.memref_squeeze %dma_wait3A_171 : memref<1x128x16xf32, #tpu.memory_space<vmem>> -> memref<128x16xf32, #tpu.memory_space<vmem>>
    %dma_wait3A_173 = arith.constant 0 : i32
    %dma_wait3A_174 = tpu.memref_slice %arg6[%dma_wait3A_166, %dma_wait3A_167, %dma_wait3A_173] : memref<79x2x128xi32, #tpu.memory_space<vmem>> -> memref<1x1x128xi32, #tpu.memory_space<vmem>>
    %dma_wait3A_175 = tpu.memref_squeeze %dma_wait3A_174 : memref<1x1x128xi32, #tpu.memory_space<vmem>> -> memref<128xi32, #tpu.memory_space<vmem>>
    %dma_wait3A_176 = arith.constant 0 : i32
    %dma_wait3A_177 = arith.constant 0 : i32
    %dma_wait3A_178 = tpu.memref_slice %arg11[%dma_wait3A_176, %dma_wait3A_177] : memref<10240x16xf32, #tpu.memory_space<vmem_shared>> -> memref<10240x16xf32, #tpu.memory_space<vmem_shared>>
    %dma_wait3A_179 = tpu.memref_slice %arg15[%dma_wait3A_168] : memref<8x!tpu.dma_semaphore, #tpu.memory_space<semaphore_mem>> -> memref<1x!tpu.dma_semaphore, #tpu.memory_space<semaphore_mem>>
    %dma_wait3A_180 = tpu.memref_squeeze %dma_wait3A_179 : memref<1x!tpu.dma_semaphore, #tpu.memory_space<semaphore_mem>> -> memref<!tpu.dma_semaphore, #tpu.memory_space<semaphore_mem>>
    tpu.wait_indirect_dma semaphore(%dma_wait3A_180 : memref<!tpu.dma_semaphore, #tpu.memory_space<semaphore_mem>>) src(%dma_wait3A_172 : memref<128x16xf32, #tpu.memory_space<vmem>>) dst(%dma_wait3A_178 : memref<10240x16xf32, #tpu.memory_space<vmem_shared>>)
    %dma_wait3A_181 = arith.constant 0 : i32
    %dma_wait3A_182 = arith.constant 1 : i32
    %dma_wait3A_183 = arith.constant 1 : i32
    %dma_wait3A_184 = arith.constant 0 : i32
    %dma_wait3A_185 = tpu.memref_slice %arg6[%dma_wait3A_181, %dma_wait3A_182, %dma_wait3A_184] : memref<79x2x128xi32, #tpu.memory_space<vmem>> -> memref<1x1x128xi32, #tpu.memory_space<vmem>>
    %dma_wait3A_186 = tpu.memref_squeeze %dma_wait3A_185 : memref<1x1x128xi32, #tpu.memory_space<vmem>> -> memref<128xi32, #tpu.memory_space<vmem>>
    %dma_wait3A_187 = arith.constant 0 : i32
    %dma_wait3A_188 = tpu.memref_slice %arg12[%dma_wait3A_187] : memref<10240xf32, #tpu.memory_space<vmem_shared>> -> memref<10240xf32, #tpu.memory_space<vmem_shared>>
    %dma_wait3A_189 = tpu.memref_slice %arg16[%dma_wait3A_183] : memref<8x!tpu.dma_semaphore, #tpu.memory_space<semaphore_mem>> -> memref<1x!tpu.dma_semaphore, #tpu.memory_space<semaphore_mem>>
    %dma_wait3A_190 = tpu.memref_squeeze %dma_wait3A_189 : memref<1x!tpu.dma_semaphore, #tpu.memory_space<semaphore_mem>> -> memref<!tpu.dma_semaphore, #tpu.memory_space<semaphore_mem>>
    tpu.wait_indirect_dma semaphore(%dma_wait3A_190 : memref<!tpu.dma_semaphore, #tpu.memory_space<semaphore_mem>>) src(%arg8 : memref<128xf32, #tpu.memory_space<vmem>>) dst(%dma_wait3A_188 : memref<10240xf32, #tpu.memory_space<vmem_shared>>)
    %dma_wait3A_191 = arith.constant 2 : i32
    %dma_wait3A_192 = arith.constant 0 : i32
    %dma_wait3A_193 = arith.constant 1 : i32
    %dma_wait3A_194 = arith.constant 2 : i32
    %dma_wait3A_195 = arith.constant 0 : i32
    %dma_wait3A_196 = arith.constant 0 : i32
    %dma_wait3A_197 = tpu.memref_slice %arg7[%dma_wait3A_191, %dma_wait3A_195, %dma_wait3A_196] : memref<8x128x16xf32, #tpu.memory_space<vmem>> -> memref<1x128x16xf32, #tpu.memory_space<vmem>>
    %dma_wait3A_198 = tpu.memref_squeeze %dma_wait3A_197 : memref<1x128x16xf32, #tpu.memory_space<vmem>> -> memref<128x16xf32, #tpu.memory_space<vmem>>
    %dma_wait3A_199 = arith.constant 0 : i32
    %dma_wait3A_200 = tpu.memref_slice %arg6[%dma_wait3A_192, %dma_wait3A_193, %dma_wait3A_199] : memref<79x2x128xi32, #tpu.memory_space<vmem>> -> memref<1x1x128xi32, #tpu.memory_space<vmem>>
    %dma_wait3A_201 = tpu.memref_squeeze %dma_wait3A_200 : memref<1x1x128xi32, #tpu.memory_space<vmem>> -> memref<128xi32, #tpu.memory_space<vmem>>
    %dma_wait3A_202 = arith.constant 0 : i32
    %dma_wait3A_203 = arith.constant 0 : i32
    %dma_wait3A_204 = tpu.memref_slice %arg11[%dma_wait3A_202, %dma_wait3A_203] : memref<10240x16xf32, #tpu.memory_space<vmem_shared>> -> memref<10240x16xf32, #tpu.memory_space<vmem_shared>>
    %dma_wait3A_205 = tpu.memref_slice %arg15[%dma_wait3A_194] : memref<8x!tpu.dma_semaphore, #tpu.memory_space<semaphore_mem>> -> memref<1x!tpu.dma_semaphore, #tpu.memory_space<semaphore_mem>>
    %dma_wait3A_206 = tpu.memref_squeeze %dma_wait3A_205 : memref<1x!tpu.dma_semaphore, #tpu.memory_space<semaphore_mem>> -> memref<!tpu.dma_semaphore, #tpu.memory_space<semaphore_mem>>
    tpu.wait_indirect_dma semaphore(%dma_wait3A_206 : memref<!tpu.dma_semaphore, #tpu.memory_space<semaphore_mem>>) src(%dma_wait3A_198 : memref<128x16xf32, #tpu.memory_space<vmem>>) dst(%dma_wait3A_204 : memref<10240x16xf32, #tpu.memory_space<vmem_shared>>)
    %dma_wait3A_207 = arith.constant 0 : i32
    %dma_wait3A_208 = arith.constant 1 : i32
    %dma_wait3A_209 = arith.constant 2 : i32
    %dma_wait3A_210 = arith.constant 0 : i32
    %dma_wait3A_211 = tpu.memref_slice %arg6[%dma_wait3A_207, %dma_wait3A_208, %dma_wait3A_210] : memref<79x2x128xi32, #tpu.memory_space<vmem>> -> memref<1x1x128xi32, #tpu.memory_space<vmem>>
    %dma_wait3A_212 = tpu.memref_squeeze %dma_wait3A_211 : memref<1x1x128xi32, #tpu.memory_space<vmem>> -> memref<128xi32, #tpu.memory_space<vmem>>
    %dma_wait3A_213 = arith.constant 0 : i32
    %dma_wait3A_214 = tpu.memref_slice %arg12[%dma_wait3A_213] : memref<10240xf32, #tpu.memory_space<vmem_shared>> -> memref<10240xf32, #tpu.memory_space<vmem_shared>>
    %dma_wait3A_215 = tpu.memref_slice %arg16[%dma_wait3A_209] : memref<8x!tpu.dma_semaphore, #tpu.memory_space<semaphore_mem>> -> memref<1x!tpu.dma_semaphore, #tpu.memory_space<semaphore_mem>>
    %dma_wait3A_216 = tpu.memref_squeeze %dma_wait3A_215 : memref<1x!tpu.dma_semaphore, #tpu.memory_space<semaphore_mem>> -> memref<!tpu.dma_semaphore, #tpu.memory_space<semaphore_mem>>
    tpu.wait_indirect_dma semaphore(%dma_wait3A_216 : memref<!tpu.dma_semaphore, #tpu.memory_space<semaphore_mem>>) src(%arg8 : memref<128xf32, #tpu.memory_space<vmem>>) dst(%dma_wait3A_214 : memref<10240xf32, #tpu.memory_space<vmem_shared>>)
    %dma_wait3A_217 = arith.constant 3 : i32
    %dma_wait3A_218 = arith.constant 0 : i32
    %dma_wait3A_219 = arith.constant 1 : i32
    %dma_wait3A_220 = arith.constant 3 : i32
    %dma_wait3A_221 = arith.constant 0 : i32
    %dma_wait3A_222 = arith.constant 0 : i32
    %dma_wait3A_223 = tpu.memref_slice %arg7[%dma_wait3A_217, %dma_wait3A_221, %dma_wait3A_222] : memref<8x128x16xf32, #tpu.memory_space<vmem>> -> memref<1x128x16xf32, #tpu.memory_space<vmem>>
    %dma_wait3A_224 = tpu.memref_squeeze %dma_wait3A_223 : memref<1x128x16xf32, #tpu.memory_space<vmem>> -> memref<128x16xf32, #tpu.memory_space<vmem>>
    %dma_wait3A_225 = arith.constant 0 : i32
    %dma_wait3A_226 = tpu.memref_slice %arg6[%dma_wait3A_218, %dma_wait3A_219, %dma_wait3A_225] : memref<79x2x128xi32, #tpu.memory_space<vmem>> -> memref<1x1x128xi32, #tpu.memory_space<vmem>>
    %dma_wait3A_227 = tpu.memref_squeeze %dma_wait3A_226 : memref<1x1x128xi32, #tpu.memory_space<vmem>> -> memref<128xi32, #tpu.memory_space<vmem>>
    %dma_wait3A_228 = arith.constant 0 : i32
    %dma_wait3A_229 = arith.constant 0 : i32
    %dma_wait3A_230 = tpu.memref_slice %arg11[%dma_wait3A_228, %dma_wait3A_229] : memref<10240x16xf32, #tpu.memory_space<vmem_shared>> -> memref<10240x16xf32, #tpu.memory_space<vmem_shared>>
    %dma_wait3A_231 = tpu.memref_slice %arg15[%dma_wait3A_220] : memref<8x!tpu.dma_semaphore, #tpu.memory_space<semaphore_mem>> -> memref<1x!tpu.dma_semaphore, #tpu.memory_space<semaphore_mem>>
    %dma_wait3A_232 = tpu.memref_squeeze %dma_wait3A_231 : memref<1x!tpu.dma_semaphore, #tpu.memory_space<semaphore_mem>> -> memref<!tpu.dma_semaphore, #tpu.memory_space<semaphore_mem>>
    tpu.wait_indirect_dma semaphore(%dma_wait3A_232 : memref<!tpu.dma_semaphore, #tpu.memory_space<semaphore_mem>>) src(%dma_wait3A_224 : memref<128x16xf32, #tpu.memory_space<vmem>>) dst(%dma_wait3A_230 : memref<10240x16xf32, #tpu.memory_space<vmem_shared>>)
    %dma_wait3A_233 = arith.constant 0 : i32
    %dma_wait3A_234 = arith.constant 1 : i32
    %dma_wait3A_235 = arith.constant 3 : i32
    %dma_wait3A_236 = arith.constant 0 : i32
    %dma_wait3A_237 = tpu.memref_slice %arg6[%dma_wait3A_233, %dma_wait3A_234, %dma_wait3A_236] : memref<79x2x128xi32, #tpu.memory_space<vmem>> -> memref<1x1x128xi32, #tpu.memory_space<vmem>>
    %dma_wait3A_238 = tpu.memref_squeeze %dma_wait3A_237 : memref<1x1x128xi32, #tpu.memory_space<vmem>> -> memref<128xi32, #tpu.memory_space<vmem>>
    %dma_wait3A_239 = arith.constant 0 : i32
    %dma_wait3A_240 = tpu.memref_slice %arg12[%dma_wait3A_239] : memref<10240xf32, #tpu.memory_space<vmem_shared>> -> memref<10240xf32, #tpu.memory_space<vmem_shared>>
    %dma_wait3A_241 = tpu.memref_slice %arg16[%dma_wait3A_235] : memref<8x!tpu.dma_semaphore, #tpu.memory_space<semaphore_mem>> -> memref<1x!tpu.dma_semaphore, #tpu.memory_space<semaphore_mem>>
    %dma_wait3A_242 = tpu.memref_squeeze %dma_wait3A_241 : memref<1x!tpu.dma_semaphore, #tpu.memory_space<semaphore_mem>> -> memref<!tpu.dma_semaphore, #tpu.memory_space<semaphore_mem>>
    tpu.wait_indirect_dma semaphore(%dma_wait3A_242 : memref<!tpu.dma_semaphore, #tpu.memory_space<semaphore_mem>>) src(%arg8 : memref<128xf32, #tpu.memory_space<vmem>>) dst(%dma_wait3A_240 : memref<10240xf32, #tpu.memory_space<vmem_shared>>)
    %dma_wait3A_243 = arith.constant 4 : i32
    %dma_wait3A_244 = arith.constant 0 : i32
    %dma_wait3A_245 = arith.constant 1 : i32
    %dma_wait3A_246 = arith.constant 4 : i32
    %dma_wait3A_247 = arith.constant 0 : i32
    %dma_wait3A_248 = arith.constant 0 : i32
    %dma_wait3A_249 = tpu.memref_slice %arg7[%dma_wait3A_243, %dma_wait3A_247, %dma_wait3A_248] : memref<8x128x16xf32, #tpu.memory_space<vmem>> -> memref<1x128x16xf32, #tpu.memory_space<vmem>>
    %dma_wait3A_250 = tpu.memref_squeeze %dma_wait3A_249 : memref<1x128x16xf32, #tpu.memory_space<vmem>> -> memref<128x16xf32, #tpu.memory_space<vmem>>
    %dma_wait3A_251 = arith.constant 0 : i32
    %dma_wait3A_252 = tpu.memref_slice %arg6[%dma_wait3A_244, %dma_wait3A_245, %dma_wait3A_251] : memref<79x2x128xi32, #tpu.memory_space<vmem>> -> memref<1x1x128xi32, #tpu.memory_space<vmem>>
    %dma_wait3A_253 = tpu.memref_squeeze %dma_wait3A_252 : memref<1x1x128xi32, #tpu.memory_space<vmem>> -> memref<128xi32, #tpu.memory_space<vmem>>
    %dma_wait3A_254 = arith.constant 0 : i32
    %dma_wait3A_255 = arith.constant 0 : i32
    %dma_wait3A_256 = tpu.memref_slice %arg11[%dma_wait3A_254, %dma_wait3A_255] : memref<10240x16xf32, #tpu.memory_space<vmem_shared>> -> memref<10240x16xf32, #tpu.memory_space<vmem_shared>>
    %dma_wait3A_257 = tpu.memref_slice %arg15[%dma_wait3A_246] : memref<8x!tpu.dma_semaphore, #tpu.memory_space<semaphore_mem>> -> memref<1x!tpu.dma_semaphore, #tpu.memory_space<semaphore_mem>>
    %dma_wait3A_258 = tpu.memref_squeeze %dma_wait3A_257 : memref<1x!tpu.dma_semaphore, #tpu.memory_space<semaphore_mem>> -> memref<!tpu.dma_semaphore, #tpu.memory_space<semaphore_mem>>
    tpu.wait_indirect_dma semaphore(%dma_wait3A_258 : memref<!tpu.dma_semaphore, #tpu.memory_space<semaphore_mem>>) src(%dma_wait3A_250 : memref<128x16xf32, #tpu.memory_space<vmem>>) dst(%dma_wait3A_256 : memref<10240x16xf32, #tpu.memory_space<vmem_shared>>)
    %dma_wait3A_259 = arith.constant 0 : i32
    %dma_wait3A_260 = arith.constant 1 : i32
    %dma_wait3A_261 = arith.constant 4 : i32
    %dma_wait3A_262 = arith.constant 0 : i32
    %dma_wait3A_263 = tpu.memref_slice %arg6[%dma_wait3A_259, %dma_wait3A_260, %dma_wait3A_262] : memref<79x2x128xi32, #tpu.memory_space<vmem>> -> memref<1x1x128xi32, #tpu.memory_space<vmem>>
    %dma_wait3A_264 = tpu.memref_squeeze %dma_wait3A_263 : memref<1x1x128xi32, #tpu.memory_space<vmem>> -> memref<128xi32, #tpu.memory_space<vmem>>
    %dma_wait3A_265 = arith.constant 0 : i32
    %dma_wait3A_266 = tpu.memref_slice %arg12[%dma_wait3A_265] : memref<10240xf32, #tpu.memory_space<vmem_shared>> -> memref<10240xf32, #tpu.memory_space<vmem_shared>>
    %dma_wait3A_267 = tpu.memref_slice %arg16[%dma_wait3A_261] : memref<8x!tpu.dma_semaphore, #tpu.memory_space<semaphore_mem>> -> memref<1x!tpu.dma_semaphore, #tpu.memory_space<semaphore_mem>>
    %dma_wait3A_268 = tpu.memref_squeeze %dma_wait3A_267 : memref<1x!tpu.dma_semaphore, #tpu.memory_space<semaphore_mem>> -> memref<!tpu.dma_semaphore, #tpu.memory_space<semaphore_mem>>
    tpu.wait_indirect_dma semaphore(%dma_wait3A_268 : memref<!tpu.dma_semaphore, #tpu.memory_space<semaphore_mem>>) src(%arg8 : memref<128xf32, #tpu.memory_space<vmem>>) dst(%dma_wait3A_266 : memref<10240xf32, #tpu.memory_space<vmem_shared>>)
    %dma_wait3A_269 = arith.constant 5 : i32
    %dma_wait3A_270 = arith.constant 0 : i32
    %dma_wait3A_271 = arith.constant 1 : i32
    %dma_wait3A_272 = arith.constant 5 : i32
    %dma_wait3A_273 = arith.constant 0 : i32
    %dma_wait3A_274 = arith.constant 0 : i32
    %dma_wait3A_275 = tpu.memref_slice %arg7[%dma_wait3A_269, %dma_wait3A_273, %dma_wait3A_274] : memref<8x128x16xf32, #tpu.memory_space<vmem>> -> memref<1x128x16xf32, #tpu.memory_space<vmem>>
    %dma_wait3A_276 = tpu.memref_squeeze %dma_wait3A_275 : memref<1x128x16xf32, #tpu.memory_space<vmem>> -> memref<128x16xf32, #tpu.memory_space<vmem>>
    %dma_wait3A_277 = arith.constant 0 : i32
    %dma_wait3A_278 = tpu.memref_slice %arg6[%dma_wait3A_270, %dma_wait3A_271, %dma_wait3A_277] : memref<79x2x128xi32, #tpu.memory_space<vmem>> -> memref<1x1x128xi32, #tpu.memory_space<vmem>>
    %dma_wait3A_279 = tpu.memref_squeeze %dma_wait3A_278 : memref<1x1x128xi32, #tpu.memory_space<vmem>> -> memref<128xi32, #tpu.memory_space<vmem>>
    %dma_wait3A_280 = arith.constant 0 : i32
    %dma_wait3A_281 = arith.constant 0 : i32
    %dma_wait3A_282 = tpu.memref_slice %arg11[%dma_wait3A_280, %dma_wait3A_281] : memref<10240x16xf32, #tpu.memory_space<vmem_shared>> -> memref<10240x16xf32, #tpu.memory_space<vmem_shared>>
    %dma_wait3A_283 = tpu.memref_slice %arg15[%dma_wait3A_272] : memref<8x!tpu.dma_semaphore, #tpu.memory_space<semaphore_mem>> -> memref<1x!tpu.dma_semaphore, #tpu.memory_space<semaphore_mem>>
    %dma_wait3A_284 = tpu.memref_squeeze %dma_wait3A_283 : memref<1x!tpu.dma_semaphore, #tpu.memory_space<semaphore_mem>> -> memref<!tpu.dma_semaphore, #tpu.memory_space<semaphore_mem>>
    tpu.wait_indirect_dma semaphore(%dma_wait3A_284 : memref<!tpu.dma_semaphore, #tpu.memory_space<semaphore_mem>>) src(%dma_wait3A_276 : memref<128x16xf32, #tpu.memory_space<vmem>>) dst(%dma_wait3A_282 : memref<10240x16xf32, #tpu.memory_space<vmem_shared>>)
    %dma_wait3A_285 = arith.constant 0 : i32
    %dma_wait3A_286 = arith.constant 1 : i32
    %dma_wait3A_287 = arith.constant 5 : i32
    %dma_wait3A_288 = arith.constant 0 : i32
    %dma_wait3A_289 = tpu.memref_slice %arg6[%dma_wait3A_285, %dma_wait3A_286, %dma_wait3A_288] : memref<79x2x128xi32, #tpu.memory_space<vmem>> -> memref<1x1x128xi32, #tpu.memory_space<vmem>>
    %dma_wait3A_290 = tpu.memref_squeeze %dma_wait3A_289 : memref<1x1x128xi32, #tpu.memory_space<vmem>> -> memref<128xi32, #tpu.memory_space<vmem>>
    %dma_wait3A_291 = arith.constant 0 : i32
    %dma_wait3A_292 = tpu.memref_slice %arg12[%dma_wait3A_291] : memref<10240xf32, #tpu.memory_space<vmem_shared>> -> memref<10240xf32, #tpu.memory_space<vmem_shared>>
    %dma_wait3A_293 = tpu.memref_slice %arg16[%dma_wait3A_287] : memref<8x!tpu.dma_semaphore, #tpu.memory_space<semaphore_mem>> -> memref<1x!tpu.dma_semaphore, #tpu.memory_space<semaphore_mem>>
    %dma_wait3A_294 = tpu.memref_squeeze %dma_wait3A_293 : memref<1x!tpu.dma_semaphore, #tpu.memory_space<semaphore_mem>> -> memref<!tpu.dma_semaphore, #tpu.memory_space<semaphore_mem>>
    tpu.wait_indirect_dma semaphore(%dma_wait3A_294 : memref<!tpu.dma_semaphore, #tpu.memory_space<semaphore_mem>>) src(%arg8 : memref<128xf32, #tpu.memory_space<vmem>>) dst(%dma_wait3A_292 : memref<10240xf32, #tpu.memory_space<vmem_shared>>)
    %dma_wait3A_295 = arith.constant 6 : i32
    %dma_wait3A_296 = arith.constant 0 : i32
    %dma_wait3A_297 = arith.constant 1 : i32
    %dma_wait3A_298 = arith.constant 6 : i32
    %dma_wait3A_299 = arith.constant 0 : i32
    %dma_wait3A_300 = arith.constant 0 : i32
    %dma_wait3A_301 = tpu.memref_slice %arg7[%dma_wait3A_295, %dma_wait3A_299, %dma_wait3A_300] : memref<8x128x16xf32, #tpu.memory_space<vmem>> -> memref<1x128x16xf32, #tpu.memory_space<vmem>>
    %dma_wait3A_302 = tpu.memref_squeeze %dma_wait3A_301 : memref<1x128x16xf32, #tpu.memory_space<vmem>> -> memref<128x16xf32, #tpu.memory_space<vmem>>
    %dma_wait3A_303 = arith.constant 0 : i32
    %dma_wait3A_304 = tpu.memref_slice %arg6[%dma_wait3A_296, %dma_wait3A_297, %dma_wait3A_303] : memref<79x2x128xi32, #tpu.memory_space<vmem>> -> memref<1x1x128xi32, #tpu.memory_space<vmem>>
    %dma_wait3A_305 = tpu.memref_squeeze %dma_wait3A_304 : memref<1x1x128xi32, #tpu.memory_space<vmem>> -> memref<128xi32, #tpu.memory_space<vmem>>
    %dma_wait3A_306 = arith.constant 0 : i32
    %dma_wait3A_307 = arith.constant 0 : i32
    %dma_wait3A_308 = tpu.memref_slice %arg11[%dma_wait3A_306, %dma_wait3A_307] : memref<10240x16xf32, #tpu.memory_space<vmem_shared>> -> memref<10240x16xf32, #tpu.memory_space<vmem_shared>>
    %dma_wait3A_309 = tpu.memref_slice %arg15[%dma_wait3A_298] : memref<8x!tpu.dma_semaphore, #tpu.memory_space<semaphore_mem>> -> memref<1x!tpu.dma_semaphore, #tpu.memory_space<semaphore_mem>>
    %dma_wait3A_310 = tpu.memref_squeeze %dma_wait3A_309 : memref<1x!tpu.dma_semaphore, #tpu.memory_space<semaphore_mem>> -> memref<!tpu.dma_semaphore, #tpu.memory_space<semaphore_mem>>
    tpu.wait_indirect_dma semaphore(%dma_wait3A_310 : memref<!tpu.dma_semaphore, #tpu.memory_space<semaphore_mem>>) src(%dma_wait3A_302 : memref<128x16xf32, #tpu.memory_space<vmem>>) dst(%dma_wait3A_308 : memref<10240x16xf32, #tpu.memory_space<vmem_shared>>)
    %dma_wait3A_311 = arith.constant 0 : i32
    %dma_wait3A_312 = arith.constant 1 : i32
    %dma_wait3A_313 = arith.constant 6 : i32
    %dma_wait3A_314 = arith.constant 0 : i32
    %dma_wait3A_315 = tpu.memref_slice %arg6[%dma_wait3A_311, %dma_wait3A_312, %dma_wait3A_314] : memref<79x2x128xi32, #tpu.memory_space<vmem>> -> memref<1x1x128xi32, #tpu.memory_space<vmem>>
    %dma_wait3A_316 = tpu.memref_squeeze %dma_wait3A_315 : memref<1x1x128xi32, #tpu.memory_space<vmem>> -> memref<128xi32, #tpu.memory_space<vmem>>
    %dma_wait3A_317 = arith.constant 0 : i32
    %dma_wait3A_318 = tpu.memref_slice %arg12[%dma_wait3A_317] : memref<10240xf32, #tpu.memory_space<vmem_shared>> -> memref<10240xf32, #tpu.memory_space<vmem_shared>>
    %dma_wait3A_319 = tpu.memref_slice %arg16[%dma_wait3A_313] : memref<8x!tpu.dma_semaphore, #tpu.memory_space<semaphore_mem>> -> memref<1x!tpu.dma_semaphore, #tpu.memory_space<semaphore_mem>>
    %dma_wait3A_320 = tpu.memref_squeeze %dma_wait3A_319 : memref<1x!tpu.dma_semaphore, #tpu.memory_space<semaphore_mem>> -> memref<!tpu.dma_semaphore, #tpu.memory_space<semaphore_mem>>
    tpu.wait_indirect_dma semaphore(%dma_wait3A_320 : memref<!tpu.dma_semaphore, #tpu.memory_space<semaphore_mem>>) src(%arg8 : memref<128xf32, #tpu.memory_space<vmem>>) dst(%dma_wait3A_318 : memref<10240xf32, #tpu.memory_space<vmem_shared>>)
    %dma_wait3A_321 = arith.constant 7 : i32
    %dma_wait3A_322 = arith.constant 0 : i32
    %dma_wait3A_323 = arith.constant 1 : i32
    %dma_wait3A_324 = arith.constant 7 : i32
    %dma_wait3A_325 = arith.constant 0 : i32
    %dma_wait3A_326 = arith.constant 0 : i32
    %dma_wait3A_327 = tpu.memref_slice %arg7[%dma_wait3A_321, %dma_wait3A_325, %dma_wait3A_326] : memref<8x128x16xf32, #tpu.memory_space<vmem>> -> memref<1x128x16xf32, #tpu.memory_space<vmem>>
    %dma_wait3A_328 = tpu.memref_squeeze %dma_wait3A_327 : memref<1x128x16xf32, #tpu.memory_space<vmem>> -> memref<128x16xf32, #tpu.memory_space<vmem>>
    %dma_wait3A_329 = arith.constant 0 : i32
    %dma_wait3A_330 = tpu.memref_slice %arg6[%dma_wait3A_322, %dma_wait3A_323, %dma_wait3A_329] : memref<79x2x128xi32, #tpu.memory_space<vmem>> -> memref<1x1x128xi32, #tpu.memory_space<vmem>>
    %dma_wait3A_331 = tpu.memref_squeeze %dma_wait3A_330 : memref<1x1x128xi32, #tpu.memory_space<vmem>> -> memref<128xi32, #tpu.memory_space<vmem>>
    %dma_wait3A_332 = arith.constant 0 : i32
    %dma_wait3A_333 = arith.constant 0 : i32
    %dma_wait3A_334 = tpu.memref_slice %arg11[%dma_wait3A_332, %dma_wait3A_333] : memref<10240x16xf32, #tpu.memory_space<vmem_shared>> -> memref<10240x16xf32, #tpu.memory_space<vmem_shared>>
    %dma_wait3A_335 = tpu.memref_slice %arg15[%dma_wait3A_324] : memref<8x!tpu.dma_semaphore, #tpu.memory_space<semaphore_mem>> -> memref<1x!tpu.dma_semaphore, #tpu.memory_space<semaphore_mem>>
    %dma_wait3A_336 = tpu.memref_squeeze %dma_wait3A_335 : memref<1x!tpu.dma_semaphore, #tpu.memory_space<semaphore_mem>> -> memref<!tpu.dma_semaphore, #tpu.memory_space<semaphore_mem>>
    tpu.wait_indirect_dma semaphore(%dma_wait3A_336 : memref<!tpu.dma_semaphore, #tpu.memory_space<semaphore_mem>>) src(%dma_wait3A_328 : memref<128x16xf32, #tpu.memory_space<vmem>>) dst(%dma_wait3A_334 : memref<10240x16xf32, #tpu.memory_space<vmem_shared>>)
    %dma_wait3A_337 = arith.constant 0 : i32
    %dma_wait3A_338 = arith.constant 1 : i32
    %dma_wait3A_339 = arith.constant 7 : i32
    %dma_wait3A_340 = arith.constant 0 : i32
    %dma_wait3A_341 = tpu.memref_slice %arg6[%dma_wait3A_337, %dma_wait3A_338, %dma_wait3A_340] : memref<79x2x128xi32, #tpu.memory_space<vmem>> -> memref<1x1x128xi32, #tpu.memory_space<vmem>>
    %dma_wait3A_342 = tpu.memref_squeeze %dma_wait3A_341 : memref<1x1x128xi32, #tpu.memory_space<vmem>> -> memref<128xi32, #tpu.memory_space<vmem>>
    %dma_wait3A_343 = arith.constant 0 : i32
    %dma_wait3A_344 = tpu.memref_slice %arg12[%dma_wait3A_343] : memref<10240xf32, #tpu.memory_space<vmem_shared>> -> memref<10240xf32, #tpu.memory_space<vmem_shared>>
    %dma_wait3A_345 = tpu.memref_slice %arg16[%dma_wait3A_339] : memref<8x!tpu.dma_semaphore, #tpu.memory_space<semaphore_mem>> -> memref<1x!tpu.dma_semaphore, #tpu.memory_space<semaphore_mem>>
    %dma_wait3A_346 = tpu.memref_squeeze %dma_wait3A_345 : memref<1x!tpu.dma_semaphore, #tpu.memory_space<semaphore_mem>> -> memref<!tpu.dma_semaphore, #tpu.memory_space<semaphore_mem>>
    tpu.wait_indirect_dma semaphore(%dma_wait3A_346 : memref<!tpu.dma_semaphore, #tpu.memory_space<semaphore_mem>>) src(%arg8 : memref<128xf32, #tpu.memory_space<vmem>>) dst(%dma_wait3A_344 : memref<10240xf32, #tpu.memory_space<vmem_shared>>)
    %dma_start3A_347 = arith.constant 72 : i32
    %dma_start3A_348 = arith.constant 0 : i32
    %dma_start3A_349 = arith.constant 0 : i32
    %dma_start3A_350 = arith.constant 0 : i32
    %dma_start3A_351 = arith.constant 0 : i32
    %dma_start3A_352 = arith.constant 0 : i32
    %dma_start3A_353 = tpu.memref_slice %arg7[%dma_start3A_349, %dma_start3A_351, %dma_start3A_352] : memref<8x128x16xf32, #tpu.memory_space<vmem>> -> memref<1x128x16xf32, #tpu.memory_space<vmem>>
    %dma_start3A_354 = tpu.memref_squeeze %dma_start3A_353 : memref<1x128x16xf32, #tpu.memory_space<vmem>> -> memref<128x16xf32, #tpu.memory_space<vmem>>
    %dma_start3A_355 = arith.constant 0 : i32
    %dma_start3A_356 = tpu.memref_slice %arg6[%dma_start3A_347, %dma_start3A_348, %dma_start3A_355] : memref<79x2x128xi32, #tpu.memory_space<vmem>> -> memref<1x1x128xi32, #tpu.memory_space<vmem>>
    %dma_start3A_357 = tpu.memref_squeeze %dma_start3A_356 : memref<1x1x128xi32, #tpu.memory_space<vmem>> -> memref<128xi32, #tpu.memory_space<vmem>>
    %dma_start3A_358 = arith.constant 0 : i32
    %dma_start3A_359 = arith.constant 0 : i32
    %dma_start3A_360 = tpu.memref_slice %arg13[%dma_start3A_358, %dma_start3A_359] : memref<10000x16xf32, #tpu.memory_space<vmem_shared>> -> memref<10000x16xf32, #tpu.memory_space<vmem_shared>>
    %dma_start3A_361 = tpu.memref_slice %arg14[%dma_start3A_350] : memref<8x!tpu.dma_semaphore, #tpu.memory_space<semaphore_mem>> -> memref<1x!tpu.dma_semaphore, #tpu.memory_space<semaphore_mem>>
    %dma_start3A_362 = tpu.memref_squeeze %dma_start3A_361 : memref<1x!tpu.dma_semaphore, #tpu.memory_space<semaphore_mem>> -> memref<!tpu.dma_semaphore, #tpu.memory_space<semaphore_mem>>
    tpu.enqueue_indirect_dma source(%dma_start3A_360 : memref<10000x16xf32, #tpu.memory_space<vmem_shared>>) target(%dma_start3A_354 : memref<128x16xf32, #tpu.memory_space<vmem>>) offsets(%dma_start3A_357 : memref<128xi32, #tpu.memory_space<vmem>>) semaphore(%dma_start3A_362 : memref<!tpu.dma_semaphore, #tpu.memory_space<semaphore_mem>>)
    %dma_wait3A_363 = arith.constant 72 : i32
    %dma_wait3A_364 = arith.constant 0 : i32
    %dma_wait3A_365 = arith.constant 0 : i32
    %dma_wait3A_366 = arith.constant 0 : i32
    %dma_wait3A_367 = arith.constant 0 : i32
    %dma_wait3A_368 = arith.constant 0 : i32
    %dma_wait3A_369 = tpu.memref_slice %arg7[%dma_wait3A_365, %dma_wait3A_367, %dma_wait3A_368] : memref<8x128x16xf32, #tpu.memory_space<vmem>> -> memref<1x128x16xf32, #tpu.memory_space<vmem>>
    %dma_wait3A_370 = tpu.memref_squeeze %dma_wait3A_369 : memref<1x128x16xf32, #tpu.memory_space<vmem>> -> memref<128x16xf32, #tpu.memory_space<vmem>>
    %dma_wait3A_371 = arith.constant 0 : i32
    %dma_wait3A_372 = tpu.memref_slice %arg6[%dma_wait3A_363, %dma_wait3A_364, %dma_wait3A_371] : memref<79x2x128xi32, #tpu.memory_space<vmem>> -> memref<1x1x128xi32, #tpu.memory_space<vmem>>
    %dma_wait3A_373 = tpu.memref_squeeze %dma_wait3A_372 : memref<1x1x128xi32, #tpu.memory_space<vmem>> -> memref<128xi32, #tpu.memory_space<vmem>>
    %dma_wait3A_374 = arith.constant 0 : i32
    %dma_wait3A_375 = arith.constant 0 : i32
    %dma_wait3A_376 = tpu.memref_slice %arg13[%dma_wait3A_374, %dma_wait3A_375] : memref<10000x16xf32, #tpu.memory_space<vmem_shared>> -> memref<10000x16xf32, #tpu.memory_space<vmem_shared>>
    %dma_wait3A_377 = tpu.memref_slice %arg14[%dma_wait3A_366] : memref<8x!tpu.dma_semaphore, #tpu.memory_space<semaphore_mem>> -> memref<1x!tpu.dma_semaphore, #tpu.memory_space<semaphore_mem>>
    %dma_wait3A_378 = tpu.memref_squeeze %dma_wait3A_377 : memref<1x!tpu.dma_semaphore, #tpu.memory_space<semaphore_mem>> -> memref<!tpu.dma_semaphore, #tpu.memory_space<semaphore_mem>>
    tpu.wait_indirect_dma semaphore(%dma_wait3A_378 : memref<!tpu.dma_semaphore, #tpu.memory_space<semaphore_mem>>) src(%dma_wait3A_376 : memref<10000x16xf32, #tpu.memory_space<vmem_shared>>) dst(%dma_wait3A_370 : memref<128x16xf32, #tpu.memory_space<vmem>>)
    %run_scoped3A = arith.constant 0 : i32
    %run_scoped3A_379 = arith.constant 72 : i32
    %run_scoped3A_380 = arith.constant 1 : i32
    "tpu.region"() ({
      %run_scoped3A_576 = tpu.sem_alloc : memref<!tpu.dma_semaphore, #tpu.memory_space<semaphore_mem>>
      %dma_start3A_577 = arith.constant 0 : i32
      %dma_start3A_578 = arith.constant 0 : i32
      %dma_start3A_579 = tpu.memref_slice %arg7[%run_scoped3A, %dma_start3A_577, %dma_start3A_578] : memref<8x128x16xf32, #tpu.memory_space<vmem>> -> memref<1x128x16xf32, #tpu.memory_space<vmem>>
      %dma_start3A_580 = tpu.memref_squeeze %dma_start3A_579 : memref<1x128x16xf32, #tpu.memory_space<vmem>> -> memref<128x16xf32, #tpu.memory_space<vmem>>
      %dma_start3A_581 = arith.constant 0 : i32
      %dma_start3A_582 = tpu.memref_slice %arg6[%run_scoped3A_379, %run_scoped3A_380, %dma_start3A_581] : memref<79x2x128xi32, #tpu.memory_space<vmem>> -> memref<1x1x128xi32, #tpu.memory_space<vmem>>
      %dma_start3A_583 = tpu.memref_squeeze %dma_start3A_582 : memref<1x1x128xi32, #tpu.memory_space<vmem>> -> memref<128xi32, #tpu.memory_space<vmem>>
      %dma_start3A_584 = arith.constant 0 : i32
      %dma_start3A_585 = arith.constant 0 : i32
      %dma_start3A_586 = tpu.memref_slice %arg11[%dma_start3A_584, %dma_start3A_585] : memref<10240x16xf32, #tpu.memory_space<vmem_shared>> -> memref<10240x16xf32, #tpu.memory_space<vmem_shared>>
      tpu.enqueue_indirect_dma source(%dma_start3A_580 : memref<128x16xf32, #tpu.memory_space<vmem>>) target(%dma_start3A_586 : memref<10240x16xf32, #tpu.memory_space<vmem_shared>>) offsets(%dma_start3A_583 : memref<128xi32, #tpu.memory_space<vmem>>) semaphore(%run_scoped3A_576 : memref<!tpu.dma_semaphore, #tpu.memory_space<semaphore_mem>>) {add = true}
      %dma_wait3A_587 = arith.constant 0 : i32
      %dma_wait3A_588 = arith.constant 0 : i32
      %dma_wait3A_589 = tpu.memref_slice %arg7[%run_scoped3A, %dma_wait3A_587, %dma_wait3A_588] : memref<8x128x16xf32, #tpu.memory_space<vmem>> -> memref<1x128x16xf32, #tpu.memory_space<vmem>>
      %dma_wait3A_590 = tpu.memref_squeeze %dma_wait3A_589 : memref<1x128x16xf32, #tpu.memory_space<vmem>> -> memref<128x16xf32, #tpu.memory_space<vmem>>
      %dma_wait3A_591 = arith.constant 0 : i32
      %dma_wait3A_592 = tpu.memref_slice %arg6[%run_scoped3A_379, %run_scoped3A_380, %dma_wait3A_591] : memref<79x2x128xi32, #tpu.memory_space<vmem>> -> memref<1x1x128xi32, #tpu.memory_space<vmem>>
      %dma_wait3A_593 = tpu.memref_squeeze %dma_wait3A_592 : memref<1x1x128xi32, #tpu.memory_space<vmem>> -> memref<128xi32, #tpu.memory_space<vmem>>
      %dma_wait3A_594 = arith.constant 0 : i32
      %dma_wait3A_595 = arith.constant 0 : i32
      %dma_wait3A_596 = tpu.memref_slice %arg11[%dma_wait3A_594, %dma_wait3A_595] : memref<10240x16xf32, #tpu.memory_space<vmem_shared>> -> memref<10240x16xf32, #tpu.memory_space<vmem_shared>>
      tpu.wait_indirect_dma semaphore(%run_scoped3A_576 : memref<!tpu.dma_semaphore, #tpu.memory_space<semaphore_mem>>) src(%dma_wait3A_590 : memref<128x16xf32, #tpu.memory_space<vmem>>) dst(%dma_wait3A_596 : memref<10240x16xf32, #tpu.memory_space<vmem_shared>>)
      tpu.yield
    }) : () -> ()
    %run_scoped3A_381 = arith.constant 72 : i32
    %run_scoped3A_382 = arith.constant 1 : i32
    "tpu.region"() ({
      %run_scoped3A_576 = tpu.sem_alloc : memref<!tpu.dma_semaphore, #tpu.memory_space<semaphore_mem>>
      %dma_start3A_577 = arith.constant 0 : i32
      %dma_start3A_578 = tpu.memref_slice %arg6[%run_scoped3A_381, %run_scoped3A_382, %dma_start3A_577] : memref<79x2x128xi32, #tpu.memory_space<vmem>> -> memref<1x1x128xi32, #tpu.memory_space<vmem>>
      %dma_start3A_579 = tpu.memref_squeeze %dma_start3A_578 : memref<1x1x128xi32, #tpu.memory_space<vmem>> -> memref<128xi32, #tpu.memory_space<vmem>>
      %dma_start3A_580 = arith.constant 0 : i32
      %dma_start3A_581 = tpu.memref_slice %arg12[%dma_start3A_580] : memref<10240xf32, #tpu.memory_space<vmem_shared>> -> memref<10240xf32, #tpu.memory_space<vmem_shared>>
      tpu.enqueue_indirect_dma source(%arg8 : memref<128xf32, #tpu.memory_space<vmem>>) target(%dma_start3A_581 : memref<10240xf32, #tpu.memory_space<vmem_shared>>) offsets(%dma_start3A_579 : memref<128xi32, #tpu.memory_space<vmem>>) semaphore(%run_scoped3A_576 : memref<!tpu.dma_semaphore, #tpu.memory_space<semaphore_mem>>) {add = true}
      %dma_wait3A_582 = arith.constant 0 : i32
      %dma_wait3A_583 = tpu.memref_slice %arg6[%run_scoped3A_381, %run_scoped3A_382, %dma_wait3A_582] : memref<79x2x128xi32, #tpu.memory_space<vmem>> -> memref<1x1x128xi32, #tpu.memory_space<vmem>>
      %dma_wait3A_584 = tpu.memref_squeeze %dma_wait3A_583 : memref<1x1x128xi32, #tpu.memory_space<vmem>> -> memref<128xi32, #tpu.memory_space<vmem>>
      %dma_wait3A_585 = arith.constant 0 : i32
      %dma_wait3A_586 = tpu.memref_slice %arg12[%dma_wait3A_585] : memref<10240xf32, #tpu.memory_space<vmem_shared>> -> memref<10240xf32, #tpu.memory_space<vmem_shared>>
      tpu.wait_indirect_dma semaphore(%run_scoped3A_576 : memref<!tpu.dma_semaphore, #tpu.memory_space<semaphore_mem>>) src(%arg8 : memref<128xf32, #tpu.memory_space<vmem>>) dst(%dma_wait3A_586 : memref<10240xf32, #tpu.memory_space<vmem_shared>>)
      tpu.yield
    }) : () -> ()
    %dma_start3A_383 = arith.constant 73 : i32
    %dma_start3A_384 = arith.constant 0 : i32
    %dma_start3A_385 = arith.constant 0 : i32
    %dma_start3A_386 = arith.constant 0 : i32
    %dma_start3A_387 = arith.constant 0 : i32
    %dma_start3A_388 = arith.constant 0 : i32
    %dma_start3A_389 = tpu.memref_slice %arg7[%dma_start3A_385, %dma_start3A_387, %dma_start3A_388] : memref<8x128x16xf32, #tpu.memory_space<vmem>> -> memref<1x128x16xf32, #tpu.memory_space<vmem>>
    %dma_start3A_390 = tpu.memref_squeeze %dma_start3A_389 : memref<1x128x16xf32, #tpu.memory_space<vmem>> -> memref<128x16xf32, #tpu.memory_space<vmem>>
    %dma_start3A_391 = arith.constant 0 : i32
    %dma_start3A_392 = tpu.memref_slice %arg6[%dma_start3A_383, %dma_start3A_384, %dma_start3A_391] : memref<79x2x128xi32, #tpu.memory_space<vmem>> -> memref<1x1x128xi32, #tpu.memory_space<vmem>>
    %dma_start3A_393 = tpu.memref_squeeze %dma_start3A_392 : memref<1x1x128xi32, #tpu.memory_space<vmem>> -> memref<128xi32, #tpu.memory_space<vmem>>
    %dma_start3A_394 = arith.constant 0 : i32
    %dma_start3A_395 = arith.constant 0 : i32
    %dma_start3A_396 = tpu.memref_slice %arg13[%dma_start3A_394, %dma_start3A_395] : memref<10000x16xf32, #tpu.memory_space<vmem_shared>> -> memref<10000x16xf32, #tpu.memory_space<vmem_shared>>
    %dma_start3A_397 = tpu.memref_slice %arg14[%dma_start3A_386] : memref<8x!tpu.dma_semaphore, #tpu.memory_space<semaphore_mem>> -> memref<1x!tpu.dma_semaphore, #tpu.memory_space<semaphore_mem>>
    %dma_start3A_398 = tpu.memref_squeeze %dma_start3A_397 : memref<1x!tpu.dma_semaphore, #tpu.memory_space<semaphore_mem>> -> memref<!tpu.dma_semaphore, #tpu.memory_space<semaphore_mem>>
    tpu.enqueue_indirect_dma source(%dma_start3A_396 : memref<10000x16xf32, #tpu.memory_space<vmem_shared>>) target(%dma_start3A_390 : memref<128x16xf32, #tpu.memory_space<vmem>>) offsets(%dma_start3A_393 : memref<128xi32, #tpu.memory_space<vmem>>) semaphore(%dma_start3A_398 : memref<!tpu.dma_semaphore, #tpu.memory_space<semaphore_mem>>)
    %dma_wait3A_399 = arith.constant 73 : i32
    %dma_wait3A_400 = arith.constant 0 : i32
    %dma_wait3A_401 = arith.constant 0 : i32
    %dma_wait3A_402 = arith.constant 0 : i32
    %dma_wait3A_403 = arith.constant 0 : i32
    %dma_wait3A_404 = arith.constant 0 : i32
    %dma_wait3A_405 = tpu.memref_slice %arg7[%dma_wait3A_401, %dma_wait3A_403, %dma_wait3A_404] : memref<8x128x16xf32, #tpu.memory_space<vmem>> -> memref<1x128x16xf32, #tpu.memory_space<vmem>>
    %dma_wait3A_406 = tpu.memref_squeeze %dma_wait3A_405 : memref<1x128x16xf32, #tpu.memory_space<vmem>> -> memref<128x16xf32, #tpu.memory_space<vmem>>
    %dma_wait3A_407 = arith.constant 0 : i32
    %dma_wait3A_408 = tpu.memref_slice %arg6[%dma_wait3A_399, %dma_wait3A_400, %dma_wait3A_407] : memref<79x2x128xi32, #tpu.memory_space<vmem>> -> memref<1x1x128xi32, #tpu.memory_space<vmem>>
    %dma_wait3A_409 = tpu.memref_squeeze %dma_wait3A_408 : memref<1x1x128xi32, #tpu.memory_space<vmem>> -> memref<128xi32, #tpu.memory_space<vmem>>
    %dma_wait3A_410 = arith.constant 0 : i32
    %dma_wait3A_411 = arith.constant 0 : i32
    %dma_wait3A_412 = tpu.memref_slice %arg13[%dma_wait3A_410, %dma_wait3A_411] : memref<10000x16xf32, #tpu.memory_space<vmem_shared>> -> memref<10000x16xf32, #tpu.memory_space<vmem_shared>>
    %dma_wait3A_413 = tpu.memref_slice %arg14[%dma_wait3A_402] : memref<8x!tpu.dma_semaphore, #tpu.memory_space<semaphore_mem>> -> memref<1x!tpu.dma_semaphore, #tpu.memory_space<semaphore_mem>>
    %dma_wait3A_414 = tpu.memref_squeeze %dma_wait3A_413 : memref<1x!tpu.dma_semaphore, #tpu.memory_space<semaphore_mem>> -> memref<!tpu.dma_semaphore, #tpu.memory_space<semaphore_mem>>
    tpu.wait_indirect_dma semaphore(%dma_wait3A_414 : memref<!tpu.dma_semaphore, #tpu.memory_space<semaphore_mem>>) src(%dma_wait3A_412 : memref<10000x16xf32, #tpu.memory_space<vmem_shared>>) dst(%dma_wait3A_406 : memref<128x16xf32, #tpu.memory_space<vmem>>)
    %run_scoped3A_415 = arith.constant 0 : i32
    %run_scoped3A_416 = arith.constant 73 : i32
    %run_scoped3A_417 = arith.constant 1 : i32
    "tpu.region"() ({
      %run_scoped3A_576 = tpu.sem_alloc : memref<!tpu.dma_semaphore, #tpu.memory_space<semaphore_mem>>
      %dma_start3A_577 = arith.constant 0 : i32
      %dma_start3A_578 = arith.constant 0 : i32
      %dma_start3A_579 = tpu.memref_slice %arg7[%run_scoped3A_415, %dma_start3A_577, %dma_start3A_578] : memref<8x128x16xf32, #tpu.memory_space<vmem>> -> memref<1x128x16xf32, #tpu.memory_space<vmem>>
      %dma_start3A_580 = tpu.memref_squeeze %dma_start3A_579 : memref<1x128x16xf32, #tpu.memory_space<vmem>> -> memref<128x16xf32, #tpu.memory_space<vmem>>
      %dma_start3A_581 = arith.constant 0 : i32
      %dma_start3A_582 = tpu.memref_slice %arg6[%run_scoped3A_416, %run_scoped3A_417, %dma_start3A_581] : memref<79x2x128xi32, #tpu.memory_space<vmem>> -> memref<1x1x128xi32, #tpu.memory_space<vmem>>
      %dma_start3A_583 = tpu.memref_squeeze %dma_start3A_582 : memref<1x1x128xi32, #tpu.memory_space<vmem>> -> memref<128xi32, #tpu.memory_space<vmem>>
      %dma_start3A_584 = arith.constant 0 : i32
      %dma_start3A_585 = arith.constant 0 : i32
      %dma_start3A_586 = tpu.memref_slice %arg11[%dma_start3A_584, %dma_start3A_585] : memref<10240x16xf32, #tpu.memory_space<vmem_shared>> -> memref<10240x16xf32, #tpu.memory_space<vmem_shared>>
      tpu.enqueue_indirect_dma source(%dma_start3A_580 : memref<128x16xf32, #tpu.memory_space<vmem>>) target(%dma_start3A_586 : memref<10240x16xf32, #tpu.memory_space<vmem_shared>>) offsets(%dma_start3A_583 : memref<128xi32, #tpu.memory_space<vmem>>) semaphore(%run_scoped3A_576 : memref<!tpu.dma_semaphore, #tpu.memory_space<semaphore_mem>>) {add = true}
      %dma_wait3A_587 = arith.constant 0 : i32
      %dma_wait3A_588 = arith.constant 0 : i32
      %dma_wait3A_589 = tpu.memref_slice %arg7[%run_scoped3A_415, %dma_wait3A_587, %dma_wait3A_588] : memref<8x128x16xf32, #tpu.memory_space<vmem>> -> memref<1x128x16xf32, #tpu.memory_space<vmem>>
      %dma_wait3A_590 = tpu.memref_squeeze %dma_wait3A_589 : memref<1x128x16xf32, #tpu.memory_space<vmem>> -> memref<128x16xf32, #tpu.memory_space<vmem>>
      %dma_wait3A_591 = arith.constant 0 : i32
      %dma_wait3A_592 = tpu.memref_slice %arg6[%run_scoped3A_416, %run_scoped3A_417, %dma_wait3A_591] : memref<79x2x128xi32, #tpu.memory_space<vmem>> -> memref<1x1x128xi32, #tpu.memory_space<vmem>>
      %dma_wait3A_593 = tpu.memref_squeeze %dma_wait3A_592 : memref<1x1x128xi32, #tpu.memory_space<vmem>> -> memref<128xi32, #tpu.memory_space<vmem>>
      %dma_wait3A_594 = arith.constant 0 : i32
      %dma_wait3A_595 = arith.constant 0 : i32
      %dma_wait3A_596 = tpu.memref_slice %arg11[%dma_wait3A_594, %dma_wait3A_595] : memref<10240x16xf32, #tpu.memory_space<vmem_shared>> -> memref<10240x16xf32, #tpu.memory_space<vmem_shared>>
      tpu.wait_indirect_dma semaphore(%run_scoped3A_576 : memref<!tpu.dma_semaphore, #tpu.memory_space<semaphore_mem>>) src(%dma_wait3A_590 : memref<128x16xf32, #tpu.memory_space<vmem>>) dst(%dma_wait3A_596 : memref<10240x16xf32, #tpu.memory_space<vmem_shared>>)
      tpu.yield
    }) : () -> ()
    %run_scoped3A_418 = arith.constant 73 : i32
    %run_scoped3A_419 = arith.constant 1 : i32
    "tpu.region"() ({
      %run_scoped3A_576 = tpu.sem_alloc : memref<!tpu.dma_semaphore, #tpu.memory_space<semaphore_mem>>
      %dma_start3A_577 = arith.constant 0 : i32
      %dma_start3A_578 = tpu.memref_slice %arg6[%run_scoped3A_418, %run_scoped3A_419, %dma_start3A_577] : memref<79x2x128xi32, #tpu.memory_space<vmem>> -> memref<1x1x128xi32, #tpu.memory_space<vmem>>
      %dma_start3A_579 = tpu.memref_squeeze %dma_start3A_578 : memref<1x1x128xi32, #tpu.memory_space<vmem>> -> memref<128xi32, #tpu.memory_space<vmem>>
      %dma_start3A_580 = arith.constant 0 : i32
      %dma_start3A_581 = tpu.memref_slice %arg12[%dma_start3A_580] : memref<10240xf32, #tpu.memory_space<vmem_shared>> -> memref<10240xf32, #tpu.memory_space<vmem_shared>>
      tpu.enqueue_indirect_dma source(%arg8 : memref<128xf32, #tpu.memory_space<vmem>>) target(%dma_start3A_581 : memref<10240xf32, #tpu.memory_space<vmem_shared>>) offsets(%dma_start3A_579 : memref<128xi32, #tpu.memory_space<vmem>>) semaphore(%run_scoped3A_576 : memref<!tpu.dma_semaphore, #tpu.memory_space<semaphore_mem>>) {add = true}
      %dma_wait3A_582 = arith.constant 0 : i32
      %dma_wait3A_583 = tpu.memref_slice %arg6[%run_scoped3A_418, %run_scoped3A_419, %dma_wait3A_582] : memref<79x2x128xi32, #tpu.memory_space<vmem>> -> memref<1x1x128xi32, #tpu.memory_space<vmem>>
      %dma_wait3A_584 = tpu.memref_squeeze %dma_wait3A_583 : memref<1x1x128xi32, #tpu.memory_space<vmem>> -> memref<128xi32, #tpu.memory_space<vmem>>
      %dma_wait3A_585 = arith.constant 0 : i32
      %dma_wait3A_586 = tpu.memref_slice %arg12[%dma_wait3A_585] : memref<10240xf32, #tpu.memory_space<vmem_shared>> -> memref<10240xf32, #tpu.memory_space<vmem_shared>>
      tpu.wait_indirect_dma semaphore(%run_scoped3A_576 : memref<!tpu.dma_semaphore, #tpu.memory_space<semaphore_mem>>) src(%arg8 : memref<128xf32, #tpu.memory_space<vmem>>) dst(%dma_wait3A_586 : memref<10240xf32, #tpu.memory_space<vmem_shared>>)
      tpu.yield
    }) : () -> ()
    %dma_start3A_420 = arith.constant 74 : i32
    %dma_start3A_421 = arith.constant 0 : i32
    %dma_start3A_422 = arith.constant 0 : i32
    %dma_start3A_423 = arith.constant 0 : i32
    %dma_start3A_424 = arith.constant 0 : i32
    %dma_start3A_425 = arith.constant 0 : i32
    %dma_start3A_426 = tpu.memref_slice %arg7[%dma_start3A_422, %dma_start3A_424, %dma_start3A_425] : memref<8x128x16xf32, #tpu.memory_space<vmem>> -> memref<1x128x16xf32, #tpu.memory_space<vmem>>
    %dma_start3A_427 = tpu.memref_squeeze %dma_start3A_426 : memref<1x128x16xf32, #tpu.memory_space<vmem>> -> memref<128x16xf32, #tpu.memory_space<vmem>>
    %dma_start3A_428 = arith.constant 0 : i32
    %dma_start3A_429 = tpu.memref_slice %arg6[%dma_start3A_420, %dma_start3A_421, %dma_start3A_428] : memref<79x2x128xi32, #tpu.memory_space<vmem>> -> memref<1x1x128xi32, #tpu.memory_space<vmem>>
    %dma_start3A_430 = tpu.memref_squeeze %dma_start3A_429 : memref<1x1x128xi32, #tpu.memory_space<vmem>> -> memref<128xi32, #tpu.memory_space<vmem>>
    %dma_start3A_431 = arith.constant 0 : i32
    %dma_start3A_432 = arith.constant 0 : i32
    %dma_start3A_433 = tpu.memref_slice %arg13[%dma_start3A_431, %dma_start3A_432] : memref<10000x16xf32, #tpu.memory_space<vmem_shared>> -> memref<10000x16xf32, #tpu.memory_space<vmem_shared>>
    %dma_start3A_434 = tpu.memref_slice %arg14[%dma_start3A_423] : memref<8x!tpu.dma_semaphore, #tpu.memory_space<semaphore_mem>> -> memref<1x!tpu.dma_semaphore, #tpu.memory_space<semaphore_mem>>
    %dma_start3A_435 = tpu.memref_squeeze %dma_start3A_434 : memref<1x!tpu.dma_semaphore, #tpu.memory_space<semaphore_mem>> -> memref<!tpu.dma_semaphore, #tpu.memory_space<semaphore_mem>>
    tpu.enqueue_indirect_dma source(%dma_start3A_433 : memref<10000x16xf32, #tpu.memory_space<vmem_shared>>) target(%dma_start3A_427 : memref<128x16xf32, #tpu.memory_space<vmem>>) offsets(%dma_start3A_430 : memref<128xi32, #tpu.memory_space<vmem>>) semaphore(%dma_start3A_435 : memref<!tpu.dma_semaphore, #tpu.memory_space<semaphore_mem>>)
    %dma_wait3A_436 = arith.constant 74 : i32
    %dma_wait3A_437 = arith.constant 0 : i32
    %dma_wait3A_438 = arith.constant 0 : i32
    %dma_wait3A_439 = arith.constant 0 : i32
    %dma_wait3A_440 = arith.constant 0 : i32
    %dma_wait3A_441 = arith.constant 0 : i32
    %dma_wait3A_442 = tpu.memref_slice %arg7[%dma_wait3A_438, %dma_wait3A_440, %dma_wait3A_441] : memref<8x128x16xf32, #tpu.memory_space<vmem>> -> memref<1x128x16xf32, #tpu.memory_space<vmem>>
    %dma_wait3A_443 = tpu.memref_squeeze %dma_wait3A_442 : memref<1x128x16xf32, #tpu.memory_space<vmem>> -> memref<128x16xf32, #tpu.memory_space<vmem>>
    %dma_wait3A_444 = arith.constant 0 : i32
    %dma_wait3A_445 = tpu.memref_slice %arg6[%dma_wait3A_436, %dma_wait3A_437, %dma_wait3A_444] : memref<79x2x128xi32, #tpu.memory_space<vmem>> -> memref<1x1x128xi32, #tpu.memory_space<vmem>>
    %dma_wait3A_446 = tpu.memref_squeeze %dma_wait3A_445 : memref<1x1x128xi32, #tpu.memory_space<vmem>> -> memref<128xi32, #tpu.memory_space<vmem>>
    %dma_wait3A_447 = arith.constant 0 : i32
    %dma_wait3A_448 = arith.constant 0 : i32
    %dma_wait3A_449 = tpu.memref_slice %arg13[%dma_wait3A_447, %dma_wait3A_448] : memref<10000x16xf32, #tpu.memory_space<vmem_shared>> -> memref<10000x16xf32, #tpu.memory_space<vmem_shared>>
    %dma_wait3A_450 = tpu.memref_slice %arg14[%dma_wait3A_439] : memref<8x!tpu.dma_semaphore, #tpu.memory_space<semaphore_mem>> -> memref<1x!tpu.dma_semaphore, #tpu.memory_space<semaphore_mem>>
    %dma_wait3A_451 = tpu.memref_squeeze %dma_wait3A_450 : memref<1x!tpu.dma_semaphore, #tpu.memory_space<semaphore_mem>> -> memref<!tpu.dma_semaphore, #tpu.memory_space<semaphore_mem>>
    tpu.wait_indirect_dma semaphore(%dma_wait3A_451 : memref<!tpu.dma_semaphore, #tpu.memory_space<semaphore_mem>>) src(%dma_wait3A_449 : memref<10000x16xf32, #tpu.memory_space<vmem_shared>>) dst(%dma_wait3A_443 : memref<128x16xf32, #tpu.memory_space<vmem>>)
    %run_scoped3A_452 = arith.constant 0 : i32
    %run_scoped3A_453 = arith.constant 74 : i32
    %run_scoped3A_454 = arith.constant 1 : i32
    "tpu.region"() ({
      %run_scoped3A_576 = tpu.sem_alloc : memref<!tpu.dma_semaphore, #tpu.memory_space<semaphore_mem>>
      %dma_start3A_577 = arith.constant 0 : i32
      %dma_start3A_578 = arith.constant 0 : i32
      %dma_start3A_579 = tpu.memref_slice %arg7[%run_scoped3A_452, %dma_start3A_577, %dma_start3A_578] : memref<8x128x16xf32, #tpu.memory_space<vmem>> -> memref<1x128x16xf32, #tpu.memory_space<vmem>>
      %dma_start3A_580 = tpu.memref_squeeze %dma_start3A_579 : memref<1x128x16xf32, #tpu.memory_space<vmem>> -> memref<128x16xf32, #tpu.memory_space<vmem>>
      %dma_start3A_581 = arith.constant 0 : i32
      %dma_start3A_582 = tpu.memref_slice %arg6[%run_scoped3A_453, %run_scoped3A_454, %dma_start3A_581] : memref<79x2x128xi32, #tpu.memory_space<vmem>> -> memref<1x1x128xi32, #tpu.memory_space<vmem>>
      %dma_start3A_583 = tpu.memref_squeeze %dma_start3A_582 : memref<1x1x128xi32, #tpu.memory_space<vmem>> -> memref<128xi32, #tpu.memory_space<vmem>>
      %dma_start3A_584 = arith.constant 0 : i32
      %dma_start3A_585 = arith.constant 0 : i32
      %dma_start3A_586 = tpu.memref_slice %arg11[%dma_start3A_584, %dma_start3A_585] : memref<10240x16xf32, #tpu.memory_space<vmem_shared>> -> memref<10240x16xf32, #tpu.memory_space<vmem_shared>>
      tpu.enqueue_indirect_dma source(%dma_start3A_580 : memref<128x16xf32, #tpu.memory_space<vmem>>) target(%dma_start3A_586 : memref<10240x16xf32, #tpu.memory_space<vmem_shared>>) offsets(%dma_start3A_583 : memref<128xi32, #tpu.memory_space<vmem>>) semaphore(%run_scoped3A_576 : memref<!tpu.dma_semaphore, #tpu.memory_space<semaphore_mem>>) {add = true}
      %dma_wait3A_587 = arith.constant 0 : i32
      %dma_wait3A_588 = arith.constant 0 : i32
      %dma_wait3A_589 = tpu.memref_slice %arg7[%run_scoped3A_452, %dma_wait3A_587, %dma_wait3A_588] : memref<8x128x16xf32, #tpu.memory_space<vmem>> -> memref<1x128x16xf32, #tpu.memory_space<vmem>>
      %dma_wait3A_590 = tpu.memref_squeeze %dma_wait3A_589 : memref<1x128x16xf32, #tpu.memory_space<vmem>> -> memref<128x16xf32, #tpu.memory_space<vmem>>
      %dma_wait3A_591 = arith.constant 0 : i32
      %dma_wait3A_592 = tpu.memref_slice %arg6[%run_scoped3A_453, %run_scoped3A_454, %dma_wait3A_591] : memref<79x2x128xi32, #tpu.memory_space<vmem>> -> memref<1x1x128xi32, #tpu.memory_space<vmem>>
      %dma_wait3A_593 = tpu.memref_squeeze %dma_wait3A_592 : memref<1x1x128xi32, #tpu.memory_space<vmem>> -> memref<128xi32, #tpu.memory_space<vmem>>
      %dma_wait3A_594 = arith.constant 0 : i32
      %dma_wait3A_595 = arith.constant 0 : i32
      %dma_wait3A_596 = tpu.memref_slice %arg11[%dma_wait3A_594, %dma_wait3A_595] : memref<10240x16xf32, #tpu.memory_space<vmem_shared>> -> memref<10240x16xf32, #tpu.memory_space<vmem_shared>>
      tpu.wait_indirect_dma semaphore(%run_scoped3A_576 : memref<!tpu.dma_semaphore, #tpu.memory_space<semaphore_mem>>) src(%dma_wait3A_590 : memref<128x16xf32, #tpu.memory_space<vmem>>) dst(%dma_wait3A_596 : memref<10240x16xf32, #tpu.memory_space<vmem_shared>>)
      tpu.yield
    }) : () -> ()
    %run_scoped3A_455 = arith.constant 74 : i32
    %run_scoped3A_456 = arith.constant 1 : i32
    "tpu.region"() ({
      %run_scoped3A_576 = tpu.sem_alloc : memref<!tpu.dma_semaphore, #tpu.memory_space<semaphore_mem>>
      %dma_start3A_577 = arith.constant 0 : i32
      %dma_start3A_578 = tpu.memref_slice %arg6[%run_scoped3A_455, %run_scoped3A_456, %dma_start3A_577] : memref<79x2x128xi32, #tpu.memory_space<vmem>> -> memref<1x1x128xi32, #tpu.memory_space<vmem>>
      %dma_start3A_579 = tpu.memref_squeeze %dma_start3A_578 : memref<1x1x128xi32, #tpu.memory_space<vmem>> -> memref<128xi32, #tpu.memory_space<vmem>>
      %dma_start3A_580 = arith.constant 0 : i32
      %dma_start3A_581 = tpu.memref_slice %arg12[%dma_start3A_580] : memref<10240xf32, #tpu.memory_space<vmem_shared>> -> memref<10240xf32, #tpu.memory_space<vmem_shared>>
      tpu.enqueue_indirect_dma source(%arg8 : memref<128xf32, #tpu.memory_space<vmem>>) target(%dma_start3A_581 : memref<10240xf32, #tpu.memory_space<vmem_shared>>) offsets(%dma_start3A_579 : memref<128xi32, #tpu.memory_space<vmem>>) semaphore(%run_scoped3A_576 : memref<!tpu.dma_semaphore, #tpu.memory_space<semaphore_mem>>) {add = true}
      %dma_wait3A_582 = arith.constant 0 : i32
      %dma_wait3A_583 = tpu.memref_slice %arg6[%run_scoped3A_455, %run_scoped3A_456, %dma_wait3A_582] : memref<79x2x128xi32, #tpu.memory_space<vmem>> -> memref<1x1x128xi32, #tpu.memory_space<vmem>>
      %dma_wait3A_584 = tpu.memref_squeeze %dma_wait3A_583 : memref<1x1x128xi32, #tpu.memory_space<vmem>> -> memref<128xi32, #tpu.memory_space<vmem>>
      %dma_wait3A_585 = arith.constant 0 : i32
      %dma_wait3A_586 = tpu.memref_slice %arg12[%dma_wait3A_585] : memref<10240xf32, #tpu.memory_space<vmem_shared>> -> memref<10240xf32, #tpu.memory_space<vmem_shared>>
      tpu.wait_indirect_dma semaphore(%run_scoped3A_576 : memref<!tpu.dma_semaphore, #tpu.memory_space<semaphore_mem>>) src(%arg8 : memref<128xf32, #tpu.memory_space<vmem>>) dst(%dma_wait3A_586 : memref<10240xf32, #tpu.memory_space<vmem_shared>>)
      tpu.yield
    }) : () -> ()
    %dma_start3A_457 = arith.constant 75 : i32
    %dma_start3A_458 = arith.constant 0 : i32
    %dma_start3A_459 = arith.constant 0 : i32
    %dma_start3A_460 = arith.constant 0 : i32
    %dma_start3A_461 = arith.constant 0 : i32
    %dma_start3A_462 = arith.constant 0 : i32
    %dma_start3A_463 = tpu.memref_slice %arg7[%dma_start3A_459, %dma_start3A_461, %dma_start3A_462] : memref<8x128x16xf32, #tpu.memory_space<vmem>> -> memref<1x128x16xf32, #tpu.memory_space<vmem>>
    %dma_start3A_464 = tpu.memref_squeeze %dma_start3A_463 : memref<1x128x16xf32, #tpu.memory_space<vmem>> -> memref<128x16xf32, #tpu.memory_space<vmem>>
    %dma_start3A_465 = arith.constant 0 : i32
    %dma_start3A_466 = tpu.memref_slice %arg6[%dma_start3A_457, %dma_start3A_458, %dma_start3A_465] : memref<79x2x128xi32, #tpu.memory_space<vmem>> -> memref<1x1x128xi32, #tpu.memory_space<vmem>>
    %dma_start3A_467 = tpu.memref_squeeze %dma_start3A_466 : memref<1x1x128xi32, #tpu.memory_space<vmem>> -> memref<128xi32, #tpu.memory_space<vmem>>
    %dma_start3A_468 = arith.constant 0 : i32
    %dma_start3A_469 = arith.constant 0 : i32
    %dma_start3A_470 = tpu.memref_slice %arg13[%dma_start3A_468, %dma_start3A_469] : memref<10000x16xf32, #tpu.memory_space<vmem_shared>> -> memref<10000x16xf32, #tpu.memory_space<vmem_shared>>
    %dma_start3A_471 = tpu.memref_slice %arg14[%dma_start3A_460] : memref<8x!tpu.dma_semaphore, #tpu.memory_space<semaphore_mem>> -> memref<1x!tpu.dma_semaphore, #tpu.memory_space<semaphore_mem>>
    %dma_start3A_472 = tpu.memref_squeeze %dma_start3A_471 : memref<1x!tpu.dma_semaphore, #tpu.memory_space<semaphore_mem>> -> memref<!tpu.dma_semaphore, #tpu.memory_space<semaphore_mem>>
    tpu.enqueue_indirect_dma source(%dma_start3A_470 : memref<10000x16xf32, #tpu.memory_space<vmem_shared>>) target(%dma_start3A_464 : memref<128x16xf32, #tpu.memory_space<vmem>>) offsets(%dma_start3A_467 : memref<128xi32, #tpu.memory_space<vmem>>) semaphore(%dma_start3A_472 : memref<!tpu.dma_semaphore, #tpu.memory_space<semaphore_mem>>)
    %dma_wait3A_473 = arith.constant 75 : i32
    %dma_wait3A_474 = arith.constant 0 : i32
    %dma_wait3A_475 = arith.constant 0 : i32
    %dma_wait3A_476 = arith.constant 0 : i32
    %dma_wait3A_477 = arith.constant 0 : i32
    %dma_wait3A_478 = arith.constant 0 : i32
    %dma_wait3A_479 = tpu.memref_slice %arg7[%dma_wait3A_475, %dma_wait3A_477, %dma_wait3A_478] : memref<8x128x16xf32, #tpu.memory_space<vmem>> -> memref<1x128x16xf32, #tpu.memory_space<vmem>>
    %dma_wait3A_480 = tpu.memref_squeeze %dma_wait3A_479 : memref<1x128x16xf32, #tpu.memory_space<vmem>> -> memref<128x16xf32, #tpu.memory_space<vmem>>
    %dma_wait3A_481 = arith.constant 0 : i32
    %dma_wait3A_482 = tpu.memref_slice %arg6[%dma_wait3A_473, %dma_wait3A_474, %dma_wait3A_481] : memref<79x2x128xi32, #tpu.memory_space<vmem>> -> memref<1x1x128xi32, #tpu.memory_space<vmem>>
    %dma_wait3A_483 = tpu.memref_squeeze %dma_wait3A_482 : memref<1x1x128xi32, #tpu.memory_space<vmem>> -> memref<128xi32, #tpu.memory_space<vmem>>
    %dma_wait3A_484 = arith.constant 0 : i32
    %dma_wait3A_485 = arith.constant 0 : i32
    %dma_wait3A_486 = tpu.memref_slice %arg13[%dma_wait3A_484, %dma_wait3A_485] : memref<10000x16xf32, #tpu.memory_space<vmem_shared>> -> memref<10000x16xf32, #tpu.memory_space<vmem_shared>>
    %dma_wait3A_487 = tpu.memref_slice %arg14[%dma_wait3A_476] : memref<8x!tpu.dma_semaphore, #tpu.memory_space<semaphore_mem>> -> memref<1x!tpu.dma_semaphore, #tpu.memory_space<semaphore_mem>>
    %dma_wait3A_488 = tpu.memref_squeeze %dma_wait3A_487 : memref<1x!tpu.dma_semaphore, #tpu.memory_space<semaphore_mem>> -> memref<!tpu.dma_semaphore, #tpu.memory_space<semaphore_mem>>
    tpu.wait_indirect_dma semaphore(%dma_wait3A_488 : memref<!tpu.dma_semaphore, #tpu.memory_space<semaphore_mem>>) src(%dma_wait3A_486 : memref<10000x16xf32, #tpu.memory_space<vmem_shared>>) dst(%dma_wait3A_480 : memref<128x16xf32, #tpu.memory_space<vmem>>)
    %run_scoped3A_489 = arith.constant 0 : i32
    %run_scoped3A_490 = arith.constant 75 : i32
    %run_scoped3A_491 = arith.constant 1 : i32
    "tpu.region"() ({
      %run_scoped3A_576 = tpu.sem_alloc : memref<!tpu.dma_semaphore, #tpu.memory_space<semaphore_mem>>
      %dma_start3A_577 = arith.constant 0 : i32
      %dma_start3A_578 = arith.constant 0 : i32
      %dma_start3A_579 = tpu.memref_slice %arg7[%run_scoped3A_489, %dma_start3A_577, %dma_start3A_578] : memref<8x128x16xf32, #tpu.memory_space<vmem>> -> memref<1x128x16xf32, #tpu.memory_space<vmem>>
      %dma_start3A_580 = tpu.memref_squeeze %dma_start3A_579 : memref<1x128x16xf32, #tpu.memory_space<vmem>> -> memref<128x16xf32, #tpu.memory_space<vmem>>
      %dma_start3A_581 = arith.constant 0 : i32
      %dma_start3A_582 = tpu.memref_slice %arg6[%run_scoped3A_490, %run_scoped3A_491, %dma_start3A_581] : memref<79x2x128xi32, #tpu.memory_space<vmem>> -> memref<1x1x128xi32, #tpu.memory_space<vmem>>
      %dma_start3A_583 = tpu.memref_squeeze %dma_start3A_582 : memref<1x1x128xi32, #tpu.memory_space<vmem>> -> memref<128xi32, #tpu.memory_space<vmem>>
      %dma_start3A_584 = arith.constant 0 : i32
      %dma_start3A_585 = arith.constant 0 : i32
      %dma_start3A_586 = tpu.memref_slice %arg11[%dma_start3A_584, %dma_start3A_585] : memref<10240x16xf32, #tpu.memory_space<vmem_shared>> -> memref<10240x16xf32, #tpu.memory_space<vmem_shared>>
      tpu.enqueue_indirect_dma source(%dma_start3A_580 : memref<128x16xf32, #tpu.memory_space<vmem>>) target(%dma_start3A_586 : memref<10240x16xf32, #tpu.memory_space<vmem_shared>>) offsets(%dma_start3A_583 : memref<128xi32, #tpu.memory_space<vmem>>) semaphore(%run_scoped3A_576 : memref<!tpu.dma_semaphore, #tpu.memory_space<semaphore_mem>>) {add = true}
      %dma_wait3A_587 = arith.constant 0 : i32
      %dma_wait3A_588 = arith.constant 0 : i32
      %dma_wait3A_589 = tpu.memref_slice %arg7[%run_scoped3A_489, %dma_wait3A_587, %dma_wait3A_588] : memref<8x128x16xf32, #tpu.memory_space<vmem>> -> memref<1x128x16xf32, #tpu.memory_space<vmem>>
      %dma_wait3A_590 = tpu.memref_squeeze %dma_wait3A_589 : memref<1x128x16xf32, #tpu.memory_space<vmem>> -> memref<128x16xf32, #tpu.memory_space<vmem>>
      %dma_wait3A_591 = arith.constant 0 : i32
      %dma_wait3A_592 = tpu.memref_slice %arg6[%run_scoped3A_490, %run_scoped3A_491, %dma_wait3A_591] : memref<79x2x128xi32, #tpu.memory_space<vmem>> -> memref<1x1x128xi32, #tpu.memory_space<vmem>>
      %dma_wait3A_593 = tpu.memref_squeeze %dma_wait3A_592 : memref<1x1x128xi32, #tpu.memory_space<vmem>> -> memref<128xi32, #tpu.memory_space<vmem>>
      %dma_wait3A_594 = arith.constant 0 : i32
      %dma_wait3A_595 = arith.constant 0 : i32
      %dma_wait3A_596 = tpu.memref_slice %arg11[%dma_wait3A_594, %dma_wait3A_595] : memref<10240x16xf32, #tpu.memory_space<vmem_shared>> -> memref<10240x16xf32, #tpu.memory_space<vmem_shared>>
      tpu.wait_indirect_dma semaphore(%run_scoped3A_576 : memref<!tpu.dma_semaphore, #tpu.memory_space<semaphore_mem>>) src(%dma_wait3A_590 : memref<128x16xf32, #tpu.memory_space<vmem>>) dst(%dma_wait3A_596 : memref<10240x16xf32, #tpu.memory_space<vmem_shared>>)
      tpu.yield
    }) : () -> ()
    %run_scoped3A_492 = arith.constant 75 : i32
    %run_scoped3A_493 = arith.constant 1 : i32
    "tpu.region"() ({
      %run_scoped3A_576 = tpu.sem_alloc : memref<!tpu.dma_semaphore, #tpu.memory_space<semaphore_mem>>
      %dma_start3A_577 = arith.constant 0 : i32
      %dma_start3A_578 = tpu.memref_slice %arg6[%run_scoped3A_492, %run_scoped3A_493, %dma_start3A_577] : memref<79x2x128xi32, #tpu.memory_space<vmem>> -> memref<1x1x128xi32, #tpu.memory_space<vmem>>
      %dma_start3A_579 = tpu.memref_squeeze %dma_start3A_578 : memref<1x1x128xi32, #tpu.memory_space<vmem>> -> memref<128xi32, #tpu.memory_space<vmem>>
      %dma_start3A_580 = arith.constant 0 : i32
      %dma_start3A_581 = tpu.memref_slice %arg12[%dma_start3A_580] : memref<10240xf32, #tpu.memory_space<vmem_shared>> -> memref<10240xf32, #tpu.memory_space<vmem_shared>>
      tpu.enqueue_indirect_dma source(%arg8 : memref<128xf32, #tpu.memory_space<vmem>>) target(%dma_start3A_581 : memref<10240xf32, #tpu.memory_space<vmem_shared>>) offsets(%dma_start3A_579 : memref<128xi32, #tpu.memory_space<vmem>>) semaphore(%run_scoped3A_576 : memref<!tpu.dma_semaphore, #tpu.memory_space<semaphore_mem>>) {add = true}
      %dma_wait3A_582 = arith.constant 0 : i32
      %dma_wait3A_583 = tpu.memref_slice %arg6[%run_scoped3A_492, %run_scoped3A_493, %dma_wait3A_582] : memref<79x2x128xi32, #tpu.memory_space<vmem>> -> memref<1x1x128xi32, #tpu.memory_space<vmem>>
      %dma_wait3A_584 = tpu.memref_squeeze %dma_wait3A_583 : memref<1x1x128xi32, #tpu.memory_space<vmem>> -> memref<128xi32, #tpu.memory_space<vmem>>
      %dma_wait3A_585 = arith.constant 0 : i32
      %dma_wait3A_586 = tpu.memref_slice %arg12[%dma_wait3A_585] : memref<10240xf32, #tpu.memory_space<vmem_shared>> -> memref<10240xf32, #tpu.memory_space<vmem_shared>>
      tpu.wait_indirect_dma semaphore(%run_scoped3A_576 : memref<!tpu.dma_semaphore, #tpu.memory_space<semaphore_mem>>) src(%arg8 : memref<128xf32, #tpu.memory_space<vmem>>) dst(%dma_wait3A_586 : memref<10240xf32, #tpu.memory_space<vmem_shared>>)
      tpu.yield
    }) : () -> ()
    %dma_start3A_494 = arith.constant 76 : i32
    %dma_start3A_495 = arith.constant 0 : i32
    %dma_start3A_496 = arith.constant 0 : i32
    %dma_start3A_497 = arith.constant 0 : i32
    %dma_start3A_498 = arith.constant 0 : i32
    %dma_start3A_499 = arith.constant 0 : i32
    %dma_start3A_500 = tpu.memref_slice %arg7[%dma_start3A_496, %dma_start3A_498, %dma_start3A_499] : memref<8x128x16xf32, #tpu.memory_space<vmem>> -> memref<1x128x16xf32, #tpu.memory_space<vmem>>
    %dma_start3A_501 = tpu.memref_squeeze %dma_start3A_500 : memref<1x128x16xf32, #tpu.memory_space<vmem>> -> memref<128x16xf32, #tpu.memory_space<vmem>>
    %dma_start3A_502 = arith.constant 0 : i32
    %dma_start3A_503 = tpu.memref_slice %arg6[%dma_start3A_494, %dma_start3A_495, %dma_start3A_502] : memref<79x2x128xi32, #tpu.memory_space<vmem>> -> memref<1x1x128xi32, #tpu.memory_space<vmem>>
    %dma_start3A_504 = tpu.memref_squeeze %dma_start3A_503 : memref<1x1x128xi32, #tpu.memory_space<vmem>> -> memref<128xi32, #tpu.memory_space<vmem>>
    %dma_start3A_505 = arith.constant 0 : i32
    %dma_start3A_506 = arith.constant 0 : i32
    %dma_start3A_507 = tpu.memref_slice %arg13[%dma_start3A_505, %dma_start3A_506] : memref<10000x16xf32, #tpu.memory_space<vmem_shared>> -> memref<10000x16xf32, #tpu.memory_space<vmem_shared>>
    %dma_start3A_508 = tpu.memref_slice %arg14[%dma_start3A_497] : memref<8x!tpu.dma_semaphore, #tpu.memory_space<semaphore_mem>> -> memref<1x!tpu.dma_semaphore, #tpu.memory_space<semaphore_mem>>
    %dma_start3A_509 = tpu.memref_squeeze %dma_start3A_508 : memref<1x!tpu.dma_semaphore, #tpu.memory_space<semaphore_mem>> -> memref<!tpu.dma_semaphore, #tpu.memory_space<semaphore_mem>>
    tpu.enqueue_indirect_dma source(%dma_start3A_507 : memref<10000x16xf32, #tpu.memory_space<vmem_shared>>) target(%dma_start3A_501 : memref<128x16xf32, #tpu.memory_space<vmem>>) offsets(%dma_start3A_504 : memref<128xi32, #tpu.memory_space<vmem>>) semaphore(%dma_start3A_509 : memref<!tpu.dma_semaphore, #tpu.memory_space<semaphore_mem>>)
    %dma_wait3A_510 = arith.constant 76 : i32
    %dma_wait3A_511 = arith.constant 0 : i32
    %dma_wait3A_512 = arith.constant 0 : i32
    %dma_wait3A_513 = arith.constant 0 : i32
    %dma_wait3A_514 = arith.constant 0 : i32
    %dma_wait3A_515 = arith.constant 0 : i32
    %dma_wait3A_516 = tpu.memref_slice %arg7[%dma_wait3A_512, %dma_wait3A_514, %dma_wait3A_515] : memref<8x128x16xf32, #tpu.memory_space<vmem>> -> memref<1x128x16xf32, #tpu.memory_space<vmem>>
    %dma_wait3A_517 = tpu.memref_squeeze %dma_wait3A_516 : memref<1x128x16xf32, #tpu.memory_space<vmem>> -> memref<128x16xf32, #tpu.memory_space<vmem>>
    %dma_wait3A_518 = arith.constant 0 : i32
    %dma_wait3A_519 = tpu.memref_slice %arg6[%dma_wait3A_510, %dma_wait3A_511, %dma_wait3A_518] : memref<79x2x128xi32, #tpu.memory_space<vmem>> -> memref<1x1x128xi32, #tpu.memory_space<vmem>>
    %dma_wait3A_520 = tpu.memref_squeeze %dma_wait3A_519 : memref<1x1x128xi32, #tpu.memory_space<vmem>> -> memref<128xi32, #tpu.memory_space<vmem>>
    %dma_wait3A_521 = arith.constant 0 : i32
    %dma_wait3A_522 = arith.constant 0 : i32
    %dma_wait3A_523 = tpu.memref_slice %arg13[%dma_wait3A_521, %dma_wait3A_522] : memref<10000x16xf32, #tpu.memory_space<vmem_shared>> -> memref<10000x16xf32, #tpu.memory_space<vmem_shared>>
    %dma_wait3A_524 = tpu.memref_slice %arg14[%dma_wait3A_513] : memref<8x!tpu.dma_semaphore, #tpu.memory_space<semaphore_mem>> -> memref<1x!tpu.dma_semaphore, #tpu.memory_space<semaphore_mem>>
    %dma_wait3A_525 = tpu.memref_squeeze %dma_wait3A_524 : memref<1x!tpu.dma_semaphore, #tpu.memory_space<semaphore_mem>> -> memref<!tpu.dma_semaphore, #tpu.memory_space<semaphore_mem>>
    tpu.wait_indirect_dma semaphore(%dma_wait3A_525 : memref<!tpu.dma_semaphore, #tpu.memory_space<semaphore_mem>>) src(%dma_wait3A_523 : memref<10000x16xf32, #tpu.memory_space<vmem_shared>>) dst(%dma_wait3A_517 : memref<128x16xf32, #tpu.memory_space<vmem>>)
    %run_scoped3A_526 = arith.constant 0 : i32
    %run_scoped3A_527 = arith.constant 76 : i32
    %run_scoped3A_528 = arith.constant 1 : i32
    "tpu.region"() ({
      %run_scoped3A_576 = tpu.sem_alloc : memref<!tpu.dma_semaphore, #tpu.memory_space<semaphore_mem>>
      %dma_start3A_577 = arith.constant 0 : i32
      %dma_start3A_578 = arith.constant 0 : i32
      %dma_start3A_579 = tpu.memref_slice %arg7[%run_scoped3A_526, %dma_start3A_577, %dma_start3A_578] : memref<8x128x16xf32, #tpu.memory_space<vmem>> -> memref<1x128x16xf32, #tpu.memory_space<vmem>>
      %dma_start3A_580 = tpu.memref_squeeze %dma_start3A_579 : memref<1x128x16xf32, #tpu.memory_space<vmem>> -> memref<128x16xf32, #tpu.memory_space<vmem>>
      %dma_start3A_581 = arith.constant 0 : i32
      %dma_start3A_582 = tpu.memref_slice %arg6[%run_scoped3A_527, %run_scoped3A_528, %dma_start3A_581] : memref<79x2x128xi32, #tpu.memory_space<vmem>> -> memref<1x1x128xi32, #tpu.memory_space<vmem>>
      %dma_start3A_583 = tpu.memref_squeeze %dma_start3A_582 : memref<1x1x128xi32, #tpu.memory_space<vmem>> -> memref<128xi32, #tpu.memory_space<vmem>>
      %dma_start3A_584 = arith.constant 0 : i32
      %dma_start3A_585 = arith.constant 0 : i32
      %dma_start3A_586 = tpu.memref_slice %arg11[%dma_start3A_584, %dma_start3A_585] : memref<10240x16xf32, #tpu.memory_space<vmem_shared>> -> memref<10240x16xf32, #tpu.memory_space<vmem_shared>>
      tpu.enqueue_indirect_dma source(%dma_start3A_580 : memref<128x16xf32, #tpu.memory_space<vmem>>) target(%dma_start3A_586 : memref<10240x16xf32, #tpu.memory_space<vmem_shared>>) offsets(%dma_start3A_583 : memref<128xi32, #tpu.memory_space<vmem>>) semaphore(%run_scoped3A_576 : memref<!tpu.dma_semaphore, #tpu.memory_space<semaphore_mem>>) {add = true}
      %dma_wait3A_587 = arith.constant 0 : i32
      %dma_wait3A_588 = arith.constant 0 : i32
      %dma_wait3A_589 = tpu.memref_slice %arg7[%run_scoped3A_526, %dma_wait3A_587, %dma_wait3A_588] : memref<8x128x16xf32, #tpu.memory_space<vmem>> -> memref<1x128x16xf32, #tpu.memory_space<vmem>>
      %dma_wait3A_590 = tpu.memref_squeeze %dma_wait3A_589 : memref<1x128x16xf32, #tpu.memory_space<vmem>> -> memref<128x16xf32, #tpu.memory_space<vmem>>
      %dma_wait3A_591 = arith.constant 0 : i32
      %dma_wait3A_592 = tpu.memref_slice %arg6[%run_scoped3A_527, %run_scoped3A_528, %dma_wait3A_591] : memref<79x2x128xi32, #tpu.memory_space<vmem>> -> memref<1x1x128xi32, #tpu.memory_space<vmem>>
      %dma_wait3A_593 = tpu.memref_squeeze %dma_wait3A_592 : memref<1x1x128xi32, #tpu.memory_space<vmem>> -> memref<128xi32, #tpu.memory_space<vmem>>
      %dma_wait3A_594 = arith.constant 0 : i32
      %dma_wait3A_595 = arith.constant 0 : i32
      %dma_wait3A_596 = tpu.memref_slice %arg11[%dma_wait3A_594, %dma_wait3A_595] : memref<10240x16xf32, #tpu.memory_space<vmem_shared>> -> memref<10240x16xf32, #tpu.memory_space<vmem_shared>>
      tpu.wait_indirect_dma semaphore(%run_scoped3A_576 : memref<!tpu.dma_semaphore, #tpu.memory_space<semaphore_mem>>) src(%dma_wait3A_590 : memref<128x16xf32, #tpu.memory_space<vmem>>) dst(%dma_wait3A_596 : memref<10240x16xf32, #tpu.memory_space<vmem_shared>>)
      tpu.yield
    }) : () -> ()
    %run_scoped3A_529 = arith.constant 76 : i32
    %run_scoped3A_530 = arith.constant 1 : i32
    "tpu.region"() ({
      %run_scoped3A_576 = tpu.sem_alloc : memref<!tpu.dma_semaphore, #tpu.memory_space<semaphore_mem>>
      %dma_start3A_577 = arith.constant 0 : i32
      %dma_start3A_578 = tpu.memref_slice %arg6[%run_scoped3A_529, %run_scoped3A_530, %dma_start3A_577] : memref<79x2x128xi32, #tpu.memory_space<vmem>> -> memref<1x1x128xi32, #tpu.memory_space<vmem>>
      %dma_start3A_579 = tpu.memref_squeeze %dma_start3A_578 : memref<1x1x128xi32, #tpu.memory_space<vmem>> -> memref<128xi32, #tpu.memory_space<vmem>>
      %dma_start3A_580 = arith.constant 0 : i32
      %dma_start3A_581 = tpu.memref_slice %arg12[%dma_start3A_580] : memref<10240xf32, #tpu.memory_space<vmem_shared>> -> memref<10240xf32, #tpu.memory_space<vmem_shared>>
      tpu.enqueue_indirect_dma source(%arg8 : memref<128xf32, #tpu.memory_space<vmem>>) target(%dma_start3A_581 : memref<10240xf32, #tpu.memory_space<vmem_shared>>) offsets(%dma_start3A_579 : memref<128xi32, #tpu.memory_space<vmem>>) semaphore(%run_scoped3A_576 : memref<!tpu.dma_semaphore, #tpu.memory_space<semaphore_mem>>) {add = true}
      %dma_wait3A_582 = arith.constant 0 : i32
      %dma_wait3A_583 = tpu.memref_slice %arg6[%run_scoped3A_529, %run_scoped3A_530, %dma_wait3A_582] : memref<79x2x128xi32, #tpu.memory_space<vmem>> -> memref<1x1x128xi32, #tpu.memory_space<vmem>>
      %dma_wait3A_584 = tpu.memref_squeeze %dma_wait3A_583 : memref<1x1x128xi32, #tpu.memory_space<vmem>> -> memref<128xi32, #tpu.memory_space<vmem>>
      %dma_wait3A_585 = arith.constant 0 : i32
      %dma_wait3A_586 = tpu.memref_slice %arg12[%dma_wait3A_585] : memref<10240xf32, #tpu.memory_space<vmem_shared>> -> memref<10240xf32, #tpu.memory_space<vmem_shared>>
      tpu.wait_indirect_dma semaphore(%run_scoped3A_576 : memref<!tpu.dma_semaphore, #tpu.memory_space<semaphore_mem>>) src(%arg8 : memref<128xf32, #tpu.memory_space<vmem>>) dst(%dma_wait3A_586 : memref<10240xf32, #tpu.memory_space<vmem_shared>>)
      tpu.yield
    }) : () -> ()
    %dma_start3A_531 = arith.constant 77 : i32
    %dma_start3A_532 = arith.constant 0 : i32
    %dma_start3A_533 = arith.constant 0 : i32
    %dma_start3A_534 = arith.constant 0 : i32
    %dma_start3A_535 = arith.constant 0 : i32
    %dma_start3A_536 = arith.constant 0 : i32
    %dma_start3A_537 = tpu.memref_slice %arg7[%dma_start3A_533, %dma_start3A_535, %dma_start3A_536] : memref<8x128x16xf32, #tpu.memory_space<vmem>> -> memref<1x128x16xf32, #tpu.memory_space<vmem>>
    %dma_start3A_538 = tpu.memref_squeeze %dma_start3A_537 : memref<1x128x16xf32, #tpu.memory_space<vmem>> -> memref<128x16xf32, #tpu.memory_space<vmem>>
    %dma_start3A_539 = arith.constant 0 : i32
    %dma_start3A_540 = tpu.memref_slice %arg6[%dma_start3A_531, %dma_start3A_532, %dma_start3A_539] : memref<79x2x128xi32, #tpu.memory_space<vmem>> -> memref<1x1x128xi32, #tpu.memory_space<vmem>>
    %dma_start3A_541 = tpu.memref_squeeze %dma_start3A_540 : memref<1x1x128xi32, #tpu.memory_space<vmem>> -> memref<128xi32, #tpu.memory_space<vmem>>
    %dma_start3A_542 = arith.constant 0 : i32
    %dma_start3A_543 = arith.constant 0 : i32
    %dma_start3A_544 = tpu.memref_slice %arg13[%dma_start3A_542, %dma_start3A_543] : memref<10000x16xf32, #tpu.memory_space<vmem_shared>> -> memref<10000x16xf32, #tpu.memory_space<vmem_shared>>
    %dma_start3A_545 = tpu.memref_slice %arg14[%dma_start3A_534] : memref<8x!tpu.dma_semaphore, #tpu.memory_space<semaphore_mem>> -> memref<1x!tpu.dma_semaphore, #tpu.memory_space<semaphore_mem>>
    %dma_start3A_546 = tpu.memref_squeeze %dma_start3A_545 : memref<1x!tpu.dma_semaphore, #tpu.memory_space<semaphore_mem>> -> memref<!tpu.dma_semaphore, #tpu.memory_space<semaphore_mem>>
    tpu.enqueue_indirect_dma source(%dma_start3A_544 : memref<10000x16xf32, #tpu.memory_space<vmem_shared>>) target(%dma_start3A_538 : memref<128x16xf32, #tpu.memory_space<vmem>>) offsets(%dma_start3A_541 : memref<128xi32, #tpu.memory_space<vmem>>) semaphore(%dma_start3A_546 : memref<!tpu.dma_semaphore, #tpu.memory_space<semaphore_mem>>)
    %dma_wait3A_547 = arith.constant 77 : i32
    %dma_wait3A_548 = arith.constant 0 : i32
    %dma_wait3A_549 = arith.constant 0 : i32
    %dma_wait3A_550 = arith.constant 0 : i32
    %dma_wait3A_551 = arith.constant 0 : i32
    %dma_wait3A_552 = arith.constant 0 : i32
    %dma_wait3A_553 = tpu.memref_slice %arg7[%dma_wait3A_549, %dma_wait3A_551, %dma_wait3A_552] : memref<8x128x16xf32, #tpu.memory_space<vmem>> -> memref<1x128x16xf32, #tpu.memory_space<vmem>>
    %dma_wait3A_554 = tpu.memref_squeeze %dma_wait3A_553 : memref<1x128x16xf32, #tpu.memory_space<vmem>> -> memref<128x16xf32, #tpu.memory_space<vmem>>
    %dma_wait3A_555 = arith.constant 0 : i32
    %dma_wait3A_556 = tpu.memref_slice %arg6[%dma_wait3A_547, %dma_wait3A_548, %dma_wait3A_555] : memref<79x2x128xi32, #tpu.memory_space<vmem>> -> memref<1x1x128xi32, #tpu.memory_space<vmem>>
    %dma_wait3A_557 = tpu.memref_squeeze %dma_wait3A_556 : memref<1x1x128xi32, #tpu.memory_space<vmem>> -> memref<128xi32, #tpu.memory_space<vmem>>
    %dma_wait3A_558 = arith.constant 0 : i32
    %dma_wait3A_559 = arith.constant 0 : i32
    %dma_wait3A_560 = tpu.memref_slice %arg13[%dma_wait3A_558, %dma_wait3A_559] : memref<10000x16xf32, #tpu.memory_space<vmem_shared>> -> memref<10000x16xf32, #tpu.memory_space<vmem_shared>>
    %dma_wait3A_561 = tpu.memref_slice %arg14[%dma_wait3A_550] : memref<8x!tpu.dma_semaphore, #tpu.memory_space<semaphore_mem>> -> memref<1x!tpu.dma_semaphore, #tpu.memory_space<semaphore_mem>>
    %dma_wait3A_562 = tpu.memref_squeeze %dma_wait3A_561 : memref<1x!tpu.dma_semaphore, #tpu.memory_space<semaphore_mem>> -> memref<!tpu.dma_semaphore, #tpu.memory_space<semaphore_mem>>
    tpu.wait_indirect_dma semaphore(%dma_wait3A_562 : memref<!tpu.dma_semaphore, #tpu.memory_space<semaphore_mem>>) src(%dma_wait3A_560 : memref<10000x16xf32, #tpu.memory_space<vmem_shared>>) dst(%dma_wait3A_554 : memref<128x16xf32, #tpu.memory_space<vmem>>)
    %run_scoped3A_563 = arith.constant 0 : i32
    %run_scoped3A_564 = arith.constant 77 : i32
    %run_scoped3A_565 = arith.constant 1 : i32
    "tpu.region"() ({
      %run_scoped3A_576 = tpu.sem_alloc : memref<!tpu.dma_semaphore, #tpu.memory_space<semaphore_mem>>
      %dma_start3A_577 = arith.constant 0 : i32
      %dma_start3A_578 = arith.constant 0 : i32
      %dma_start3A_579 = tpu.memref_slice %arg7[%run_scoped3A_563, %dma_start3A_577, %dma_start3A_578] : memref<8x128x16xf32, #tpu.memory_space<vmem>> -> memref<1x128x16xf32, #tpu.memory_space<vmem>>
      %dma_start3A_580 = tpu.memref_squeeze %dma_start3A_579 : memref<1x128x16xf32, #tpu.memory_space<vmem>> -> memref<128x16xf32, #tpu.memory_space<vmem>>
      %dma_start3A_581 = arith.constant 0 : i32
      %dma_start3A_582 = tpu.memref_slice %arg6[%run_scoped3A_564, %run_scoped3A_565, %dma_start3A_581] : memref<79x2x128xi32, #tpu.memory_space<vmem>> -> memref<1x1x128xi32, #tpu.memory_space<vmem>>
      %dma_start3A_583 = tpu.memref_squeeze %dma_start3A_582 : memref<1x1x128xi32, #tpu.memory_space<vmem>> -> memref<128xi32, #tpu.memory_space<vmem>>
      %dma_start3A_584 = arith.constant 0 : i32
      %dma_start3A_585 = arith.constant 0 : i32
      %dma_start3A_586 = tpu.memref_slice %arg11[%dma_start3A_584, %dma_start3A_585] : memref<10240x16xf32, #tpu.memory_space<vmem_shared>> -> memref<10240x16xf32, #tpu.memory_space<vmem_shared>>
      tpu.enqueue_indirect_dma source(%dma_start3A_580 : memref<128x16xf32, #tpu.memory_space<vmem>>) target(%dma_start3A_586 : memref<10240x16xf32, #tpu.memory_space<vmem_shared>>) offsets(%dma_start3A_583 : memref<128xi32, #tpu.memory_space<vmem>>) semaphore(%run_scoped3A_576 : memref<!tpu.dma_semaphore, #tpu.memory_space<semaphore_mem>>) {add = true}
      %dma_wait3A_587 = arith.constant 0 : i32
      %dma_wait3A_588 = arith.constant 0 : i32
      %dma_wait3A_589 = tpu.memref_slice %arg7[%run_scoped3A_563, %dma_wait3A_587, %dma_wait3A_588] : memref<8x128x16xf32, #tpu.memory_space<vmem>> -> memref<1x128x16xf32, #tpu.memory_space<vmem>>
      %dma_wait3A_590 = tpu.memref_squeeze %dma_wait3A_589 : memref<1x128x16xf32, #tpu.memory_space<vmem>> -> memref<128x16xf32, #tpu.memory_space<vmem>>
      %dma_wait3A_591 = arith.constant 0 : i32
      %dma_wait3A_592 = tpu.memref_slice %arg6[%run_scoped3A_564, %run_scoped3A_565, %dma_wait3A_591] : memref<79x2x128xi32, #tpu.memory_space<vmem>> -> memref<1x1x128xi32, #tpu.memory_space<vmem>>
      %dma_wait3A_593 = tpu.memref_squeeze %dma_wait3A_592 : memref<1x1x128xi32, #tpu.memory_space<vmem>> -> memref<128xi32, #tpu.memory_space<vmem>>
      %dma_wait3A_594 = arith.constant 0 : i32
      %dma_wait3A_595 = arith.constant 0 : i32
      %dma_wait3A_596 = tpu.memref_slice %arg11[%dma_wait3A_594, %dma_wait3A_595] : memref<10240x16xf32, #tpu.memory_space<vmem_shared>> -> memref<10240x16xf32, #tpu.memory_space<vmem_shared>>
      tpu.wait_indirect_dma semaphore(%run_scoped3A_576 : memref<!tpu.dma_semaphore, #tpu.memory_space<semaphore_mem>>) src(%dma_wait3A_590 : memref<128x16xf32, #tpu.memory_space<vmem>>) dst(%dma_wait3A_596 : memref<10240x16xf32, #tpu.memory_space<vmem_shared>>)
      tpu.yield
    }) : () -> ()
    %run_scoped3A_566 = arith.constant 77 : i32
    %run_scoped3A_567 = arith.constant 1 : i32
    "tpu.region"() ({
      %run_scoped3A_576 = tpu.sem_alloc : memref<!tpu.dma_semaphore, #tpu.memory_space<semaphore_mem>>
      %dma_start3A_577 = arith.constant 0 : i32
      %dma_start3A_578 = tpu.memref_slice %arg6[%run_scoped3A_566, %run_scoped3A_567, %dma_start3A_577] : memref<79x2x128xi32, #tpu.memory_space<vmem>> -> memref<1x1x128xi32, #tpu.memory_space<vmem>>
      %dma_start3A_579 = tpu.memref_squeeze %dma_start3A_578 : memref<1x1x128xi32, #tpu.memory_space<vmem>> -> memref<128xi32, #tpu.memory_space<vmem>>
      %dma_start3A_580 = arith.constant 0 : i32
      %dma_start3A_581 = tpu.memref_slice %arg12[%dma_start3A_580] : memref<10240xf32, #tpu.memory_space<vmem_shared>> -> memref<10240xf32, #tpu.memory_space<vmem_shared>>
      tpu.enqueue_indirect_dma source(%arg8 : memref<128xf32, #tpu.memory_space<vmem>>) target(%dma_start3A_581 : memref<10240xf32, #tpu.memory_space<vmem_shared>>) offsets(%dma_start3A_579 : memref<128xi32, #tpu.memory_space<vmem>>) semaphore(%run_scoped3A_576 : memref<!tpu.dma_semaphore, #tpu.memory_space<semaphore_mem>>) {add = true}
      %dma_wait3A_582 = arith.constant 0 : i32
      %dma_wait3A_583 = tpu.memref_slice %arg6[%run_scoped3A_566, %run_scoped3A_567, %dma_wait3A_582] : memref<79x2x128xi32, #tpu.memory_space<vmem>> -> memref<1x1x128xi32, #tpu.memory_space<vmem>>
      %dma_wait3A_584 = tpu.memref_squeeze %dma_wait3A_583 : memref<1x1x128xi32, #tpu.memory_space<vmem>> -> memref<128xi32, #tpu.memory_space<vmem>>
      %dma_wait3A_585 = arith.constant 0 : i32
      %dma_wait3A_586 = tpu.memref_slice %arg12[%dma_wait3A_585] : memref<10240xf32, #tpu.memory_space<vmem_shared>> -> memref<10240xf32, #tpu.memory_space<vmem_shared>>
      tpu.wait_indirect_dma semaphore(%run_scoped3A_576 : memref<!tpu.dma_semaphore, #tpu.memory_space<semaphore_mem>>) src(%arg8 : memref<128xf32, #tpu.memory_space<vmem>>) dst(%dma_wait3A_586 : memref<10240xf32, #tpu.memory_space<vmem_shared>>)
      tpu.yield
    }) : () -> ()
    %lt3A_568 = arith.constant 4 : i32
    %lt3A_569 = arith.cmpi slt, %add3A, %lt3A_568 : i32
    %convert_element_type3A_570 = arith.extui %lt3A_569 : i1 to i32
    %cond3A_571 = arith.constant 0 : i32
    %cond3A_572 = arith.cmpi ne, %convert_element_type3A_570, %cond3A_571 : i32
    scf.if %cond3A_572 {
      %dma_start3A_576 = arith.constant 78 : i32
      %dma_start3A_577 = arith.constant 0 : i32
      %dma_start3A_578 = arith.constant 0 : i32
      %dma_start3A_579 = arith.constant 0 : i32
      %dma_start3A_580 = arith.constant 0 : i32
      %dma_start3A_581 = arith.constant 0 : i32
      %dma_start3A_582 = tpu.memref_slice %arg7[%dma_start3A_578, %dma_start3A_580, %dma_start3A_581] : memref<8x128x16xf32, #tpu.memory_space<vmem>> -> memref<1x128x16xf32, #tpu.memory_space<vmem>>
      %dma_start3A_583 = tpu.memref_squeeze %dma_start3A_582 : memref<1x128x16xf32, #tpu.memory_space<vmem>> -> memref<128x16xf32, #tpu.memory_space<vmem>>
      %dma_start3A_584 = arith.constant 0 : i32
      %dma_start3A_585 = tpu.memref_slice %arg6[%dma_start3A_576, %dma_start3A_577, %dma_start3A_584] : memref<79x2x128xi32, #tpu.memory_space<vmem>> -> memref<1x1x128xi32, #tpu.memory_space<vmem>>
      %dma_start3A_586 = tpu.memref_squeeze %dma_start3A_585 : memref<1x1x128xi32, #tpu.memory_space<vmem>> -> memref<128xi32, #tpu.memory_space<vmem>>
      %dma_start3A_587 = arith.constant 0 : i32
      %dma_start3A_588 = arith.constant 0 : i32
      %dma_start3A_589 = tpu.memref_slice %arg13[%dma_start3A_587, %dma_start3A_588] : memref<10000x16xf32, #tpu.memory_space<vmem_shared>> -> memref<10000x16xf32, #tpu.memory_space<vmem_shared>>
      %dma_start3A_590 = tpu.memref_slice %arg14[%dma_start3A_579] : memref<8x!tpu.dma_semaphore, #tpu.memory_space<semaphore_mem>> -> memref<1x!tpu.dma_semaphore, #tpu.memory_space<semaphore_mem>>
      %dma_start3A_591 = tpu.memref_squeeze %dma_start3A_590 : memref<1x!tpu.dma_semaphore, #tpu.memory_space<semaphore_mem>> -> memref<!tpu.dma_semaphore, #tpu.memory_space<semaphore_mem>>
      tpu.enqueue_indirect_dma source(%dma_start3A_589 : memref<10000x16xf32, #tpu.memory_space<vmem_shared>>) target(%dma_start3A_583 : memref<128x16xf32, #tpu.memory_space<vmem>>) offsets(%dma_start3A_586 : memref<128xi32, #tpu.memory_space<vmem>>) semaphore(%dma_start3A_591 : memref<!tpu.dma_semaphore, #tpu.memory_space<semaphore_mem>>)
      %dma_wait3A_592 = arith.constant 78 : i32
      %dma_wait3A_593 = arith.constant 0 : i32
      %dma_wait3A_594 = arith.constant 0 : i32
      %dma_wait3A_595 = arith.constant 0 : i32
      %dma_wait3A_596 = arith.constant 0 : i32
      %dma_wait3A_597 = arith.constant 0 : i32
      %dma_wait3A_598 = tpu.memref_slice %arg7[%dma_wait3A_594, %dma_wait3A_596, %dma_wait3A_597] : memref<8x128x16xf32, #tpu.memory_space<vmem>> -> memref<1x128x16xf32, #tpu.memory_space<vmem>>
      %dma_wait3A_599 = tpu.memref_squeeze %dma_wait3A_598 : memref<1x128x16xf32, #tpu.memory_space<vmem>> -> memref<128x16xf32, #tpu.memory_space<vmem>>
      %dma_wait3A_600 = arith.constant 0 : i32
      %dma_wait3A_601 = tpu.memref_slice %arg6[%dma_wait3A_592, %dma_wait3A_593, %dma_wait3A_600] : memref<79x2x128xi32, #tpu.memory_space<vmem>> -> memref<1x1x128xi32, #tpu.memory_space<vmem>>
      %dma_wait3A_602 = tpu.memref_squeeze %dma_wait3A_601 : memref<1x1x128xi32, #tpu.memory_space<vmem>> -> memref<128xi32, #tpu.memory_space<vmem>>
      %dma_wait3A_603 = arith.constant 0 : i32
      %dma_wait3A_604 = arith.constant 0 : i32
      %dma_wait3A_605 = tpu.memref_slice %arg13[%dma_wait3A_603, %dma_wait3A_604] : memref<10000x16xf32, #tpu.memory_space<vmem_shared>> -> memref<10000x16xf32, #tpu.memory_space<vmem_shared>>
      %dma_wait3A_606 = tpu.memref_slice %arg14[%dma_wait3A_595] : memref<8x!tpu.dma_semaphore, #tpu.memory_space<semaphore_mem>> -> memref<1x!tpu.dma_semaphore, #tpu.memory_space<semaphore_mem>>
      %dma_wait3A_607 = tpu.memref_squeeze %dma_wait3A_606 : memref<1x!tpu.dma_semaphore, #tpu.memory_space<semaphore_mem>> -> memref<!tpu.dma_semaphore, #tpu.memory_space<semaphore_mem>>
      tpu.wait_indirect_dma semaphore(%dma_wait3A_607 : memref<!tpu.dma_semaphore, #tpu.memory_space<semaphore_mem>>) src(%dma_wait3A_605 : memref<10000x16xf32, #tpu.memory_space<vmem_shared>>) dst(%dma_wait3A_599 : memref<128x16xf32, #tpu.memory_space<vmem>>)
      %run_scoped3A_608 = arith.constant 0 : i32
      %run_scoped3A_609 = arith.constant 78 : i32
      %run_scoped3A_610 = arith.constant 1 : i32
      "tpu.region"() ({
        %run_scoped3A_613 = tpu.sem_alloc : memref<!tpu.dma_semaphore, #tpu.memory_space<semaphore_mem>>
        %dma_start3A_614 = arith.constant 0 : i32
        %dma_start3A_615 = arith.constant 0 : i32
        %dma_start3A_616 = tpu.memref_slice %arg7[%run_scoped3A_608, %dma_start3A_614, %dma_start3A_615] : memref<8x128x16xf32, #tpu.memory_space<vmem>> -> memref<1x128x16xf32, #tpu.memory_space<vmem>>
        %dma_start3A_617 = tpu.memref_squeeze %dma_start3A_616 : memref<1x128x16xf32, #tpu.memory_space<vmem>> -> memref<128x16xf32, #tpu.memory_space<vmem>>
        %dma_start3A_618 = arith.constant 0 : i32
        %dma_start3A_619 = tpu.memref_slice %arg6[%run_scoped3A_609, %run_scoped3A_610, %dma_start3A_618] : memref<79x2x128xi32, #tpu.memory_space<vmem>> -> memref<1x1x128xi32, #tpu.memory_space<vmem>>
        %dma_start3A_620 = tpu.memref_squeeze %dma_start3A_619 : memref<1x1x128xi32, #tpu.memory_space<vmem>> -> memref<128xi32, #tpu.memory_space<vmem>>
        %dma_start3A_621 = arith.constant 0 : i32
        %dma_start3A_622 = arith.constant 0 : i32
        %dma_start3A_623 = tpu.memref_slice %arg11[%dma_start3A_621, %dma_start3A_622] : memref<10240x16xf32, #tpu.memory_space<vmem_shared>> -> memref<10240x16xf32, #tpu.memory_space<vmem_shared>>
        tpu.enqueue_indirect_dma source(%dma_start3A_617 : memref<128x16xf32, #tpu.memory_space<vmem>>) target(%dma_start3A_623 : memref<10240x16xf32, #tpu.memory_space<vmem_shared>>) offsets(%dma_start3A_620 : memref<128xi32, #tpu.memory_space<vmem>>) semaphore(%run_scoped3A_613 : memref<!tpu.dma_semaphore, #tpu.memory_space<semaphore_mem>>) {add = true}
        %dma_wait3A_624 = arith.constant 0 : i32
        %dma_wait3A_625 = arith.constant 0 : i32
        %dma_wait3A_626 = tpu.memref_slice %arg7[%run_scoped3A_608, %dma_wait3A_624, %dma_wait3A_625] : memref<8x128x16xf32, #tpu.memory_space<vmem>> -> memref<1x128x16xf32, #tpu.memory_space<vmem>>
        %dma_wait3A_627 = tpu.memref_squeeze %dma_wait3A_626 : memref<1x128x16xf32, #tpu.memory_space<vmem>> -> memref<128x16xf32, #tpu.memory_space<vmem>>
        %dma_wait3A_628 = arith.constant 0 : i32
        %dma_wait3A_629 = tpu.memref_slice %arg6[%run_scoped3A_609, %run_scoped3A_610, %dma_wait3A_628] : memref<79x2x128xi32, #tpu.memory_space<vmem>> -> memref<1x1x128xi32, #tpu.memory_space<vmem>>
        %dma_wait3A_630 = tpu.memref_squeeze %dma_wait3A_629 : memref<1x1x128xi32, #tpu.memory_space<vmem>> -> memref<128xi32, #tpu.memory_space<vmem>>
        %dma_wait3A_631 = arith.constant 0 : i32
        %dma_wait3A_632 = arith.constant 0 : i32
        %dma_wait3A_633 = tpu.memref_slice %arg11[%dma_wait3A_631, %dma_wait3A_632] : memref<10240x16xf32, #tpu.memory_space<vmem_shared>> -> memref<10240x16xf32, #tpu.memory_space<vmem_shared>>
        tpu.wait_indirect_dma semaphore(%run_scoped3A_613 : memref<!tpu.dma_semaphore, #tpu.memory_space<semaphore_mem>>) src(%dma_wait3A_627 : memref<128x16xf32, #tpu.memory_space<vmem>>) dst(%dma_wait3A_633 : memref<10240x16xf32, #tpu.memory_space<vmem_shared>>)
        tpu.yield
      }) : () -> ()
      %run_scoped3A_611 = arith.constant 78 : i32
      %run_scoped3A_612 = arith.constant 1 : i32
      "tpu.region"() ({
        %run_scoped3A_613 = tpu.sem_alloc : memref<!tpu.dma_semaphore, #tpu.memory_space<semaphore_mem>>
        %dma_start3A_614 = arith.constant 0 : i32
        %dma_start3A_615 = tpu.memref_slice %arg6[%run_scoped3A_611, %run_scoped3A_612, %dma_start3A_614] : memref<79x2x128xi32, #tpu.memory_space<vmem>> -> memref<1x1x128xi32, #tpu.memory_space<vmem>>
        %dma_start3A_616 = tpu.memref_squeeze %dma_start3A_615 : memref<1x1x128xi32, #tpu.memory_space<vmem>> -> memref<128xi32, #tpu.memory_space<vmem>>
        %dma_start3A_617 = arith.constant 0 : i32
        %dma_start3A_618 = tpu.memref_slice %arg12[%dma_start3A_617] : memref<10240xf32, #tpu.memory_space<vmem_shared>> -> memref<10240xf32, #tpu.memory_space<vmem_shared>>
        tpu.enqueue_indirect_dma source(%arg8 : memref<128xf32, #tpu.memory_space<vmem>>) target(%dma_start3A_618 : memref<10240xf32, #tpu.memory_space<vmem_shared>>) offsets(%dma_start3A_616 : memref<128xi32, #tpu.memory_space<vmem>>) semaphore(%run_scoped3A_613 : memref<!tpu.dma_semaphore, #tpu.memory_space<semaphore_mem>>) {add = true}
        %dma_wait3A_619 = arith.constant 0 : i32
        %dma_wait3A_620 = tpu.memref_slice %arg6[%run_scoped3A_611, %run_scoped3A_612, %dma_wait3A_619] : memref<79x2x128xi32, #tpu.memory_space<vmem>> -> memref<1x1x128xi32, #tpu.memory_space<vmem>>
        %dma_wait3A_621 = tpu.memref_squeeze %dma_wait3A_620 : memref<1x1x128xi32, #tpu.memory_space<vmem>> -> memref<128xi32, #tpu.memory_space<vmem>>
        %dma_wait3A_622 = arith.constant 0 : i32
        %dma_wait3A_623 = tpu.memref_slice %arg12[%dma_wait3A_622] : memref<10240xf32, #tpu.memory_space<vmem_shared>> -> memref<10240xf32, #tpu.memory_space<vmem_shared>>
        tpu.wait_indirect_dma semaphore(%run_scoped3A_613 : memref<!tpu.dma_semaphore, #tpu.memory_space<semaphore_mem>>) src(%arg8 : memref<128xf32, #tpu.memory_space<vmem>>) dst(%dma_wait3A_623 : memref<10240xf32, #tpu.memory_space<vmem_shared>>)
        tpu.yield
      }) : () -> ()
    } else {
    }
    %barrier3A_573 = arith.constant 0 : index
    tpu.barrier barrier_id(%barrier3A_573)
    %mul3A_574 = arith.constant 640 : i32
    %mul3A_575 = arith.muli %arg1, %mul3A_574 : i32
    "tpu.region"() ({
      %run_scoped3A_576 = tpu.sem_alloc : memref<!tpu.dma_semaphore, #tpu.memory_space<semaphore_mem>>
      %dma_start3A_577 = arith.constant 0 : i32
      %dma_start3A_578 = tpu.memref_slice %arg4[%arg0, %mul3A_575, %dma_start3A_577] : memref<2x10240x16xf32, #tpu.memory_space<hbm>> -> memref<1x640x16xf32, #tpu.memory_space<hbm>>
      %dma_start3A_579 = tpu.memref_squeeze %dma_start3A_578 : memref<1x640x16xf32, #tpu.memory_space<hbm>> -> memref<640x16xf32, #tpu.memory_space<hbm>>
      %dma_start3A_580 = arith.constant 0 : i32
      %dma_start3A_581 = tpu.memref_slice %arg11[%mul3A_575, %dma_start3A_580] : memref<10240x16xf32, #tpu.memory_space<vmem_shared>> -> memref<640x16xf32, #tpu.memory_space<vmem_shared>>
      tpu.enqueue_dma source(%dma_start3A_581 : memref<640x16xf32, #tpu.memory_space<vmem_shared>>) target(%dma_start3A_579 : memref<640x16xf32, #tpu.memory_space<hbm>>) target_semaphore(%run_scoped3A_576 : memref<!tpu.dma_semaphore, #tpu.memory_space<semaphore_mem>>)
      %dma_wait3A_582 = arith.constant 0 : i32
      %dma_wait3A_583 = tpu.memref_slice %arg4[%arg0, %mul3A_575, %dma_wait3A_582] : memref<2x10240x16xf32, #tpu.memory_space<hbm>> -> memref<1x640x16xf32, #tpu.memory_space<hbm>>
      %dma_wait3A_584 = tpu.memref_squeeze %dma_wait3A_583 : memref<1x640x16xf32, #tpu.memory_space<hbm>> -> memref<640x16xf32, #tpu.memory_space<hbm>>
      %dma_wait3A_585 = arith.constant 0 : i32
      %dma_wait3A_586 = tpu.memref_slice %arg11[%mul3A_575, %dma_wait3A_585] : memref<10240x16xf32, #tpu.memory_space<vmem_shared>> -> memref<640x16xf32, #tpu.memory_space<vmem_shared>>
      tpu.wait_dma2 semaphore(%run_scoped3A_576 : memref<!tpu.dma_semaphore, #tpu.memory_space<semaphore_mem>>) src(%dma_wait3A_586 : memref<640x16xf32, #tpu.memory_space<vmem_shared>>) dst(%dma_wait3A_584 : memref<640x16xf32, #tpu.memory_space<hbm>>)
      tpu.yield
    }) : () -> ()
    "tpu.region"() ({
      %run_scoped3A_576 = tpu.sem_alloc : memref<!tpu.dma_semaphore, #tpu.memory_space<semaphore_mem>>
      %dma_start3A_577 = tpu.memref_slice %arg5[%arg0, %mul3A_575] : memref<2x10240xf32, #tpu.memory_space<hbm>> -> memref<1x640xf32, #tpu.memory_space<hbm>>
      %dma_start3A_578 = tpu.memref_squeeze %dma_start3A_577 : memref<1x640xf32, #tpu.memory_space<hbm>> -> memref<640xf32, #tpu.memory_space<hbm>>
      %dma_start3A_579 = tpu.memref_slice %arg12[%mul3A_575] : memref<10240xf32, #tpu.memory_space<vmem_shared>> -> memref<640xf32, #tpu.memory_space<vmem_shared>>
      tpu.enqueue_dma source(%dma_start3A_579 : memref<640xf32, #tpu.memory_space<vmem_shared>>) target(%dma_start3A_578 : memref<640xf32, #tpu.memory_space<hbm>>) target_semaphore(%run_scoped3A_576 : memref<!tpu.dma_semaphore, #tpu.memory_space<semaphore_mem>>)
      %dma_wait3A_580 = tpu.memref_slice %arg5[%arg0, %mul3A_575] : memref<2x10240xf32, #tpu.memory_space<hbm>> -> memref<1x640xf32, #tpu.memory_space<hbm>>
      %dma_wait3A_581 = tpu.memref_squeeze %dma_wait3A_580 : memref<1x640xf32, #tpu.memory_space<hbm>> -> memref<640xf32, #tpu.memory_space<hbm>>
      %dma_wait3A_582 = tpu.memref_slice %arg12[%mul3A_575] : memref<10240xf32, #tpu.memory_space<vmem_shared>> -> memref<640xf32, #tpu.memory_space<vmem_shared>>
      tpu.wait_dma2 semaphore(%run_scoped3A_576 : memref<!tpu.dma_semaphore, #tpu.memory_space<semaphore_mem>>) src(%dma_wait3A_582 : memref<640xf32, #tpu.memory_space<vmem_shared>>) dst(%dma_wait3A_581 : memref<640xf32, #tpu.memory_space<hbm>>)
      tpu.yield
    }) : () -> ()
    return
  }
}

module attributes {stable_mosaic.version = 14 : i64} {
  func.func @_mm_body(%arg0: memref<1250x8x128xf32, #tpu.memory_space<vmem>>, %arg1: memref<8x128x128xf32, #tpu.memory_space<vmem>>, %arg2: memref<8x128x128xf32, #tpu.memory_space<vmem>>, %arg3: memref<1250x128xf32, #tpu.memory_space<vmem>>, %arg4: memref<1250x128xf32, #tpu.memory_space<vmem>>) attributes {dimension_semantics = [], scalar_prefetch = 0 : i64, scratch_operands = 0 : i64, tpu.core_type = #tpu.core_type<tc>} {
    %get3A = arith.constant 0 : index
    %get3A_0 = arith.constant 0 : index
    %get3A_1 = arith.constant 0 : index
    %get3A_2 = vector.load %arg0[%get3A, %get3A_0, %get3A_1] : memref<1250x8x128xf32, #tpu.memory_space<vmem>>, vector<1250x1x128xf32>
    %get3A_3 = vector.shape_cast %get3A_2 : vector<1250x1x128xf32> to vector<1250x128xf32>
    %get3A_4 = arith.constant 0 : index
    %get3A_5 = arith.constant 0 : index
    %get3A_6 = arith.constant 0 : index
    %get3A_7 = vector.load %arg1[%get3A_4, %get3A_5, %get3A_6] : memref<8x128x128xf32, #tpu.memory_space<vmem>>, vector<1x128x128xf32>
    %get3A_8 = vector.shape_cast %get3A_7 : vector<1x128x128xf32> to vector<128x128xf32>
    %dot_general3A = arith.constant dense<0.000000e+00> : vector<1250x128xf32>
    %dot_general3A_9 = tpu.matmul %get3A_3, %get3A_8, %dot_general3A {dimension_numbers = #tpu.dot_dimension_numbers<[1], [0], [0], [1], [0, 0, 1, 1], [], []>, transpose_lhs_hint = false} : vector<1250x128xf32>, vector<128x128xf32>, vector<1250x128xf32> -> vector<1250x128xf32>
    %add3A = arith.constant 0.000000e+00 : f32
    %add3A_10 = vector.broadcast %add3A : f32 to vector<1250x128xf32>
    %add3A_11 = arith.addf %add3A_10, %dot_general3A_9 : vector<1250x128xf32>
    %get3A_12 = arith.constant 0 : index
    %get3A_13 = arith.constant 0 : index
    %get3A_14 = arith.constant 0 : index
    %get3A_15 = vector.load %arg2[%get3A_12, %get3A_13, %get3A_14] : memref<8x128x128xf32, #tpu.memory_space<vmem>>, vector<1x128x128xf32>
    %get3A_16 = vector.shape_cast %get3A_15 : vector<1x128x128xf32> to vector<128x128xf32>
    %dot_general3A_17 = arith.constant dense<0.000000e+00> : vector<1250x128xf32>
    %dot_general3A_18 = tpu.matmul %get3A_3, %get3A_16, %dot_general3A_17 {dimension_numbers = #tpu.dot_dimension_numbers<[1], [0], [0], [1], [0, 0, 1, 1], [], []>, transpose_lhs_hint = false} : vector<1250x128xf32>, vector<128x128xf32>, vector<1250x128xf32> -> vector<1250x128xf32>
    %add3A_19 = arith.constant 0.000000e+00 : f32
    %add3A_20 = vector.broadcast %add3A_19 : f32 to vector<1250x128xf32>
    %add3A_21 = arith.addf %add3A_20, %dot_general3A_18 : vector<1250x128xf32>
    %get3A_22 = arith.constant 0 : index
    %get3A_23 = arith.constant 1 : index
    %get3A_24 = arith.constant 0 : index
    %get3A_25 = vector.load %arg0[%get3A_22, %get3A_23, %get3A_24] : memref<1250x8x128xf32, #tpu.memory_space<vmem>>, vector<1250x1x128xf32>
    %get3A_26 = vector.shape_cast %get3A_25 : vector<1250x1x128xf32> to vector<1250x128xf32>
    %get3A_27 = arith.constant 1 : index
    %get3A_28 = arith.constant 0 : index
    %get3A_29 = arith.constant 0 : index
    %get3A_30 = vector.load %arg1[%get3A_27, %get3A_28, %get3A_29] : memref<8x128x128xf32, #tpu.memory_space<vmem>>, vector<1x128x128xf32>
    %get3A_31 = vector.shape_cast %get3A_30 : vector<1x128x128xf32> to vector<128x128xf32>
    %dot_general3A_32 = arith.constant dense<0.000000e+00> : vector<1250x128xf32>
    %dot_general3A_33 = tpu.matmul %get3A_26, %get3A_31, %dot_general3A_32 {dimension_numbers = #tpu.dot_dimension_numbers<[1], [0], [0], [1], [0, 0, 1, 1], [], []>, transpose_lhs_hint = false} : vector<1250x128xf32>, vector<128x128xf32>, vector<1250x128xf32> -> vector<1250x128xf32>
    %add3A_34 = arith.addf %add3A_11, %dot_general3A_33 : vector<1250x128xf32>
    %get3A_35 = arith.constant 1 : index
    %get3A_36 = arith.constant 0 : index
    %get3A_37 = arith.constant 0 : index
    %get3A_38 = vector.load %arg2[%get3A_35, %get3A_36, %get3A_37] : memref<8x128x128xf32, #tpu.memory_space<vmem>>, vector<1x128x128xf32>
    %get3A_39 = vector.shape_cast %get3A_38 : vector<1x128x128xf32> to vector<128x128xf32>
    %dot_general3A_40 = arith.constant dense<0.000000e+00> : vector<1250x128xf32>
    %dot_general3A_41 = tpu.matmul %get3A_26, %get3A_39, %dot_general3A_40 {dimension_numbers = #tpu.dot_dimension_numbers<[1], [0], [0], [1], [0, 0, 1, 1], [], []>, transpose_lhs_hint = false} : vector<1250x128xf32>, vector<128x128xf32>, vector<1250x128xf32> -> vector<1250x128xf32>
    %add3A_42 = arith.addf %add3A_21, %dot_general3A_41 : vector<1250x128xf32>
    %get3A_43 = arith.constant 0 : index
    %get3A_44 = arith.constant 2 : index
    %get3A_45 = arith.constant 0 : index
    %get3A_46 = vector.load %arg0[%get3A_43, %get3A_44, %get3A_45] : memref<1250x8x128xf32, #tpu.memory_space<vmem>>, vector<1250x1x128xf32>
    %get3A_47 = vector.shape_cast %get3A_46 : vector<1250x1x128xf32> to vector<1250x128xf32>
    %get3A_48 = arith.constant 2 : index
    %get3A_49 = arith.constant 0 : index
    %get3A_50 = arith.constant 0 : index
    %get3A_51 = vector.load %arg1[%get3A_48, %get3A_49, %get3A_50] : memref<8x128x128xf32, #tpu.memory_space<vmem>>, vector<1x128x128xf32>
    %get3A_52 = vector.shape_cast %get3A_51 : vector<1x128x128xf32> to vector<128x128xf32>
    %dot_general3A_53 = arith.constant dense<0.000000e+00> : vector<1250x128xf32>
    %dot_general3A_54 = tpu.matmul %get3A_47, %get3A_52, %dot_general3A_53 {dimension_numbers = #tpu.dot_dimension_numbers<[1], [0], [0], [1], [0, 0, 1, 1], [], []>, transpose_lhs_hint = false} : vector<1250x128xf32>, vector<128x128xf32>, vector<1250x128xf32> -> vector<1250x128xf32>
    %add3A_55 = arith.addf %add3A_34, %dot_general3A_54 : vector<1250x128xf32>
    %get3A_56 = arith.constant 2 : index
    %get3A_57 = arith.constant 0 : index
    %get3A_58 = arith.constant 0 : index
    %get3A_59 = vector.load %arg2[%get3A_56, %get3A_57, %get3A_58] : memref<8x128x128xf32, #tpu.memory_space<vmem>>, vector<1x128x128xf32>
    %get3A_60 = vector.shape_cast %get3A_59 : vector<1x128x128xf32> to vector<128x128xf32>
    %dot_general3A_61 = arith.constant dense<0.000000e+00> : vector<1250x128xf32>
    %dot_general3A_62 = tpu.matmul %get3A_47, %get3A_60, %dot_general3A_61 {dimension_numbers = #tpu.dot_dimension_numbers<[1], [0], [0], [1], [0, 0, 1, 1], [], []>, transpose_lhs_hint = false} : vector<1250x128xf32>, vector<128x128xf32>, vector<1250x128xf32> -> vector<1250x128xf32>
    %add3A_63 = arith.addf %add3A_42, %dot_general3A_62 : vector<1250x128xf32>
    %get3A_64 = arith.constant 0 : index
    %get3A_65 = arith.constant 3 : index
    %get3A_66 = arith.constant 0 : index
    %get3A_67 = vector.load %arg0[%get3A_64, %get3A_65, %get3A_66] : memref<1250x8x128xf32, #tpu.memory_space<vmem>>, vector<1250x1x128xf32>
    %get3A_68 = vector.shape_cast %get3A_67 : vector<1250x1x128xf32> to vector<1250x128xf32>
    %get3A_69 = arith.constant 3 : index
    %get3A_70 = arith.constant 0 : index
    %get3A_71 = arith.constant 0 : index
    %get3A_72 = vector.load %arg1[%get3A_69, %get3A_70, %get3A_71] : memref<8x128x128xf32, #tpu.memory_space<vmem>>, vector<1x128x128xf32>
    %get3A_73 = vector.shape_cast %get3A_72 : vector<1x128x128xf32> to vector<128x128xf32>
    %dot_general3A_74 = arith.constant dense<0.000000e+00> : vector<1250x128xf32>
    %dot_general3A_75 = tpu.matmul %get3A_68, %get3A_73, %dot_general3A_74 {dimension_numbers = #tpu.dot_dimension_numbers<[1], [0], [0], [1], [0, 0, 1, 1], [], []>, transpose_lhs_hint = false} : vector<1250x128xf32>, vector<128x128xf32>, vector<1250x128xf32> -> vector<1250x128xf32>
    %add3A_76 = arith.addf %add3A_55, %dot_general3A_75 : vector<1250x128xf32>
    %get3A_77 = arith.constant 3 : index
    %get3A_78 = arith.constant 0 : index
    %get3A_79 = arith.constant 0 : index
    %get3A_80 = vector.load %arg2[%get3A_77, %get3A_78, %get3A_79] : memref<8x128x128xf32, #tpu.memory_space<vmem>>, vector<1x128x128xf32>
    %get3A_81 = vector.shape_cast %get3A_80 : vector<1x128x128xf32> to vector<128x128xf32>
    %dot_general3A_82 = arith.constant dense<0.000000e+00> : vector<1250x128xf32>
    %dot_general3A_83 = tpu.matmul %get3A_68, %get3A_81, %dot_general3A_82 {dimension_numbers = #tpu.dot_dimension_numbers<[1], [0], [0], [1], [0, 0, 1, 1], [], []>, transpose_lhs_hint = false} : vector<1250x128xf32>, vector<128x128xf32>, vector<1250x128xf32> -> vector<1250x128xf32>
    %add3A_84 = arith.addf %add3A_63, %dot_general3A_83 : vector<1250x128xf32>
    %get3A_85 = arith.constant 0 : index
    %get3A_86 = arith.constant 4 : index
    %get3A_87 = arith.constant 0 : index
    %get3A_88 = vector.load %arg0[%get3A_85, %get3A_86, %get3A_87] : memref<1250x8x128xf32, #tpu.memory_space<vmem>>, vector<1250x1x128xf32>
    %get3A_89 = vector.shape_cast %get3A_88 : vector<1250x1x128xf32> to vector<1250x128xf32>
    %get3A_90 = arith.constant 4 : index
    %get3A_91 = arith.constant 0 : index
    %get3A_92 = arith.constant 0 : index
    %get3A_93 = vector.load %arg1[%get3A_90, %get3A_91, %get3A_92] : memref<8x128x128xf32, #tpu.memory_space<vmem>>, vector<1x128x128xf32>
    %get3A_94 = vector.shape_cast %get3A_93 : vector<1x128x128xf32> to vector<128x128xf32>
    %dot_general3A_95 = arith.constant dense<0.000000e+00> : vector<1250x128xf32>
    %dot_general3A_96 = tpu.matmul %get3A_89, %get3A_94, %dot_general3A_95 {dimension_numbers = #tpu.dot_dimension_numbers<[1], [0], [0], [1], [0, 0, 1, 1], [], []>, transpose_lhs_hint = false} : vector<1250x128xf32>, vector<128x128xf32>, vector<1250x128xf32> -> vector<1250x128xf32>
    %add3A_97 = arith.addf %add3A_76, %dot_general3A_96 : vector<1250x128xf32>
    %get3A_98 = arith.constant 4 : index
    %get3A_99 = arith.constant 0 : index
    %get3A_100 = arith.constant 0 : index
    %get3A_101 = vector.load %arg2[%get3A_98, %get3A_99, %get3A_100] : memref<8x128x128xf32, #tpu.memory_space<vmem>>, vector<1x128x128xf32>
    %get3A_102 = vector.shape_cast %get3A_101 : vector<1x128x128xf32> to vector<128x128xf32>
    %dot_general3A_103 = arith.constant dense<0.000000e+00> : vector<1250x128xf32>
    %dot_general3A_104 = tpu.matmul %get3A_89, %get3A_102, %dot_general3A_103 {dimension_numbers = #tpu.dot_dimension_numbers<[1], [0], [0], [1], [0, 0, 1, 1], [], []>, transpose_lhs_hint = false} : vector<1250x128xf32>, vector<128x128xf32>, vector<1250x128xf32> -> vector<1250x128xf32>
    %add3A_105 = arith.addf %add3A_84, %dot_general3A_104 : vector<1250x128xf32>
    %get3A_106 = arith.constant 0 : index
    %get3A_107 = arith.constant 5 : index
    %get3A_108 = arith.constant 0 : index
    %get3A_109 = vector.load %arg0[%get3A_106, %get3A_107, %get3A_108] : memref<1250x8x128xf32, #tpu.memory_space<vmem>>, vector<1250x1x128xf32>
    %get3A_110 = vector.shape_cast %get3A_109 : vector<1250x1x128xf32> to vector<1250x128xf32>
    %get3A_111 = arith.constant 5 : index
    %get3A_112 = arith.constant 0 : index
    %get3A_113 = arith.constant 0 : index
    %get3A_114 = vector.load %arg1[%get3A_111, %get3A_112, %get3A_113] : memref<8x128x128xf32, #tpu.memory_space<vmem>>, vector<1x128x128xf32>
    %get3A_115 = vector.shape_cast %get3A_114 : vector<1x128x128xf32> to vector<128x128xf32>
    %dot_general3A_116 = arith.constant dense<0.000000e+00> : vector<1250x128xf32>
    %dot_general3A_117 = tpu.matmul %get3A_110, %get3A_115, %dot_general3A_116 {dimension_numbers = #tpu.dot_dimension_numbers<[1], [0], [0], [1], [0, 0, 1, 1], [], []>, transpose_lhs_hint = false} : vector<1250x128xf32>, vector<128x128xf32>, vector<1250x128xf32> -> vector<1250x128xf32>
    %add3A_118 = arith.addf %add3A_97, %dot_general3A_117 : vector<1250x128xf32>
    %get3A_119 = arith.constant 5 : index
    %get3A_120 = arith.constant 0 : index
    %get3A_121 = arith.constant 0 : index
    %get3A_122 = vector.load %arg2[%get3A_119, %get3A_120, %get3A_121] : memref<8x128x128xf32, #tpu.memory_space<vmem>>, vector<1x128x128xf32>
    %get3A_123 = vector.shape_cast %get3A_122 : vector<1x128x128xf32> to vector<128x128xf32>
    %dot_general3A_124 = arith.constant dense<0.000000e+00> : vector<1250x128xf32>
    %dot_general3A_125 = tpu.matmul %get3A_110, %get3A_123, %dot_general3A_124 {dimension_numbers = #tpu.dot_dimension_numbers<[1], [0], [0], [1], [0, 0, 1, 1], [], []>, transpose_lhs_hint = false} : vector<1250x128xf32>, vector<128x128xf32>, vector<1250x128xf32> -> vector<1250x128xf32>
    %add3A_126 = arith.addf %add3A_105, %dot_general3A_125 : vector<1250x128xf32>
    %get3A_127 = arith.constant 0 : index
    %get3A_128 = arith.constant 6 : index
    %get3A_129 = arith.constant 0 : index
    %get3A_130 = vector.load %arg0[%get3A_127, %get3A_128, %get3A_129] : memref<1250x8x128xf32, #tpu.memory_space<vmem>>, vector<1250x1x128xf32>
    %get3A_131 = vector.shape_cast %get3A_130 : vector<1250x1x128xf32> to vector<1250x128xf32>
    %get3A_132 = arith.constant 6 : index
    %get3A_133 = arith.constant 0 : index
    %get3A_134 = arith.constant 0 : index
    %get3A_135 = vector.load %arg1[%get3A_132, %get3A_133, %get3A_134] : memref<8x128x128xf32, #tpu.memory_space<vmem>>, vector<1x128x128xf32>
    %get3A_136 = vector.shape_cast %get3A_135 : vector<1x128x128xf32> to vector<128x128xf32>
    %dot_general3A_137 = arith.constant dense<0.000000e+00> : vector<1250x128xf32>
    %dot_general3A_138 = tpu.matmul %get3A_131, %get3A_136, %dot_general3A_137 {dimension_numbers = #tpu.dot_dimension_numbers<[1], [0], [0], [1], [0, 0, 1, 1], [], []>, transpose_lhs_hint = false} : vector<1250x128xf32>, vector<128x128xf32>, vector<1250x128xf32> -> vector<1250x128xf32>
    %add3A_139 = arith.addf %add3A_118, %dot_general3A_138 : vector<1250x128xf32>
    %get3A_140 = arith.constant 6 : index
    %get3A_141 = arith.constant 0 : index
    %get3A_142 = arith.constant 0 : index
    %get3A_143 = vector.load %arg2[%get3A_140, %get3A_141, %get3A_142] : memref<8x128x128xf32, #tpu.memory_space<vmem>>, vector<1x128x128xf32>
    %get3A_144 = vector.shape_cast %get3A_143 : vector<1x128x128xf32> to vector<128x128xf32>
    %dot_general3A_145 = arith.constant dense<0.000000e+00> : vector<1250x128xf32>
    %dot_general3A_146 = tpu.matmul %get3A_131, %get3A_144, %dot_general3A_145 {dimension_numbers = #tpu.dot_dimension_numbers<[1], [0], [0], [1], [0, 0, 1, 1], [], []>, transpose_lhs_hint = false} : vector<1250x128xf32>, vector<128x128xf32>, vector<1250x128xf32> -> vector<1250x128xf32>
    %add3A_147 = arith.addf %add3A_126, %dot_general3A_146 : vector<1250x128xf32>
    %get3A_148 = arith.constant 0 : index
    %get3A_149 = arith.constant 7 : index
    %get3A_150 = arith.constant 0 : index
    %get3A_151 = vector.load %arg0[%get3A_148, %get3A_149, %get3A_150] : memref<1250x8x128xf32, #tpu.memory_space<vmem>>, vector<1250x1x128xf32>
    %get3A_152 = vector.shape_cast %get3A_151 : vector<1250x1x128xf32> to vector<1250x128xf32>
    %get3A_153 = arith.constant 7 : index
    %get3A_154 = arith.constant 0 : index
    %get3A_155 = arith.constant 0 : index
    %get3A_156 = vector.load %arg1[%get3A_153, %get3A_154, %get3A_155] : memref<8x128x128xf32, #tpu.memory_space<vmem>>, vector<1x128x128xf32>
    %get3A_157 = vector.shape_cast %get3A_156 : vector<1x128x128xf32> to vector<128x128xf32>
    %dot_general3A_158 = arith.constant dense<0.000000e+00> : vector<1250x128xf32>
    %dot_general3A_159 = tpu.matmul %get3A_152, %get3A_157, %dot_general3A_158 {dimension_numbers = #tpu.dot_dimension_numbers<[1], [0], [0], [1], [0, 0, 1, 1], [], []>, transpose_lhs_hint = false} : vector<1250x128xf32>, vector<128x128xf32>, vector<1250x128xf32> -> vector<1250x128xf32>
    %add3A_160 = arith.addf %add3A_139, %dot_general3A_159 : vector<1250x128xf32>
    %get3A_161 = arith.constant 7 : index
    %get3A_162 = arith.constant 0 : index
    %get3A_163 = arith.constant 0 : index
    %get3A_164 = vector.load %arg2[%get3A_161, %get3A_162, %get3A_163] : memref<8x128x128xf32, #tpu.memory_space<vmem>>, vector<1x128x128xf32>
    %get3A_165 = vector.shape_cast %get3A_164 : vector<1x128x128xf32> to vector<128x128xf32>
    %dot_general3A_166 = arith.constant dense<0.000000e+00> : vector<1250x128xf32>
    %dot_general3A_167 = tpu.matmul %get3A_152, %get3A_165, %dot_general3A_166 {dimension_numbers = #tpu.dot_dimension_numbers<[1], [0], [0], [1], [0, 0, 1, 1], [], []>, transpose_lhs_hint = false} : vector<1250x128xf32>, vector<128x128xf32>, vector<1250x128xf32> -> vector<1250x128xf32>
    %add3A_168 = arith.addf %add3A_147, %dot_general3A_167 : vector<1250x128xf32>
    %swap3A = arith.constant 0 : index
    %swap3A_169 = arith.constant 0 : index
    %swap3A_170 = vector.load %arg3[%swap3A, %swap3A_169] : memref<1250x128xf32, #tpu.memory_space<vmem>>, vector<1250x128xf32>
    tpu.vector_store %arg3[%swap3A, %swap3A_169], %add3A_160 {strides = array<i32>} : memref<1250x128xf32, #tpu.memory_space<vmem>>, vector<1250x128xf32>,
    %swap3A_171 = arith.constant 0 : index
    %swap3A_172 = arith.constant 0 : index
    %swap3A_173 = vector.load %arg4[%swap3A_171, %swap3A_172] : memref<1250x128xf32, #tpu.memory_space<vmem>>, vector<1250x128xf32>
    tpu.vector_store %arg4[%swap3A_171, %swap3A_172], %add3A_168 {strides = array<i32>} : memref<1250x128xf32, #tpu.memory_space<vmem>>, vector<1250x128xf32>,
    return
  }
}

module attributes {stable_mosaic.version = 14 : i64} {
  func.func @_mid_body(%arg0: memref<2x1280x128xf32, #tpu.memory_space<vmem>>, %arg1: memref<2x1280x8xf32, #tpu.memory_space<vmem>>, %arg2: memref<1250x128xf32, #tpu.memory_space<vmem>>, %arg3: memref<1x128xf32, #tpu.memory_space<vmem>>, %arg4: memref<8x128xf32, #tpu.memory_space<vmem>>, %arg5: memref<128x128xf32, #tpu.memory_space<vmem>>, %arg6: memref<1250x128xf32, #tpu.memory_space<vmem>>, %arg7: memref<1250x8xf32, #tpu.memory_space<vmem>>) attributes {dimension_semantics = [], scalar_prefetch = 0 : i64, scratch_operands = 0 : i64, tpu.core_type = #tpu.core_type<tc>} {
    %get3A = arith.constant 0 : index
    %get3A_0 = arith.constant 0 : index
    %get3A_1 = arith.constant 0 : index
    %get3A_2 = vector.load %arg1[%get3A, %get3A_0, %get3A_1] : memref<2x1280x8xf32, #tpu.memory_space<vmem>>, vector<1x1250x8xf32>
    %get3A_3 = vector.shape_cast %get3A_2 : vector<1x1250x8xf32> to vector<1250x8xf32>
    %get3A_4 = arith.constant 1 : index
    %get3A_5 = arith.constant 0 : index
    %get3A_6 = arith.constant 0 : index
    %get3A_7 = vector.load %arg1[%get3A_4, %get3A_5, %get3A_6] : memref<2x1280x8xf32, #tpu.memory_space<vmem>>, vector<1x1250x8xf32>
    %get3A_8 = vector.shape_cast %get3A_7 : vector<1x1250x8xf32> to vector<1250x8xf32>
    %add3A = arith.addf %get3A_3, %get3A_8 : vector<1250x8xf32>
    %max3A = arith.constant 1.000000e+00 : f32
    %max3A_9 = vector.broadcast %max3A : f32 to vector<1250x8xf32>
    %max3A_10 = arith.maximumf %add3A, %max3A_9 : vector<1250x8xf32>
    %div3A = arith.constant 1.000000e+00 : f32
    %div3A_11 = vector.broadcast %div3A : f32 to vector<1250x8xf32>
    %div3A_12 = arith.divf %div3A_11, %max3A_10 : vector<1250x8xf32>
    %get3A_13 = arith.constant 0 : index
    %get3A_14 = arith.constant 0 : index
    %get3A_15 = vector.load %arg4[%get3A_13, %get3A_14] : memref<8x128xf32, #tpu.memory_space<vmem>>, vector<8x128xf32>
    %dot_general3A = arith.constant dense<0.000000e+00> : vector<1250x128xf32>
    %dot_general3A_16 = tpu.matmul %div3A_12, %get3A_15, %dot_general3A {dimension_numbers = #tpu.dot_dimension_numbers<[1], [0], [0], [1], [0, 0, 1, 1], [], []>, precision = #tpu.contract_precision<fp32>, transpose_lhs_hint = false} : vector<1250x8xf32>, vector<8x128xf32>, vector<1250x128xf32> -> vector<1250x128xf32>
    %get3A_17 = arith.constant 0 : index
    %get3A_18 = arith.constant 0 : index
    %get3A_19 = arith.constant 0 : index
    %get3A_20 = vector.load %arg0[%get3A_17, %get3A_18, %get3A_19] : memref<2x1280x128xf32, #tpu.memory_space<vmem>>, vector<1x1250x128xf32>
    %get3A_21 = vector.shape_cast %get3A_20 : vector<1x1250x128xf32> to vector<1250x128xf32>
    %get3A_22 = arith.constant 1 : index
    %get3A_23 = arith.constant 0 : index
    %get3A_24 = arith.constant 0 : index
    %get3A_25 = vector.load %arg0[%get3A_22, %get3A_23, %get3A_24] : memref<2x1280x128xf32, #tpu.memory_space<vmem>>, vector<1x1250x128xf32>
    %get3A_26 = vector.shape_cast %get3A_25 : vector<1x1250x128xf32> to vector<1250x128xf32>
    %add3A_27 = arith.addf %get3A_21, %get3A_26 : vector<1250x128xf32>
    %mul3A = arith.mulf %add3A_27, %dot_general3A_16 : vector<1250x128xf32>
    %get3A_28 = arith.constant 0 : index
    %get3A_29 = arith.constant 0 : index
    %get3A_30 = vector.load %arg3[%get3A_28, %get3A_29] : memref<1x128xf32, #tpu.memory_space<vmem>>, vector<1x128xf32>
    %add3A_31 = vector.broadcast %get3A_30 : vector<1x128xf32> to vector<1250x128xf32>
    %add3A_32 = arith.addf %mul3A, %add3A_31 : vector<1250x128xf32>
    %get3A_33 = arith.constant 0 : index
    %get3A_34 = arith.constant 0 : index
    %get3A_35 = vector.load %arg2[%get3A_33, %get3A_34] : memref<1250x128xf32, #tpu.memory_space<vmem>>, vector<1250x128xf32>
    %add3A_36 = arith.addf %add3A_32, %get3A_35 : vector<1250x128xf32>
    %mul3A_37 = arith.mulf %add3A_36, %add3A_36 : vector<1250x128xf32>
    %convert_element_type3A = arith.truncf %mul3A_37 : vector<1250x128xf32> to vector<1250x128xbf16>
    %convert_element_type3A_38 = arith.extf %convert_element_type3A : vector<1250x128xbf16> to vector<1250x128xf32>
    %sub3A = arith.subf %mul3A_37, %convert_element_type3A_38 : vector<1250x128xf32>
    %get3A_39 = arith.constant 0 : index
    %get3A_40 = arith.constant 0 : index
    %get3A_41 = vector.load %arg5[%get3A_39, %get3A_40] : memref<128x128xf32, #tpu.memory_space<vmem>>, vector<128x128xf32>
    %dot_general3A_42 = arith.constant dense<0.000000e+00> : vector<1250x128xf32>
    %dot_general3A_43 = tpu.matmul %convert_element_type3A_38, %get3A_41, %dot_general3A_42 {dimension_numbers = #tpu.dot_dimension_numbers<[1], [0], [0], [1], [0, 0, 1, 1], [], []>, transpose_lhs_hint = false} : vector<1250x128xf32>, vector<128x128xf32>, vector<1250x128xf32> -> vector<1250x128xf32>
    %get3A_44 = arith.constant 0 : index
    %get3A_45 = arith.constant 0 : index
    %get3A_46 = vector.load %arg5[%get3A_44, %get3A_45] : memref<128x128xf32, #tpu.memory_space<vmem>>, vector<128x128xf32>
    %dot_general3A_47 = arith.constant dense<0.000000e+00> : vector<1250x128xf32>
    %dot_general3A_48 = tpu.matmul %sub3A, %get3A_46, %dot_general3A_47 {dimension_numbers = #tpu.dot_dimension_numbers<[1], [0], [0], [1], [0, 0, 1, 1], [], []>, transpose_lhs_hint = false} : vector<1250x128xf32>, vector<128x128xf32>, vector<1250x128xf32> -> vector<1250x128xf32>
    %add3A_49 = arith.addf %dot_general3A_43, %dot_general3A_48 : vector<1250x128xf32>
    %sqrt3A = math.sqrt %add3A_49 : vector<1250x128xf32>
    %max3A_50 = arith.constant 9.99999996E-13 : f32
    %max3A_51 = vector.broadcast %max3A_50 : f32 to vector<1250x128xf32>
    %max3A_52 = arith.maximumf %sqrt3A, %max3A_51 : vector<1250x128xf32>
    %div3A_53 = arith.constant 1.000000e+00 : f32
    %div3A_54 = vector.broadcast %div3A_53 : f32 to vector<1250x128xf32>
    %div3A_55 = arith.divf %div3A_54, %max3A_52 : vector<1250x128xf32>
    %mul3A_56 = arith.mulf %add3A_36, %div3A_55 : vector<1250x128xf32>
    %max3A_57 = arith.constant 0.000000e+00 : f32
    %max3A_58 = vector.broadcast %max3A_57 : f32 to vector<1250x128xf32>
    %max3A_59 = arith.maximumf %mul3A_56, %max3A_58 : vector<1250x128xf32>
    %swap3A = arith.constant 0 : index
    %swap3A_60 = arith.constant 0 : index
    %swap3A_61 = vector.load %arg6[%swap3A, %swap3A_60] : memref<1250x128xf32, #tpu.memory_space<vmem>>, vector<1250x128xf32>
    tpu.vector_store %arg6[%swap3A, %swap3A_60], %max3A_59 {strides = array<i32>} : memref<1250x128xf32, #tpu.memory_space<vmem>>, vector<1250x128xf32>,
    %swap3A_62 = arith.constant 0 : index
    %swap3A_63 = arith.constant 0 : index
    %swap3A_64 = vector.load %arg7[%swap3A_62, %swap3A_63] : memref<1250x8xf32, #tpu.memory_space<vmem>>, vector<1250x8xf32>
    tpu.vector_store %arg7[%swap3A_62, %swap3A_63], %div3A_12 {strides = array<i32>} : memref<1250x8xf32, #tpu.memory_space<vmem>>, vector<1250x8xf32>,
    return
  }
}

module attributes {stable_mosaic.version = 14 : i64} {
  func.func @_out_body(%arg0: memref<2x1280x128xf32, #tpu.memory_space<vmem>>, %arg1: memref<1250x8xf32, #tpu.memory_space<vmem>>, %arg2: memref<1250x128xf32, #tpu.memory_space<vmem>>, %arg3: memref<8x128xf32, #tpu.memory_space<vmem>>, %arg4: memref<128x320xf32, #tpu.memory_space<vmem>>, %arg5: memref<128x320xf32, #tpu.memory_space<vmem>>, %arg6: memref<1x320xf32, #tpu.memory_space<vmem>>, %arg7: memref<320x320xf32, #tpu.memory_space<vmem>>, %arg8: memref<1250x320xf32, #tpu.memory_space<vmem>>) attributes {dimension_semantics = [], scalar_prefetch = 0 : i64, scratch_operands = 0 : i64, tpu.core_type = #tpu.core_type<tc>} {
    %get3A = arith.constant 0 : index
    %get3A_0 = arith.constant 0 : index
    %get3A_1 = vector.load %arg1[%get3A, %get3A_0] : memref<1250x8xf32, #tpu.memory_space<vmem>>, vector<1250x8xf32>
    %get3A_2 = arith.constant 0 : index
    %get3A_3 = arith.constant 0 : index
    %get3A_4 = vector.load %arg3[%get3A_2, %get3A_3] : memref<8x128xf32, #tpu.memory_space<vmem>>, vector<8x128xf32>
    %dot_general3A = arith.constant dense<0.000000e+00> : vector<1250x128xf32>
    %dot_general3A_5 = tpu.matmul %get3A_1, %get3A_4, %dot_general3A {dimension_numbers = #tpu.dot_dimension_numbers<[1], [0], [0], [1], [0, 0, 1, 1], [], []>, precision = #tpu.contract_precision<fp32>, transpose_lhs_hint = false} : vector<1250x8xf32>, vector<8x128xf32>, vector<1250x128xf32> -> vector<1250x128xf32>
    %get3A_6 = arith.constant 0 : index
    %get3A_7 = arith.constant 0 : index
    %get3A_8 = arith.constant 0 : index
    %get3A_9 = vector.load %arg0[%get3A_6, %get3A_7, %get3A_8] : memref<2x1280x128xf32, #tpu.memory_space<vmem>>, vector<1x1250x128xf32>
    %get3A_10 = vector.shape_cast %get3A_9 : vector<1x1250x128xf32> to vector<1250x128xf32>
    %get3A_11 = arith.constant 1 : index
    %get3A_12 = arith.constant 0 : index
    %get3A_13 = arith.constant 0 : index
    %get3A_14 = vector.load %arg0[%get3A_11, %get3A_12, %get3A_13] : memref<2x1280x128xf32, #tpu.memory_space<vmem>>, vector<1x1250x128xf32>
    %get3A_15 = vector.shape_cast %get3A_14 : vector<1x1250x128xf32> to vector<1250x128xf32>
    %add3A = arith.addf %get3A_10, %get3A_15 : vector<1250x128xf32>
    %mul3A = arith.mulf %add3A, %dot_general3A_5 : vector<1250x128xf32>
    %get3A_16 = arith.constant 0 : index
    %get3A_17 = arith.constant 0 : index
    %get3A_18 = vector.load %arg4[%get3A_16, %get3A_17] : memref<128x320xf32, #tpu.memory_space<vmem>>, vector<128x320xf32>
    %dot_general3A_19 = arith.constant dense<0.000000e+00> : vector<1250x320xf32>
    %dot_general3A_20 = tpu.matmul %mul3A, %get3A_18, %dot_general3A_19 {dimension_numbers = #tpu.dot_dimension_numbers<[1], [0], [0], [1], [0, 0, 1, 1], [], []>, transpose_lhs_hint = false} : vector<1250x128xf32>, vector<128x320xf32>, vector<1250x320xf32> -> vector<1250x320xf32>
    %get3A_21 = arith.constant 0 : index
    %get3A_22 = arith.constant 0 : index
    %get3A_23 = vector.load %arg2[%get3A_21, %get3A_22] : memref<1250x128xf32, #tpu.memory_space<vmem>>, vector<1250x128xf32>
    %get3A_24 = arith.constant 0 : index
    %get3A_25 = arith.constant 0 : index
    %get3A_26 = vector.load %arg5[%get3A_24, %get3A_25] : memref<128x320xf32, #tpu.memory_space<vmem>>, vector<128x320xf32>
    %dot_general3A_27 = arith.constant dense<0.000000e+00> : vector<1250x320xf32>
    %dot_general3A_28 = tpu.matmul %get3A_23, %get3A_26, %dot_general3A_27 {dimension_numbers = #tpu.dot_dimension_numbers<[1], [0], [0], [1], [0, 0, 1, 1], [], []>, transpose_lhs_hint = false} : vector<1250x128xf32>, vector<128x320xf32>, vector<1250x320xf32> -> vector<1250x320xf32>
    %add3A_29 = arith.addf %dot_general3A_20, %dot_general3A_28 : vector<1250x320xf32>
    %get3A_30 = arith.constant 0 : index
    %get3A_31 = arith.constant 0 : index
    %get3A_32 = vector.load %arg6[%get3A_30, %get3A_31] : memref<1x320xf32, #tpu.memory_space<vmem>>, vector<1x320xf32>
    %add3A_33 = vector.broadcast %get3A_32 : vector<1x320xf32> to vector<1250x320xf32>
    %add3A_34 = arith.addf %add3A_29, %add3A_33 : vector<1250x320xf32>
    %reduce_max3A = arith.constant dense<0xFF800000> : vector<1250xf32>
    %reduce_max3A_35 = vector.multi_reduction <maximumf>, %add3A_34, %reduce_max3A [1] : vector<1250x320xf32> to vector<1250xf32>
    %broadcast_in_dim3A = vector.shape_cast %reduce_max3A_35 : vector<1250xf32> to vector<1250x1xf32>
    %sub3A = vector.broadcast %broadcast_in_dim3A : vector<1250x1xf32> to vector<1250x320xf32>
    %sub3A_36 = arith.subf %add3A_34, %sub3A : vector<1250x320xf32>
    %exp3A = math.exp %sub3A_36 : vector<1250x320xf32>
    %convert_element_type3A = arith.truncf %exp3A : vector<1250x320xf32> to vector<1250x320xbf16>
    %convert_element_type3A_37 = arith.extf %convert_element_type3A : vector<1250x320xbf16> to vector<1250x320xf32>
    %sub3A_38 = arith.subf %exp3A, %convert_element_type3A_37 : vector<1250x320xf32>
    %get3A_39 = arith.constant 0 : index
    %get3A_40 = arith.constant 0 : index
    %get3A_41 = vector.load %arg7[%get3A_39, %get3A_40] : memref<320x320xf32, #tpu.memory_space<vmem>>, vector<320x320xf32>
    %dot_general3A_42 = arith.constant dense<0.000000e+00> : vector<1250x320xf32>
    %dot_general3A_43 = tpu.matmul %convert_element_type3A_37, %get3A_41, %dot_general3A_42 {dimension_numbers = #tpu.dot_dimension_numbers<[1], [0], [0], [1], [0, 0, 1, 1], [], []>, transpose_lhs_hint = false} : vector<1250x320xf32>, vector<320x320xf32>, vector<1250x320xf32> -> vector<1250x320xf32>
    %get3A_44 = arith.constant 0 : index
    %get3A_45 = arith.constant 0 : index
    %get3A_46 = vector.load %arg7[%get3A_44, %get3A_45] : memref<320x320xf32, #tpu.memory_space<vmem>>, vector<320x320xf32>
    %dot_general3A_47 = arith.constant dense<0.000000e+00> : vector<1250x320xf32>
    %dot_general3A_48 = tpu.matmul %sub3A_38, %get3A_46, %dot_general3A_47 {dimension_numbers = #tpu.dot_dimension_numbers<[1], [0], [0], [1], [0, 0, 1, 1], [], []>, transpose_lhs_hint = false} : vector<1250x320xf32>, vector<320x320xf32>, vector<1250x320xf32> -> vector<1250x320xf32>
    %add3A_49 = arith.addf %dot_general3A_43, %dot_general3A_48 : vector<1250x320xf32>
    %div3A = arith.divf %exp3A, %add3A_49 : vector<1250x320xf32>
    %swap3A = arith.constant 0 : index
    %swap3A_50 = arith.constant 0 : index
    %swap3A_51 = vector.load %arg8[%swap3A, %swap3A_50] : memref<1250x320xf32, #tpu.memory_space<vmem>>, vector<1250x320xf32>
    tpu.vector_store %arg8[%swap3A, %swap3A_50], %div3A {strides = array<i32>} : memref<1250x320xf32, #tpu.memory_space<vmem>>, vector<1250x320xf32>,
    return
  }
}

</mosaic_0001>

<sc_bundles>
// kernel: kernel.10.cloned.1.call-start
scs
__scs_entry_jumppad:
0x0: {  	(pc) =	sbr.rel $0x88, $3  }
0x1: {  	(tag) =	ssettag $0x0;
	lr =	simm.s32 $0x1  }
0x2: {  	[smem:$0x3F99] =	sst lr;
	_ =	strace $0xD0000000  }
0x3: {  	_ = 	snop  }
0x4: {  	_ = 	snop  }
0x5: {  	_ = 	snop  }
0x6: {  	_ = 	snop  }
0x7: {  	_ = 	snop  }
__scs_overlays_trampoline_lowered:
0x8: {  	[smem:$0x3FA8] =	sst s0  }
0x9: {  	[smem:$0x3FA9] =	sst s1  }
0xa: {  	[smem:$0x3FAA] =	sst s2  }
0xb: {  	[smem:$0x3FAB] =	sst s3  }
0xc: {  	[smem:$0x3FAC] =	sst s4  }
0xd: {  	[smem:$0x3FAD] =	sst s5  }
0xe: {  	[smem:$0x3FAE] =	sst s6  }
0xf: {  	[smem:$0x3FAF] =	sst s7  }
0x10: {  	[smem:$0x3FB0] =	sst s8  }
0x11: {  	[smem:$0x3FB1] =	sst s9;
	s0 =	simm.s32 @!p0 $0x0  }
0x12: {  	s1 =	sld [smem:$0x3F97];
	s0 =	simm.s32 @p0 $0x1  }
0x13: {  	[smem:$0x3FB2] =	sst s0;
	s0 =	simm.s32 @!p1 $0x0  }
0x14: {  	s2 =	sld [smem:$0x3F96];
	s0 =	simm.s32 @p1 $0x1  }
0x15: {  	[smem:$0x3FB3] =	sst s0;
	s0 =	simm.s32 @!p2 $0x0  }
0x16: {  	s3 =	sld [smem:$0x3FDB];
	s0 =	simm.s32 @p2 $0x1  }
0x17: {  	s4 =	simm.s32 $0x1BF5;
	[smem:$0x3FB5] =	sst s0  }
0x18: {  	s0 =	sld [smem:$0x3F98];
	_ =	swait.ge [sflag:s4], $0x0  }
0x19: {  	s7 =	sld [smem:$0x3F99]  }
0x1a: {  	s8 =	sadd.s32 $0xFFFFE003, lr  }
0x1b: {  	s9 =	sadd.s32 $0xFFFFFEF7, lr;
	s5 =	simm.s32 $0xFFFFFFFF;
	p2 =	slt.u32 s8, $0xFFFFF086  }
0x1c: {  	p1 =	slt.u32 s9, $0xF7A;
	s5 =	simm.s32 @!p2 $0x0  }
0x1d: {  	s5 =	simm.s32 @p1 $0x1;
	p0 =	seq.s32 s7, s2  }
0x1e: {  	s7 =	smul.u32 @!p0 $0xF7A, s2;
	p2 =	seq.s32 @!p0 s5, $0x0  }
0x1f: {  	s9 =	smul.u32 $0xF7A, s1;
	s8 =	simm.s32 @!p0 $0x1BF5;
	p2 =	por !p2, p0  }
0x20: {  	[sflag:s8] =	ssyncset.s32 @!p0 $0xFFFFF086;
	s6 =	sadd.s32 @!p0 s3, s7;
	s7 =	simm.s32 @!p0 $0x108  }
0x21: {  	s3 =	sadd.s32 s3, s9;
	s6 =	sadd.s32 @!p0 $0x88, s6;
	s7 =	simm.s32 @p2 $0x1082  }
0x22: {  	[simem:s7], [sflag:s8] =	dma.local @!p0 [hbm:s6], $0xF7A  }
0x23: {  	s9 =	sor.u32 $0xD0000000, s2;
	s6 =	simm.s32 $0x108;
	_ =	swait.ge @!p0 [sflag:s8], $0x0  }
0x24: {  	s3 =	sadd.s32 $0x88, s3;
	s6 =	simm.s32 @!p1 $0x1082;
	[sflag:s4] =	ssyncset.s32 $0xFFFFF086  }
0x25: {  	[simem:s6], [sflag:s4] =	dma.local [hbm:s3], $0xF7A  }
0x26: {  	[smem:$0x3F99] =	sst s1;
	(tag) =	ssettag s2;
	_ =	strace s9  }
0x27: {  	s1 =	sld [smem:$0x3FA9]  }
0x28: {  	s2 =	sld [smem:$0x3FAA]  }
0x29: {  	s4 =	sld [smem:$0x3FAC]  }
0x2a: {  	p0 =	seq.s32 s5, $0x0;
	s5 =	sld [smem:$0x3FAD]  }
0x2b: {  	s6 =	sld [smem:$0x3FAE]  }
0x2c: {  	s7 =	sld [smem:$0x3FAF]  }
0x2d: {  	s3 =	simm.s32 $0x108;
	s8 =	sld [smem:$0x3FB0]  }
0x2e: {  	s3 =	simm.s32 @!p0 $0x1082;
	s9 =	sld [smem:$0x3FB1]  }
0x2f: {  	lr =	sadd.s32 s0, s3;
	s0 =	sld [smem:$0x3FA8]  }
0x30: {  	s3 =	sld [smem:$0x3FAB]  }
0x31: {  	[smem:$0x3FB4] =	sst s10  }
0x32: {  	s10 =	sld [smem:$0x3FB2];
	_ =	sdelay $0x3  }
0x33: {  	p0 =	seq.s32 s10, $0x1;
	s10 =	sld [smem:$0x3FB4];
	_ =	sdelay $0x3  }
0x34: {  	[smem:$0x3FB4] =	sst s10  }
0x35: {  	s10 =	sld [smem:$0x3FB3];
	_ =	sdelay $0x3  }
0x36: {  	p1 =	seq.s32 s10, $0x1;
	s10 =	sld [smem:$0x3FB4];
	_ =	sdelay $0x3  }
0x37: {  	[smem:$0x3FB4] =	sst s10  }
0x38: {  	s10 =	sld [smem:$0x3FB5]  }
0x39: {  	_ = 	snop;
	(pc) =	sbr.ind lr, $3  }
0x3a: {  	_ = 	snop  }
0x3b: {  	_ = 	snop  }
0x3c: {  	p2 =	seq.s32 s10, $0x1;
	s10 =	sld [smem:$0x3FB4]  }
0x3d: {  	_ =	shalt  }
0x3e: {  	_ =	shalt  }
0x3f: {  	_ =	shalt  }
0x40: {  	_ =	shalt  }
0x41: {  	_ =	shalt  }
0x42: {  	_ =	shalt  }
0x43: {  	_ =	shalt  }
0x44: {  	_ =	shalt  }
0x45: {  	_ =	shalt  }
0x46: {  	_ =	shalt  }
0x47: {  	_ =	shalt  }
0x48: {  	_ =	shalt  }
0x49: {  	_ =	shalt  }
0x4a: {  	_ =	shalt  }
0x4b: {  	_ =	shalt  }
0x4c: {  	_ =	shalt  }
0x4d: {  	_ =	shalt  }
0x4e: {  	_ =	shalt  }
0x4f: {  	_ =	shalt  }
0x50: {  	_ =	shalt  }
0x51: {  	_ =	shalt  }
0x52: {  	_ =	shalt  }
0x53: {  	_ =	shalt  }
0x54: {  	_ =	shalt  }
0x55: {  	_ =	shalt  }
0x56: {  	_ =	shalt  }
0x57: {  	_ =	shalt  }
0x58: {  	_ =	shalt  }
0x59: {  	_ =	shalt  }
0x5a: {  	_ =	shalt  }
0x5b: {  	_ =	shalt  }
0x5c: {  	_ =	shalt  }
0x5d: {  	_ =	shalt  }
0x5e: {  	_ =	shalt  }
0x5f: {  	_ =	shalt  }
0x60: {  	_ =	shalt  }
0x61: {  	_ =	shalt  }
0x62: {  	_ =	shalt  }
0x63: {  	_ =	shalt  }
0x64: {  	_ =	shalt  }
0x65: {  	_ =	shalt  }
0x66: {  	_ =	shalt  }
0x67: {  	_ =	shalt  }
0x68: {  	_ =	shalt  }
0x69: {  	_ =	shalt  }
0x6a: {  	_ =	shalt  }
0x6b: {  	_ =	shalt  }
0x6c: {  	_ =	shalt  }
0x6d: {  	_ =	shalt  }
0x6e: {  	_ =	shalt  }
0x6f: {  	_ =	shalt  }
0x70: {  	_ =	shalt  }
0x71: {  	_ =	shalt  }
0x72: {  	_ =	shalt  }
0x73: {  	_ =	shalt  }
0x74: {  	_ =	shalt  }
0x75: {  	_ =	shalt  }
0x76: {  	_ =	shalt  }
0x77: {  	_ =	shalt  }
0x78: {  	_ =	shalt  }
0x79: {  	_ =	shalt  }
0x7a: {  	_ =	shalt  }
0x7b: {  	_ =	shalt  }
0x7c: {  	_ =	shalt  }
0x7d: {  	_ =	shalt  }
0x7e: {  	_ =	shalt  }
0x7f: {  	_ =	shalt  }
0x80: {  	_ =	shalt  }
0x81: {  	_ =	shalt  }
0x82: {  	_ =	shalt  }
0x83: {  	_ =	shalt  }
0x84: {  	_ =	shalt  }
0x85: {  	_ =	shalt  }
0x86: {  	_ =	shalt  }
0x87: {  	_ =	shalt  }
.Lfunc_end0:
.L_simem_size_0:
called_computation.1_lowered:
.L_overlay_start_0:
0x88: {  	s2 =	sld [smem:$0x3FD9]  }
0x89: {  	s3 =	sld [smem:$0x3FFE];
	_ =	sdelay $0x1  }
0x8a: {  	s1 =	srdreg.scid  }
0x8b: {  	s0 =	sand.u32 $0x1, s1  }
0x8c: {  	s17 =	sshll.u32 s0, $0xA;
	s2 =	sadd.s32 s3, s2  }
0x8d: {  	s2 =	sadd.s32 s2, s17  }
0x8e: {  	[smem:$0x3FC0] =	sst s2  }
0x8f: {  	_ = 	snop  }
0x90: {  	s2 =	sld [smem:$0x3FC8]  }
0x91: {  	s18 =	sld [smem:$0x3FD0];
	(tm) =	ssettm $0x1  }
0x92: {  	s4 =	sld [smem:$0x3FFB];
	_ =	sdelay $0x3  }
0x93: {  	_ =	strace s4  }
0x94: {  	s4 =	sld [smem:$0x3FFC];
	_ =	sdelay $0x3  }
0x95: {  	_ =	strace s4  }
0x96: {  	s4 =	sld [smem:$0x3FFD];
	_ =	sdelay $0x3  }
0x97: {  	_ =	strace s4  }
0x98: {  	_ =	strace $0x8FFFFFFF  }
0x99: {  	s19 =	sld [smem:$0x3FDB];
	_ =	sdelay $0x1  }
0x9a: {  	s5 =	simm.s32 $_scs_section_size  }
0x9b: {  	s6 =	simm.s32 $_size__tile_overlayer_lowered;
	s7 =	simm.s32 $_tile_overlayer_lowered  }
0x9c: {  	s22 =	simm.s32 $0x1BFF;
	s21 =	sshll.u32 s7, $0x1;
	s4 =	sadd.s32 s5, s19  }
0x9d: {  	s8 =	simm.s32 $0x0;
	s20 =	sshll.u32 s6, $0x1;
	s6 =	sadd.s32 s21, s4  }
0x9e: {  	[timem:s8], [sflag:s22] =	dma.local [hbm:s6], s20  }
0x9f: {  	_ =	swait.ge [sflag:s22], s20  }
0xa0: {  	s5 =	ssub.s32 $0x0, s20;
	[sflag:s22] =	ssyncset.done $0x0  }
0xa1: {  	[sflag:s22] =	ssyncadd.s32 s5;
	_ =	sdelay $0x1  }
0xa2: {  	s23 =	simm.s32 $0x1B8B  }
0xa3: {  	_ =	swait.ge [sflag:s23], $0x1  }
0xa4: {  	[sflag:s23] =	ssyncset.done $0x0  }
0xa5: {  	s25 =	simm.s32 $0x1B8E;
	s24 =	sld [smem:$0x3FFE];
	[sflag:s23] =	ssyncadd.s32 $0xFFFFFFFF  }
0xa6: {  	s26 =	simm.s32 $execute0_lowered;
	[smem:$0x3FD2] =	sst s25  }
0xa7: {  	s6 =	sshll.u32 s26, $0x1;
	_ =	strace $0x80000049;
	[dreg:$0x1] =	wrdreg $0xFFFFFFFF  }
0xa8: {  	s28 =	simm.s32 $_size_execute0_lowered;
	s4 =	sadd.s32 s4, s6;
	[dreg:$0x0] =	wrdreg $0x0  }
0xa9: {  	s6 =	sshll.u32 s28, $0x1;
	[dreg:$0x2] =	wrdreg s4  }
0xaa: {  	[dreg:$0x3] =	wrdreg s6  }
0xab: {  	[dreg:$0x4] =	wrdreg $0xC0  }
0xac: {  	_ =	task [dreg:s8], $0x5FFFF  }
0xad: {  	[dreg:$0x1] =	wrdreg $0xFFFFFFFF  }
0xae: {  	[dreg:$0x0] =	wrdreg $0x60  }
0xaf: {  	[dreg:$0x2] =	wrdreg s24  }
0xb0: {  	[dreg:$0x3] =	wrdreg s2  }
0xb1: {  	[dreg:$0x4] =	wrdreg s18  }
0xb2: {  	[dreg:$0x5] =	wrdreg $0xB7000  }
0xb3: {  	[dreg:$0x6] =	wrdreg $0xDF000  }
0xb4: {  	[dreg:$0x7] =	wrdreg $0x9  }
0xb5: {  	_ =	task.clear_ibuf [dreg:s8], $0x8FFFF;
	_ =	strace $0x90000049  }
0xb6: {  	s29 =	simm.s32 $0x9;
	_ =	strace $0x8000004B  }
0xb7: {  	_ =	swait.ge [sflag:s29], $0x1  }
0xb8: {  	[sflag:s29] =	ssyncadd.s32 $0xFFFFFFFF  }
0xb9: {  	_ =	strace $0x9000004B  }
0xba: {  	_ =	sfence  }
0xbb: {  	s30 =	sld [smem:$0x0];
	_ =	sdelay $0x2  }
0xbc: {  	s31 =	sshll.u32 s1, $0xD;
	s1 =	sshrl.u32 s1, $0x2  }
0xbd: {  	s3 =	sand.u32 $0x4000, s31;
	s1 =	sadd.s32 s1, s30  }
0xbe: {  	s0 =	sor.u32 s3, s0;
	s1 =	sshll.u32 s1, $0x11  }
0xbf: {  	s0 =	sor.u32 s1, s0  }
0xc0: {  	s0 =	sadd.s32 $0x8F2B, s0  }
0xc1: {  	[sflag:s0] =	ssyncadd.remote.s32 $0x1  }
0xc2: {  	_ =	sfence.sel $0xFFFF  }
0xc3: {  	[dreg:$0x0] =	wrdreg $0xFFFFFFFF;
	(pc) =	sbr.abs _section_cstart, $3  }
0xc4: {  	[dreg:$0x1] =	wrdreg $0xFFFFFFFF  }
0xc5: {  	_ =	task.clear_ibuf [dreg:s8], $0x2FFFF;
	_ =	strace $0x9FFFFFFF  }
0xc6: {  	(tm) =	ssettm $0x7FFFFFFF  }
0xc7: {  	_ =	shalt  }
tec
execute0_lowered:
.L_overlay_start_1:
0x0: {  	(tag) =	ssettag $0x1  }
0x1: {  	s0 =	rddreg [dreg:$0x0]  }
0x2: {  	s1 =	rddreg [dreg:$0x1]  }
0x3: {  	s4 =	rddreg [dreg:$0x2]  }
0x4: {  	s2 =	rddreg [dreg:$0x3]  }
0x5: {  	s3 =	rddreg [dreg:$0x4];
	s13 =	stileid.u32  }
0x6: {  	s7 =	simm.s32 $0x0;
	s5 =	srdreg.scid;
	s15 =	simm.s32 $0x80  }
0x7: {  	s16 =	simm.s32 $0x4F00;
	s28 =	simm.s32 $0x5;
	s29 =	simm.s32 $0x6F00  }
0x8: {  	s30 =	simm.s32 $0x7;
	s31 =	simm.s32 $0x7F00;
	s17 =	simm.s32 $0xC  }
0x9: {  	s6 =	smul.u32 $0x2710, s13;
	[smem:$0x7FF] =	sst s7;
	s5 =	sand.u32 $0x1, s5  }
0xa: {  	s9 =	smul.u32 $0x2800, s13;
	s12 =	sshll.u32 s13, $0x5;
	s25 =	sshll.u32 s13, $0x6  }
0xb: {  	_ =	strace $0x8000004A;
	s8 =	ssub.s32 $0x2, s5;
	s21 =	sshll.u32 s5, $0x4  }
0xc: {  	s10 =	smul.u32 $0x28000, s5;
	s22 =	sadd.s32 s12, s1;
	s12 =	simm.s32 $0x11  }
0xd: {  	s19 =	sshrl.u32 s6, $0x3;
	s20 =	sshrl.u32 s8, $0x1;
	s5 =	sadd.s32 s9, s2  }
0xe: {  	s6 =	sadd.s32 s6, s3;
	s0 =	sadd.s32 s19, s0;
	s7 =	ssub.s32 s8, s20  }
0xf: {  	s8 =	sor.u32 s13, s21;
	s9 =	sadd.s32 s9, s10;
	s13 =	sor.u32 $0x1C11, s25  }
0x10: {  	s26 =	sshrl.u32 s6, $0x3;
	s20 =	simm.s32 $0x5F00;
	s25 =	simm.s32 $0x3  }
0x11: {  	s21 =	simm.s32 $0xF;
	s6 =	simm.s32 $0x10;
	s11 =	smul.u32 $0x9C0, s8  }
0x12: {  	s0 =	sadd.s32 $0x2800, s0;
	s9 =	sshrl.u32 s9, $0x3;
	s24 =	smax.u32 s7, $0x1  }
0x13: {  	p0 =	sgt.u32 s8, $0x3;
	[dreg:$0xb] =	wrdreg s26;
	s26 =	simm.s32 $0x8700  }
.Ltmp0:
0x14: {  	s7 =	simm.s32 $0x0;
	[dreg:$0x6] =	wrdreg s0;
	(pc) =	sbr.rel .LBB2_1-.Ltmp0, $4  }
0x15: {  	s0 =	sadd.s32 $0x13800, s22;
	s23 =	sadd.s32 s4, s9;
	[dreg:$0xa] =	wrdreg s24  }
0x16: {  	s22 =	simm.s32 $0x6700;
	s24 =	simm.s32 $0x7700;
	[dreg:$0x8] =	wrdreg s0  }
0x17: {  	s1 =	sadd.s32 s1, s11;
	[dreg:$0x9] =	wrdreg s23;
	s23 =	simm.s32 $0x1  }
0x18: {  	v0 =	vimm.f32 $0.0e+00;
	s0 =	simm.s32 $0x8;
	s11 =	simm.s32 $0xB;
	[dreg:$0x7] =	wrdreg s1  }
.LBB2_6:
0x19: {  	_ =	swait.ge [sflag:s0], $0x800  }
0x1a: {  	[sflag:s0] =	ssyncset.done $0x0  }
0x1b: {  	s1 =	simm.s32 $0x9;
	[sflag:s0] =	ssyncadd.s32 $0xFFFFF800  }
0x1c: {  	[spmem:s2] =	stream.indirect.scatter.add.f32 [tilespmem:s26], [sflag:$0x10], $0x10, s10, s15, $0xb8;
	[tilespmem:$0x10610] =	vst v63  }
0x1d: {  	_ =	swait.ge [sflag:s1], $0x800  }
0x1e: {  	[sflag:s1] =	ssyncset.done $0x0  }
0x1f: {  	s10 =	simm.s32 $0xA;
	[sflag:s1] =	ssyncadd.s32 $0xFFFFF800  }
0x20: {  	_ =	swait.ge [sflag:s10], $0x800  }
0x21: {  	[sflag:s10] =	ssyncset.done $0x0  }
0x22: {  	[sflag:s10] =	ssyncadd.s32 $0xFFFFF800  }
0x23: {  	_ =	swait.ge [sflag:s11], $0x800  }
0x24: {  	[sflag:s11] =	ssyncset.done $0x0  }
0x25: {  	[sflag:s11] =	ssyncadd.s32 $0xFFFFF800  }
0x26: {  	_ =	swait.ge [sflag:s17], $0x800  }
0x27: {  	[sflag:s17] =	ssyncset.done $0x0  }
0x28: {  	s14 =	simm.s32 $0xD;
	[sflag:s17] =	ssyncadd.s32 $0xFFFFF800  }
0x29: {  	_ =	swait.ge [sflag:s14], $0x800  }
0x2a: {  	[sflag:s14] =	ssyncset.done $0x0  }
0x2b: {  	s18 =	simm.s32 $0xE;
	[sflag:s14] =	ssyncadd.s32 $0xFFFFF800  }
0x2c: {  	_ =	swait.ge [sflag:s18], $0x800  }
0x2d: {  	[sflag:s18] =	ssyncset.done $0x0  }
0x2e: {  	[sflag:s18] =	ssyncadd.s32 $0xFFFFF800  }
0x2f: {  	_ =	swait.ge [sflag:s21], $0x800  }
0x30: {  	[sflag:s21] =	ssyncset.done $0x0  }
0x31: {  	[sflag:s21] =	ssyncadd.s32 $0xFFFFF800  }
0x32: {  	_ =	swait.ge [sflag:s6], $0x800  }
0x33: {  	[sflag:s6] =	ssyncset.done $0x0  }
0x34: {  	s19 =	simm.s32 $0x4800;
	[sflag:s6] =	ssyncadd.s32 $0xFFFFF800  }
0x35: {  	[tilespmem:s16], [sflag:$0x1] =	stream.indirect.gather [spmem:s3], $0x10, s19, s15, $0xb8;
	[tilespmem:$0x10610] =	vst v63  }
0x36: {  	_ =	swait.ge [sflag:s23], $0x800  }
0x37: {  	[sflag:s23] =	ssyncset.done $0x0  }
0x38: {  	s4 =	simm.s32 $0x4880;
	[sflag:s23] =	ssyncadd.s32 $0xFFFFF800  }
0x39: {  	[spmem:s2] =	stream.indirect.scatter.add.f32 [tilespmem:s16], [sflag:$0x11], $0x10, s4, s15, $0xb8;
	[tilespmem:$0x10610] =	vst v63  }
0x3a: {  	_ =	swait.ge [sflag:s12], $0x800  }
0x3b: {  	[sflag:s12] =	ssyncset.done $0x0  }
0x3c: {  	s8 =	simm.s32 $0x4900;
	[sflag:s12] =	ssyncadd.s32 $0xFFFFF800  }
0x3d: {  	[tilespmem:s16], [sflag:$0x1] =	stream.indirect.gather [spmem:s3], $0x10, s8, s15, $0xb8;
	[tilespmem:$0x10610] =	vst v63  }
0x3e: {  	_ =	swait.ge [sflag:s23], $0x800  }
0x3f: {  	[sflag:s23] =	ssyncset.done $0x0  }
0x40: {  	s9 =	simm.s32 $0x4980;
	[sflag:s23] =	ssyncadd.s32 $0xFFFFF800  }
0x41: {  	[spmem:s2] =	stream.indirect.scatter.add.f32 [tilespmem:s16], [sflag:$0x11], $0x10, s9, s15, $0xb8;
	[tilespmem:$0x10610] =	vst v63  }
0x42: {  	_ =	swait.ge [sflag:s12], $0x800  }
0x43: {  	[sflag:s12] =	ssyncset.done $0x0  }
0x44: {  	s10 =	simm.s32 $0x4A00;
	[sflag:s12] =	ssyncadd.s32 $0xFFFFF800  }
0x45: {  	[tilespmem:s16], [sflag:$0x1] =	stream.indirect.gather [spmem:s3], $0x10, s10, s15, $0xb8;
	[tilespmem:$0x10610] =	vst v63  }
0x46: {  	_ =	swait.ge [sflag:s23], $0x800  }
0x47: {  	[sflag:s23] =	ssyncset.done $0x0  }
0x48: {  	s14 =	simm.s32 $0x4A80;
	[sflag:s23] =	ssyncadd.s32 $0xFFFFF800  }
0x49: {  	[spmem:s2] =	stream.indirect.scatter.add.f32 [tilespmem:s16], [sflag:$0x11], $0x10, s14, s15, $0xb8;
	[tilespmem:$0x10610] =	vst v63  }
0x4a: {  	_ =	swait.ge [sflag:s12], $0x800  }
0x4b: {  	[sflag:s12] =	ssyncset.done $0x0  }
0x4c: {  	s18 =	simm.s32 $0x4B00;
	[sflag:s12] =	ssyncadd.s32 $0xFFFFF800  }
0x4d: {  	[tilespmem:s16], [sflag:$0x1] =	stream.indirect.gather [spmem:s3], $0x10, s18, s15, $0xb8;
	[tilespmem:$0x10610] =	vst v63  }
0x4e: {  	_ =	swait.ge [sflag:s23], $0x800  }
0x4f: {  	[sflag:s23] =	ssyncset.done $0x0  }
0x50: {  	s19 =	simm.s32 $0x4B80;
	[sflag:s23] =	ssyncadd.s32 $0xFFFFF800  }
0x51: {  	[spmem:s2] =	stream.indirect.scatter.add.f32 [tilespmem:s16], [sflag:$0x11], $0x10, s19, s15, $0xb8;
	[tilespmem:$0x10610] =	vst v63  }
0x52: {  	_ =	swait.ge [sflag:s12], $0x800  }
0x53: {  	[sflag:s12] =	ssyncset.done $0x0  }
0x54: {  	s4 =	simm.s32 $0x4C00;
	[sflag:s12] =	ssyncadd.s32 $0xFFFFF800  }
0x55: {  	[tilespmem:s16], [sflag:$0x1] =	stream.indirect.gather [spmem:s3], $0x10, s4, s15, $0xb8;
	[tilespmem:$0x10610] =	vst v63  }
0x56: {  	_ =	swait.ge [sflag:s23], $0x800  }
0x57: {  	[sflag:s23] =	ssyncset.done $0x0  }
0x58: {  	s8 =	simm.s32 $0x4C80;
	[sflag:s23] =	ssyncadd.s32 $0xFFFFF800  }
0x59: {  	[spmem:s2] =	stream.indirect.scatter.add.f32 [tilespmem:s16], [sflag:$0x11], $0x10, s8, s15, $0xb8;
	[tilespmem:$0x10610] =	vst v63  }
0x5a: {  	_ =	swait.ge [sflag:s12], $0x800  }
0x5b: {  	[sflag:s12] =	ssyncset.done $0x0  }
0x5c: {  	s9 =	simm.s32 $0x4D00;
	[sflag:s12] =	ssyncadd.s32 $0xFFFFF800  }
0x5d: {  	[tilespmem:s16], [sflag:$0x1] =	stream.indirect.gather [spmem:s3], $0x10, s9, s15, $0xb8;
	[tilespmem:$0x10610] =	vst v63  }
0x5e: {  	_ =	swait.ge [sflag:s23], $0x800  }
0x5f: {  	[sflag:s23] =	ssyncset.done $0x0  }
0x60: {  	s10 =	simm.s32 $0x4D80;
	[sflag:s23] =	ssyncadd.s32 $0xFFFFF800  }
0x61: {  	[spmem:s2] =	stream.indirect.scatter.add.f32 [tilespmem:s16], [sflag:$0x11], $0x10, s10, s15, $0xb8;
	[tilespmem:$0x10610] =	vst v63  }
0x62: {  	_ =	swait.ge [sflag:s12], $0x800  }
0x63: {  	s1 =	simm.s32 @!p0 $0x80;
	[sflag:s12] =	ssyncset.done $0x0  }
0x64: {  	s4 =	simm.s32 @!p0 $0x4E00;
	s8 =	simm.s32 @!p0 $0x4F00;
	[sflag:s12] =	ssyncadd.s32 $0xFFFFF800  }
0x65: {  	[tilespmem:s8], [sflag:$0x1] =	stream.indirect.gather @!p0 [spmem:s3], $0x10, s4, s1, $0xb8;
	[tilespmem:$0x10610] =	vst v63  }
0x66: {  	s4 =	simm.s32 @!p0 $0x1  }
0x67: {  	_ =	swait.ge @!p0 [sflag:s4], $0x800  }
0x68: {  	[sflag:s4] =	ssyncset.done @!p0 $0x0  }
0x69: {  	[sflag:s4] =	ssyncadd.s32 @!p0 $0xFFFFF800;
	s4 =	simm.s32 @!p0 $0x4E80  }
0x6a: {  	[spmem:s2] =	stream.indirect.scatter.add.f32 @!p0 [tilespmem:s8], [sflag:$0x11], $0x10, s4, s1, $0xb8;
	[tilespmem:$0x10610] =	vst v63  }
0x6b: {  	s1 =	simm.s32 @!p0 $0x11  }
0x6c: {  	_ =	swait.ge @!p0 [sflag:s1], $0x800  }
0x6d: {  	[sflag:s1] =	ssyncset.done @!p0 $0x0  }
0x6e: {  	[sflag:s1] =	ssyncadd.s32 @!p0 $0xFFFFF800  }
0x6f: {  	[bflag:$0x0] =	sbarrier.arrive $0xFFFF  }
0x70: {  	s14 =	sshrl.u32 s5, $0x3;
	s18 =	rddreg [dreg:$0x9]  }
0x71: {  	[hbm:s18], [sflag:s13] =	dma.local [spmem:s14], $0x500  }
0x72: {  	_ =	swait.ge [sflag:s12], $0x500  }
0x73: {  	s7 =	sadd.s32 $0x1, s7;
	s19 =	rddreg [dreg:$0xa]  }
0x74: {  	p1 =	sne.s32 s7, s19  }
.Ltmp1:
0x75: {  	_ = 	snop;
	(pc) =	sbr.rel @!p1 .LBB2_7-.Ltmp1, $3  }
0x76: {  	_ =	sdelay $0x1  }
0x77: {  	[sflag:s12] =	ssyncset.done $0x0  }
0x78: {  	[sflag:s12] =	ssyncadd.s32 $0xFFFFFB00  }
.LBB2_1:
0x79: {  	s8 =	simm.s32 $0x40;
	s9 =	simm.s32 $0x0  }
.LBB2_2:
0x7a: {  	p1 =	sne.s32 s8, $0x9FC0;
	[tilespmem:s9+$0x8F00] =	vst v0;
	s9 =	smov.u32 s8;
	s8 =	sadd.s32 $0x40, s8  }
.Ltmp2:
0x7b: {  	(pc) =	sbr.rel @p1 .LBB2_2-.Ltmp2, $2  }
0x7c: {  	_ =	sdelay $0x2  }
0x7d: {  	s9 =	sshra.s32 s9, $0x2  }
0x7e: {  	[tilespmem:s9+$0x8F00] =	vst v0;
	s1 =	simm.s32 $0x8F00  }
0x7f: {  	[spmem:s5] =	stream.linear.scatter [tilespmem:s1], [sflag:$0x11], $0x2800, $0x38;
	[tilespmem:$0x10610] =	vst v63  }
0x80: {  	_ =	swait.ge [sflag:s12], $0x2800  }
0x81: {  	[sflag:s12] =	ssyncset.done $0x0;
	s19 =	rddreg [dreg:$0x6]  }
0x82: {  	s4 =	rddreg [dreg:$0xb];
	[sflag:s12] =	ssyncadd.s32 $0xFFFFD800  }
0x83: {  	[spmem:s4], [sflag:s13] =	dma.local [hbm:s19], $0x4E2  }
0x84: {  	_ =	swait.ge [sflag:s12], $0x4E2  }
0x85: {  	[sflag:s12] =	ssyncset.done $0x0  }
0x86: {  	[sflag:s12] =	ssyncadd.s32 $0xFFFFFB1E  }
0x87: {  	[bflag:$0x0] =	sbarrier.arrive $0xFFFF  }
0x88: {  	s8 =	simm.s32 $0x0;
	s9 =	rddreg [dreg:$0x7]  }
0x89: {  	[tilespmem:s8], [sflag:$0x11] =	stream.linear.gather [hbm4b:s9+s8], $0x4E00, $0x38;
	[tilespmem:$0x10610] =	vst v63  }
0x8a: {  	_ =	swait.ge [sflag:s12], $0x4E00  }
0x8b: {  	s8 =	simm.s32 @!p0 $0x0;
	[sflag:s12] =	ssyncset.done $0x0  }
0x8c: {  	s9 =	simm.s32 @!p0 $0x4E00;
	s1 =	rddreg [dreg:$0x8];
	[sflag:s12] =	ssyncadd.s32 $0xFFFFB200  }
0x8d: {  	[tilespmem:s9], [sflag:$0x11] =	stream.linear.gather @!p0 [hbm4b:s1+s8], $0x100, $0x38;
	[tilespmem:$0x10610] =	vst v63  }
0x8e: {  	s8 =	simm.s32 @!p0 $0x11  }
0x8f: {  	_ =	swait.ge @!p0 [sflag:s8], $0x100  }
0x90: {  	[sflag:s8] =	ssyncset.done @!p0 $0x0  }
0x91: {  	[sflag:s8] =	ssyncadd.s32 @!p0 $0xFFFFFF00;
	s8 =	simm.s32 $0x0  }
0x92: {  	[tilespmem:s16], [sflag:$0x1] =	stream.indirect.gather [spmem:s3], $0x10, s8, s15, $0xb8;
	[tilespmem:$0x10610] =	vst v63  }
0x93: {  	s10 =	simm.s32 $0x100;
	s14 =	simm.s32 $0x5700  }
0x94: {  	[tilespmem:s14], [sflag:$0x2] =	stream.indirect.gather [spmem:s3], $0x10, s10, s15, $0xb8;
	[tilespmem:$0x10610] =	vst v63  }
0x95: {  	s18 =	simm.s32 $0x200  }
0x96: {  	[tilespmem:s20], [sflag:$0x3] =	stream.indirect.gather [spmem:s3], $0x10, s18, s15, $0xb8;
	[tilespmem:$0x10610] =	vst v63  }
0x97: {  	s19 =	simm.s32 $0x300  }
0x98: {  	[tilespmem:s22], [sflag:$0x4] =	stream.indirect.gather [spmem:s3], $0x10, s19, s15, $0xb8;
	[tilespmem:$0x10610] =	vst v63  }
.LBB2_4:
0x99: {  	_ =	swait.ge [sflag:s23], $0x800  }
0x9a: {  	s9 =	sshra.s32 s8, $0x2;
	[sflag:s23] =	ssyncset.done $0x0  }
0x9b: {  	p1 =	seq.s32 s8, $0x0;
	s10 =	sadd.s32 $0x80, s9;
	[sflag:s23] =	ssyncadd.s32 $0xFFFFF800  }
0x9c: {  	[spmem:s2] =	stream.indirect.scatter.add.f32 [tilespmem:s16], [sflag:$0x9], $0x10, s10, s15, $0xb8;
	[tilespmem:$0x10610] =	vst v63  }
0x9d: {  	s10 =	sshra.s32 @p1 s8, $0x2  }
0x9e: {  	s1 =	simm.s32 @p1 $0x80;
	s4 =	simm.s32 @p1 $0x6F00;
	s14 =	sadd.s32 @p1 $0x400, s10  }
0x9f: {  	[tilespmem:s4], [sflag:$0x5] =	stream.indirect.gather @p1 [spmem:s3], $0x10, s14, s1, $0xb8;
	[tilespmem:$0x10610] =	vst v63  }
0xa0: {  	s4 =	simm.s32 @p1 $0x2  }
0xa1: {  	_ =	swait.ge @p1 [sflag:s4], $0x800  }
0xa2: {  	[sflag:s4] =	ssyncset.done @p1 $0x0  }
0xa3: {  	s14 =	simm.s32 @p1 $0x5700;
	[sflag:s4] =	ssyncadd.s32 @p1 $0xFFFFF800;
	s4 =	sadd.s32 @p1 $0x180, s10  }
0xa4: {  	[spmem:s2] =	stream.indirect.scatter.add.f32 @p1 [tilespmem:s14], [sflag:$0xA], $0x10, s4, s1, $0xb8;
	[tilespmem:$0x10610] =	vst v63  }
0xa5: {  	s4 =	simm.s32 @!p1 $0xD  }
0xa6: {  	_ =	swait.ge @!p1 [sflag:s4], $0x800  }
0xa7: {  	[sflag:s4] =	ssyncset.done @!p1 $0x0  }
0xa8: {  	[sflag:s4] =	ssyncadd.s32 @!p1 $0xFFFFF800;
	s4 =	sshra.s32 @!p1 s8, $0x2  }
0xa9: {  	s18 =	simm.s32 @!p1 $0x80;
	s19 =	simm.s32 @!p1 $0x6F00;
	s14 =	sadd.s32 @!p1 $0x400, s4  }
0xaa: {  	[tilespmem:s19], [sflag:$0x5] =	stream.indirect.gather @!p1 [spmem:s3], $0x10, s14, s18, $0xb8;
	[tilespmem:$0x10610] =	vst v63  }
0xab: {  	s14 =	simm.s32 @!p1 $0x2  }
0xac: {  	_ =	swait.ge @!p1 [sflag:s14], $0x800  }
0xad: {  	[sflag:s14] =	ssyncset.done @!p1 $0x0  }
0xae: {  	s19 =	simm.s32 @!p1 $0x5700;
	[sflag:s14] =	ssyncadd.s32 @!p1 $0xFFFFF800;
	s14 =	sadd.s32 @!p1 $0x180, s4  }
0xaf: {  	[spmem:s2] =	stream.indirect.scatter.add.f32 @!p1 [tilespmem:s19], [sflag:$0xA], $0x10, s14, s18, $0xb8;
	[tilespmem:$0x10610] =	vst v63  }
0xb0: {  	s14 =	simm.s32 @!p1 $0xE  }
0xb1: {  	_ =	swait.ge @!p1 [sflag:s14], $0x800  }
0xb2: {  	[sflag:s14] =	ssyncset.done @!p1 $0x0  }
0xb3: {  	s19 =	sadd.s32 $0x500, s9;
	[sflag:s14] =	ssyncadd.s32 @!p1 $0xFFFFF800  }
0xb4: {  	[tilespmem:s24], [sflag:$0x6] =	stream.indirect.gather [spmem:s3], $0x10, s19, s15, $0xb8;
	[tilespmem:$0x10610] =	vst v63  }
0xb5: {  	_ =	swait.ge [sflag:s25], $0x800  }
0xb6: {  	[sflag:s25] =	ssyncset.done $0x0  }
0xb7: {  	s19 =	sadd.s32 $0x280, s9;
	[sflag:s25] =	ssyncadd.s32 $0xFFFFF800  }
0xb8: {  	[spmem:s2] =	stream.indirect.scatter.add.f32 [tilespmem:s20], [sflag:$0xB], $0x10, s19, s15, $0xb8;
	[tilespmem:$0x10610] =	vst v63  }
0xb9: {  	s14 =	sadd.s32 @p1 $0x600, s10;
	s19 =	simm.s32 @p1 $0x7F00  }
0xba: {  	[tilespmem:s19], [sflag:$0x7] =	stream.indirect.gather @p1 [spmem:s3], $0x10, s14, s1, $0xb8;
	[tilespmem:$0x10610] =	vst v63  }
0xbb: {  	s14 =	simm.s32 @p1 $0x4  }
0xbc: {  	_ =	swait.ge @p1 [sflag:s14], $0x800  }
0xbd: {  	[sflag:s14] =	ssyncset.done @p1 $0x0  }
0xbe: {  	s10 =	sadd.s32 @p1 $0x380, s10;
	[sflag:s14] =	ssyncadd.s32 @p1 $0xFFFFF800;
	s14 =	simm.s32 @p1 $0x6700  }
0xbf: {  	[spmem:s2] =	stream.indirect.scatter.add.f32 @p1 [tilespmem:s14], [sflag:$0xC], $0x10, s10, s1, $0xb8;
	[tilespmem:$0x10610] =	vst v63  }
0xc0: {  	s1 =	simm.s32 @!p1 $0xF  }
0xc1: {  	_ =	swait.ge @!p1 [sflag:s1], $0x800  }
0xc2: {  	[sflag:s1] =	ssyncset.done @!p1 $0x0  }
0xc3: {  	s10 =	simm.s32 @!p1 $0x7F00;
	[sflag:s1] =	ssyncadd.s32 @!p1 $0xFFFFF800;
	s1 =	sadd.s32 @!p1 $0x600, s4  }
0xc4: {  	[tilespmem:s10], [sflag:$0x7] =	stream.indirect.gather @!p1 [spmem:s3], $0x10, s1, s18, $0xb8;
	[tilespmem:$0x10610] =	vst v63  }
0xc5: {  	s1 =	simm.s32 @!p1 $0x4  }
0xc6: {  	_ =	swait.ge @!p1 [sflag:s1], $0x800  }
0xc7: {  	[sflag:s1] =	ssyncset.done @!p1 $0x0  }
0xc8: {  	[sflag:s1] =	ssyncadd.s32 @!p1 $0xFFFFF800;
	s1 =	sadd.s32 @!p1 $0x380, s4;
	s4 =	simm.s32 @!p1 $0x6700  }
0xc9: {  	[spmem:s2] =	stream.indirect.scatter.add.f32 @!p1 [tilespmem:s4], [sflag:$0xC], $0x10, s1, s18, $0xb8;
	[tilespmem:$0x10610] =	vst v63  }
0xca: {  	s1 =	simm.s32 @!p1 $0x10  }
0xcb: {  	_ =	swait.ge @!p1 [sflag:s1], $0x800  }
0xcc: {  	[sflag:s1] =	ssyncset.done @!p1 $0x0  }
0xcd: {  	s14 =	sadd.s32 $0x700, s9;
	[sflag:s1] =	ssyncadd.s32 @!p1 $0xFFFFF800  }
0xce: {  	[tilespmem:s26], [sflag:$0x8] =	stream.indirect.gather [spmem:s3], $0x10, s14, s15, $0xb8;
	[tilespmem:$0x10610] =	vst v63  }
0xcf: {  	_ =	swait.ge [sflag:s28], $0x800  }
0xd0: {  	p1 =	seq.s32 s8, $0x10000;
	[sflag:s28] =	ssyncset.done $0x0  }
0xd1: {  	s18 =	sadd.s32 $0x480, s9;
	s1 =	simm.s32 @p1 $0x6;
	[sflag:s28] =	ssyncadd.s32 $0xFFFFF800  }
0xd2: {  	[spmem:s2] =	stream.indirect.scatter.add.f32 [tilespmem:s29], [sflag:$0xD], $0x10, s18, s15, $0xb8;
	[tilespmem:$0x10610] =	vst v63  }
0xd3: {  	_ =	swait.ge @p1 [sflag:s1], $0x800  }
0xd4: {  	[sflag:s1] =	ssyncset.done @p1 $0x0  }
0xd5: {  	[sflag:s1] =	ssyncadd.s32 @p1 $0xFFFFF800;
	s1 =	sshra.s32 @p1 s8, $0x2  }
0xd6: {  	s4 =	simm.s32 @p1 $0x80;
	s10 =	simm.s32 @p1 $0x7700;
	s1 =	sadd.s32 @p1 $0x580, s1  }
0xd7: {  	[spmem:s2] =	stream.indirect.scatter.add.f32 @p1 [tilespmem:s10], [sflag:$0xE], $0x10, s1, s4, $0xb8;
	[tilespmem:$0x10610] =	vst v63  }
0xd8: {  	s1 =	simm.s32 @!p1 $0x9  }
0xd9: {  	_ =	swait.ge @!p1 [sflag:s1], $0x800  }
0xda: {  	[sflag:s1] =	ssyncset.done @!p1 $0x0  }
0xdb: {  	[sflag:s1] =	ssyncadd.s32 @!p1 $0xFFFFF800;
	s1 =	sshra.s32 @!p1 s8, $0x2  }
0xdc: {  	s14 =	simm.s32 @!p1 $0x4F00;
	s10 =	simm.s32 @!p1 $0x80;
	s4 =	sadd.s32 @!p1 $0x800, s1  }
0xdd: {  	[tilespmem:s14], [sflag:$0x1] =	stream.indirect.gather @!p1 [spmem:s3], $0x10, s4, s10, $0xb8;
	[tilespmem:$0x10610] =	vst v63  }
0xde: {  	s4 =	simm.s32 @!p1 $0x6  }
0xdf: {  	_ =	swait.ge @!p1 [sflag:s4], $0x800  }
0xe0: {  	[sflag:s4] =	ssyncset.done @!p1 $0x0  }
0xe1: {  	s14 =	simm.s32 @!p1 $0x7700;
	[sflag:s4] =	ssyncadd.s32 @!p1 $0xFFFFF800;
	s4 =	sadd.s32 @!p1 $0x580, s1  }
0xe2: {  	[spmem:s2] =	stream.indirect.scatter.add.f32 @!p1 [tilespmem:s14], [sflag:$0xE], $0x10, s4, s10, $0xb8;
	[tilespmem:$0x10610] =	vst v63  }
0xe3: {  	s4 =	simm.s32 @!p1 $0xA  }
0xe4: {  	_ =	swait.ge @!p1 [sflag:s4], $0x800  }
0xe5: {  	[sflag:s4] =	ssyncset.done @!p1 $0x0  }
0xe6: {  	s1 =	sadd.s32 @!p1 $0x900, s1;
	[sflag:s4] =	ssyncadd.s32 @!p1 $0xFFFFF800;
	s4 =	simm.s32 @!p1 $0x5700  }
0xe7: {  	[tilespmem:s4], [sflag:$0x2] =	stream.indirect.gather @!p1 [spmem:s3], $0x10, s1, s10, $0xb8;
	[tilespmem:$0x10610] =	vst v63  }
.Ltmp3:
0xe8: {  	_ = 	snop;
	(pc) =	sbr.rel @p1 .LBB2_6-.Ltmp3, $4  }
0xe9: {  	_ =	swait.ge [sflag:s30], $0x800  }
0xea: {  	[sflag:s30] =	ssyncset.done $0x0  }
0xeb: {  	s19 =	sadd.s32 $0x680, s9;
	s10 =	sadd.s32 $0x780, s9;
	[sflag:s30] =	ssyncadd.s32 $0xFFFFF800  }
0xec: {  	[spmem:s2] =	stream.indirect.scatter.add.f32 [tilespmem:s31], [sflag:$0xF], $0x10, s19, s15, $0xb8;
	[tilespmem:$0x10610] =	vst v63  }
0xed: {  	_ =	swait.ge [sflag:s11], $0x800  }
0xee: {  	[sflag:s11] =	ssyncset.done $0x0  }
0xef: {  	s1 =	sadd.s32 $0xA00, s9;
	[sflag:s11] =	ssyncadd.s32 $0xFFFFF800  }
0xf0: {  	[tilespmem:s20], [sflag:$0x3] =	stream.indirect.gather [spmem:s3], $0x10, s1, s15, $0xb8;
	[tilespmem:$0x10610] =	vst v63  }
0xf1: {  	_ =	swait.ge [sflag:s0], $0x800  }
0xf2: {  	[sflag:s0] =	ssyncset.done $0x0  }
0xf3: {  	[sflag:s0] =	ssyncadd.s32 $0xFFFFF800  }
0xf4: {  	[spmem:s2] =	stream.indirect.scatter.add.f32 [tilespmem:s26], [sflag:$0x10], $0x10, s10, s15, $0xb8;
	[tilespmem:$0x10610] =	vst v63  }
.Ltmp4:
0xf5: {  	_ = 	snop;
	(pc) =	sbr.rel .LBB2_4-.Ltmp4, $4  }
0xf6: {  	_ =	swait.ge [sflag:s17], $0x800  }
0xf7: {  	[sflag:s17] =	ssyncset.done $0x0  }
0xf8: {  	s19 =	sadd.s32 $0xB00, s9;
	s8 =	sadd.s32 $0x2000, s8;
	[sflag:s17] =	ssyncadd.s32 $0xFFFFF800  }
0xf9: {  	[tilespmem:s22], [sflag:$0x4] =	stream.indirect.gather [spmem:s3], $0x10, s19, s15, $0xb8;
	[tilespmem:$0x10610] =	vst v63  }
.LBB2_7:
0xfa: {  	_ =	sfence.sel $0x180000  }
0xfb: {  	[bflag:$0x0] =	sbarrier.arrive $0xFFFF  }
0xfc: {  	_ =	strace $0x9000004A  }
0xfd: {  	s0 =	stileid.u32;
	[bflag:$0x2] =	sbarrier.arrive $0xFFFF  }
0xfe: {  	p0 =	sne.s32 s0, $0x0;
	s0 =	rddreg [dreg:$0x5]  }
0xff: {  	s0 =	sadd.s32 @!p0 $0x100000, s0  }
0x100: {  	[sflag:s0] =	ssyncadd.tile.s32 @!p0 $0x1;
	_ =	shalt  }
.Lfunc_end2:
_tile_overlayer_lowered:
.L_overlay_start_2:
0x101: {  	(tag) =	ssettag $0x2  }
0x102: {  	s0 =	rddreg [dreg:$0x0];
	s2 =	stileid.u32  }
0x103: {  	s1 =	rddreg [dreg:$0x1];
	p0 =	sne.s32 s2, $0x0  }
0x104: {  	s3 =	rddreg [dreg:$0x2];
	[bflag:$0x3] =	sbarrier.arrive $0xFFFF;
	s2 =	simm.s32 @!p0 $0x1C11  }
0x105: {  	[timem:s3], [sflag:s2] =	dma.local @!p0 [hbm:s0], s1  }
0x106: {  	s0 =	simm.s32 @!p0 $0x11  }
0x107: {  	_ =	swait.ge @!p0 [sflag:s0], s1  }
0x108: {  	s1 =	ssub.s32 @!p0 $0x0, s1;
	[sflag:s0] =	ssyncset.done @!p0 $0x0  }
0x109: {  	[sflag:s0] =	ssyncadd.s32 @!p0 s1  }
0x10a: {  	[bflag:$0x3] =	sbarrier.arrive $0xFFFF  }
0x10b: {  	_ =	shalt  }

// kernel: kernel.7.cloned.1.call-start
scs
__scs_entry_jumppad:
0x0: {  	(pc) =	sbr.rel $0x88, $3  }
0x1: {  	(tag) =	ssettag $0x0;
	lr =	simm.s32 $0x1  }
0x2: {  	[smem:$0x3F99] =	sst lr;
	_ =	strace $0xD0000000  }
0x3: {  	_ = 	snop  }
0x4: {  	_ = 	snop  }
0x5: {  	_ = 	snop  }
0x6: {  	_ = 	snop  }
0x7: {  	_ = 	snop  }
__scs_overlays_trampoline_lowered:
0x8: {  	[smem:$0x3FA8] =	sst s0  }
0x9: {  	[smem:$0x3FA9] =	sst s1  }
0xa: {  	[smem:$0x3FAA] =	sst s2  }
0xb: {  	[smem:$0x3FAB] =	sst s3  }
0xc: {  	[smem:$0x3FAC] =	sst s4  }
0xd: {  	[smem:$0x3FAD] =	sst s5  }
0xe: {  	[smem:$0x3FAE] =	sst s6  }
0xf: {  	[smem:$0x3FAF] =	sst s7  }
0x10: {  	[smem:$0x3FB0] =	sst s8  }
0x11: {  	[smem:$0x3FB1] =	sst s9;
	s0 =	simm.s32 @!p0 $0x0  }
0x12: {  	s1 =	sld [smem:$0x3F97];
	s0 =	simm.s32 @p0 $0x1  }
0x13: {  	[smem:$0x3FB2] =	sst s0;
	s0 =	simm.s32 @!p1 $0x0  }
0x14: {  	s2 =	sld [smem:$0x3F96];
	s0 =	simm.s32 @p1 $0x1  }
0x15: {  	[smem:$0x3FB3] =	sst s0;
	s0 =	simm.s32 @!p2 $0x0  }
0x16: {  	s3 =	sld [smem:$0x3FDB];
	s0 =	simm.s32 @p2 $0x1  }
0x17: {  	s4 =	simm.s32 $0x1BF5;
	[smem:$0x3FB5] =	sst s0  }
0x18: {  	s0 =	sld [smem:$0x3F98];
	_ =	swait.ge [sflag:s4], $0x0  }
0x19: {  	s7 =	sld [smem:$0x3F99]  }
0x1a: {  	s8 =	sadd.s32 $0xFFFFE003, lr  }
0x1b: {  	s9 =	sadd.s32 $0xFFFFFEF7, lr;
	s5 =	simm.s32 $0xFFFFFFFF;
	p2 =	slt.u32 s8, $0xFFFFF086  }
0x1c: {  	p1 =	slt.u32 s9, $0xF7A;
	s5 =	simm.s32 @!p2 $0x0  }
0x1d: {  	s5 =	simm.s32 @p1 $0x1;
	p0 =	seq.s32 s7, s2  }
0x1e: {  	s7 =	smul.u32 @!p0 $0xF7A, s2;
	p2 =	seq.s32 @!p0 s5, $0x0  }
0x1f: {  	s9 =	smul.u32 $0xF7A, s1;
	s8 =	simm.s32 @!p0 $0x1BF5;
	p2 =	por !p2, p0  }
0x20: {  	[sflag:s8] =	ssyncset.s32 @!p0 $0xFFFFF086;
	s6 =	sadd.s32 @!p0 s3, s7;
	s7 =	simm.s32 @!p0 $0x108  }
0x21: {  	s3 =	sadd.s32 s3, s9;
	s6 =	sadd.s32 @!p0 $0x88, s6;
	s7 =	simm.s32 @p2 $0x1082  }
0x22: {  	[simem:s7], [sflag:s8] =	dma.local @!p0 [hbm:s6], $0xF7A  }
0x23: {  	s9 =	sor.u32 $0xD0000000, s2;
	s6 =	simm.s32 $0x108;
	_ =	swait.ge @!p0 [sflag:s8], $0x0  }
0x24: {  	s3 =	sadd.s32 $0x88, s3;
	s6 =	simm.s32 @!p1 $0x1082;
	[sflag:s4] =	ssyncset.s32 $0xFFFFF086  }
0x25: {  	[simem:s6], [sflag:s4] =	dma.local [hbm:s3], $0xF7A  }
0x26: {  	[smem:$0x3F99] =	sst s1;
	(tag) =	ssettag s2;
	_ =	strace s9  }
0x27: {  	s1 =	sld [smem:$0x3FA9]  }
0x28: {  	s2 =	sld [smem:$0x3FAA]  }
0x29: {  	s4 =	sld [smem:$0x3FAC]  }
0x2a: {  	p0 =	seq.s32 s5, $0x0;
	s5 =	sld [smem:$0x3FAD]  }
0x2b: {  	s6 =	sld [smem:$0x3FAE]  }
0x2c: {  	s7 =	sld [smem:$0x3FAF]  }
0x2d: {  	s3 =	simm.s32 $0x108;
	s8 =	sld [smem:$0x3FB0]  }
0x2e: {  	s3 =	simm.s32 @!p0 $0x1082;
	s9 =	sld [smem:$0x3FB1]  }
0x2f: {  	lr =	sadd.s32 s0, s3;
	s0 =	sld [smem:$0x3FA8]  }
0x30: {  	s3 =	sld [smem:$0x3FAB]  }
0x31: {  	[smem:$0x3FB4] =	sst s10  }
0x32: {  	s10 =	sld [smem:$0x3FB2];
	_ =	sdelay $0x3  }
0x33: {  	p0 =	seq.s32 s10, $0x1;
	s10 =	sld [smem:$0x3FB4];
	_ =	sdelay $0x3  }
0x34: {  	[smem:$0x3FB4] =	sst s10  }
0x35: {  	s10 =	sld [smem:$0x3FB3];
	_ =	sdelay $0x3  }
0x36: {  	p1 =	seq.s32 s10, $0x1;
	s10 =	sld [smem:$0x3FB4];
	_ =	sdelay $0x3  }
0x37: {  	[smem:$0x3FB4] =	sst s10  }
0x38: {  	s10 =	sld [smem:$0x3FB5]  }
0x39: {  	_ = 	snop;
	(pc) =	sbr.ind lr, $3  }
0x3a: {  	_ = 	snop  }
0x3b: {  	_ = 	snop  }
0x3c: {  	p2 =	seq.s32 s10, $0x1;
	s10 =	sld [smem:$0x3FB4]  }
0x3d: {  	_ =	shalt  }
0x3e: {  	_ =	shalt  }
0x3f: {  	_ =	shalt  }
0x40: {  	_ =	shalt  }
0x41: {  	_ =	shalt  }
0x42: {  	_ =	shalt  }
0x43: {  	_ =	shalt  }
0x44: {  	_ =	shalt  }
0x45: {  	_ =	shalt  }
0x46: {  	_ =	shalt  }
0x47: {  	_ =	shalt  }
0x48: {  	_ =	shalt  }
0x49: {  	_ =	shalt  }
0x4a: {  	_ =	shalt  }
0x4b: {  	_ =	shalt  }
0x4c: {  	_ =	shalt  }
0x4d: {  	_ =	shalt  }
0x4e: {  	_ =	shalt  }
0x4f: {  	_ =	shalt  }
0x50: {  	_ =	shalt  }
0x51: {  	_ =	shalt  }
0x52: {  	_ =	shalt  }
0x53: {  	_ =	shalt  }
0x54: {  	_ =	shalt  }
0x55: {  	_ =	shalt  }
0x56: {  	_ =	shalt  }
0x57: {  	_ =	shalt  }
0x58: {  	_ =	shalt  }
0x59: {  	_ =	shalt  }
0x5a: {  	_ =	shalt  }
0x5b: {  	_ =	shalt  }
0x5c: {  	_ =	shalt  }
0x5d: {  	_ =	shalt  }
0x5e: {  	_ =	shalt  }
0x5f: {  	_ =	shalt  }
0x60: {  	_ =	shalt  }
0x61: {  	_ =	shalt  }
0x62: {  	_ =	shalt  }
0x63: {  	_ =	shalt  }
0x64: {  	_ =	shalt  }
0x65: {  	_ =	shalt  }
0x66: {  	_ =	shalt  }
0x67: {  	_ =	shalt  }
0x68: {  	_ =	shalt  }
0x69: {  	_ =	shalt  }
0x6a: {  	_ =	shalt  }
0x6b: {  	_ =	shalt  }
0x6c: {  	_ =	shalt  }
0x6d: {  	_ =	shalt  }
0x6e: {  	_ =	shalt  }
0x6f: {  	_ =	shalt  }
0x70: {  	_ =	shalt  }
0x71: {  	_ =	shalt  }
0x72: {  	_ =	shalt  }
0x73: {  	_ =	shalt  }
0x74: {  	_ =	shalt  }
0x75: {  	_ =	shalt  }
0x76: {  	_ =	shalt  }
0x77: {  	_ =	shalt  }
0x78: {  	_ =	shalt  }
0x79: {  	_ =	shalt  }
0x7a: {  	_ =	shalt  }
0x7b: {  	_ =	shalt  }
0x7c: {  	_ =	shalt  }
0x7d: {  	_ =	shalt  }
0x7e: {  	_ =	shalt  }
0x7f: {  	_ =	shalt  }
0x80: {  	_ =	shalt  }
0x81: {  	_ =	shalt  }
0x82: {  	_ =	shalt  }
0x83: {  	_ =	shalt  }
0x84: {  	_ =	shalt  }
0x85: {  	_ =	shalt  }
0x86: {  	_ =	shalt  }
0x87: {  	_ =	shalt  }
.Lfunc_end0:
.L_simem_size_0:
called_computation_lowered:
.L_overlay_start_0:
0x88: {  	s2 =	sld [smem:$0x3FD9]  }
0x89: {  	s3 =	sld [smem:$0x3FFE];
	_ =	sdelay $0x1  }
0x8a: {  	s1 =	srdreg.scid  }
0x8b: {  	s0 =	sand.u32 $0x1, s1  }
0x8c: {  	s17 =	sshll.u32 s0, $0xA;
	s2 =	sadd.s32 s3, s2  }
0x8d: {  	s2 =	sadd.s32 s2, s17  }
0x8e: {  	[smem:$0x3FC0] =	sst s2  }
0x8f: {  	_ = 	snop  }
0x90: {  	s2 =	sld [smem:$0x3FC8]  }
0x91: {  	s18 =	sld [smem:$0x3FD0];
	(tm) =	ssettm $0x1  }
0x92: {  	s4 =	sld [smem:$0x3FFB];
	_ =	sdelay $0x3  }
0x93: {  	_ =	strace s4  }
0x94: {  	s4 =	sld [smem:$0x3FFC];
	_ =	sdelay $0x3  }
0x95: {  	_ =	strace s4  }
0x96: {  	s4 =	sld [smem:$0x3FFD];
	_ =	sdelay $0x3  }
0x97: {  	_ =	strace s4  }
0x98: {  	_ =	strace $0x8FFFFFFF  }
0x99: {  	s19 =	sld [smem:$0x3FDB];
	_ =	sdelay $0x1  }
0x9a: {  	s5 =	simm.s32 $_scs_section_size  }
0x9b: {  	s6 =	simm.s32 $_size__tile_overlayer_lowered;
	s7 =	simm.s32 $_tile_overlayer_lowered  }
0x9c: {  	s22 =	simm.s32 $0x1BFF;
	s21 =	sshll.u32 s7, $0x1;
	s4 =	sadd.s32 s5, s19  }
0x9d: {  	s8 =	simm.s32 $0x0;
	s20 =	sshll.u32 s6, $0x1;
	s6 =	sadd.s32 s21, s4  }
0x9e: {  	[timem:s8], [sflag:s22] =	dma.local [hbm:s6], s20  }
0x9f: {  	_ =	swait.ge [sflag:s22], s20  }
0xa0: {  	s5 =	ssub.s32 $0x0, s20;
	[sflag:s22] =	ssyncset.done $0x0  }
0xa1: {  	[sflag:s22] =	ssyncadd.s32 s5;
	_ =	sdelay $0x1  }
0xa2: {  	s23 =	simm.s32 $0x1B8B  }
0xa3: {  	_ =	swait.ge [sflag:s23], $0x1  }
0xa4: {  	[sflag:s23] =	ssyncset.done $0x0  }
0xa5: {  	s25 =	simm.s32 $0x1B8E;
	s24 =	sld [smem:$0x3FFE];
	[sflag:s23] =	ssyncadd.s32 $0xFFFFFFFF  }
0xa6: {  	s26 =	simm.s32 $execute0_lowered;
	[smem:$0x3FD2] =	sst s25  }
0xa7: {  	s6 =	sshll.u32 s26, $0x1;
	_ =	strace $0x80000046;
	[dreg:$0x1] =	wrdreg $0xFFFFFFFF  }
0xa8: {  	s28 =	simm.s32 $_size_execute0_lowered;
	s4 =	sadd.s32 s4, s6;
	[dreg:$0x0] =	wrdreg $0x0  }
0xa9: {  	s6 =	sshll.u32 s28, $0x1;
	[dreg:$0x2] =	wrdreg s4  }
0xaa: {  	[dreg:$0x3] =	wrdreg s6  }
0xab: {  	[dreg:$0x4] =	wrdreg $0xC0  }
0xac: {  	_ =	task [dreg:s8], $0x5FFFF  }
0xad: {  	[dreg:$0x1] =	wrdreg $0xFFFFFFFF  }
0xae: {  	[dreg:$0x0] =	wrdreg $0x60  }
0xaf: {  	[dreg:$0x2] =	wrdreg s24  }
0xb0: {  	[dreg:$0x3] =	wrdreg s2  }
0xb1: {  	[dreg:$0x4] =	wrdreg s18  }
0xb2: {  	[dreg:$0x5] =	wrdreg $0xBA000  }
0xb3: {  	[dreg:$0x6] =	wrdreg $0xE2000  }
0xb4: {  	[dreg:$0x7] =	wrdreg $0xE4800  }
0xb5: {  	[dreg:$0x8] =	wrdreg $0x9  }
0xb6: {  	_ =	task.clear_ibuf [dreg:s8], $0x9FFFF;
	_ =	strace $0x90000046  }
0xb7: {  	s29 =	simm.s32 $0x9;
	_ =	strace $0x80000048  }
0xb8: {  	_ =	swait.ge [sflag:s29], $0x1  }
0xb9: {  	[sflag:s29] =	ssyncadd.s32 $0xFFFFFFFF  }
0xba: {  	_ =	strace $0x90000048  }
0xbb: {  	_ =	sfence  }
0xbc: {  	s30 =	sld [smem:$0x0];
	_ =	sdelay $0x2  }
0xbd: {  	s31 =	sshll.u32 s1, $0xD;
	s1 =	sshrl.u32 s1, $0x2  }
0xbe: {  	s3 =	sand.u32 $0x4000, s31;
	s1 =	sadd.s32 s1, s30  }
0xbf: {  	s0 =	sor.u32 s3, s0;
	s1 =	sshll.u32 s1, $0x11  }
0xc0: {  	s0 =	sor.u32 s1, s0  }
0xc1: {  	s0 =	sadd.s32 $0x8F2B, s0  }
0xc2: {  	[sflag:s0] =	ssyncadd.remote.s32 $0x1  }
0xc3: {  	_ =	sfence.sel $0xFFFF  }
0xc4: {  	[dreg:$0x0] =	wrdreg $0xFFFFFFFF;
	(pc) =	sbr.abs _section_cstart, $3  }
0xc5: {  	[dreg:$0x1] =	wrdreg $0xFFFFFFFF  }
0xc6: {  	_ =	task.clear_ibuf [dreg:s8], $0x2FFFF;
	_ =	strace $0x9FFFFFFF  }
0xc7: {  	(tm) =	ssettm $0x7FFFFFFF  }
tec
execute0_lowered:
.L_overlay_start_1:
0x0: {  	(tag) =	ssettag $0x1  }
0x1: {  	s0 =	rddreg [dreg:$0x0]  }
0x2: {  	s3 =	rddreg [dreg:$0x1]  }
0x3: {  	s5 =	rddreg [dreg:$0x2]  }
0x4: {  	s1 =	rddreg [dreg:$0x3]  }
0x5: {  	s2 =	rddreg [dreg:$0x4];
	s16 =	stileid.u32  }
0x6: {  	s6 =	srdreg.scid;
	s4 =	rddreg [dreg:$0x5];
	s10 =	simm.s32 $0x0  }
0x7: {  	s28 =	simm.s32 $0x1;
	s29 =	simm.s32 $0x8F00;
	s8 =	smul.u32 $0x2710, s16  }
0x8: {  	s30 =	simm.s32 $0x7700;
	s31 =	simm.s32 $0x3;
	s7 =	smul.u32 $0x280, s16  }
0x9: {  	s9 =	sand.u32 $0x1, s6;
	[smem:$0x7FF] =	sst s10;
	s14 =	smul.u32 $0x2800, s16  }
0xa: {  	s15 =	sshll.u32 s16, $0x5;
	s25 =	sshll.u32 s16, $0x6;
	s6 =	smul.u32 $0x2800, s9  }
0xb: {  	_ =	strace $0x80000047;
	s11 =	ssub.s32 $0x2, s9;
	s13 =	sshll.u32 s9, $0x4  }
0xc: {  	s9 =	smul.u32 $0x28000, s9;
	s21 =	sadd.s32 s15, s3;
	s15 =	simm.s32 $0x19  }
0xd: {  	s18 =	sshrl.u32 s8, $0x3;
	s12 =	sshrl.u32 s11, $0x1;
	s19 =	sor.u32 s16, s13  }
0xe: {  	s17 =	sadd.s32 s14, s1;
	s8 =	sadd.s32 s8, s4;
	s22 =	sadd.s32 $0x13800, s21  }
0xf: {  	s16 =	simm.s32 $0x7F00;
	s21 =	simm.s32 $0x8;
	s6 =	sadd.s32 s7, s6  }
0x10: {  	s10 =	sadd.s32 s18, s0;
	s11 =	ssub.s32 s11, s12;
	s7 =	sadd.s32 s7, s2  }
0x11: {  	s13 =	smul.u32 $0x9C0, s19;
	s9 =	sadd.s32 s14, s9;
	[dreg:$0xb] =	wrdreg s22  }
0x12: {  	p0 =	sgt.u32 s19, $0x3;
	s26 =	sshrl.u32 s8, $0x3;
	s19 =	simm.s32 $0x80  }
0x13: {  	s14 =	simm.s32 $0x7;
	s12 =	simm.s32 $0x14;
	s8 =	simm.s32 $0x0  }
0x14: {  	[dreg:$0x7] =	wrdreg s17;
	s6 =	sshrl.u32 s6, $0x3;
	s20 =	sadd.s32 $0x2800, s10  }
0x15: {  	s23 =	sshrl.u32 s9, $0x3;
	s24 =	smax.u32 s11, $0x1;
	[dreg:$0x10] =	wrdreg s26  }
0x16: {  	s9 =	simm.s32 $0xB;
	s10 =	simm.s32 $0x13;
	[dreg:$0x8] =	wrdreg s7  }
0x17: {  	s11 =	simm.s32 $0xC;
	s0 =	sadd.s32 s6, s0;
	[dreg:$0x9] =	wrdreg s20  }
.Ltmp0:
0x18: {  	s3 =	sadd.s32 s3, s13;
	[dreg:$0xe] =	wrdreg s24;
	(pc) =	sbr.rel .LBB2_1-.Ltmp0, $4  }
0x19: {  	s13 =	sor.u32 $0x1C19, s25;
	s20 =	simm.s32 $0x4F00;
	[dreg:$0xa] =	wrdreg s3  }
0x1a: {  	s24 =	simm.s32 $0x5F00;
	s3 =	sadd.s32 s5, s23;
	[dreg:$0xf] =	wrdreg s13  }
0x1b: {  	s0 =	sadd.s32 $0x7800, s0;
	s5 =	simm.s32 $0x6F00;
	[dreg:$0xc] =	wrdreg s3  }
0x1c: {  	v0 =	vimm.f32 $0.0e+00;
	v1 =	vimm.f32 $1.000000000e+00;
	[dreg:$0xd] =	wrdreg s0;
	s3 =	simm.s32 $0x8700;
	s0 =	simm.s32 $0x5  }
.LBB2_6:
0x1d: {  	_ =	swait.ge [sflag:s21], $0x800  }
0x1e: {  	[sflag:s21] =	ssyncset.done $0x0  }
0x1f: {  	[sflag:s21] =	ssyncadd.s32 $0xFFFFF800  }
0x20: {  	[spmem:s1] =	stream.indirect.scatter.add.f32 [tilespmem:s3], [sflag:$0x10], $0x10, s8, s19, $0xb8;
	[tilespmem:$0x10B90] =	vst v63  }
0x21: {  	s6 =	simm.s32 $0x9  }
0x22: {  	[spmem:s2] =	stream.indirect.scatter.add.f32 [tilespmem:s29], [sflag:$0x18], $0x1, s8, s19, $0xb8;
	[tilespmem:$0x10B90] =	vst v63  }
0x23: {  	_ =	swait.ge [sflag:s6], $0x800  }
0x24: {  	[sflag:s6] =	ssyncset.done $0x0  }
0x25: {  	s22 =	simm.s32 $0x11;
	[sflag:s6] =	ssyncadd.s32 $0xFFFFF800  }
0x26: {  	_ =	swait.ge [sflag:s22], $0x80  }
0x27: {  	[sflag:s22] =	ssyncset.done $0x0  }
0x28: {  	s23 =	simm.s32 $0xA;
	[sflag:s22] =	ssyncadd.s32 $0xFFFFFF80  }
0x29: {  	_ =	swait.ge [sflag:s23], $0x800  }
0x2a: {  	[sflag:s23] =	ssyncset.done $0x0  }
0x2b: {  	s25 =	simm.s32 $0x12;
	[sflag:s23] =	ssyncadd.s32 $0xFFFFF800  }
0x2c: {  	_ =	swait.ge [sflag:s25], $0x80  }
0x2d: {  	[sflag:s25] =	ssyncset.done $0x0  }
0x2e: {  	[sflag:s25] =	ssyncadd.s32 $0xFFFFFF80  }
0x2f: {  	_ =	swait.ge [sflag:s9], $0x800  }
0x30: {  	[sflag:s9] =	ssyncset.done $0x0  }
0x31: {  	[sflag:s9] =	ssyncadd.s32 $0xFFFFF800  }
0x32: {  	_ =	swait.ge [sflag:s10], $0x80  }
0x33: {  	[sflag:s10] =	ssyncset.done $0x0  }
0x34: {  	[sflag:s10] =	ssyncadd.s32 $0xFFFFFF80  }
0x35: {  	_ =	swait.ge [sflag:s11], $0x800  }
0x36: {  	[sflag:s11] =	ssyncset.done $0x0  }
0x37: {  	[sflag:s11] =	ssyncadd.s32 $0xFFFFF800  }
0x38: {  	_ =	swait.ge [sflag:s12], $0x80  }
0x39: {  	[sflag:s12] =	ssyncset.done $0x0  }
0x3a: {  	s26 =	simm.s32 $0xD;
	[sflag:s12] =	ssyncadd.s32 $0xFFFFFF80  }
0x3b: {  	_ =	swait.ge [sflag:s26], $0x800  }
0x3c: {  	[sflag:s26] =	ssyncset.done $0x0  }
0x3d: {  	s7 =	simm.s32 $0x15;
	[sflag:s26] =	ssyncadd.s32 $0xFFFFF800  }
0x3e: {  	_ =	swait.ge [sflag:s7], $0x80  }
0x3f: {  	[sflag:s7] =	ssyncset.done $0x0  }
0x40: {  	s8 =	simm.s32 $0xE;
	[sflag:s7] =	ssyncadd.s32 $0xFFFFFF80  }
0x41: {  	_ =	swait.ge [sflag:s8], $0x800  }
0x42: {  	[sflag:s8] =	ssyncset.done $0x0  }
0x43: {  	s13 =	simm.s32 $0x16;
	[sflag:s8] =	ssyncadd.s32 $0xFFFFF800  }
0x44: {  	_ =	swait.ge [sflag:s13], $0x80  }
0x45: {  	[sflag:s13] =	ssyncset.done $0x0  }
0x46: {  	s17 =	simm.s32 $0xF;
	[sflag:s13] =	ssyncadd.s32 $0xFFFFFF80  }
0x47: {  	_ =	swait.ge [sflag:s17], $0x800  }
0x48: {  	[sflag:s17] =	ssyncset.done $0x0  }
0x49: {  	s18 =	simm.s32 $0x17;
	[sflag:s17] =	ssyncadd.s32 $0xFFFFF800  }
0x4a: {  	_ =	swait.ge [sflag:s18], $0x80  }
0x4b: {  	[sflag:s18] =	ssyncset.done $0x0  }
0x4c: {  	s22 =	simm.s32 $0x10;
	[sflag:s18] =	ssyncadd.s32 $0xFFFFFF80  }
0x4d: {  	_ =	swait.ge [sflag:s22], $0x800  }
0x4e: {  	[sflag:s22] =	ssyncset.done $0x0  }
0x4f: {  	s23 =	simm.s32 $0x18;
	[sflag:s22] =	ssyncadd.s32 $0xFFFFF800  }
0x50: {  	_ =	swait.ge [sflag:s23], $0x80  }
0x51: {  	[sflag:s23] =	ssyncset.done $0x0  }
0x52: {  	s25 =	simm.s32 $0x4800;
	[sflag:s23] =	ssyncadd.s32 $0xFFFFFF80  }
0x53: {  	[tilespmem:s20], [sflag:$0x1] =	stream.indirect.gather [spmem:s4], $0x10, s25, s19, $0xb8;
	[tilespmem:$0x10B90] =	vst v63  }
0x54: {  	_ =	swait.ge [sflag:s28], $0x800  }
0x55: {  	[sflag:s28] =	ssyncset.done $0x0  }
0x56: {  	s26 =	simm.s32 $0x4880;
	[sflag:s28] =	ssyncadd.s32 $0xFFFFF800  }
0x57: {  	[spmem:s1] =	stream.indirect.scatter.add.f32 [tilespmem:s20], [sflag:$0x19], $0x10, s26, s19, $0xb8;
	[tilespmem:$0x10B90] =	vst v63  }
0x58: {  	_ =	swait.ge [sflag:s15], $0x800  }
0x59: {  	[sflag:s15] =	ssyncset.done $0x0  }
0x5a: {  	[sflag:s15] =	ssyncadd.s32 $0xFFFFF800  }
0x5b: {  	[spmem:s2] =	stream.indirect.scatter.add.f32 [tilespmem:s29], [sflag:$0x19], $0x1, s26, s19, $0xb8;
	[tilespmem:$0x10B90] =	vst v63  }
0x5c: {  	_ =	swait.ge [sflag:s15], $0x80  }
0x5d: {  	[sflag:s15] =	ssyncset.done $0x0  }
0x5e: {  	s7 =	simm.s32 $0x4900;
	[sflag:s15] =	ssyncadd.s32 $0xFFFFFF80  }
0x5f: {  	[tilespmem:s20], [sflag:$0x1] =	stream.indirect.gather [spmem:s4], $0x10, s7, s19, $0xb8;
	[tilespmem:$0x10B90] =	vst v63  }
0x60: {  	_ =	swait.ge [sflag:s28], $0x800  }
0x61: {  	[sflag:s28] =	ssyncset.done $0x0  }
0x62: {  	s8 =	simm.s32 $0x4980;
	[sflag:s28] =	ssyncadd.s32 $0xFFFFF800  }
0x63: {  	[spmem:s1] =	stream.indirect.scatter.add.f32 [tilespmem:s20], [sflag:$0x19], $0x10, s8, s19, $0xb8;
	[tilespmem:$0x10B90] =	vst v63  }
0x64: {  	_ =	swait.ge [sflag:s15], $0x800  }
0x65: {  	[sflag:s15] =	ssyncset.done $0x0  }
0x66: {  	[sflag:s15] =	ssyncadd.s32 $0xFFFFF800  }
0x67: {  	[spmem:s2] =	stream.indirect.scatter.add.f32 [tilespmem:s29], [sflag:$0x19], $0x1, s8, s19, $0xb8;
	[tilespmem:$0x10B90] =	vst v63  }
0x68: {  	_ =	swait.ge [sflag:s15], $0x80  }
0x69: {  	[sflag:s15] =	ssyncset.done $0x0  }
0x6a: {  	s13 =	simm.s32 $0x4A00;
	[sflag:s15] =	ssyncadd.s32 $0xFFFFFF80  }
0x6b: {  	[tilespmem:s20], [sflag:$0x1] =	stream.indirect.gather [spmem:s4], $0x10, s13, s19, $0xb8;
	[tilespmem:$0x10B90] =	vst v63  }
0x6c: {  	_ =	swait.ge [sflag:s28], $0x800  }
0x6d: {  	[sflag:s28] =	ssyncset.done $0x0  }
0x6e: {  	s17 =	simm.s32 $0x4A80;
	[sflag:s28] =	ssyncadd.s32 $0xFFFFF800  }
0x6f: {  	[spmem:s1] =	stream.indirect.scatter.add.f32 [tilespmem:s20], [sflag:$0x19], $0x10, s17, s19, $0xb8;
	[tilespmem:$0x10B90] =	vst v63  }
0x70: {  	_ =	swait.ge [sflag:s15], $0x800  }
0x71: {  	[sflag:s15] =	ssyncset.done $0x0  }
0x72: {  	[sflag:s15] =	ssyncadd.s32 $0xFFFFF800  }
0x73: {  	[spmem:s2] =	stream.indirect.scatter.add.f32 [tilespmem:s29], [sflag:$0x19], $0x1, s17, s19, $0xb8;
	[tilespmem:$0x10B90] =	vst v63  }
0x74: {  	_ =	swait.ge [sflag:s15], $0x80  }
0x75: {  	[sflag:s15] =	ssyncset.done $0x0  }
0x76: {  	s18 =	simm.s32 $0x4B00;
	[sflag:s15] =	ssyncadd.s32 $0xFFFFFF80  }
0x77: {  	[tilespmem:s20], [sflag:$0x1] =	stream.indirect.gather [spmem:s4], $0x10, s18, s19, $0xb8;
	[tilespmem:$0x10B90] =	vst v63  }
0x78: {  	_ =	swait.ge [sflag:s28], $0x800  }
0x79: {  	[sflag:s28] =	ssyncset.done $0x0  }
0x7a: {  	s22 =	simm.s32 $0x4B80;
	[sflag:s28] =	ssyncadd.s32 $0xFFFFF800  }
0x7b: {  	[spmem:s1] =	stream.indirect.scatter.add.f32 [tilespmem:s20], [sflag:$0x19], $0x10, s22, s19, $0xb8;
	[tilespmem:$0x10B90] =	vst v63  }
0x7c: {  	_ =	swait.ge [sflag:s15], $0x800  }
0x7d: {  	[sflag:s15] =	ssyncset.done $0x0  }
0x7e: {  	[sflag:s15] =	ssyncadd.s32 $0xFFFFF800  }
0x7f: {  	[spmem:s2] =	stream.indirect.scatter.add.f32 [tilespmem:s29], [sflag:$0x19], $0x1, s22, s19, $0xb8;
	[tilespmem:$0x10B90] =	vst v63  }
0x80: {  	_ =	swait.ge [sflag:s15], $0x80  }
0x81: {  	[sflag:s15] =	ssyncset.done $0x0  }
0x82: {  	s23 =	simm.s32 $0x4C00;
	[sflag:s15] =	ssyncadd.s32 $0xFFFFFF80  }
0x83: {  	[tilespmem:s20], [sflag:$0x1] =	stream.indirect.gather [spmem:s4], $0x10, s23, s19, $0xb8;
	[tilespmem:$0x10B90] =	vst v63  }
0x84: {  	_ =	swait.ge [sflag:s28], $0x800  }
0x85: {  	[sflag:s28] =	ssyncset.done $0x0  }
0x86: {  	s25 =	simm.s32 $0x4C80;
	[sflag:s28] =	ssyncadd.s32 $0xFFFFF800  }
0x87: {  	[spmem:s1] =	stream.indirect.scatter.add.f32 [tilespmem:s20], [sflag:$0x19], $0x10, s25, s19, $0xb8;
	[tilespmem:$0x10B90] =	vst v63  }
0x88: {  	_ =	swait.ge [sflag:s15], $0x800  }
0x89: {  	[sflag:s15] =	ssyncset.done $0x0  }
0x8a: {  	[sflag:s15] =	ssyncadd.s32 $0xFFFFF800  }
0x8b: {  	[spmem:s2] =	stream.indirect.scatter.add.f32 [tilespmem:s29], [sflag:$0x19], $0x1, s25, s19, $0xb8;
	[tilespmem:$0x10B90] =	vst v63  }
0x8c: {  	_ =	swait.ge [sflag:s15], $0x80  }
0x8d: {  	[sflag:s15] =	ssyncset.done $0x0  }
0x8e: {  	s26 =	simm.s32 $0x4D00;
	[sflag:s15] =	ssyncadd.s32 $0xFFFFFF80  }
0x8f: {  	[tilespmem:s20], [sflag:$0x1] =	stream.indirect.gather [spmem:s4], $0x10, s26, s19, $0xb8;
	[tilespmem:$0x10B90] =	vst v63  }
0x90: {  	_ =	swait.ge [sflag:s28], $0x800  }
0x91: {  	[sflag:s28] =	ssyncset.done $0x0  }
0x92: {  	s7 =	simm.s32 $0x4D80;
	[sflag:s28] =	ssyncadd.s32 $0xFFFFF800  }
0x93: {  	[spmem:s1] =	stream.indirect.scatter.add.f32 [tilespmem:s20], [sflag:$0x19], $0x10, s7, s19, $0xb8;
	[tilespmem:$0x10B90] =	vst v63  }
0x94: {  	_ =	swait.ge [sflag:s15], $0x800  }
0x95: {  	[sflag:s15] =	ssyncset.done $0x0  }
0x96: {  	[sflag:s15] =	ssyncadd.s32 $0xFFFFF800  }
0x97: {  	[spmem:s2] =	stream.indirect.scatter.add.f32 [tilespmem:s29], [sflag:$0x19], $0x1, s7, s19, $0xb8;
	[tilespmem:$0x10B90] =	vst v63  }
0x98: {  	_ =	swait.ge [sflag:s15], $0x80  }
0x99: {  	s6 =	simm.s32 @!p0 $0x80;
	[sflag:s15] =	ssyncset.done $0x0  }
0x9a: {  	s8 =	simm.s32 @!p0 $0x4F00;
	s7 =	simm.s32 @!p0 $0x4E00;
	[sflag:s15] =	ssyncadd.s32 $0xFFFFFF80  }
0x9b: {  	[tilespmem:s8], [sflag:$0x1] =	stream.indirect.gather @!p0 [spmem:s4], $0x10, s7, s6, $0xb8;
	[tilespmem:$0x10B90] =	vst v63  }
0x9c: {  	s7 =	simm.s32 @!p0 $0x1  }
0x9d: {  	_ =	swait.ge @!p0 [sflag:s7], $0x800  }
0x9e: {  	[sflag:s7] =	ssyncset.done @!p0 $0x0  }
0x9f: {  	[sflag:s7] =	ssyncadd.s32 @!p0 $0xFFFFF800;
	s7 =	simm.s32 @!p0 $0x4E80  }
0xa0: {  	[spmem:s1] =	stream.indirect.scatter.add.f32 @!p0 [tilespmem:s8], [sflag:$0x19], $0x10, s7, s6, $0xb8;
	[tilespmem:$0x10B90] =	vst v63  }
0xa1: {  	s8 =	simm.s32 @!p0 $0x19  }
0xa2: {  	_ =	swait.ge @!p0 [sflag:s8], $0x800  }
0xa3: {  	[sflag:s8] =	ssyncset.done @!p0 $0x0  }
0xa4: {  	s13 =	simm.s32 @!p0 $0x8F00;
	[sflag:s8] =	ssyncadd.s32 @!p0 $0xFFFFF800  }
0xa5: {  	[spmem:s2] =	stream.indirect.scatter.add.f32 @!p0 [tilespmem:s13], [sflag:$0x19], $0x1, s7, s6, $0xb8;
	[tilespmem:$0x10B90] =	vst v63  }
0xa6: {  	_ =	swait.ge @!p0 [sflag:s8], $0x80  }
0xa7: {  	[sflag:s8] =	ssyncset.done @!p0 $0x0  }
0xa8: {  	[sflag:s8] =	ssyncadd.s32 @!p0 $0xFFFFFF80  }
0xa9: {  	[bflag:$0x0] =	sbarrier.arrive $0xFFFF  }
0xaa: {  	s17 =	rddreg [dreg:$0x7]  }
0xab: {  	s18 =	rddreg [dreg:$0xc]  }
0xac: {  	s13 =	rddreg [dreg:$0xf];
	s8 =	sshrl.u32 s17, $0x3  }
0xad: {  	[hbm:s18], [sflag:s13] =	dma.local [spmem:s8], $0x500  }
0xae: {  	_ =	swait.ge [sflag:s15], $0x500  }
0xaf: {  	[sflag:s15] =	ssyncset.done $0x0;
	s7 =	rddreg [dreg:$0x8]  }
0xb0: {  	s23 =	rddreg [dreg:$0xd];
	[sflag:s15] =	ssyncadd.s32 $0xFFFFFB00;
	s22 =	sshrl.u32 s7, $0x3  }
0xb1: {  	[hbm:s23], [sflag:s13] =	dma.local [spmem:s22], $0x50  }
0xb2: {  	_ =	swait.ge [sflag:s15], $0x50  }
0xb3: {  	s25 =	rddreg [dreg:$0x11]  }
0xb4: {  	s26 =	rddreg [dreg:$0xe];
	s8 =	sadd.s32 $0x1, s25  }
0xb5: {  	p1 =	sne.s32 s8, s26  }
.Ltmp1:
0xb6: {  	_ = 	snop;
	(pc) =	sbr.rel @!p1 .LBB2_7-.Ltmp1, $3  }
0xb7: {  	_ =	sdelay $0x1  }
0xb8: {  	[sflag:s15] =	ssyncset.done $0x0  }
0xb9: {  	[sflag:s15] =	ssyncadd.s32 $0xFFFFFFB0  }
.LBB2_1:
0xba: {  	[dreg:$0x11] =	wrdreg s8;
	s8 =	simm.s32 $0x40;
	s23 =	simm.s32 $0x0  }
.LBB2_2:
0xbb: {  	p1 =	sne.s32 s8, $0x9FC0;
	[tilespmem:s23+$0x8F80] =	vst v0;
	s23 =	smov.u32 s8;
	s8 =	sadd.s32 $0x40, s8  }
.Ltmp2:
0xbc: {  	(pc) =	sbr.rel @p1 .LBB2_2-.Ltmp2, $2  }
0xbd: {  	_ =	sdelay $0x2  }
0xbe: {  	s23 =	sshra.s32 s23, $0x2  }
0xbf: {  	[tilespmem:s23+$0x8F80] =	vst v0;
	s6 =	simm.s32 $0x8F80  }
0xc0: {  	[spmem:s17] =	stream.linear.scatter [tilespmem:s6], [sflag:$0x19], $0x2800, $0x38;
	[tilespmem:$0x10B90] =	vst v63  }
0xc1: {  	_ =	swait.ge [sflag:s15], $0x2800  }
0xc2: {  	[sflag:s15] =	ssyncset.done $0x0  }
0xc3: {  	[sflag:s15] =	ssyncadd.s32 $0xFFFFD800  }
0xc4: {  	[tilespmem:$0xB780] =	vst v0  }
0xc5: {  	[tilespmem:$0xB790] =	vst v0  }
0xc6: {  	[tilespmem:$0xB7A0] =	vst v0  }
0xc7: {  	[tilespmem:$0xB7B0] =	vst v0  }
0xc8: {  	[tilespmem:$0xB7C0] =	vst v0  }
0xc9: {  	[tilespmem:$0xB7D0] =	vst v0  }
0xca: {  	[tilespmem:$0xB7E0] =	vst v0  }
0xcb: {  	[tilespmem:$0xB7F0] =	vst v0  }
0xcc: {  	[tilespmem:$0xB800] =	vst v0  }
0xcd: {  	[tilespmem:$0xB810] =	vst v0  }
0xce: {  	[tilespmem:$0xB820] =	vst v0  }
0xcf: {  	[tilespmem:$0xB830] =	vst v0  }
0xd0: {  	[tilespmem:$0xB840] =	vst v0  }
0xd1: {  	[tilespmem:$0xB850] =	vst v0  }
0xd2: {  	[tilespmem:$0xB860] =	vst v0  }
0xd3: {  	[tilespmem:$0xB870] =	vst v0  }
0xd4: {  	[tilespmem:$0xB880] =	vst v0  }
0xd5: {  	[tilespmem:$0xB890] =	vst v0  }
0xd6: {  	[tilespmem:$0xB8A0] =	vst v0  }
0xd7: {  	[tilespmem:$0xB8B0] =	vst v0  }
0xd8: {  	[tilespmem:$0xB8C0] =	vst v0  }
0xd9: {  	[tilespmem:$0xB8D0] =	vst v0  }
0xda: {  	[tilespmem:$0xB8E0] =	vst v0  }
0xdb: {  	[tilespmem:$0xB8F0] =	vst v0  }
0xdc: {  	[tilespmem:$0xB900] =	vst v0  }
0xdd: {  	[tilespmem:$0xB910] =	vst v0  }
0xde: {  	[tilespmem:$0xB920] =	vst v0  }
0xdf: {  	[tilespmem:$0xB930] =	vst v0  }
0xe0: {  	[tilespmem:$0xB940] =	vst v0  }
0xe1: {  	[tilespmem:$0xB950] =	vst v0  }
0xe2: {  	[tilespmem:$0xB960] =	vst v0  }
0xe3: {  	[tilespmem:$0xB970] =	vst v0  }
0xe4: {  	[tilespmem:$0xB980] =	vst v0  }
0xe5: {  	[tilespmem:$0xB990] =	vst v0  }
0xe6: {  	[tilespmem:$0xB9A0] =	vst v0  }
0xe7: {  	[tilespmem:$0xB9B0] =	vst v0  }
0xe8: {  	[tilespmem:$0xB9C0] =	vst v0  }
0xe9: {  	[tilespmem:$0xB9D0] =	vst v0  }
0xea: {  	[tilespmem:$0xB9E0] =	vst v0  }
0xeb: {  	s23 =	simm.s32 $0xB780;
	[tilespmem:$0xB9F0] =	vst v0  }
0xec: {  	[spmem:s7] =	stream.linear.scatter [tilespmem:s23], [sflag:$0x19], $0x280, $0x38;
	[tilespmem:$0x10B90] =	vst v63  }
0xed: {  	_ =	swait.ge [sflag:s15], $0x280  }
0xee: {  	[sflag:s15] =	ssyncset.done $0x0  }
0xef: {  	[sflag:s15] =	ssyncadd.s32 $0xFFFFFD80  }
0xf0: {  	[tilespmem:$0x8F00] =	vst v1  }
0xf1: {  	[tilespmem:$0x8F10] =	vst v1  }
0xf2: {  	[tilespmem:$0x8F20] =	vst v1  }
0xf3: {  	[tilespmem:$0x8F30] =	vst v1  }
0xf4: {  	[tilespmem:$0x8F40] =	vst v1  }
0xf5: {  	[tilespmem:$0x8F50] =	vst v1  }
0xf6: {  	s25 =	rddreg [dreg:$0x9];
	[tilespmem:$0x8F60] =	vst v1  }
0xf7: {  	s26 =	rddreg [dreg:$0x10];
	[tilespmem:$0x8F70] =	vst v1  }
0xf8: {  	[spmem:s26], [sflag:s13] =	dma.local [hbm:s25], $0x4E2  }
0xf9: {  	_ =	swait.ge [sflag:s15], $0x4E2  }
0xfa: {  	[sflag:s15] =	ssyncset.done $0x0  }
0xfb: {  	[sflag:s15] =	ssyncadd.s32 $0xFFFFFB1E  }
0xfc: {  	[bflag:$0x0] =	sbarrier.arrive $0xFFFF  }
0xfd: {  	s8 =	simm.s32 $0x0;
	s13 =	rddreg [dreg:$0xa]  }
0xfe: {  	[tilespmem:s8], [sflag:$0x19] =	stream.linear.gather [hbm4b:s13+s8], $0x4E00, $0x38;
	[tilespmem:$0x10B90] =	vst v63  }
0xff: {  	_ =	swait.ge [sflag:s15], $0x4E00  }
0x100: {  	s23 =	simm.s32 @!p0 $0x4E00;
	[sflag:s15] =	ssyncset.done $0x0  }
0x101: {  	s8 =	simm.s32 @!p0 $0x0;
	s6 =	rddreg [dreg:$0xb];
	[sflag:s15] =	ssyncadd.s32 $0xFFFFB200  }
0x102: {  	[tilespmem:s23], [sflag:$0x19] =	stream.linear.gather @!p0 [hbm4b:s6+s8], $0x100, $0x38;
	[tilespmem:$0x10B90] =	vst v63  }
0x103: {  	s8 =	simm.s32 @!p0 $0x19  }
0x104: {  	_ =	swait.ge @!p0 [sflag:s8], $0x100  }
0x105: {  	[sflag:s8] =	ssyncset.done @!p0 $0x0  }
0x106: {  	s23 =	simm.s32 $0x0;
	[sflag:s8] =	ssyncadd.s32 @!p0 $0xFFFFFF00  }
0x107: {  	[tilespmem:s20], [sflag:$0x1] =	stream.indirect.gather [spmem:s4], $0x10, s23, s19, $0xb8;
	[tilespmem:$0x10B90] =	vst v63  }
0x108: {  	s18 =	simm.s32 $0x5700;
	s17 =	simm.s32 $0x100  }
0x109: {  	[tilespmem:s18], [sflag:$0x2] =	stream.indirect.gather [spmem:s4], $0x10, s17, s19, $0xb8;
	[tilespmem:$0x10B90] =	vst v63  }
0x10a: {  	s22 =	simm.s32 $0x200  }
0x10b: {  	[tilespmem:s24], [sflag:$0x3] =	stream.indirect.gather [spmem:s4], $0x10, s22, s19, $0xb8;
	[tilespmem:$0x10B90] =	vst v63  }
0x10c: {  	s25 =	simm.s32 $0x300;
	s26 =	simm.s32 $0x6700  }
0x10d: {  	[tilespmem:s26], [sflag:$0x4] =	stream.indirect.gather [spmem:s4], $0x10, s25, s19, $0xb8;
	[tilespmem:$0x10B90] =	vst v63  }
.LBB2_4:
0x10e: {  	_ =	swait.ge [sflag:s28], $0x800  }
0x10f: {  	s25 =	sshra.s32 s23, $0x2;
	[sflag:s28] =	ssyncset.done $0x0  }
0x110: {  	s8 =	sadd.s32 $0x80, s25;
	[sflag:s28] =	ssyncadd.s32 $0xFFFFF800  }
0x111: {  	[spmem:s1] =	stream.indirect.scatter.add.f32 [tilespmem:s20], [sflag:$0x9], $0x10, s8, s19, $0xb8;
	[tilespmem:$0x10B90] =	vst v63  }
0x112: {  	p1 =	seq.s32 s23, $0x0  }
0x113: {  	[spmem:s2] =	stream.indirect.scatter.add.f32 [tilespmem:s29], [sflag:$0x11], $0x1, s8, s19, $0xb8;
	[tilespmem:$0x10B90] =	vst v63  }
0x114: {  	s8 =	sshra.s32 @p1 s23, $0x2  }
0x115: {  	s18 =	simm.s32 @p1 $0x80;
	s6 =	simm.s32 @p1 $0x6F00;
	s13 =	sadd.s32 @p1 $0x400, s8  }
0x116: {  	[tilespmem:s6], [sflag:$0x5] =	stream.indirect.gather @p1 [spmem:s4], $0x10, s13, s18, $0xb8;
	[tilespmem:$0x10B90] =	vst v63  }
0x117: {  	s6 =	simm.s32 @p1 $0x2  }
0x118: {  	_ =	swait.ge @p1 [sflag:s6], $0x800  }
0x119: {  	[sflag:s6] =	ssyncset.done @p1 $0x0  }
0x11a: {  	s13 =	simm.s32 @p1 $0x5700;
	[sflag:s6] =	ssyncadd.s32 @p1 $0xFFFFF800;
	s6 =	sadd.s32 @p1 $0x180, s8  }
0x11b: {  	[spmem:s1] =	stream.indirect.scatter.add.f32 @p1 [tilespmem:s13], [sflag:$0xA], $0x10, s6, s18, $0xb8;
	[tilespmem:$0x10B90] =	vst v63  }
0x11c: {  	s13 =	simm.s32 @p1 $0x8F00  }
0x11d: {  	[spmem:s2] =	stream.indirect.scatter.add.f32 @p1 [tilespmem:s13], [sflag:$0x12], $0x1, s6, s18, $0xb8;
	[tilespmem:$0x10B90] =	vst v63  }
0x11e: {  	s6 =	simm.s32 @!p1 $0xD  }
0x11f: {  	_ =	swait.ge @!p1 [sflag:s6], $0x800  }
0x120: {  	[sflag:s6] =	ssyncset.done @!p1 $0x0  }
0x121: {  	[sflag:s6] =	ssyncadd.s32 @!p1 $0xFFFFF800;
	s6 =	simm.s32 @!p1 $0x15  }
0x122: {  	_ =	swait.ge @!p1 [sflag:s6], $0x80  }
0x123: {  	[sflag:s6] =	ssyncset.done @!p1 $0x0  }
0x124: {  	[sflag:s6] =	ssyncadd.s32 @!p1 $0xFFFFFF80;
	s6 =	sshra.s32 @!p1 s23, $0x2  }
0x125: {  	s17 =	simm.s32 @!p1 $0x80;
	s22 =	simm.s32 @!p1 $0x6F00;
	s7 =	sadd.s32 @!p1 $0x400, s6  }
0x126: {  	[tilespmem:s22], [sflag:$0x5] =	stream.indirect.gather @!p1 [spmem:s4], $0x10, s7, s17, $0xb8;
	[tilespmem:$0x10B90] =	vst v63  }
0x127: {  	s7 =	simm.s32 @!p1 $0x2  }
0x128: {  	_ =	swait.ge @!p1 [sflag:s7], $0x800  }
0x129: {  	[sflag:s7] =	ssyncset.done @!p1 $0x0  }
0x12a: {  	s22 =	simm.s32 @!p1 $0x5700;
	[sflag:s7] =	ssyncadd.s32 @!p1 $0xFFFFF800;
	s7 =	sadd.s32 @!p1 $0x180, s6  }
0x12b: {  	[spmem:s1] =	stream.indirect.scatter.add.f32 @!p1 [tilespmem:s22], [sflag:$0xA], $0x10, s7, s17, $0xb8;
	[tilespmem:$0x10B90] =	vst v63  }
0x12c: {  	s22 =	simm.s32 @!p1 $0x8F00  }
0x12d: {  	[spmem:s2] =	stream.indirect.scatter.add.f32 @!p1 [tilespmem:s22], [sflag:$0x12], $0x1, s7, s17, $0xb8;
	[tilespmem:$0x10B90] =	vst v63  }
0x12e: {  	s7 =	simm.s32 @!p1 $0xE  }
0x12f: {  	_ =	swait.ge @!p1 [sflag:s7], $0x800  }
0x130: {  	[sflag:s7] =	ssyncset.done @!p1 $0x0  }
0x131: {  	[sflag:s7] =	ssyncadd.s32 @!p1 $0xFFFFF800;
	s7 =	simm.s32 @!p1 $0x16  }
0x132: {  	_ =	swait.ge @!p1 [sflag:s7], $0x80  }
0x133: {  	[sflag:s7] =	ssyncset.done @!p1 $0x0  }
0x134: {  	s26 =	sadd.s32 $0x500, s25;
	[sflag:s7] =	ssyncadd.s32 @!p1 $0xFFFFFF80  }
0x135: {  	[tilespmem:s30], [sflag:$0x6] =	stream.indirect.gather [spmem:s4], $0x10, s26, s19, $0xb8;
	[tilespmem:$0x10B90] =	vst v63  }
0x136: {  	_ =	swait.ge [sflag:s31], $0x800  }
0x137: {  	[sflag:s31] =	ssyncset.done $0x0  }
0x138: {  	s26 =	sadd.s32 $0x280, s25;
	[sflag:s31] =	ssyncadd.s32 $0xFFFFF800  }
0x139: {  	[spmem:s1] =	stream.indirect.scatter.add.f32 [tilespmem:s24], [sflag:$0xB], $0x10, s26, s19, $0xb8;
	[tilespmem:$0x10B90] =	vst v63  }
0x13a: {  	_ = 	snop  }
0x13b: {  	[spmem:s2] =	stream.indirect.scatter.add.f32 [tilespmem:s29], [sflag:$0x13], $0x1, s26, s19, $0xb8;
	[tilespmem:$0x10B90] =	vst v63  }
0x13c: {  	s7 =	sadd.s32 @p1 $0x600, s8;
	s26 =	simm.s32 @p1 $0x7F00  }
0x13d: {  	[tilespmem:s26], [sflag:$0x7] =	stream.indirect.gather @p1 [spmem:s4], $0x10, s7, s18, $0xb8;
	[tilespmem:$0x10B90] =	vst v63  }
0x13e: {  	s7 =	simm.s32 @p1 $0x4  }
0x13f: {  	_ =	swait.ge @p1 [sflag:s7], $0x800  }
0x140: {  	[sflag:s7] =	ssyncset.done @p1 $0x0  }
0x141: {  	[sflag:s7] =	ssyncadd.s32 @p1 $0xFFFFF800;
	s7 =	sadd.s32 @p1 $0x380, s8;
	s8 =	simm.s32 @p1 $0x6700  }
0x142: {  	[spmem:s1] =	stream.indirect.scatter.add.f32 @p1 [tilespmem:s8], [sflag:$0xC], $0x10, s7, s18, $0xb8;
	[tilespmem:$0x10B90] =	vst v63  }
0x143: {  	_ = 	snop  }
0x144: {  	[spmem:s2] =	stream.indirect.scatter.add.f32 @p1 [tilespmem:s13], [sflag:$0x14], $0x1, s7, s18, $0xb8;
	[tilespmem:$0x10B90] =	vst v63  }
0x145: {  	s7 =	simm.s32 @!p1 $0xF  }
0x146: {  	_ =	swait.ge @!p1 [sflag:s7], $0x800  }
0x147: {  	[sflag:s7] =	ssyncset.done @!p1 $0x0  }
0x148: {  	[sflag:s7] =	ssyncadd.s32 @!p1 $0xFFFFF800;
	s7 =	simm.s32 @!p1 $0x17  }
0x149: {  	_ =	swait.ge @!p1 [sflag:s7], $0x80  }
0x14a: {  	[sflag:s7] =	ssyncset.done @!p1 $0x0  }
0x14b: {  	s8 =	simm.s32 @!p1 $0x7F00;
	[sflag:s7] =	ssyncadd.s32 @!p1 $0xFFFFFF80;
	s7 =	sadd.s32 @!p1 $0x600, s6  }
0x14c: {  	[tilespmem:s8], [sflag:$0x7] =	stream.indirect.gather @!p1 [spmem:s4], $0x10, s7, s17, $0xb8;
	[tilespmem:$0x10B90] =	vst v63  }
0x14d: {  	s7 =	simm.s32 @!p1 $0x4  }
0x14e: {  	_ =	swait.ge @!p1 [sflag:s7], $0x800  }
0x14f: {  	[sflag:s7] =	ssyncset.done @!p1 $0x0  }
0x150: {  	s6 =	sadd.s32 @!p1 $0x380, s6;
	[sflag:s7] =	ssyncadd.s32 @!p1 $0xFFFFF800;
	s7 =	simm.s32 @!p1 $0x6700  }
0x151: {  	[spmem:s1] =	stream.indirect.scatter.add.f32 @!p1 [tilespmem:s7], [sflag:$0xC], $0x10, s6, s17, $0xb8;
	[tilespmem:$0x10B90] =	vst v63  }
0x152: {  	_ = 	snop  }
0x153: {  	[spmem:s2] =	stream.indirect.scatter.add.f32 @!p1 [tilespmem:s22], [sflag:$0x14], $0x1, s6, s17, $0xb8;
	[tilespmem:$0x10B90] =	vst v63  }
0x154: {  	s6 =	simm.s32 @!p1 $0x10  }
0x155: {  	_ =	swait.ge @!p1 [sflag:s6], $0x800  }
0x156: {  	[sflag:s6] =	ssyncset.done @!p1 $0x0  }
0x157: {  	[sflag:s6] =	ssyncadd.s32 @!p1 $0xFFFFF800;
	s6 =	simm.s32 @!p1 $0x18  }
0x158: {  	_ =	swait.ge @!p1 [sflag:s6], $0x80  }
0x159: {  	[sflag:s6] =	ssyncset.done @!p1 $0x0  }
0x15a: {  	s18 =	sadd.s32 $0x700, s25;
	[sflag:s6] =	ssyncadd.s32 @!p1 $0xFFFFFF80  }
0x15b: {  	[tilespmem:s3], [sflag:$0x8] =	stream.indirect.gather [spmem:s4], $0x10, s18, s19, $0xb8;
	[tilespmem:$0x10B90] =	vst v63  }
0x15c: {  	_ =	swait.ge [sflag:s0], $0x800  }
0x15d: {  	[sflag:s0] =	ssyncset.done $0x0  }
0x15e: {  	s22 =	sadd.s32 $0x480, s25;
	p1 =	seq.s32 s23, $0x10000;
	[sflag:s0] =	ssyncadd.s32 $0xFFFFF800  }
0x15f: {  	[spmem:s1] =	stream.indirect.scatter.add.f32 [tilespmem:s5], [sflag:$0xD], $0x10, s22, s19, $0xb8;
	[tilespmem:$0x10B90] =	vst v63  }
0x160: {  	s6 =	simm.s32 @p1 $0x6  }
0x161: {  	[spmem:s2] =	stream.indirect.scatter.add.f32 [tilespmem:s29], [sflag:$0x15], $0x1, s22, s19, $0xb8;
	[tilespmem:$0x10B90] =	vst v63  }
0x162: {  	_ =	swait.ge @p1 [sflag:s6], $0x800  }
0x163: {  	[sflag:s6] =	ssyncset.done @p1 $0x0  }
0x164: {  	[sflag:s6] =	ssyncadd.s32 @p1 $0xFFFFF800;
	s6 =	sshra.s32 @p1 s23, $0x2  }
0x165: {  	s7 =	simm.s32 @p1 $0x80;
	s8 =	simm.s32 @p1 $0x7700;
	s6 =	sadd.s32 @p1 $0x580, s6  }
0x166: {  	[spmem:s1] =	stream.indirect.scatter.add.f32 @p1 [tilespmem:s8], [sflag:$0xE], $0x10, s6, s7, $0xb8;
	[tilespmem:$0x10B90] =	vst v63  }
0x167: {  	s8 =	simm.s32 @p1 $0x8F00  }
0x168: {  	[spmem:s2] =	stream.indirect.scatter.add.f32 @p1 [tilespmem:s8], [sflag:$0x16], $0x1, s6, s7, $0xb8;
	[tilespmem:$0x10B90] =	vst v63  }
0x169: {  	s6 =	simm.s32 @!p1 $0x9  }
0x16a: {  	_ =	swait.ge @!p1 [sflag:s6], $0x800  }
0x16b: {  	[sflag:s6] =	ssyncset.done @!p1 $0x0  }
0x16c: {  	[sflag:s6] =	ssyncadd.s32 @!p1 $0xFFFFF800;
	s6 =	simm.s32 @!p1 $0x11  }
0x16d: {  	_ =	swait.ge @!p1 [sflag:s6], $0x80  }
0x16e: {  	[sflag:s6] =	ssyncset.done @!p1 $0x0  }
0x16f: {  	[sflag:s6] =	ssyncadd.s32 @!p1 $0xFFFFFF80;
	s6 =	sshra.s32 @!p1 s23, $0x2  }
0x170: {  	s13 =	simm.s32 @!p1 $0x4F00;
	s8 =	simm.s32 @!p1 $0x80;
	s7 =	sadd.s32 @!p1 $0x800, s6  }
0x171: {  	[tilespmem:s13], [sflag:$0x1] =	stream.indirect.gather @!p1 [spmem:s4], $0x10, s7, s8, $0xb8;
	[tilespmem:$0x10B90] =	vst v63  }
0x172: {  	s7 =	simm.s32 @!p1 $0x6  }
0x173: {  	_ =	swait.ge @!p1 [sflag:s7], $0x800  }
0x174: {  	[sflag:s7] =	ssyncset.done @!p1 $0x0  }
0x175: {  	s13 =	simm.s32 @!p1 $0x7700;
	[sflag:s7] =	ssyncadd.s32 @!p1 $0xFFFFF800;
	s7 =	sadd.s32 @!p1 $0x580, s6  }
0x176: {  	[spmem:s1] =	stream.indirect.scatter.add.f32 @!p1 [tilespmem:s13], [sflag:$0xE], $0x10, s7, s8, $0xb8;
	[tilespmem:$0x10B90] =	vst v63  }
0x177: {  	s13 =	simm.s32 @!p1 $0x8F00  }
0x178: {  	[spmem:s2] =	stream.indirect.scatter.add.f32 @!p1 [tilespmem:s13], [sflag:$0x16], $0x1, s7, s8, $0xb8;
	[tilespmem:$0x10B90] =	vst v63  }
0x179: {  	s7 =	simm.s32 @!p1 $0xA  }
0x17a: {  	_ =	swait.ge @!p1 [sflag:s7], $0x800  }
0x17b: {  	[sflag:s7] =	ssyncset.done @!p1 $0x0  }
0x17c: {  	[sflag:s7] =	ssyncadd.s32 @!p1 $0xFFFFF800;
	s7 =	simm.s32 @!p1 $0x12  }
0x17d: {  	_ =	swait.ge @!p1 [sflag:s7], $0x80  }
0x17e: {  	[sflag:s7] =	ssyncset.done @!p1 $0x0  }
0x17f: {  	s6 =	sadd.s32 @!p1 $0x900, s6;
	[sflag:s7] =	ssyncadd.s32 @!p1 $0xFFFFFF80;
	s7 =	simm.s32 @!p1 $0x5700  }
0x180: {  	[tilespmem:s7], [sflag:$0x2] =	stream.indirect.gather @!p1 [spmem:s4], $0x10, s6, s8, $0xb8;
	[tilespmem:$0x10B90] =	vst v63  }
0x181: {  	_ =	swait.ge [sflag:s14], $0x800  }
.Ltmp3:
0x182: {  	[sflag:s14] =	ssyncset.done $0x0;
	(pc) =	sbr.rel @p1 .LBB2_6-.Ltmp3, $4  }
0x183: {  	s26 =	sadd.s32 $0x680, s25;
	[sflag:s14] =	ssyncadd.s32 $0xFFFFF800  }
0x184: {  	[spmem:s1] =	stream.indirect.scatter.add.f32 [tilespmem:s16], [sflag:$0xF], $0x10, s26, s19, $0xb8;
	[tilespmem:$0x10B90] =	vst v63  }
0x185: {  	s8 =	sadd.s32 $0x780, s25  }
0x186: {  	[spmem:s2] =	stream.indirect.scatter.add.f32 [tilespmem:s29], [sflag:$0x17], $0x1, s26, s19, $0xb8;
	[tilespmem:$0x10B90] =	vst v63  }
0x187: {  	_ =	swait.ge [sflag:s9], $0x800  }
0x188: {  	[sflag:s9] =	ssyncset.done $0x0  }
0x189: {  	[sflag:s9] =	ssyncadd.s32 $0xFFFFF800  }
0x18a: {  	_ =	swait.ge [sflag:s10], $0x80  }
0x18b: {  	[sflag:s10] =	ssyncset.done $0x0  }
0x18c: {  	s6 =	sadd.s32 $0xA00, s25;
	[sflag:s10] =	ssyncadd.s32 $0xFFFFFF80  }
0x18d: {  	[tilespmem:s24], [sflag:$0x3] =	stream.indirect.gather [spmem:s4], $0x10, s6, s19, $0xb8;
	[tilespmem:$0x10B90] =	vst v63  }
0x18e: {  	_ =	swait.ge [sflag:s21], $0x800  }
0x18f: {  	[sflag:s21] =	ssyncset.done $0x0  }
0x190: {  	[sflag:s21] =	ssyncadd.s32 $0xFFFFF800  }
0x191: {  	[spmem:s1] =	stream.indirect.scatter.add.f32 [tilespmem:s3], [sflag:$0x10], $0x10, s8, s19, $0xb8;
	[tilespmem:$0x10B90] =	vst v63  }
0x192: {  	_ = 	snop  }
0x193: {  	[spmem:s2] =	stream.indirect.scatter.add.f32 [tilespmem:s29], [sflag:$0x18], $0x1, s8, s19, $0xb8;
	[tilespmem:$0x10B90] =	vst v63  }
0x194: {  	_ =	swait.ge [sflag:s11], $0x800  }
0x195: {  	[sflag:s11] =	ssyncset.done $0x0  }
.Ltmp4:
0x196: {  	[sflag:s11] =	ssyncadd.s32 $0xFFFFF800;
	(pc) =	sbr.rel .LBB2_4-.Ltmp4, $4  }
0x197: {  	_ =	swait.ge [sflag:s12], $0x80  }
0x198: {  	s26 =	sadd.s32 $0xB00, s25;
	[sflag:s12] =	ssyncset.done $0x0  }
0x199: {  	s7 =	simm.s32 $0x6700;
	s23 =	sadd.s32 $0x2000, s23;
	[sflag:s12] =	ssyncadd.s32 $0xFFFFFF80  }
0x19a: {  	[tilespmem:s7], [sflag:$0x4] =	stream.indirect.gather [spmem:s4], $0x10, s26, s19, $0xb8;
	[tilespmem:$0x10B90] =	vst v63  }
.LBB2_7:
0x19b: {  	_ =	sfence.sel $0x180000  }
0x19c: {  	[bflag:$0x0] =	sbarrier.arrive $0xFFFF  }
0x19d: {  	_ =	strace $0x90000047  }
0x19e: {  	s0 =	stileid.u32;
	[bflag:$0x2] =	sbarrier.arrive $0xFFFF  }
0x19f: {  	p0 =	sne.s32 s0, $0x0;
	s0 =	rddreg [dreg:$0x6]  }
0x1a0: {  	s0 =	sadd.s32 @!p0 $0x100000, s0  }
0x1a1: {  	[sflag:s0] =	ssyncadd.tile.s32 @!p0 $0x1;
	_ =	shalt  }
.Lfunc_end2:
_tile_overlayer_lowered:
.L_overlay_start_2:
0x1a2: {  	(tag) =	ssettag $0x2  }
0x1a3: {  	s0 =	rddreg [dreg:$0x0];
	s2 =	stileid.u32  }
0x1a4: {  	s1 =	rddreg [dreg:$0x1];
	p0 =	sne.s32 s2, $0x0  }
0x1a5: {  	s3 =	rddreg [dreg:$0x2];
	[bflag:$0x3] =	sbarrier.arrive $0xFFFF;
	s2 =	simm.s32 @!p0 $0x1C19  }
0x1a6: {  	[timem:s3], [sflag:s2] =	dma.local @!p0 [hbm:s0], s1  }
0x1a7: {  	s0 =	simm.s32 @!p0 $0x19  }
0x1a8: {  	_ =	swait.ge @!p0 [sflag:s0], s1  }
0x1a9: {  	s1 =	ssub.s32 @!p0 $0x0, s1;
	[sflag:s0] =	ssyncset.done @!p0 $0x0  }
0x1aa: {  	[sflag:s0] =	ssyncadd.s32 @!p0 s1  }
0x1ab: {  	[bflag:$0x3] =	sbarrier.arrive $0xFFFF  }
0x1ac: {  	_ =	shalt  }

</sc_bundles>
